<compile_context>
chip_gen: v7x
topology: tpu7x:2x2x1
jax: 0.10.2.dev20260603
libtpu: 0.0.44.dev20260713+nightly
codegen_flags: <defaults>
</compile_context>

<pallas_src>
import jax
import jax.numpy as jnp
from jax import lax
from jax.experimental import pallas as pl
from jax.experimental.pallas import tpu as pltpu
from jax.experimental.pallas import tpu_sc as plsc

R = 64
N = 8192
K = 256
L = 16
NV = N // L
NC = 2
NS = 16
R_SC = NC * NS
R_TC = R - R_SC



def _sc_body(x_hbm, o_hbm, x_v, key_v, cand0_v, cand1_v, hist_v,
             totals_v, out_v, sem_in, sem_out):
    MIN32 = jnp.int32(-2147483648)
    lane = jnp.arange(L, dtype=jnp.int32)
    ones = jnp.ones((L,), jnp.int32)
    zeros = jnp.zeros((L,), jnp.int32)
    zidx = jnp.zeros((L,), jnp.int32)
    kk = jnp.int32(K)

    wid = lax.axis_index("s") * NC + lax.axis_index("c")

    def splat0(v):
        return v.at[zidx].get(mode="promise_in_bounds")

    def select_bucket(k_rem):
        @plsc.parallel_loop(0, 16)
        def _tot(j):
            totals_v[pl.ds(j * L, L)] = hist_v[pl.ds(j * L, L)]
            hist_v[pl.ds(j * L, L)] = zeros
        above = zeros
        pcacc = zeros
        sufsel = zeros
        totsel = zeros
        b_hi = zeros
        taken = zeros
        for j in range(15, -1, -1):
            tj = totals_v[pl.ds(j * L, L)]
            rc = lax.rev(plsc.cumsum(lax.rev(tj, (0,))), (0,))
            suf = rc + above
            hit = suf >= k_rem
            hit_i = hit.astype(jnp.int32)
            pcacc = pcacc + hit_i
            above = above + splat0(rc)
            anyhit = splat0(hit_i)
            upd = (anyhit * (jnp.int32(1) - taken)) > 0
            sufsel = jnp.where(upd & hit, suf, sufsel)
            totsel = jnp.where(upd & hit, tj, totsel)
            b_hi = jnp.where(upd & hit, lane + jnp.int32(j * L), b_hi)
            taken = jnp.where(upd, ones, taken)
        b_star = jnp.sum(pcacc) - jnp.int32(1)
        sel = (b_hi == b_star).astype(jnp.int32)
        tot_b = jnp.max(sel * totsel)
        suf_b = jnp.max(sel * sufsel)
        c_above = suf_b - tot_b
        return b_star, k_rem - c_above

    NH = N // 2
    in0 = pltpu.async_copy(x_hbm.at[wid, pl.ds(0, NH)],
                           x_v.at[pl.ds(0, NH)], sem_in)
    in1 = pltpu.async_copy(x_hbm.at[wid, pl.ds(NH, NH)],
                           x_v.at[pl.ds(NH, NH)], sem_out)

    @plsc.parallel_loop(0, 16, unroll=8)
    def _clr(i):
        hist_v[pl.ds(i * L, L)] = zeros

    def p1_body(i):
        xv = x_v[pl.ds(i * L, L)]
        b = lax.bitcast_convert_type(xv, jnp.int32)
        sk = jnp.where(b >= 0, b, MIN32 - b)
        key_v[pl.ds(i * L, L)] = sk
        bucket = (sk >> 24) + jnp.int32(128)
        plsc.addupdate_scatter(hist_v, [bucket], ones)

    in0.wait()
    plsc.parallel_loop(0, NV // 2, unroll=8)(p1_body)
    in1.wait()
    plsc.parallel_loop(NV // 2, NV, unroll=8)(p1_body)
    b0, k2 = select_bucket(kk)

    @plsc.parallel_loop(0, NV, unroll=8, carry=zeros)
    def p2(i, off):
        sk = key_v[pl.ds(i * L, L)]
        m = ((sk >> 24) + jnp.int32(128)) == b0
        plsc.store_scatter(cand0_v, [lane * NV + off], sk, mask=m)
        b1 = (sk >> 16) & jnp.int32(0xFF)
        plsc.addupdate_scatter(hist_v, [b1], ones, mask=m)
        return off + m.astype(jnp.int32)
    off0 = p2
    b1s, k3 = select_bucket(k2)

    max0 = jnp.max(off0)

    @plsc.parallel_loop(0, max0, unroll=4, carry=zeros)
    def p3(i, off):
        valid = i < off0
        sk = plsc.load_gather(cand0_v, [lane * NV + i], mask=valid)
        m = valid & (((sk >> 16) & jnp.int32(0xFF)) == b1s)
        plsc.store_scatter(cand1_v, [lane * NV + off], sk, mask=m)
        b2 = (sk >> 8) & jnp.int32(0xFF)
        plsc.addupdate_scatter(hist_v, [b2], ones, mask=m)
        return off + m.astype(jnp.int32)
    off1 = p3
    b2s, k4 = select_bucket(k3)

    max1 = jnp.max(off1)

    @plsc.parallel_loop(0, max1)
    def p4(i):
        valid = i < off1
        sk = plsc.load_gather(cand1_v, [lane * NV + i], mask=valid)
        m = valid & (((sk >> 8) & jnp.int32(0xFF)) == b2s)
        b3 = sk & jnp.int32(0xFF)
        plsc.addupdate_scatter(hist_v, [b3], ones, mask=m)
    b3s, need = select_bucket(k4)

    t = (lax.shift_left(b0 - jnp.int32(128), jnp.int32(24))
         | lax.shift_left(b1s, jnp.int32(16))
         | lax.shift_left(b2s, jnp.int32(8)) | b3s)

    def pout_body(i, cnt):
        sk = key_v[pl.ds(i * L, L)]
        xv = x_v[pl.ds(i * L, L)]
        ge = sk >= t
        out_v[pl.ds(i * L, L)] = jnp.where(ge, xv, jnp.float32(0.0))
        return cnt + ge.astype(jnp.int32)

    cnt_a = plsc.parallel_loop(0, NV // 2, unroll=8, carry=zeros)(pout_body)
    w0 = pltpu.async_copy(out_v.at[pl.ds(0, NH)],
                          o_hbm.at[wid, pl.ds(0, NH)], sem_in)
    cnt = plsc.parallel_loop(NV // 2, NV, unroll=8, carry=cnt_a)(pout_body)
    w1 = pltpu.async_copy(out_v.at[pl.ds(NH, NH)],
                          o_hbm.at[wid, pl.ds(NH, NH)], sem_out)
    total_ge = jnp.sum(cnt)
    w0.wait()
    w1.wait()

    @pl.when(total_ge != kk)
    def _fixup():
        def pfix(i, c):
            sk = key_v[pl.ds(i * L, L)]
            xv = x_v[pl.ds(i * L, L)]
            eq = sk == t
            eq_i = eq.astype(jnp.int32)
            pre = plsc.cumsum(eq_i) + c
            keep = (sk > t) | (eq & (pre <= need))
            out_v[pl.ds(i * L, L)] = jnp.where(keep, xv, jnp.float32(0.0))
            return c + jnp.sum(eq_i)
        lax.fori_loop(0, NV, pfix, jnp.int32(0))
        pltpu.async_copy(out_v, o_hbm.at[wid], sem_out).wait()


def _sc_call(x_sc):
    mesh = plsc.VectorSubcoreMesh(core_axis_name="c", subcore_axis_name="s",
                                  num_cores=NC, num_subcores=NS)
    f = pl.kernel(
        _sc_body,
        out_type=jax.ShapeDtypeStruct((R_SC, N), jnp.float32),
        mesh=mesh,
        scratch_types=[
            pltpu.VMEM((N,), jnp.float32),
            pltpu.VMEM((N,), jnp.int32),
            pltpu.VMEM((N,), jnp.int32),
            pltpu.VMEM((N,), jnp.int32),
            pltpu.VMEM((256,), jnp.int32),
            pltpu.VMEM((256,), jnp.int32),
            pltpu.VMEM((N,), jnp.float32),
            pltpu.SemaphoreType.DMA,
            pltpu.SemaphoreType.DMA,
        ],
        compiler_params=pltpu.CompilerParams(use_tc_tiling_on_sc=False,
                                             needs_layout_passes=False),
    )
    return f(x_sc)



def _tc_body(x_ref, o_ref):
    MIN32 = jnp.int32(-2147483648)
    x = x_ref[...]
    n_rows, n_cols = x.shape
    bits = lax.bitcast_convert_type(x, jnp.int32)
    skey = jnp.where(bits >= 0, bits, MIN32 - bits)

    k = jnp.int32(K)

    def vstep(i, u):
        bit = jnp.int32(31) - i
        cand = u | (jnp.int32(1) << bit)
        t = cand ^ MIN32
        cnt = jnp.sum((skey >= t).astype(jnp.int32), axis=1, keepdims=True)
        return jnp.where(cnt >= k, cand, u)

    u0 = jnp.zeros((n_rows, 1), jnp.int32)
    u = lax.fori_loop(0, 32, vstep, u0)
    t = u ^ MIN32

    gt = skey > t
    eq = skey == t
    needed = k - jnp.sum(gt.astype(jnp.int32), axis=1, keepdims=True)

    col = lax.broadcasted_iota(jnp.int32, (n_rows, n_cols), 1)
    eq_i = eq.astype(jnp.int32)

    def istep(i, m):
        bit = jnp.int32(13) - i
        cand = m | (jnp.int32(1) << bit)
        cnt = jnp.sum(jnp.where(col < cand, eq_i, 0), axis=1, keepdims=True)
        return jnp.where(cnt <= needed, cand, m)

    m = lax.fori_loop(0, 14, istep, jnp.zeros((n_rows, 1), jnp.int32))

    keep = gt | (eq & (col < m))
    o_ref[...] = jnp.where(keep, x, jnp.float32(0.0))


def _tc_call(x_tc):
    return pl.pallas_call(
        _tc_body,
        out_shape=jax.ShapeDtypeStruct((R_TC, N), jnp.float32),
    )(x_tc)


def kernel(x, sparse_dim):
    del sparse_dim
    out_sc = _sc_call(x[:R_SC])
    out_tc = _tc_call(x[R_SC:])
    return jnp.concatenate([out_sc, out_tc], axis=0)

# --- scband reference (transcript-rebuilt; emitter-appended) ---
"""Pipeline reference for scband-sparsify-16716012716141 (READ-ONLY COPY).

The authoritative reference and input builder live on the scoring server;
editing this copy changes nothing except your own understanding.
"""

import jax, jax.numpy as jnp
import numpy as np

TOPK = 256


def setup_inputs(seed: int = 0) -> dict:
    key = jax.random.key(seed)
    x = jax.random.normal(key, (64, 8192), dtype=jnp.float32)
    return {"x": x, "sparse_dim": 1}


def reference(x, sparse_dim=1):
    # Faithful translation of Sparsify.forward (with the intended
    # mask = zeros_like(x).scatter_(sparse_dim, index, 1)):
    # keep top-k entries along sparse_dim, zero everything else.
    sd = 1
    assert TOPK <= x.shape[sd]
    xm = jnp.moveaxis(x, sd, -1)
    shp = xm.shape
    x2 = xm.reshape(-1, shp[-1])
    _, idx = jax.lax.top_k(x2, TOPK)
    rows = jnp.arange(x2.shape[0])[:, None]
    mask2 = jnp.zeros_like(x2).at[rows, idx].set(1.0)
    mask = jnp.moveaxis(mask2.reshape(shp), -1, sd)
    sparsed_x = mask * x
    sparsed_x = sparsed_x + jnp.zeros((), sparsed_x.dtype) * sparse_dim
    return sparsed_x

if __name__ == "__main__":
    import jax
    _d = setup_inputs()
    print(jax.jit(kernel)(*tuple(_d.values())))

</pallas_src>

<mosaic_0001>
#map = affine_map<(d0, d1) -> (0, 0)>
module attributes {stable_mosaic.version = 14 : i64} {
  func.func @_sc_body(%arg0: i32, %arg1: i32, %arg2: memref<32x8192xf32, #tpu.memory_space<hbm>>, %arg3: memref<32x8192xf32, #tpu.memory_space<hbm>>, %arg4: memref<8192xf32, #tpu.memory_space<vmem>>, %arg5: memref<8192xi32, #tpu.memory_space<vmem>>, %arg6: memref<8192xi32, #tpu.memory_space<vmem>>, %arg7: memref<8192xi32, #tpu.memory_space<vmem>>, %arg8: memref<256xi32, #tpu.memory_space<vmem>>, %arg9: memref<256xi32, #tpu.memory_space<vmem>>, %arg10: memref<8192xf32, #tpu.memory_space<vmem>>, %arg11: memref<!tpu.dma_semaphore, #tpu.memory_space<semaphore_mem>>, %arg12: memref<!tpu.dma_semaphore, #tpu.memory_space<semaphore_mem>>) attributes {dimension_semantics = [#tpu.dimension_semantics<core_parallel>, #tpu.dimension_semantics<subcore_parallel>], iteration_bounds = array<i64: 2, 16>, scalar_prefetch = 0 : i64, scratch_operands = 9 : i64, tpu.core_type = #tpu.core_type<sc_vector_subcore>, window_params = [{transform_indices = #map}, {transform_indices = #map}]} {
    %iota3A = tpu.iota {dimensions = array<i32: 0>} : vector<16xi32>
    %broadcast_in_dim3A = arith.constant 1 : i32
    %broadcast_in_dim3A_0 = vector.broadcast %broadcast_in_dim3A : i32 to vector<16xi32>
    %broadcast_in_dim3A_1 = arith.constant 0 : i32
    %broadcast_in_dim3A_2 = vector.broadcast %broadcast_in_dim3A_1 : i32 to vector<16xi32>
    %broadcast_in_dim3A_3 = arith.constant 0 : i32
    %broadcast_in_dim3A_4 = vector.broadcast %broadcast_in_dim3A_3 : i32 to vector<16xi32>
    %mul3A = arith.constant 2 : i32
    %mul3A_5 = arith.muli %arg1, %mul3A : i32
    %add3A = arith.addi %mul3A_5, %arg0 : i32
    %dma_start3A = arith.constant 0 : i32
    %dma_start3A_6 = tpu.memref_slice %arg4[%dma_start3A] : memref<8192xf32, #tpu.memory_space<vmem>> -> memref<4096xf32, #tpu.memory_space<vmem>>
    %dma_start3A_7 = arith.constant 0 : i32
    %dma_start3A_8 = tpu.memref_slice %arg2[%add3A, %dma_start3A_7] : memref<32x8192xf32, #tpu.memory_space<hbm>> -> memref<1x4096xf32, #tpu.memory_space<hbm>>
    %dma_start3A_9 = tpu.memref_squeeze %dma_start3A_8 : memref<1x4096xf32, #tpu.memory_space<hbm>> -> memref<4096xf32, #tpu.memory_space<hbm>>
    %dma_start3A_10 = arith.constant 0 : i32
    %dma_start3A_11 = tpu.memref_slice %arg4[%dma_start3A_10] : memref<8192xf32, #tpu.memory_space<vmem>> -> memref<4096xf32, #tpu.memory_space<vmem>>
    %dma_start3A_12 = arith.constant 0 : i32
    %dma_start3A_13 = tpu.memref_slice %arg2[%add3A, %dma_start3A_12] : memref<32x8192xf32, #tpu.memory_space<hbm>> -> memref<1x4096xf32, #tpu.memory_space<hbm>>
    %dma_start3A_14 = tpu.memref_squeeze %dma_start3A_13 : memref<1x4096xf32, #tpu.memory_space<hbm>> -> memref<4096xf32, #tpu.memory_space<hbm>>
    tpu.enqueue_dma source(%dma_start3A_14 : memref<4096xf32, #tpu.memory_space<hbm>>) target(%dma_start3A_11 : memref<4096xf32, #tpu.memory_space<vmem>>) target_semaphore(%arg11 : memref<!tpu.dma_semaphore, #tpu.memory_space<semaphore_mem>>)
    %dma_start3A_15 = arith.constant 4096 : i32
    %dma_start3A_16 = tpu.memref_slice %arg4[%dma_start3A_15] : memref<8192xf32, #tpu.memory_space<vmem>> -> memref<4096xf32, #tpu.memory_space<vmem>>
    %dma_start3A_17 = arith.constant 4096 : i32
    %dma_start3A_18 = tpu.memref_slice %arg2[%add3A, %dma_start3A_17] : memref<32x8192xf32, #tpu.memory_space<hbm>> -> memref<1x4096xf32, #tpu.memory_space<hbm>>
    %dma_start3A_19 = tpu.memref_squeeze %dma_start3A_18 : memref<1x4096xf32, #tpu.memory_space<hbm>> -> memref<4096xf32, #tpu.memory_space<hbm>>
    %dma_start3A_20 = arith.constant 4096 : i32
    %dma_start3A_21 = tpu.memref_slice %arg4[%dma_start3A_20] : memref<8192xf32, #tpu.memory_space<vmem>> -> memref<4096xf32, #tpu.memory_space<vmem>>
    %dma_start3A_22 = arith.constant 4096 : i32
    %dma_start3A_23 = tpu.memref_slice %arg2[%add3A, %dma_start3A_22] : memref<32x8192xf32, #tpu.memory_space<hbm>> -> memref<1x4096xf32, #tpu.memory_space<hbm>>
    %dma_start3A_24 = tpu.memref_squeeze %dma_start3A_23 : memref<1x4096xf32, #tpu.memory_space<hbm>> -> memref<4096xf32, #tpu.memory_space<hbm>>
    tpu.enqueue_dma source(%dma_start3A_24 : memref<4096xf32, #tpu.memory_space<hbm>>) target(%dma_start3A_21 : memref<4096xf32, #tpu.memory_space<vmem>>) target_semaphore(%arg12 : memref<!tpu.dma_semaphore, #tpu.memory_space<semaphore_mem>>)
    %parallel_loop3A = arith.constant 0 : i32
    %parallel_loop3A_25 = arith.constant 16 : i32
    %parallel_loop3A_26 = arith.constant 1 : i32
    scf.for %parallel_loop3A_3986 = %parallel_loop3A to %parallel_loop3A_25 step %parallel_loop3A_26  : i32 {
      %parallel_loop3A_3987 = arith.constant 16 : i32
      %parallel_loop3A_3988 = arith.muli %parallel_loop3A_3986, %parallel_loop3A_3987 : i32
      %parallel_loop3A_3989 = arith.index_cast %parallel_loop3A_3988 : i32 to index
      %parallel_loop3A_3990 = tpu.vector_load %arg8[%parallel_loop3A_3989] {strides = array<i32>} : memref<256xi32, #tpu.memory_space<vmem>>, vector<16xi32>,
      tpu.vector_store %arg8[%parallel_loop3A_3989], %broadcast_in_dim3A_2 {strides = array<i32>} : memref<256xi32, #tpu.memory_space<vmem>>, vector<16xi32>,
    } {sc.loop_unroll_factor = 8 : i64, sc.parallel_access}
    %dma_wait3A = arith.constant 0 : i32
    %dma_wait3A_27 = tpu.memref_slice %arg4[%dma_wait3A] : memref<8192xf32, #tpu.memory_space<vmem>> -> memref<4096xf32, #tpu.memory_space<vmem>>
    %dma_wait3A_28 = arith.constant 0 : i32
    %dma_wait3A_29 = tpu.memref_slice %arg2[%add3A, %dma_wait3A_28] : memref<32x8192xf32, #tpu.memory_space<hbm>> -> memref<1x4096xf32, #tpu.memory_space<hbm>>
    %dma_wait3A_30 = tpu.memref_squeeze %dma_wait3A_29 : memref<1x4096xf32, #tpu.memory_space<hbm>> -> memref<4096xf32, #tpu.memory_space<hbm>>
    %dma_wait3A_31 = arith.constant 0 : i32
    %dma_wait3A_32 = tpu.memref_slice %arg4[%dma_wait3A_31] : memref<8192xf32, #tpu.memory_space<vmem>> -> memref<4096xf32, #tpu.memory_space<vmem>>
    %dma_wait3A_33 = arith.constant 0 : i32
    %dma_wait3A_34 = tpu.memref_slice %arg2[%add3A, %dma_wait3A_33] : memref<32x8192xf32, #tpu.memory_space<hbm>> -> memref<1x4096xf32, #tpu.memory_space<hbm>>
    %dma_wait3A_35 = tpu.memref_squeeze %dma_wait3A_34 : memref<1x4096xf32, #tpu.memory_space<hbm>> -> memref<4096xf32, #tpu.memory_space<hbm>>
    tpu.wait_dma2 semaphore(%arg11 : memref<!tpu.dma_semaphore, #tpu.memory_space<semaphore_mem>>) src(%dma_wait3A_35 : memref<4096xf32, #tpu.memory_space<hbm>>) dst(%dma_wait3A_32 : memref<4096xf32, #tpu.memory_space<vmem>>)
    %parallel_loop3A_36 = arith.constant 0 : i32
    %parallel_loop3A_37 = arith.constant 256 : i32
    %parallel_loop3A_38 = arith.constant 1 : i32
    %parallel_loop3A_39 = arith.constant -2147483648 : i32
    scf.for %parallel_loop3A_3986 = %parallel_loop3A_36 to %parallel_loop3A_37 step %parallel_loop3A_38  : i32 {
      %parallel_loop3A_3987 = arith.constant 16 : i32
      %parallel_loop3A_3988 = arith.muli %parallel_loop3A_3986, %parallel_loop3A_3987 : i32
      %parallel_loop3A_3989 = arith.index_cast %parallel_loop3A_3988 : i32 to index
      %parallel_loop3A_3990 = tpu.vector_load %arg4[%parallel_loop3A_3989] {strides = array<i32>} : memref<8192xf32, #tpu.memory_space<vmem>>, vector<16xf32>,
      %parallel_loop3A_3991 = tpu.bitcast %parallel_loop3A_3990 : vector<16xf32> -> vector<16xi32>
      %parallel_loop3A_3992 = arith.constant 0 : i32
      %parallel_loop3A_3993 = vector.broadcast %parallel_loop3A_3992 : i32 to vector<16xi32>
      %parallel_loop3A_3994 = arith.cmpi sge, %parallel_loop3A_3991, %parallel_loop3A_3993 : vector<16xi32>
      %parallel_loop3A_3995 = vector.broadcast %parallel_loop3A_39 : i32 to vector<16xi32>
      %parallel_loop3A_3996 = arith.subi %parallel_loop3A_3995, %parallel_loop3A_3991 : vector<16xi32>
      %parallel_loop3A_3997 = arith.select %parallel_loop3A_3994, %parallel_loop3A_3991, %parallel_loop3A_3996 : vector<16xi1>, vector<16xi32>
      %parallel_loop3A_3998 = arith.constant 16 : i32
      %parallel_loop3A_3999 = arith.muli %parallel_loop3A_3986, %parallel_loop3A_3998 : i32
      %parallel_loop3A_4000 = arith.index_cast %parallel_loop3A_3999 : i32 to index
      %parallel_loop3A_4001 = tpu.vector_load %arg5[%parallel_loop3A_4000] {strides = array<i32>} : memref<8192xi32, #tpu.memory_space<vmem>>, vector<16xi32>,
      tpu.vector_store %arg5[%parallel_loop3A_4000], %parallel_loop3A_3997 {strides = array<i32>} : memref<8192xi32, #tpu.memory_space<vmem>>, vector<16xi32>,
      %parallel_loop3A_4002 = arith.constant 24 : i32
      %parallel_loop3A_4003 = vector.broadcast %parallel_loop3A_4002 : i32 to vector<16xi32>
      %parallel_loop3A_4004 = arith.shrsi %parallel_loop3A_3997, %parallel_loop3A_4003 : vector<16xi32>
      %parallel_loop3A_4005 = arith.constant 128 : i32
      %parallel_loop3A_4006 = vector.broadcast %parallel_loop3A_4005 : i32 to vector<16xi32>
      %parallel_loop3A_4007 = arith.addi %parallel_loop3A_4004, %parallel_loop3A_4006 : vector<16xi32>
      tpu.vector_store_idx %arg8[%parallel_loop3A_4007], %broadcast_in_dim3A_0 {add = true} : memref<256xi32, #tpu.memory_space<vmem>>[vector<16xi32>], vector<16xi32>,
    } {sc.loop_unroll_factor = 8 : i64, sc.parallel_access}
    %dma_wait3A_40 = arith.constant 4096 : i32
    %dma_wait3A_41 = tpu.memref_slice %arg4[%dma_wait3A_40] : memref<8192xf32, #tpu.memory_space<vmem>> -> memref<4096xf32, #tpu.memory_space<vmem>>
    %dma_wait3A_42 = arith.constant 4096 : i32
    %dma_wait3A_43 = tpu.memref_slice %arg2[%add3A, %dma_wait3A_42] : memref<32x8192xf32, #tpu.memory_space<hbm>> -> memref<1x4096xf32, #tpu.memory_space<hbm>>
    %dma_wait3A_44 = tpu.memref_squeeze %dma_wait3A_43 : memref<1x4096xf32, #tpu.memory_space<hbm>> -> memref<4096xf32, #tpu.memory_space<hbm>>
    %dma_wait3A_45 = arith.constant 4096 : i32
    %dma_wait3A_46 = tpu.memref_slice %arg4[%dma_wait3A_45] : memref<8192xf32, #tpu.memory_space<vmem>> -> memref<4096xf32, #tpu.memory_space<vmem>>
    %dma_wait3A_47 = arith.constant 4096 : i32
    %dma_wait3A_48 = tpu.memref_slice %arg2[%add3A, %dma_wait3A_47] : memref<32x8192xf32, #tpu.memory_space<hbm>> -> memref<1x4096xf32, #tpu.memory_space<hbm>>
    %dma_wait3A_49 = tpu.memref_squeeze %dma_wait3A_48 : memref<1x4096xf32, #tpu.memory_space<hbm>> -> memref<4096xf32, #tpu.memory_space<hbm>>
    tpu.wait_dma2 semaphore(%arg12 : memref<!tpu.dma_semaphore, #tpu.memory_space<semaphore_mem>>) src(%dma_wait3A_49 : memref<4096xf32, #tpu.memory_space<hbm>>) dst(%dma_wait3A_46 : memref<4096xf32, #tpu.memory_space<vmem>>)
    %parallel_loop3A_50 = arith.constant 256 : i32
    %parallel_loop3A_51 = arith.constant 512 : i32
    %parallel_loop3A_52 = arith.constant 1 : i32
    %parallel_loop3A_53 = arith.constant -2147483648 : i32
    scf.for %parallel_loop3A_3986 = %parallel_loop3A_50 to %parallel_loop3A_51 step %parallel_loop3A_52  : i32 {
      %parallel_loop3A_3987 = arith.constant 16 : i32
      %parallel_loop3A_3988 = arith.muli %parallel_loop3A_3986, %parallel_loop3A_3987 : i32
      %parallel_loop3A_3989 = arith.index_cast %parallel_loop3A_3988 : i32 to index
      %parallel_loop3A_3990 = tpu.vector_load %arg4[%parallel_loop3A_3989] {strides = array<i32>} : memref<8192xf32, #tpu.memory_space<vmem>>, vector<16xf32>,
      %parallel_loop3A_3991 = tpu.bitcast %parallel_loop3A_3990 : vector<16xf32> -> vector<16xi32>
      %parallel_loop3A_3992 = arith.constant 0 : i32
      %parallel_loop3A_3993 = vector.broadcast %parallel_loop3A_3992 : i32 to vector<16xi32>
      %parallel_loop3A_3994 = arith.cmpi sge, %parallel_loop3A_3991, %parallel_loop3A_3993 : vector<16xi32>
      %parallel_loop3A_3995 = vector.broadcast %parallel_loop3A_53 : i32 to vector<16xi32>
      %parallel_loop3A_3996 = arith.subi %parallel_loop3A_3995, %parallel_loop3A_3991 : vector<16xi32>
      %parallel_loop3A_3997 = arith.select %parallel_loop3A_3994, %parallel_loop3A_3991, %parallel_loop3A_3996 : vector<16xi1>, vector<16xi32>
      %parallel_loop3A_3998 = arith.constant 16 : i32
      %parallel_loop3A_3999 = arith.muli %parallel_loop3A_3986, %parallel_loop3A_3998 : i32
      %parallel_loop3A_4000 = arith.index_cast %parallel_loop3A_3999 : i32 to index
      %parallel_loop3A_4001 = tpu.vector_load %arg5[%parallel_loop3A_4000] {strides = array<i32>} : memref<8192xi32, #tpu.memory_space<vmem>>, vector<16xi32>,
      tpu.vector_store %arg5[%parallel_loop3A_4000], %parallel_loop3A_3997 {strides = array<i32>} : memref<8192xi32, #tpu.memory_space<vmem>>, vector<16xi32>,
      %parallel_loop3A_4002 = arith.constant 24 : i32
      %parallel_loop3A_4003 = vector.broadcast %parallel_loop3A_4002 : i32 to vector<16xi32>
      %parallel_loop3A_4004 = arith.shrsi %parallel_loop3A_3997, %parallel_loop3A_4003 : vector<16xi32>
      %parallel_loop3A_4005 = arith.constant 128 : i32
      %parallel_loop3A_4006 = vector.broadcast %parallel_loop3A_4005 : i32 to vector<16xi32>
      %parallel_loop3A_4007 = arith.addi %parallel_loop3A_4004, %parallel_loop3A_4006 : vector<16xi32>
      tpu.vector_store_idx %arg8[%parallel_loop3A_4007], %broadcast_in_dim3A_0 {add = true} : memref<256xi32, #tpu.memory_space<vmem>>[vector<16xi32>], vector<16xi32>,
    } {sc.loop_unroll_factor = 8 : i64, sc.parallel_access}
    %parallel_loop3A_54 = arith.constant 0 : i32
    %parallel_loop3A_55 = arith.constant 16 : i32
    %parallel_loop3A_56 = arith.constant 1 : i32
    scf.for %parallel_loop3A_3986 = %parallel_loop3A_54 to %parallel_loop3A_55 step %parallel_loop3A_56  : i32 {
      %parallel_loop3A_3987 = arith.constant 16 : i32
      %parallel_loop3A_3988 = arith.muli %parallel_loop3A_3986, %parallel_loop3A_3987 : i32
      %parallel_loop3A_3989 = arith.index_cast %parallel_loop3A_3988 : i32 to index
      %parallel_loop3A_3990 = tpu.vector_load %arg8[%parallel_loop3A_3989] {strides = array<i32>} : memref<256xi32, #tpu.memory_space<vmem>>, vector<16xi32>,
      %parallel_loop3A_3991 = arith.constant 16 : i32
      %parallel_loop3A_3992 = arith.muli %parallel_loop3A_3986, %parallel_loop3A_3991 : i32
      %parallel_loop3A_3993 = arith.index_cast %parallel_loop3A_3992 : i32 to index
      %parallel_loop3A_3994 = tpu.vector_load %arg9[%parallel_loop3A_3993] {strides = array<i32>} : memref<256xi32, #tpu.memory_space<vmem>>, vector<16xi32>,
      tpu.vector_store %arg9[%parallel_loop3A_3993], %parallel_loop3A_3990 {strides = array<i32>} : memref<256xi32, #tpu.memory_space<vmem>>, vector<16xi32>,
      %parallel_loop3A_3995 = arith.constant 16 : i32
      %parallel_loop3A_3996 = arith.muli %parallel_loop3A_3986, %parallel_loop3A_3995 : i32
      %parallel_loop3A_3997 = arith.index_cast %parallel_loop3A_3996 : i32 to index
      %parallel_loop3A_3998 = tpu.vector_load %arg8[%parallel_loop3A_3997] {strides = array<i32>} : memref<256xi32, #tpu.memory_space<vmem>>, vector<16xi32>,
      tpu.vector_store %arg8[%parallel_loop3A_3997], %broadcast_in_dim3A_2 {strides = array<i32>} : memref<256xi32, #tpu.memory_space<vmem>>, vector<16xi32>,
    } {sc.loop_unroll_factor = 1 : i64, sc.parallel_access}
    %get3A = arith.constant 240 : index
    %get3A_57 = tpu.vector_load %arg9[%get3A] {strides = array<i32>} : memref<256xi32, #tpu.memory_space<vmem>>, vector<16xi32>,
    %rev3A = arith.constant 15 : i32
    %rev3A_58 = vector.broadcast %rev3A : i32 to vector<16xi32>
    %rev3A_59 = tpu.iota {dimensions = array<i32: 0>} : vector<16xi32>
    %rev3A_60 = arith.subi %rev3A_58, %rev3A_59 : vector<16xi32>
    %rev3A_61 = tpu.dynamic_gather %get3A_57[%rev3A_60] in [0] : vector<16xi32>, vector<16xi32> -> vector<16xi32>
    %broadcast_in_dim3A_62 = arith.constant true
    %broadcast_in_dim3A_63 = vector.broadcast %broadcast_in_dim3A_62 : i1 to vector<16xi1>
    %masked_cumsum3A = tpu.scan <sum>, %rev3A_61 masked %broadcast_in_dim3A_63 : vector<16xi32>, vector<16xi1> -> vector<16xi32>
    %rev3A_64 = arith.constant 15 : i32
    %rev3A_65 = vector.broadcast %rev3A_64 : i32 to vector<16xi32>
    %rev3A_66 = tpu.iota {dimensions = array<i32: 0>} : vector<16xi32>
    %rev3A_67 = arith.subi %rev3A_65, %rev3A_66 : vector<16xi32>
    %rev3A_68 = tpu.dynamic_gather %masked_cumsum3A[%rev3A_67] in [0] : vector<16xi32>, vector<16xi32> -> vector<16xi32>
    %add3A_69 = arith.addi %rev3A_68, %broadcast_in_dim3A_2 : vector<16xi32>
    %ge3A = arith.constant 256 : i32
    %ge3A_70 = vector.broadcast %ge3A : i32 to vector<16xi32>
    %ge3A_71 = arith.cmpi sge, %add3A_69, %ge3A_70 : vector<16xi32>
    %convert_element_type3A = arith.extui %ge3A_71 : vector<16xi1> to vector<16xi32>
    %add3A_72 = arith.addi %broadcast_in_dim3A_2, %convert_element_type3A : vector<16xi32>
    %lt3A = arith.constant 0 : i32
    %lt3A_73 = vector.broadcast %lt3A : i32 to vector<16xi32>
    %lt3A_74 = arith.cmpi slt, %broadcast_in_dim3A_4, %lt3A_73 : vector<16xi32>
    %add3A_75 = arith.constant 16 : i32
    %add3A_76 = vector.broadcast %add3A_75 : i32 to vector<16xi32>
    %add3A_77 = arith.addi %broadcast_in_dim3A_4, %add3A_76 : vector<16xi32>
    %select_n3A = arith.select %lt3A_74, %add3A_77, %broadcast_in_dim3A_4 : vector<16xi1>, vector<16xi32>
    %broadcast_in_dim3A_78 = vector.shape_cast %select_n3A : vector<16xi32> to vector<16x1xi32>
    %gather3A = vector.shape_cast %broadcast_in_dim3A_78 : vector<16x1xi32> to vector<16xi32>
    %gather3A_79 = tpu.dynamic_gather %rev3A_68[%gather3A] in [0] : vector<16xi32>, vector<16xi32> -> vector<16xi32>
    %add3A_80 = arith.addi %broadcast_in_dim3A_2, %gather3A_79 : vector<16xi32>
    %lt3A_81 = arith.constant 0 : i32
    %lt3A_82 = vector.broadcast %lt3A_81 : i32 to vector<16xi32>
    %lt3A_83 = arith.cmpi slt, %broadcast_in_dim3A_4, %lt3A_82 : vector<16xi32>
    %add3A_84 = arith.constant 16 : i32
    %add3A_85 = vector.broadcast %add3A_84 : i32 to vector<16xi32>
    %add3A_86 = arith.addi %broadcast_in_dim3A_4, %add3A_85 : vector<16xi32>
    %select_n3A_87 = arith.select %lt3A_83, %add3A_86, %broadcast_in_dim3A_4 : vector<16xi1>, vector<16xi32>
    %broadcast_in_dim3A_88 = vector.shape_cast %select_n3A_87 : vector<16xi32> to vector<16x1xi32>
    %gather3A_89 = vector.shape_cast %broadcast_in_dim3A_88 : vector<16x1xi32> to vector<16xi32>
    %gather3A_90 = tpu.dynamic_gather %convert_element_type3A[%gather3A_89] in [0] : vector<16xi32>, vector<16xi32> -> vector<16xi32>
    %sub3A = arith.constant 1 : i32
    %sub3A_91 = vector.broadcast %sub3A : i32 to vector<16xi32>
    %sub3A_92 = arith.subi %sub3A_91, %broadcast_in_dim3A_2 : vector<16xi32>
    %mul3A_93 = arith.muli %gather3A_90, %sub3A_92 : vector<16xi32>
    %gt3A = arith.constant 0 : i32
    %gt3A_94 = vector.broadcast %gt3A : i32 to vector<16xi32>
    %gt3A_95 = arith.cmpi sgt, %mul3A_93, %gt3A_94 : vector<16xi32>
    %and3A = arith.andi %gt3A_95, %ge3A_71 : vector<16xi1>
    %select_n3A_96 = arith.select %and3A, %add3A_69, %broadcast_in_dim3A_2 : vector<16xi1>, vector<16xi32>
    %and3A_97 = arith.andi %gt3A_95, %ge3A_71 : vector<16xi1>
    %select_n3A_98 = arith.select %and3A_97, %get3A_57, %broadcast_in_dim3A_2 : vector<16xi1>, vector<16xi32>
    %and3A_99 = arith.andi %gt3A_95, %ge3A_71 : vector<16xi1>
    %add3A_100 = arith.constant 240 : i32
    %add3A_101 = vector.broadcast %add3A_100 : i32 to vector<16xi32>
    %add3A_102 = arith.addi %iota3A, %add3A_101 : vector<16xi32>
    %select_n3A_103 = arith.select %and3A_99, %add3A_102, %broadcast_in_dim3A_2 : vector<16xi1>, vector<16xi32>
    %select_n3A_104 = arith.select %gt3A_95, %broadcast_in_dim3A_0, %broadcast_in_dim3A_2 : vector<16xi1>, vector<16xi32>
    %get3A_105 = arith.constant 224 : index
    %get3A_106 = tpu.vector_load %arg9[%get3A_105] {strides = array<i32>} : memref<256xi32, #tpu.memory_space<vmem>>, vector<16xi32>,
    %rev3A_107 = arith.constant 15 : i32
    %rev3A_108 = vector.broadcast %rev3A_107 : i32 to vector<16xi32>
    %rev3A_109 = tpu.iota {dimensions = array<i32: 0>} : vector<16xi32>
    %rev3A_110 = arith.subi %rev3A_108, %rev3A_109 : vector<16xi32>
    %rev3A_111 = tpu.dynamic_gather %get3A_106[%rev3A_110] in [0] : vector<16xi32>, vector<16xi32> -> vector<16xi32>
    %broadcast_in_dim3A_112 = arith.constant true
    %broadcast_in_dim3A_113 = vector.broadcast %broadcast_in_dim3A_112 : i1 to vector<16xi1>
    %masked_cumsum3A_114 = tpu.scan <sum>, %rev3A_111 masked %broadcast_in_dim3A_113 : vector<16xi32>, vector<16xi1> -> vector<16xi32>
    %rev3A_115 = arith.constant 15 : i32
    %rev3A_116 = vector.broadcast %rev3A_115 : i32 to vector<16xi32>
    %rev3A_117 = tpu.iota {dimensions = array<i32: 0>} : vector<16xi32>
    %rev3A_118 = arith.subi %rev3A_116, %rev3A_117 : vector<16xi32>
    %rev3A_119 = tpu.dynamic_gather %masked_cumsum3A_114[%rev3A_118] in [0] : vector<16xi32>, vector<16xi32> -> vector<16xi32>
    %add3A_120 = arith.addi %rev3A_119, %add3A_80 : vector<16xi32>
    %ge3A_121 = arith.constant 256 : i32
    %ge3A_122 = vector.broadcast %ge3A_121 : i32 to vector<16xi32>
    %ge3A_123 = arith.cmpi sge, %add3A_120, %ge3A_122 : vector<16xi32>
    %convert_element_type3A_124 = arith.extui %ge3A_123 : vector<16xi1> to vector<16xi32>
    %add3A_125 = arith.addi %add3A_72, %convert_element_type3A_124 : vector<16xi32>
    %lt3A_126 = arith.constant 0 : i32
    %lt3A_127 = vector.broadcast %lt3A_126 : i32 to vector<16xi32>
    %lt3A_128 = arith.cmpi slt, %broadcast_in_dim3A_4, %lt3A_127 : vector<16xi32>
    %add3A_129 = arith.constant 16 : i32
    %add3A_130 = vector.broadcast %add3A_129 : i32 to vector<16xi32>
    %add3A_131 = arith.addi %broadcast_in_dim3A_4, %add3A_130 : vector<16xi32>
    %select_n3A_132 = arith.select %lt3A_128, %add3A_131, %broadcast_in_dim3A_4 : vector<16xi1>, vector<16xi32>
    %broadcast_in_dim3A_133 = vector.shape_cast %select_n3A_132 : vector<16xi32> to vector<16x1xi32>
    %gather3A_134 = vector.shape_cast %broadcast_in_dim3A_133 : vector<16x1xi32> to vector<16xi32>
    %gather3A_135 = tpu.dynamic_gather %rev3A_119[%gather3A_134] in [0] : vector<16xi32>, vector<16xi32> -> vector<16xi32>
    %add3A_136 = arith.addi %add3A_80, %gather3A_135 : vector<16xi32>
    %lt3A_137 = arith.constant 0 : i32
    %lt3A_138 = vector.broadcast %lt3A_137 : i32 to vector<16xi32>
    %lt3A_139 = arith.cmpi slt, %broadcast_in_dim3A_4, %lt3A_138 : vector<16xi32>
    %add3A_140 = arith.constant 16 : i32
    %add3A_141 = vector.broadcast %add3A_140 : i32 to vector<16xi32>
    %add3A_142 = arith.addi %broadcast_in_dim3A_4, %add3A_141 : vector<16xi32>
    %select_n3A_143 = arith.select %lt3A_139, %add3A_142, %broadcast_in_dim3A_4 : vector<16xi1>, vector<16xi32>
    %broadcast_in_dim3A_144 = vector.shape_cast %select_n3A_143 : vector<16xi32> to vector<16x1xi32>
    %gather3A_145 = vector.shape_cast %broadcast_in_dim3A_144 : vector<16x1xi32> to vector<16xi32>
    %gather3A_146 = tpu.dynamic_gather %convert_element_type3A_124[%gather3A_145] in [0] : vector<16xi32>, vector<16xi32> -> vector<16xi32>
    %sub3A_147 = arith.constant 1 : i32
    %sub3A_148 = vector.broadcast %sub3A_147 : i32 to vector<16xi32>
    %sub3A_149 = arith.subi %sub3A_148, %select_n3A_104 : vector<16xi32>
    %mul3A_150 = arith.muli %gather3A_146, %sub3A_149 : vector<16xi32>
    %gt3A_151 = arith.constant 0 : i32
    %gt3A_152 = vector.broadcast %gt3A_151 : i32 to vector<16xi32>
    %gt3A_153 = arith.cmpi sgt, %mul3A_150, %gt3A_152 : vector<16xi32>
    %and3A_154 = arith.andi %gt3A_153, %ge3A_123 : vector<16xi1>
    %select_n3A_155 = arith.select %and3A_154, %add3A_120, %select_n3A_96 : vector<16xi1>, vector<16xi32>
    %and3A_156 = arith.andi %gt3A_153, %ge3A_123 : vector<16xi1>
    %select_n3A_157 = arith.select %and3A_156, %get3A_106, %select_n3A_98 : vector<16xi1>, vector<16xi32>
    %and3A_158 = arith.andi %gt3A_153, %ge3A_123 : vector<16xi1>
    %add3A_159 = arith.constant 224 : i32
    %add3A_160 = vector.broadcast %add3A_159 : i32 to vector<16xi32>
    %add3A_161 = arith.addi %iota3A, %add3A_160 : vector<16xi32>
    %select_n3A_162 = arith.select %and3A_158, %add3A_161, %select_n3A_103 : vector<16xi1>, vector<16xi32>
    %select_n3A_163 = arith.select %gt3A_153, %broadcast_in_dim3A_0, %select_n3A_104 : vector<16xi1>, vector<16xi32>
    %get3A_164 = arith.constant 208 : index
    %get3A_165 = tpu.vector_load %arg9[%get3A_164] {strides = array<i32>} : memref<256xi32, #tpu.memory_space<vmem>>, vector<16xi32>,
    %rev3A_166 = arith.constant 15 : i32
    %rev3A_167 = vector.broadcast %rev3A_166 : i32 to vector<16xi32>
    %rev3A_168 = tpu.iota {dimensions = array<i32: 0>} : vector<16xi32>
    %rev3A_169 = arith.subi %rev3A_167, %rev3A_168 : vector<16xi32>
    %rev3A_170 = tpu.dynamic_gather %get3A_165[%rev3A_169] in [0] : vector<16xi32>, vector<16xi32> -> vector<16xi32>
    %broadcast_in_dim3A_171 = arith.constant true
    %broadcast_in_dim3A_172 = vector.broadcast %broadcast_in_dim3A_171 : i1 to vector<16xi1>
    %masked_cumsum3A_173 = tpu.scan <sum>, %rev3A_170 masked %broadcast_in_dim3A_172 : vector<16xi32>, vector<16xi1> -> vector<16xi32>
    %rev3A_174 = arith.constant 15 : i32
    %rev3A_175 = vector.broadcast %rev3A_174 : i32 to vector<16xi32>
    %rev3A_176 = tpu.iota {dimensions = array<i32: 0>} : vector<16xi32>
    %rev3A_177 = arith.subi %rev3A_175, %rev3A_176 : vector<16xi32>
    %rev3A_178 = tpu.dynamic_gather %masked_cumsum3A_173[%rev3A_177] in [0] : vector<16xi32>, vector<16xi32> -> vector<16xi32>
    %add3A_179 = arith.addi %rev3A_178, %add3A_136 : vector<16xi32>
    %ge3A_180 = arith.constant 256 : i32
    %ge3A_181 = vector.broadcast %ge3A_180 : i32 to vector<16xi32>
    %ge3A_182 = arith.cmpi sge, %add3A_179, %ge3A_181 : vector<16xi32>
    %convert_element_type3A_183 = arith.extui %ge3A_182 : vector<16xi1> to vector<16xi32>
    %add3A_184 = arith.addi %add3A_125, %convert_element_type3A_183 : vector<16xi32>
    %lt3A_185 = arith.constant 0 : i32
    %lt3A_186 = vector.broadcast %lt3A_185 : i32 to vector<16xi32>
    %lt3A_187 = arith.cmpi slt, %broadcast_in_dim3A_4, %lt3A_186 : vector<16xi32>
    %add3A_188 = arith.constant 16 : i32
    %add3A_189 = vector.broadcast %add3A_188 : i32 to vector<16xi32>
    %add3A_190 = arith.addi %broadcast_in_dim3A_4, %add3A_189 : vector<16xi32>
    %select_n3A_191 = arith.select %lt3A_187, %add3A_190, %broadcast_in_dim3A_4 : vector<16xi1>, vector<16xi32>
    %broadcast_in_dim3A_192 = vector.shape_cast %select_n3A_191 : vector<16xi32> to vector<16x1xi32>
    %gather3A_193 = vector.shape_cast %broadcast_in_dim3A_192 : vector<16x1xi32> to vector<16xi32>
    %gather3A_194 = tpu.dynamic_gather %rev3A_178[%gather3A_193] in [0] : vector<16xi32>, vector<16xi32> -> vector<16xi32>
    %add3A_195 = arith.addi %add3A_136, %gather3A_194 : vector<16xi32>
    %lt3A_196 = arith.constant 0 : i32
    %lt3A_197 = vector.broadcast %lt3A_196 : i32 to vector<16xi32>
    %lt3A_198 = arith.cmpi slt, %broadcast_in_dim3A_4, %lt3A_197 : vector<16xi32>
    %add3A_199 = arith.constant 16 : i32
    %add3A_200 = vector.broadcast %add3A_199 : i32 to vector<16xi32>
    %add3A_201 = arith.addi %broadcast_in_dim3A_4, %add3A_200 : vector<16xi32>
    %select_n3A_202 = arith.select %lt3A_198, %add3A_201, %broadcast_in_dim3A_4 : vector<16xi1>, vector<16xi32>
    %broadcast_in_dim3A_203 = vector.shape_cast %select_n3A_202 : vector<16xi32> to vector<16x1xi32>
    %gather3A_204 = vector.shape_cast %broadcast_in_dim3A_203 : vector<16x1xi32> to vector<16xi32>
    %gather3A_205 = tpu.dynamic_gather %convert_element_type3A_183[%gather3A_204] in [0] : vector<16xi32>, vector<16xi32> -> vector<16xi32>
    %sub3A_206 = arith.constant 1 : i32
    %sub3A_207 = vector.broadcast %sub3A_206 : i32 to vector<16xi32>
    %sub3A_208 = arith.subi %sub3A_207, %select_n3A_163 : vector<16xi32>
    %mul3A_209 = arith.muli %gather3A_205, %sub3A_208 : vector<16xi32>
    %gt3A_210 = arith.constant 0 : i32
    %gt3A_211 = vector.broadcast %gt3A_210 : i32 to vector<16xi32>
    %gt3A_212 = arith.cmpi sgt, %mul3A_209, %gt3A_211 : vector<16xi32>
    %and3A_213 = arith.andi %gt3A_212, %ge3A_182 : vector<16xi1>
    %select_n3A_214 = arith.select %and3A_213, %add3A_179, %select_n3A_155 : vector<16xi1>, vector<16xi32>
    %and3A_215 = arith.andi %gt3A_212, %ge3A_182 : vector<16xi1>
    %select_n3A_216 = arith.select %and3A_215, %get3A_165, %select_n3A_157 : vector<16xi1>, vector<16xi32>
    %and3A_217 = arith.andi %gt3A_212, %ge3A_182 : vector<16xi1>
    %add3A_218 = arith.constant 208 : i32
    %add3A_219 = vector.broadcast %add3A_218 : i32 to vector<16xi32>
    %add3A_220 = arith.addi %iota3A, %add3A_219 : vector<16xi32>
    %select_n3A_221 = arith.select %and3A_217, %add3A_220, %select_n3A_162 : vector<16xi1>, vector<16xi32>
    %select_n3A_222 = arith.select %gt3A_212, %broadcast_in_dim3A_0, %select_n3A_163 : vector<16xi1>, vector<16xi32>
    %get3A_223 = arith.constant 192 : index
    %get3A_224 = tpu.vector_load %arg9[%get3A_223] {strides = array<i32>} : memref<256xi32, #tpu.memory_space<vmem>>, vector<16xi32>,
    %rev3A_225 = arith.constant 15 : i32
    %rev3A_226 = vector.broadcast %rev3A_225 : i32 to vector<16xi32>
    %rev3A_227 = tpu.iota {dimensions = array<i32: 0>} : vector<16xi32>
    %rev3A_228 = arith.subi %rev3A_226, %rev3A_227 : vector<16xi32>
    %rev3A_229 = tpu.dynamic_gather %get3A_224[%rev3A_228] in [0] : vector<16xi32>, vector<16xi32> -> vector<16xi32>
    %broadcast_in_dim3A_230 = arith.constant true
    %broadcast_in_dim3A_231 = vector.broadcast %broadcast_in_dim3A_230 : i1 to vector<16xi1>
    %masked_cumsum3A_232 = tpu.scan <sum>, %rev3A_229 masked %broadcast_in_dim3A_231 : vector<16xi32>, vector<16xi1> -> vector<16xi32>
    %rev3A_233 = arith.constant 15 : i32
    %rev3A_234 = vector.broadcast %rev3A_233 : i32 to vector<16xi32>
    %rev3A_235 = tpu.iota {dimensions = array<i32: 0>} : vector<16xi32>
    %rev3A_236 = arith.subi %rev3A_234, %rev3A_235 : vector<16xi32>
    %rev3A_237 = tpu.dynamic_gather %masked_cumsum3A_232[%rev3A_236] in [0] : vector<16xi32>, vector<16xi32> -> vector<16xi32>
    %add3A_238 = arith.addi %rev3A_237, %add3A_195 : vector<16xi32>
    %ge3A_239 = arith.constant 256 : i32
    %ge3A_240 = vector.broadcast %ge3A_239 : i32 to vector<16xi32>
    %ge3A_241 = arith.cmpi sge, %add3A_238, %ge3A_240 : vector<16xi32>
    %convert_element_type3A_242 = arith.extui %ge3A_241 : vector<16xi1> to vector<16xi32>
    %add3A_243 = arith.addi %add3A_184, %convert_element_type3A_242 : vector<16xi32>
    %lt3A_244 = arith.constant 0 : i32
    %lt3A_245 = vector.broadcast %lt3A_244 : i32 to vector<16xi32>
    %lt3A_246 = arith.cmpi slt, %broadcast_in_dim3A_4, %lt3A_245 : vector<16xi32>
    %add3A_247 = arith.constant 16 : i32
    %add3A_248 = vector.broadcast %add3A_247 : i32 to vector<16xi32>
    %add3A_249 = arith.addi %broadcast_in_dim3A_4, %add3A_248 : vector<16xi32>
    %select_n3A_250 = arith.select %lt3A_246, %add3A_249, %broadcast_in_dim3A_4 : vector<16xi1>, vector<16xi32>
    %broadcast_in_dim3A_251 = vector.shape_cast %select_n3A_250 : vector<16xi32> to vector<16x1xi32>
    %gather3A_252 = vector.shape_cast %broadcast_in_dim3A_251 : vector<16x1xi32> to vector<16xi32>
    %gather3A_253 = tpu.dynamic_gather %rev3A_237[%gather3A_252] in [0] : vector<16xi32>, vector<16xi32> -> vector<16xi32>
    %add3A_254 = arith.addi %add3A_195, %gather3A_253 : vector<16xi32>
    %lt3A_255 = arith.constant 0 : i32
    %lt3A_256 = vector.broadcast %lt3A_255 : i32 to vector<16xi32>
    %lt3A_257 = arith.cmpi slt, %broadcast_in_dim3A_4, %lt3A_256 : vector<16xi32>
    %add3A_258 = arith.constant 16 : i32
    %add3A_259 = vector.broadcast %add3A_258 : i32 to vector<16xi32>
    %add3A_260 = arith.addi %broadcast_in_dim3A_4, %add3A_259 : vector<16xi32>
    %select_n3A_261 = arith.select %lt3A_257, %add3A_260, %broadcast_in_dim3A_4 : vector<16xi1>, vector<16xi32>
    %broadcast_in_dim3A_262 = vector.shape_cast %select_n3A_261 : vector<16xi32> to vector<16x1xi32>
    %gather3A_263 = vector.shape_cast %broadcast_in_dim3A_262 : vector<16x1xi32> to vector<16xi32>
    %gather3A_264 = tpu.dynamic_gather %convert_element_type3A_242[%gather3A_263] in [0] : vector<16xi32>, vector<16xi32> -> vector<16xi32>
    %sub3A_265 = arith.constant 1 : i32
    %sub3A_266 = vector.broadcast %sub3A_265 : i32 to vector<16xi32>
    %sub3A_267 = arith.subi %sub3A_266, %select_n3A_222 : vector<16xi32>
    %mul3A_268 = arith.muli %gather3A_264, %sub3A_267 : vector<16xi32>
    %gt3A_269 = arith.constant 0 : i32
    %gt3A_270 = vector.broadcast %gt3A_269 : i32 to vector<16xi32>
    %gt3A_271 = arith.cmpi sgt, %mul3A_268, %gt3A_270 : vector<16xi32>
    %and3A_272 = arith.andi %gt3A_271, %ge3A_241 : vector<16xi1>
    %select_n3A_273 = arith.select %and3A_272, %add3A_238, %select_n3A_214 : vector<16xi1>, vector<16xi32>
    %and3A_274 = arith.andi %gt3A_271, %ge3A_241 : vector<16xi1>
    %select_n3A_275 = arith.select %and3A_274, %get3A_224, %select_n3A_216 : vector<16xi1>, vector<16xi32>
    %and3A_276 = arith.andi %gt3A_271, %ge3A_241 : vector<16xi1>
    %add3A_277 = arith.constant 192 : i32
    %add3A_278 = vector.broadcast %add3A_277 : i32 to vector<16xi32>
    %add3A_279 = arith.addi %iota3A, %add3A_278 : vector<16xi32>
    %select_n3A_280 = arith.select %and3A_276, %add3A_279, %select_n3A_221 : vector<16xi1>, vector<16xi32>
    %select_n3A_281 = arith.select %gt3A_271, %broadcast_in_dim3A_0, %select_n3A_222 : vector<16xi1>, vector<16xi32>
    %get3A_282 = arith.constant 176 : index
    %get3A_283 = tpu.vector_load %arg9[%get3A_282] {strides = array<i32>} : memref<256xi32, #tpu.memory_space<vmem>>, vector<16xi32>,
    %rev3A_284 = arith.constant 15 : i32
    %rev3A_285 = vector.broadcast %rev3A_284 : i32 to vector<16xi32>
    %rev3A_286 = tpu.iota {dimensions = array<i32: 0>} : vector<16xi32>
    %rev3A_287 = arith.subi %rev3A_285, %rev3A_286 : vector<16xi32>
    %rev3A_288 = tpu.dynamic_gather %get3A_283[%rev3A_287] in [0] : vector<16xi32>, vector<16xi32> -> vector<16xi32>
    %broadcast_in_dim3A_289 = arith.constant true
    %broadcast_in_dim3A_290 = vector.broadcast %broadcast_in_dim3A_289 : i1 to vector<16xi1>
    %masked_cumsum3A_291 = tpu.scan <sum>, %rev3A_288 masked %broadcast_in_dim3A_290 : vector<16xi32>, vector<16xi1> -> vector<16xi32>
    %rev3A_292 = arith.constant 15 : i32
    %rev3A_293 = vector.broadcast %rev3A_292 : i32 to vector<16xi32>
    %rev3A_294 = tpu.iota {dimensions = array<i32: 0>} : vector<16xi32>
    %rev3A_295 = arith.subi %rev3A_293, %rev3A_294 : vector<16xi32>
    %rev3A_296 = tpu.dynamic_gather %masked_cumsum3A_291[%rev3A_295] in [0] : vector<16xi32>, vector<16xi32> -> vector<16xi32>
    %add3A_297 = arith.addi %rev3A_296, %add3A_254 : vector<16xi32>
    %ge3A_298 = arith.constant 256 : i32
    %ge3A_299 = vector.broadcast %ge3A_298 : i32 to vector<16xi32>
    %ge3A_300 = arith.cmpi sge, %add3A_297, %ge3A_299 : vector<16xi32>
    %convert_element_type3A_301 = arith.extui %ge3A_300 : vector<16xi1> to vector<16xi32>
    %add3A_302 = arith.addi %add3A_243, %convert_element_type3A_301 : vector<16xi32>
    %lt3A_303 = arith.constant 0 : i32
    %lt3A_304 = vector.broadcast %lt3A_303 : i32 to vector<16xi32>
    %lt3A_305 = arith.cmpi slt, %broadcast_in_dim3A_4, %lt3A_304 : vector<16xi32>
    %add3A_306 = arith.constant 16 : i32
    %add3A_307 = vector.broadcast %add3A_306 : i32 to vector<16xi32>
    %add3A_308 = arith.addi %broadcast_in_dim3A_4, %add3A_307 : vector<16xi32>
    %select_n3A_309 = arith.select %lt3A_305, %add3A_308, %broadcast_in_dim3A_4 : vector<16xi1>, vector<16xi32>
    %broadcast_in_dim3A_310 = vector.shape_cast %select_n3A_309 : vector<16xi32> to vector<16x1xi32>
    %gather3A_311 = vector.shape_cast %broadcast_in_dim3A_310 : vector<16x1xi32> to vector<16xi32>
    %gather3A_312 = tpu.dynamic_gather %rev3A_296[%gather3A_311] in [0] : vector<16xi32>, vector<16xi32> -> vector<16xi32>
    %add3A_313 = arith.addi %add3A_254, %gather3A_312 : vector<16xi32>
    %lt3A_314 = arith.constant 0 : i32
    %lt3A_315 = vector.broadcast %lt3A_314 : i32 to vector<16xi32>
    %lt3A_316 = arith.cmpi slt, %broadcast_in_dim3A_4, %lt3A_315 : vector<16xi32>
    %add3A_317 = arith.constant 16 : i32
    %add3A_318 = vector.broadcast %add3A_317 : i32 to vector<16xi32>
    %add3A_319 = arith.addi %broadcast_in_dim3A_4, %add3A_318 : vector<16xi32>
    %select_n3A_320 = arith.select %lt3A_316, %add3A_319, %broadcast_in_dim3A_4 : vector<16xi1>, vector<16xi32>
    %broadcast_in_dim3A_321 = vector.shape_cast %select_n3A_320 : vector<16xi32> to vector<16x1xi32>
    %gather3A_322 = vector.shape_cast %broadcast_in_dim3A_321 : vector<16x1xi32> to vector<16xi32>
    %gather3A_323 = tpu.dynamic_gather %convert_element_type3A_301[%gather3A_322] in [0] : vector<16xi32>, vector<16xi32> -> vector<16xi32>
    %sub3A_324 = arith.constant 1 : i32
    %sub3A_325 = vector.broadcast %sub3A_324 : i32 to vector<16xi32>
    %sub3A_326 = arith.subi %sub3A_325, %select_n3A_281 : vector<16xi32>
    %mul3A_327 = arith.muli %gather3A_323, %sub3A_326 : vector<16xi32>
    %gt3A_328 = arith.constant 0 : i32
    %gt3A_329 = vector.broadcast %gt3A_328 : i32 to vector<16xi32>
    %gt3A_330 = arith.cmpi sgt, %mul3A_327, %gt3A_329 : vector<16xi32>
    %and3A_331 = arith.andi %gt3A_330, %ge3A_300 : vector<16xi1>
    %select_n3A_332 = arith.select %and3A_331, %add3A_297, %select_n3A_273 : vector<16xi1>, vector<16xi32>
    %and3A_333 = arith.andi %gt3A_330, %ge3A_300 : vector<16xi1>
    %select_n3A_334 = arith.select %and3A_333, %get3A_283, %select_n3A_275 : vector<16xi1>, vector<16xi32>
    %and3A_335 = arith.andi %gt3A_330, %ge3A_300 : vector<16xi1>
    %add3A_336 = arith.constant 176 : i32
    %add3A_337 = vector.broadcast %add3A_336 : i32 to vector<16xi32>
    %add3A_338 = arith.addi %iota3A, %add3A_337 : vector<16xi32>
    %select_n3A_339 = arith.select %and3A_335, %add3A_338, %select_n3A_280 : vector<16xi1>, vector<16xi32>
    %select_n3A_340 = arith.select %gt3A_330, %broadcast_in_dim3A_0, %select_n3A_281 : vector<16xi1>, vector<16xi32>
    %get3A_341 = arith.constant 160 : index
    %get3A_342 = tpu.vector_load %arg9[%get3A_341] {strides = array<i32>} : memref<256xi32, #tpu.memory_space<vmem>>, vector<16xi32>,
    %rev3A_343 = arith.constant 15 : i32
    %rev3A_344 = vector.broadcast %rev3A_343 : i32 to vector<16xi32>
    %rev3A_345 = tpu.iota {dimensions = array<i32: 0>} : vector<16xi32>
    %rev3A_346 = arith.subi %rev3A_344, %rev3A_345 : vector<16xi32>
    %rev3A_347 = tpu.dynamic_gather %get3A_342[%rev3A_346] in [0] : vector<16xi32>, vector<16xi32> -> vector<16xi32>
    %broadcast_in_dim3A_348 = arith.constant true
    %broadcast_in_dim3A_349 = vector.broadcast %broadcast_in_dim3A_348 : i1 to vector<16xi1>
    %masked_cumsum3A_350 = tpu.scan <sum>, %rev3A_347 masked %broadcast_in_dim3A_349 : vector<16xi32>, vector<16xi1> -> vector<16xi32>
    %rev3A_351 = arith.constant 15 : i32
    %rev3A_352 = vector.broadcast %rev3A_351 : i32 to vector<16xi32>
    %rev3A_353 = tpu.iota {dimensions = array<i32: 0>} : vector<16xi32>
    %rev3A_354 = arith.subi %rev3A_352, %rev3A_353 : vector<16xi32>
    %rev3A_355 = tpu.dynamic_gather %masked_cumsum3A_350[%rev3A_354] in [0] : vector<16xi32>, vector<16xi32> -> vector<16xi32>
    %add3A_356 = arith.addi %rev3A_355, %add3A_313 : vector<16xi32>
    %ge3A_357 = arith.constant 256 : i32
    %ge3A_358 = vector.broadcast %ge3A_357 : i32 to vector<16xi32>
    %ge3A_359 = arith.cmpi sge, %add3A_356, %ge3A_358 : vector<16xi32>
    %convert_element_type3A_360 = arith.extui %ge3A_359 : vector<16xi1> to vector<16xi32>
    %add3A_361 = arith.addi %add3A_302, %convert_element_type3A_360 : vector<16xi32>
    %lt3A_362 = arith.constant 0 : i32
    %lt3A_363 = vector.broadcast %lt3A_362 : i32 to vector<16xi32>
    %lt3A_364 = arith.cmpi slt, %broadcast_in_dim3A_4, %lt3A_363 : vector<16xi32>
    %add3A_365 = arith.constant 16 : i32
    %add3A_366 = vector.broadcast %add3A_365 : i32 to vector<16xi32>
    %add3A_367 = arith.addi %broadcast_in_dim3A_4, %add3A_366 : vector<16xi32>
    %select_n3A_368 = arith.select %lt3A_364, %add3A_367, %broadcast_in_dim3A_4 : vector<16xi1>, vector<16xi32>
    %broadcast_in_dim3A_369 = vector.shape_cast %select_n3A_368 : vector<16xi32> to vector<16x1xi32>
    %gather3A_370 = vector.shape_cast %broadcast_in_dim3A_369 : vector<16x1xi32> to vector<16xi32>
    %gather3A_371 = tpu.dynamic_gather %rev3A_355[%gather3A_370] in [0] : vector<16xi32>, vector<16xi32> -> vector<16xi32>
    %add3A_372 = arith.addi %add3A_313, %gather3A_371 : vector<16xi32>
    %lt3A_373 = arith.constant 0 : i32
    %lt3A_374 = vector.broadcast %lt3A_373 : i32 to vector<16xi32>
    %lt3A_375 = arith.cmpi slt, %broadcast_in_dim3A_4, %lt3A_374 : vector<16xi32>
    %add3A_376 = arith.constant 16 : i32
    %add3A_377 = vector.broadcast %add3A_376 : i32 to vector<16xi32>
    %add3A_378 = arith.addi %broadcast_in_dim3A_4, %add3A_377 : vector<16xi32>
    %select_n3A_379 = arith.select %lt3A_375, %add3A_378, %broadcast_in_dim3A_4 : vector<16xi1>, vector<16xi32>
    %broadcast_in_dim3A_380 = vector.shape_cast %select_n3A_379 : vector<16xi32> to vector<16x1xi32>
    %gather3A_381 = vector.shape_cast %broadcast_in_dim3A_380 : vector<16x1xi32> to vector<16xi32>
    %gather3A_382 = tpu.dynamic_gather %convert_element_type3A_360[%gather3A_381] in [0] : vector<16xi32>, vector<16xi32> -> vector<16xi32>
    %sub3A_383 = arith.constant 1 : i32
    %sub3A_384 = vector.broadcast %sub3A_383 : i32 to vector<16xi32>
    %sub3A_385 = arith.subi %sub3A_384, %select_n3A_340 : vector<16xi32>
    %mul3A_386 = arith.muli %gather3A_382, %sub3A_385 : vector<16xi32>
    %gt3A_387 = arith.constant 0 : i32
    %gt3A_388 = vector.broadcast %gt3A_387 : i32 to vector<16xi32>
    %gt3A_389 = arith.cmpi sgt, %mul3A_386, %gt3A_388 : vector<16xi32>
    %and3A_390 = arith.andi %gt3A_389, %ge3A_359 : vector<16xi1>
    %select_n3A_391 = arith.select %and3A_390, %add3A_356, %select_n3A_332 : vector<16xi1>, vector<16xi32>
    %and3A_392 = arith.andi %gt3A_389, %ge3A_359 : vector<16xi1>
    %select_n3A_393 = arith.select %and3A_392, %get3A_342, %select_n3A_334 : vector<16xi1>, vector<16xi32>
    %and3A_394 = arith.andi %gt3A_389, %ge3A_359 : vector<16xi1>
    %add3A_395 = arith.constant 160 : i32
    %add3A_396 = vector.broadcast %add3A_395 : i32 to vector<16xi32>
    %add3A_397 = arith.addi %iota3A, %add3A_396 : vector<16xi32>
    %select_n3A_398 = arith.select %and3A_394, %add3A_397, %select_n3A_339 : vector<16xi1>, vector<16xi32>
    %select_n3A_399 = arith.select %gt3A_389, %broadcast_in_dim3A_0, %select_n3A_340 : vector<16xi1>, vector<16xi32>
    %get3A_400 = arith.constant 144 : index
    %get3A_401 = tpu.vector_load %arg9[%get3A_400] {strides = array<i32>} : memref<256xi32, #tpu.memory_space<vmem>>, vector<16xi32>,
    %rev3A_402 = arith.constant 15 : i32
    %rev3A_403 = vector.broadcast %rev3A_402 : i32 to vector<16xi32>
    %rev3A_404 = tpu.iota {dimensions = array<i32: 0>} : vector<16xi32>
    %rev3A_405 = arith.subi %rev3A_403, %rev3A_404 : vector<16xi32>
    %rev3A_406 = tpu.dynamic_gather %get3A_401[%rev3A_405] in [0] : vector<16xi32>, vector<16xi32> -> vector<16xi32>
    %broadcast_in_dim3A_407 = arith.constant true
    %broadcast_in_dim3A_408 = vector.broadcast %broadcast_in_dim3A_407 : i1 to vector<16xi1>
    %masked_cumsum3A_409 = tpu.scan <sum>, %rev3A_406 masked %broadcast_in_dim3A_408 : vector<16xi32>, vector<16xi1> -> vector<16xi32>
    %rev3A_410 = arith.constant 15 : i32
    %rev3A_411 = vector.broadcast %rev3A_410 : i32 to vector<16xi32>
    %rev3A_412 = tpu.iota {dimensions = array<i32: 0>} : vector<16xi32>
    %rev3A_413 = arith.subi %rev3A_411, %rev3A_412 : vector<16xi32>
    %rev3A_414 = tpu.dynamic_gather %masked_cumsum3A_409[%rev3A_413] in [0] : vector<16xi32>, vector<16xi32> -> vector<16xi32>
    %add3A_415 = arith.addi %rev3A_414, %add3A_372 : vector<16xi32>
    %ge3A_416 = arith.constant 256 : i32
    %ge3A_417 = vector.broadcast %ge3A_416 : i32 to vector<16xi32>
    %ge3A_418 = arith.cmpi sge, %add3A_415, %ge3A_417 : vector<16xi32>
    %convert_element_type3A_419 = arith.extui %ge3A_418 : vector<16xi1> to vector<16xi32>
    %add3A_420 = arith.addi %add3A_361, %convert_element_type3A_419 : vector<16xi32>
    %lt3A_421 = arith.constant 0 : i32
    %lt3A_422 = vector.broadcast %lt3A_421 : i32 to vector<16xi32>
    %lt3A_423 = arith.cmpi slt, %broadcast_in_dim3A_4, %lt3A_422 : vector<16xi32>
    %add3A_424 = arith.constant 16 : i32
    %add3A_425 = vector.broadcast %add3A_424 : i32 to vector<16xi32>
    %add3A_426 = arith.addi %broadcast_in_dim3A_4, %add3A_425 : vector<16xi32>
    %select_n3A_427 = arith.select %lt3A_423, %add3A_426, %broadcast_in_dim3A_4 : vector<16xi1>, vector<16xi32>
    %broadcast_in_dim3A_428 = vector.shape_cast %select_n3A_427 : vector<16xi32> to vector<16x1xi32>
    %gather3A_429 = vector.shape_cast %broadcast_in_dim3A_428 : vector<16x1xi32> to vector<16xi32>
    %gather3A_430 = tpu.dynamic_gather %rev3A_414[%gather3A_429] in [0] : vector<16xi32>, vector<16xi32> -> vector<16xi32>
    %add3A_431 = arith.addi %add3A_372, %gather3A_430 : vector<16xi32>
    %lt3A_432 = arith.constant 0 : i32
    %lt3A_433 = vector.broadcast %lt3A_432 : i32 to vector<16xi32>
    %lt3A_434 = arith.cmpi slt, %broadcast_in_dim3A_4, %lt3A_433 : vector<16xi32>
    %add3A_435 = arith.constant 16 : i32
    %add3A_436 = vector.broadcast %add3A_435 : i32 to vector<16xi32>
    %add3A_437 = arith.addi %broadcast_in_dim3A_4, %add3A_436 : vector<16xi32>
    %select_n3A_438 = arith.select %lt3A_434, %add3A_437, %broadcast_in_dim3A_4 : vector<16xi1>, vector<16xi32>
    %broadcast_in_dim3A_439 = vector.shape_cast %select_n3A_438 : vector<16xi32> to vector<16x1xi32>
    %gather3A_440 = vector.shape_cast %broadcast_in_dim3A_439 : vector<16x1xi32> to vector<16xi32>
    %gather3A_441 = tpu.dynamic_gather %convert_element_type3A_419[%gather3A_440] in [0] : vector<16xi32>, vector<16xi32> -> vector<16xi32>
    %sub3A_442 = arith.constant 1 : i32
    %sub3A_443 = vector.broadcast %sub3A_442 : i32 to vector<16xi32>
    %sub3A_444 = arith.subi %sub3A_443, %select_n3A_399 : vector<16xi32>
    %mul3A_445 = arith.muli %gather3A_441, %sub3A_444 : vector<16xi32>
    %gt3A_446 = arith.constant 0 : i32
    %gt3A_447 = vector.broadcast %gt3A_446 : i32 to vector<16xi32>
    %gt3A_448 = arith.cmpi sgt, %mul3A_445, %gt3A_447 : vector<16xi32>
    %and3A_449 = arith.andi %gt3A_448, %ge3A_418 : vector<16xi1>
    %select_n3A_450 = arith.select %and3A_449, %add3A_415, %select_n3A_391 : vector<16xi1>, vector<16xi32>
    %and3A_451 = arith.andi %gt3A_448, %ge3A_418 : vector<16xi1>
    %select_n3A_452 = arith.select %and3A_451, %get3A_401, %select_n3A_393 : vector<16xi1>, vector<16xi32>
    %and3A_453 = arith.andi %gt3A_448, %ge3A_418 : vector<16xi1>
    %add3A_454 = arith.constant 144 : i32
    %add3A_455 = vector.broadcast %add3A_454 : i32 to vector<16xi32>
    %add3A_456 = arith.addi %iota3A, %add3A_455 : vector<16xi32>
    %select_n3A_457 = arith.select %and3A_453, %add3A_456, %select_n3A_398 : vector<16xi1>, vector<16xi32>
    %select_n3A_458 = arith.select %gt3A_448, %broadcast_in_dim3A_0, %select_n3A_399 : vector<16xi1>, vector<16xi32>
    %get3A_459 = arith.constant 128 : index
    %get3A_460 = tpu.vector_load %arg9[%get3A_459] {strides = array<i32>} : memref<256xi32, #tpu.memory_space<vmem>>, vector<16xi32>,
    %rev3A_461 = arith.constant 15 : i32
    %rev3A_462 = vector.broadcast %rev3A_461 : i32 to vector<16xi32>
    %rev3A_463 = tpu.iota {dimensions = array<i32: 0>} : vector<16xi32>
    %rev3A_464 = arith.subi %rev3A_462, %rev3A_463 : vector<16xi32>
    %rev3A_465 = tpu.dynamic_gather %get3A_460[%rev3A_464] in [0] : vector<16xi32>, vector<16xi32> -> vector<16xi32>
    %broadcast_in_dim3A_466 = arith.constant true
    %broadcast_in_dim3A_467 = vector.broadcast %broadcast_in_dim3A_466 : i1 to vector<16xi1>
    %masked_cumsum3A_468 = tpu.scan <sum>, %rev3A_465 masked %broadcast_in_dim3A_467 : vector<16xi32>, vector<16xi1> -> vector<16xi32>
    %rev3A_469 = arith.constant 15 : i32
    %rev3A_470 = vector.broadcast %rev3A_469 : i32 to vector<16xi32>
    %rev3A_471 = tpu.iota {dimensions = array<i32: 0>} : vector<16xi32>
    %rev3A_472 = arith.subi %rev3A_470, %rev3A_471 : vector<16xi32>
    %rev3A_473 = tpu.dynamic_gather %masked_cumsum3A_468[%rev3A_472] in [0] : vector<16xi32>, vector<16xi32> -> vector<16xi32>
    %add3A_474 = arith.addi %rev3A_473, %add3A_431 : vector<16xi32>
    %ge3A_475 = arith.constant 256 : i32
    %ge3A_476 = vector.broadcast %ge3A_475 : i32 to vector<16xi32>
    %ge3A_477 = arith.cmpi sge, %add3A_474, %ge3A_476 : vector<16xi32>
    %convert_element_type3A_478 = arith.extui %ge3A_477 : vector<16xi1> to vector<16xi32>
    %add3A_479 = arith.addi %add3A_420, %convert_element_type3A_478 : vector<16xi32>
    %lt3A_480 = arith.constant 0 : i32
    %lt3A_481 = vector.broadcast %lt3A_480 : i32 to vector<16xi32>
    %lt3A_482 = arith.cmpi slt, %broadcast_in_dim3A_4, %lt3A_481 : vector<16xi32>
    %add3A_483 = arith.constant 16 : i32
    %add3A_484 = vector.broadcast %add3A_483 : i32 to vector<16xi32>
    %add3A_485 = arith.addi %broadcast_in_dim3A_4, %add3A_484 : vector<16xi32>
    %select_n3A_486 = arith.select %lt3A_482, %add3A_485, %broadcast_in_dim3A_4 : vector<16xi1>, vector<16xi32>
    %broadcast_in_dim3A_487 = vector.shape_cast %select_n3A_486 : vector<16xi32> to vector<16x1xi32>
    %gather3A_488 = vector.shape_cast %broadcast_in_dim3A_487 : vector<16x1xi32> to vector<16xi32>
    %gather3A_489 = tpu.dynamic_gather %rev3A_473[%gather3A_488] in [0] : vector<16xi32>, vector<16xi32> -> vector<16xi32>
    %add3A_490 = arith.addi %add3A_431, %gather3A_489 : vector<16xi32>
    %lt3A_491 = arith.constant 0 : i32
    %lt3A_492 = vector.broadcast %lt3A_491 : i32 to vector<16xi32>
    %lt3A_493 = arith.cmpi slt, %broadcast_in_dim3A_4, %lt3A_492 : vector<16xi32>
    %add3A_494 = arith.constant 16 : i32
    %add3A_495 = vector.broadcast %add3A_494 : i32 to vector<16xi32>
    %add3A_496 = arith.addi %broadcast_in_dim3A_4, %add3A_495 : vector<16xi32>
    %select_n3A_497 = arith.select %lt3A_493, %add3A_496, %broadcast_in_dim3A_4 : vector<16xi1>, vector<16xi32>
    %broadcast_in_dim3A_498 = vector.shape_cast %select_n3A_497 : vector<16xi32> to vector<16x1xi32>
    %gather3A_499 = vector.shape_cast %broadcast_in_dim3A_498 : vector<16x1xi32> to vector<16xi32>
    %gather3A_500 = tpu.dynamic_gather %convert_element_type3A_478[%gather3A_499] in [0] : vector<16xi32>, vector<16xi32> -> vector<16xi32>
    %sub3A_501 = arith.constant 1 : i32
    %sub3A_502 = vector.broadcast %sub3A_501 : i32 to vector<16xi32>
    %sub3A_503 = arith.subi %sub3A_502, %select_n3A_458 : vector<16xi32>
    %mul3A_504 = arith.muli %gather3A_500, %sub3A_503 : vector<16xi32>
    %gt3A_505 = arith.constant 0 : i32
    %gt3A_506 = vector.broadcast %gt3A_505 : i32 to vector<16xi32>
    %gt3A_507 = arith.cmpi sgt, %mul3A_504, %gt3A_506 : vector<16xi32>
    %and3A_508 = arith.andi %gt3A_507, %ge3A_477 : vector<16xi1>
    %select_n3A_509 = arith.select %and3A_508, %add3A_474, %select_n3A_450 : vector<16xi1>, vector<16xi32>
    %and3A_510 = arith.andi %gt3A_507, %ge3A_477 : vector<16xi1>
    %select_n3A_511 = arith.select %and3A_510, %get3A_460, %select_n3A_452 : vector<16xi1>, vector<16xi32>
    %and3A_512 = arith.andi %gt3A_507, %ge3A_477 : vector<16xi1>
    %add3A_513 = arith.constant 128 : i32
    %add3A_514 = vector.broadcast %add3A_513 : i32 to vector<16xi32>
    %add3A_515 = arith.addi %iota3A, %add3A_514 : vector<16xi32>
    %select_n3A_516 = arith.select %and3A_512, %add3A_515, %select_n3A_457 : vector<16xi1>, vector<16xi32>
    %select_n3A_517 = arith.select %gt3A_507, %broadcast_in_dim3A_0, %select_n3A_458 : vector<16xi1>, vector<16xi32>
    %get3A_518 = arith.constant 112 : index
    %get3A_519 = tpu.vector_load %arg9[%get3A_518] {strides = array<i32>} : memref<256xi32, #tpu.memory_space<vmem>>, vector<16xi32>,
    %rev3A_520 = arith.constant 15 : i32
    %rev3A_521 = vector.broadcast %rev3A_520 : i32 to vector<16xi32>
    %rev3A_522 = tpu.iota {dimensions = array<i32: 0>} : vector<16xi32>
    %rev3A_523 = arith.subi %rev3A_521, %rev3A_522 : vector<16xi32>
    %rev3A_524 = tpu.dynamic_gather %get3A_519[%rev3A_523] in [0] : vector<16xi32>, vector<16xi32> -> vector<16xi32>
    %broadcast_in_dim3A_525 = arith.constant true
    %broadcast_in_dim3A_526 = vector.broadcast %broadcast_in_dim3A_525 : i1 to vector<16xi1>
    %masked_cumsum3A_527 = tpu.scan <sum>, %rev3A_524 masked %broadcast_in_dim3A_526 : vector<16xi32>, vector<16xi1> -> vector<16xi32>
    %rev3A_528 = arith.constant 15 : i32
    %rev3A_529 = vector.broadcast %rev3A_528 : i32 to vector<16xi32>
    %rev3A_530 = tpu.iota {dimensions = array<i32: 0>} : vector<16xi32>
    %rev3A_531 = arith.subi %rev3A_529, %rev3A_530 : vector<16xi32>
    %rev3A_532 = tpu.dynamic_gather %masked_cumsum3A_527[%rev3A_531] in [0] : vector<16xi32>, vector<16xi32> -> vector<16xi32>
    %add3A_533 = arith.addi %rev3A_532, %add3A_490 : vector<16xi32>
    %ge3A_534 = arith.constant 256 : i32
    %ge3A_535 = vector.broadcast %ge3A_534 : i32 to vector<16xi32>
    %ge3A_536 = arith.cmpi sge, %add3A_533, %ge3A_535 : vector<16xi32>
    %convert_element_type3A_537 = arith.extui %ge3A_536 : vector<16xi1> to vector<16xi32>
    %add3A_538 = arith.addi %add3A_479, %convert_element_type3A_537 : vector<16xi32>
    %lt3A_539 = arith.constant 0 : i32
    %lt3A_540 = vector.broadcast %lt3A_539 : i32 to vector<16xi32>
    %lt3A_541 = arith.cmpi slt, %broadcast_in_dim3A_4, %lt3A_540 : vector<16xi32>
    %add3A_542 = arith.constant 16 : i32
    %add3A_543 = vector.broadcast %add3A_542 : i32 to vector<16xi32>
    %add3A_544 = arith.addi %broadcast_in_dim3A_4, %add3A_543 : vector<16xi32>
    %select_n3A_545 = arith.select %lt3A_541, %add3A_544, %broadcast_in_dim3A_4 : vector<16xi1>, vector<16xi32>
    %broadcast_in_dim3A_546 = vector.shape_cast %select_n3A_545 : vector<16xi32> to vector<16x1xi32>
    %gather3A_547 = vector.shape_cast %broadcast_in_dim3A_546 : vector<16x1xi32> to vector<16xi32>
    %gather3A_548 = tpu.dynamic_gather %rev3A_532[%gather3A_547] in [0] : vector<16xi32>, vector<16xi32> -> vector<16xi32>
    %add3A_549 = arith.addi %add3A_490, %gather3A_548 : vector<16xi32>
    %lt3A_550 = arith.constant 0 : i32
    %lt3A_551 = vector.broadcast %lt3A_550 : i32 to vector<16xi32>
    %lt3A_552 = arith.cmpi slt, %broadcast_in_dim3A_4, %lt3A_551 : vector<16xi32>
    %add3A_553 = arith.constant 16 : i32
    %add3A_554 = vector.broadcast %add3A_553 : i32 to vector<16xi32>
    %add3A_555 = arith.addi %broadcast_in_dim3A_4, %add3A_554 : vector<16xi32>
    %select_n3A_556 = arith.select %lt3A_552, %add3A_555, %broadcast_in_dim3A_4 : vector<16xi1>, vector<16xi32>
    %broadcast_in_dim3A_557 = vector.shape_cast %select_n3A_556 : vector<16xi32> to vector<16x1xi32>
    %gather3A_558 = vector.shape_cast %broadcast_in_dim3A_557 : vector<16x1xi32> to vector<16xi32>
    %gather3A_559 = tpu.dynamic_gather %convert_element_type3A_537[%gather3A_558] in [0] : vector<16xi32>, vector<16xi32> -> vector<16xi32>
    %sub3A_560 = arith.constant 1 : i32
    %sub3A_561 = vector.broadcast %sub3A_560 : i32 to vector<16xi32>
    %sub3A_562 = arith.subi %sub3A_561, %select_n3A_517 : vector<16xi32>
    %mul3A_563 = arith.muli %gather3A_559, %sub3A_562 : vector<16xi32>
    %gt3A_564 = arith.constant 0 : i32
    %gt3A_565 = vector.broadcast %gt3A_564 : i32 to vector<16xi32>
    %gt3A_566 = arith.cmpi sgt, %mul3A_563, %gt3A_565 : vector<16xi32>
    %and3A_567 = arith.andi %gt3A_566, %ge3A_536 : vector<16xi1>
    %select_n3A_568 = arith.select %and3A_567, %add3A_533, %select_n3A_509 : vector<16xi1>, vector<16xi32>
    %and3A_569 = arith.andi %gt3A_566, %ge3A_536 : vector<16xi1>
    %select_n3A_570 = arith.select %and3A_569, %get3A_519, %select_n3A_511 : vector<16xi1>, vector<16xi32>
    %and3A_571 = arith.andi %gt3A_566, %ge3A_536 : vector<16xi1>
    %add3A_572 = arith.constant 112 : i32
    %add3A_573 = vector.broadcast %add3A_572 : i32 to vector<16xi32>
    %add3A_574 = arith.addi %iota3A, %add3A_573 : vector<16xi32>
    %select_n3A_575 = arith.select %and3A_571, %add3A_574, %select_n3A_516 : vector<16xi1>, vector<16xi32>
    %select_n3A_576 = arith.select %gt3A_566, %broadcast_in_dim3A_0, %select_n3A_517 : vector<16xi1>, vector<16xi32>
    %get3A_577 = arith.constant 96 : index
    %get3A_578 = tpu.vector_load %arg9[%get3A_577] {strides = array<i32>} : memref<256xi32, #tpu.memory_space<vmem>>, vector<16xi32>,
    %rev3A_579 = arith.constant 15 : i32
    %rev3A_580 = vector.broadcast %rev3A_579 : i32 to vector<16xi32>
    %rev3A_581 = tpu.iota {dimensions = array<i32: 0>} : vector<16xi32>
    %rev3A_582 = arith.subi %rev3A_580, %rev3A_581 : vector<16xi32>
    %rev3A_583 = tpu.dynamic_gather %get3A_578[%rev3A_582] in [0] : vector<16xi32>, vector<16xi32> -> vector<16xi32>
    %broadcast_in_dim3A_584 = arith.constant true
    %broadcast_in_dim3A_585 = vector.broadcast %broadcast_in_dim3A_584 : i1 to vector<16xi1>
    %masked_cumsum3A_586 = tpu.scan <sum>, %rev3A_583 masked %broadcast_in_dim3A_585 : vector<16xi32>, vector<16xi1> -> vector<16xi32>
    %rev3A_587 = arith.constant 15 : i32
    %rev3A_588 = vector.broadcast %rev3A_587 : i32 to vector<16xi32>
    %rev3A_589 = tpu.iota {dimensions = array<i32: 0>} : vector<16xi32>
    %rev3A_590 = arith.subi %rev3A_588, %rev3A_589 : vector<16xi32>
    %rev3A_591 = tpu.dynamic_gather %masked_cumsum3A_586[%rev3A_590] in [0] : vector<16xi32>, vector<16xi32> -> vector<16xi32>
    %add3A_592 = arith.addi %rev3A_591, %add3A_549 : vector<16xi32>
    %ge3A_593 = arith.constant 256 : i32
    %ge3A_594 = vector.broadcast %ge3A_593 : i32 to vector<16xi32>
    %ge3A_595 = arith.cmpi sge, %add3A_592, %ge3A_594 : vector<16xi32>
    %convert_element_type3A_596 = arith.extui %ge3A_595 : vector<16xi1> to vector<16xi32>
    %add3A_597 = arith.addi %add3A_538, %convert_element_type3A_596 : vector<16xi32>
    %lt3A_598 = arith.constant 0 : i32
    %lt3A_599 = vector.broadcast %lt3A_598 : i32 to vector<16xi32>
    %lt3A_600 = arith.cmpi slt, %broadcast_in_dim3A_4, %lt3A_599 : vector<16xi32>
    %add3A_601 = arith.constant 16 : i32
    %add3A_602 = vector.broadcast %add3A_601 : i32 to vector<16xi32>
    %add3A_603 = arith.addi %broadcast_in_dim3A_4, %add3A_602 : vector<16xi32>
    %select_n3A_604 = arith.select %lt3A_600, %add3A_603, %broadcast_in_dim3A_4 : vector<16xi1>, vector<16xi32>
    %broadcast_in_dim3A_605 = vector.shape_cast %select_n3A_604 : vector<16xi32> to vector<16x1xi32>
    %gather3A_606 = vector.shape_cast %broadcast_in_dim3A_605 : vector<16x1xi32> to vector<16xi32>
    %gather3A_607 = tpu.dynamic_gather %rev3A_591[%gather3A_606] in [0] : vector<16xi32>, vector<16xi32> -> vector<16xi32>
    %add3A_608 = arith.addi %add3A_549, %gather3A_607 : vector<16xi32>
    %lt3A_609 = arith.constant 0 : i32
    %lt3A_610 = vector.broadcast %lt3A_609 : i32 to vector<16xi32>
    %lt3A_611 = arith.cmpi slt, %broadcast_in_dim3A_4, %lt3A_610 : vector<16xi32>
    %add3A_612 = arith.constant 16 : i32
    %add3A_613 = vector.broadcast %add3A_612 : i32 to vector<16xi32>
    %add3A_614 = arith.addi %broadcast_in_dim3A_4, %add3A_613 : vector<16xi32>
    %select_n3A_615 = arith.select %lt3A_611, %add3A_614, %broadcast_in_dim3A_4 : vector<16xi1>, vector<16xi32>
    %broadcast_in_dim3A_616 = vector.shape_cast %select_n3A_615 : vector<16xi32> to vector<16x1xi32>
    %gather3A_617 = vector.shape_cast %broadcast_in_dim3A_616 : vector<16x1xi32> to vector<16xi32>
    %gather3A_618 = tpu.dynamic_gather %convert_element_type3A_596[%gather3A_617] in [0] : vector<16xi32>, vector<16xi32> -> vector<16xi32>
    %sub3A_619 = arith.constant 1 : i32
    %sub3A_620 = vector.broadcast %sub3A_619 : i32 to vector<16xi32>
    %sub3A_621 = arith.subi %sub3A_620, %select_n3A_576 : vector<16xi32>
    %mul3A_622 = arith.muli %gather3A_618, %sub3A_621 : vector<16xi32>
    %gt3A_623 = arith.constant 0 : i32
    %gt3A_624 = vector.broadcast %gt3A_623 : i32 to vector<16xi32>
    %gt3A_625 = arith.cmpi sgt, %mul3A_622, %gt3A_624 : vector<16xi32>
    %and3A_626 = arith.andi %gt3A_625, %ge3A_595 : vector<16xi1>
    %select_n3A_627 = arith.select %and3A_626, %add3A_592, %select_n3A_568 : vector<16xi1>, vector<16xi32>
    %and3A_628 = arith.andi %gt3A_625, %ge3A_595 : vector<16xi1>
    %select_n3A_629 = arith.select %and3A_628, %get3A_578, %select_n3A_570 : vector<16xi1>, vector<16xi32>
    %and3A_630 = arith.andi %gt3A_625, %ge3A_595 : vector<16xi1>
    %add3A_631 = arith.constant 96 : i32
    %add3A_632 = vector.broadcast %add3A_631 : i32 to vector<16xi32>
    %add3A_633 = arith.addi %iota3A, %add3A_632 : vector<16xi32>
    %select_n3A_634 = arith.select %and3A_630, %add3A_633, %select_n3A_575 : vector<16xi1>, vector<16xi32>
    %select_n3A_635 = arith.select %gt3A_625, %broadcast_in_dim3A_0, %select_n3A_576 : vector<16xi1>, vector<16xi32>
    %get3A_636 = arith.constant 80 : index
    %get3A_637 = tpu.vector_load %arg9[%get3A_636] {strides = array<i32>} : memref<256xi32, #tpu.memory_space<vmem>>, vector<16xi32>,
    %rev3A_638 = arith.constant 15 : i32
    %rev3A_639 = vector.broadcast %rev3A_638 : i32 to vector<16xi32>
    %rev3A_640 = tpu.iota {dimensions = array<i32: 0>} : vector<16xi32>
    %rev3A_641 = arith.subi %rev3A_639, %rev3A_640 : vector<16xi32>
    %rev3A_642 = tpu.dynamic_gather %get3A_637[%rev3A_641] in [0] : vector<16xi32>, vector<16xi32> -> vector<16xi32>
    %broadcast_in_dim3A_643 = arith.constant true
    %broadcast_in_dim3A_644 = vector.broadcast %broadcast_in_dim3A_643 : i1 to vector<16xi1>
    %masked_cumsum3A_645 = tpu.scan <sum>, %rev3A_642 masked %broadcast_in_dim3A_644 : vector<16xi32>, vector<16xi1> -> vector<16xi32>
    %rev3A_646 = arith.constant 15 : i32
    %rev3A_647 = vector.broadcast %rev3A_646 : i32 to vector<16xi32>
    %rev3A_648 = tpu.iota {dimensions = array<i32: 0>} : vector<16xi32>
    %rev3A_649 = arith.subi %rev3A_647, %rev3A_648 : vector<16xi32>
    %rev3A_650 = tpu.dynamic_gather %masked_cumsum3A_645[%rev3A_649] in [0] : vector<16xi32>, vector<16xi32> -> vector<16xi32>
    %add3A_651 = arith.addi %rev3A_650, %add3A_608 : vector<16xi32>
    %ge3A_652 = arith.constant 256 : i32
    %ge3A_653 = vector.broadcast %ge3A_652 : i32 to vector<16xi32>
    %ge3A_654 = arith.cmpi sge, %add3A_651, %ge3A_653 : vector<16xi32>
    %convert_element_type3A_655 = arith.extui %ge3A_654 : vector<16xi1> to vector<16xi32>
    %add3A_656 = arith.addi %add3A_597, %convert_element_type3A_655 : vector<16xi32>
    %lt3A_657 = arith.constant 0 : i32
    %lt3A_658 = vector.broadcast %lt3A_657 : i32 to vector<16xi32>
    %lt3A_659 = arith.cmpi slt, %broadcast_in_dim3A_4, %lt3A_658 : vector<16xi32>
    %add3A_660 = arith.constant 16 : i32
    %add3A_661 = vector.broadcast %add3A_660 : i32 to vector<16xi32>
    %add3A_662 = arith.addi %broadcast_in_dim3A_4, %add3A_661 : vector<16xi32>
    %select_n3A_663 = arith.select %lt3A_659, %add3A_662, %broadcast_in_dim3A_4 : vector<16xi1>, vector<16xi32>
    %broadcast_in_dim3A_664 = vector.shape_cast %select_n3A_663 : vector<16xi32> to vector<16x1xi32>
    %gather3A_665 = vector.shape_cast %broadcast_in_dim3A_664 : vector<16x1xi32> to vector<16xi32>
    %gather3A_666 = tpu.dynamic_gather %rev3A_650[%gather3A_665] in [0] : vector<16xi32>, vector<16xi32> -> vector<16xi32>
    %add3A_667 = arith.addi %add3A_608, %gather3A_666 : vector<16xi32>
    %lt3A_668 = arith.constant 0 : i32
    %lt3A_669 = vector.broadcast %lt3A_668 : i32 to vector<16xi32>
    %lt3A_670 = arith.cmpi slt, %broadcast_in_dim3A_4, %lt3A_669 : vector<16xi32>
    %add3A_671 = arith.constant 16 : i32
    %add3A_672 = vector.broadcast %add3A_671 : i32 to vector<16xi32>
    %add3A_673 = arith.addi %broadcast_in_dim3A_4, %add3A_672 : vector<16xi32>
    %select_n3A_674 = arith.select %lt3A_670, %add3A_673, %broadcast_in_dim3A_4 : vector<16xi1>, vector<16xi32>
    %broadcast_in_dim3A_675 = vector.shape_cast %select_n3A_674 : vector<16xi32> to vector<16x1xi32>
    %gather3A_676 = vector.shape_cast %broadcast_in_dim3A_675 : vector<16x1xi32> to vector<16xi32>
    %gather3A_677 = tpu.dynamic_gather %convert_element_type3A_655[%gather3A_676] in [0] : vector<16xi32>, vector<16xi32> -> vector<16xi32>
    %sub3A_678 = arith.constant 1 : i32
    %sub3A_679 = vector.broadcast %sub3A_678 : i32 to vector<16xi32>
    %sub3A_680 = arith.subi %sub3A_679, %select_n3A_635 : vector<16xi32>
    %mul3A_681 = arith.muli %gather3A_677, %sub3A_680 : vector<16xi32>
    %gt3A_682 = arith.constant 0 : i32
    %gt3A_683 = vector.broadcast %gt3A_682 : i32 to vector<16xi32>
    %gt3A_684 = arith.cmpi sgt, %mul3A_681, %gt3A_683 : vector<16xi32>
    %and3A_685 = arith.andi %gt3A_684, %ge3A_654 : vector<16xi1>
    %select_n3A_686 = arith.select %and3A_685, %add3A_651, %select_n3A_627 : vector<16xi1>, vector<16xi32>
    %and3A_687 = arith.andi %gt3A_684, %ge3A_654 : vector<16xi1>
    %select_n3A_688 = arith.select %and3A_687, %get3A_637, %select_n3A_629 : vector<16xi1>, vector<16xi32>
    %and3A_689 = arith.andi %gt3A_684, %ge3A_654 : vector<16xi1>
    %add3A_690 = arith.constant 80 : i32
    %add3A_691 = vector.broadcast %add3A_690 : i32 to vector<16xi32>
    %add3A_692 = arith.addi %iota3A, %add3A_691 : vector<16xi32>
    %select_n3A_693 = arith.select %and3A_689, %add3A_692, %select_n3A_634 : vector<16xi1>, vector<16xi32>
    %select_n3A_694 = arith.select %gt3A_684, %broadcast_in_dim3A_0, %select_n3A_635 : vector<16xi1>, vector<16xi32>
    %get3A_695 = arith.constant 64 : index
    %get3A_696 = tpu.vector_load %arg9[%get3A_695] {strides = array<i32>} : memref<256xi32, #tpu.memory_space<vmem>>, vector<16xi32>,
    %rev3A_697 = arith.constant 15 : i32
    %rev3A_698 = vector.broadcast %rev3A_697 : i32 to vector<16xi32>
    %rev3A_699 = tpu.iota {dimensions = array<i32: 0>} : vector<16xi32>
    %rev3A_700 = arith.subi %rev3A_698, %rev3A_699 : vector<16xi32>
    %rev3A_701 = tpu.dynamic_gather %get3A_696[%rev3A_700] in [0] : vector<16xi32>, vector<16xi32> -> vector<16xi32>
    %broadcast_in_dim3A_702 = arith.constant true
    %broadcast_in_dim3A_703 = vector.broadcast %broadcast_in_dim3A_702 : i1 to vector<16xi1>
    %masked_cumsum3A_704 = tpu.scan <sum>, %rev3A_701 masked %broadcast_in_dim3A_703 : vector<16xi32>, vector<16xi1> -> vector<16xi32>
    %rev3A_705 = arith.constant 15 : i32
    %rev3A_706 = vector.broadcast %rev3A_705 : i32 to vector<16xi32>
    %rev3A_707 = tpu.iota {dimensions = array<i32: 0>} : vector<16xi32>
    %rev3A_708 = arith.subi %rev3A_706, %rev3A_707 : vector<16xi32>
    %rev3A_709 = tpu.dynamic_gather %masked_cumsum3A_704[%rev3A_708] in [0] : vector<16xi32>, vector<16xi32> -> vector<16xi32>
    %add3A_710 = arith.addi %rev3A_709, %add3A_667 : vector<16xi32>
    %ge3A_711 = arith.constant 256 : i32
    %ge3A_712 = vector.broadcast %ge3A_711 : i32 to vector<16xi32>
    %ge3A_713 = arith.cmpi sge, %add3A_710, %ge3A_712 : vector<16xi32>
    %convert_element_type3A_714 = arith.extui %ge3A_713 : vector<16xi1> to vector<16xi32>
    %add3A_715 = arith.addi %add3A_656, %convert_element_type3A_714 : vector<16xi32>
    %lt3A_716 = arith.constant 0 : i32
    %lt3A_717 = vector.broadcast %lt3A_716 : i32 to vector<16xi32>
    %lt3A_718 = arith.cmpi slt, %broadcast_in_dim3A_4, %lt3A_717 : vector<16xi32>
    %add3A_719 = arith.constant 16 : i32
    %add3A_720 = vector.broadcast %add3A_719 : i32 to vector<16xi32>
    %add3A_721 = arith.addi %broadcast_in_dim3A_4, %add3A_720 : vector<16xi32>
    %select_n3A_722 = arith.select %lt3A_718, %add3A_721, %broadcast_in_dim3A_4 : vector<16xi1>, vector<16xi32>
    %broadcast_in_dim3A_723 = vector.shape_cast %select_n3A_722 : vector<16xi32> to vector<16x1xi32>
    %gather3A_724 = vector.shape_cast %broadcast_in_dim3A_723 : vector<16x1xi32> to vector<16xi32>
    %gather3A_725 = tpu.dynamic_gather %rev3A_709[%gather3A_724] in [0] : vector<16xi32>, vector<16xi32> -> vector<16xi32>
    %add3A_726 = arith.addi %add3A_667, %gather3A_725 : vector<16xi32>
    %lt3A_727 = arith.constant 0 : i32
    %lt3A_728 = vector.broadcast %lt3A_727 : i32 to vector<16xi32>
    %lt3A_729 = arith.cmpi slt, %broadcast_in_dim3A_4, %lt3A_728 : vector<16xi32>
    %add3A_730 = arith.constant 16 : i32
    %add3A_731 = vector.broadcast %add3A_730 : i32 to vector<16xi32>
    %add3A_732 = arith.addi %broadcast_in_dim3A_4, %add3A_731 : vector<16xi32>
    %select_n3A_733 = arith.select %lt3A_729, %add3A_732, %broadcast_in_dim3A_4 : vector<16xi1>, vector<16xi32>
    %broadcast_in_dim3A_734 = vector.shape_cast %select_n3A_733 : vector<16xi32> to vector<16x1xi32>
    %gather3A_735 = vector.shape_cast %broadcast_in_dim3A_734 : vector<16x1xi32> to vector<16xi32>
    %gather3A_736 = tpu.dynamic_gather %convert_element_type3A_714[%gather3A_735] in [0] : vector<16xi32>, vector<16xi32> -> vector<16xi32>
    %sub3A_737 = arith.constant 1 : i32
    %sub3A_738 = vector.broadcast %sub3A_737 : i32 to vector<16xi32>
    %sub3A_739 = arith.subi %sub3A_738, %select_n3A_694 : vector<16xi32>
    %mul3A_740 = arith.muli %gather3A_736, %sub3A_739 : vector<16xi32>
    %gt3A_741 = arith.constant 0 : i32
    %gt3A_742 = vector.broadcast %gt3A_741 : i32 to vector<16xi32>
    %gt3A_743 = arith.cmpi sgt, %mul3A_740, %gt3A_742 : vector<16xi32>
    %and3A_744 = arith.andi %gt3A_743, %ge3A_713 : vector<16xi1>
    %select_n3A_745 = arith.select %and3A_744, %add3A_710, %select_n3A_686 : vector<16xi1>, vector<16xi32>
    %and3A_746 = arith.andi %gt3A_743, %ge3A_713 : vector<16xi1>
    %select_n3A_747 = arith.select %and3A_746, %get3A_696, %select_n3A_688 : vector<16xi1>, vector<16xi32>
    %and3A_748 = arith.andi %gt3A_743, %ge3A_713 : vector<16xi1>
    %add3A_749 = arith.constant 64 : i32
    %add3A_750 = vector.broadcast %add3A_749 : i32 to vector<16xi32>
    %add3A_751 = arith.addi %iota3A, %add3A_750 : vector<16xi32>
    %select_n3A_752 = arith.select %and3A_748, %add3A_751, %select_n3A_693 : vector<16xi1>, vector<16xi32>
    %select_n3A_753 = arith.select %gt3A_743, %broadcast_in_dim3A_0, %select_n3A_694 : vector<16xi1>, vector<16xi32>
    %get3A_754 = arith.constant 48 : index
    %get3A_755 = tpu.vector_load %arg9[%get3A_754] {strides = array<i32>} : memref<256xi32, #tpu.memory_space<vmem>>, vector<16xi32>,
    %rev3A_756 = arith.constant 15 : i32
    %rev3A_757 = vector.broadcast %rev3A_756 : i32 to vector<16xi32>
    %rev3A_758 = tpu.iota {dimensions = array<i32: 0>} : vector<16xi32>
    %rev3A_759 = arith.subi %rev3A_757, %rev3A_758 : vector<16xi32>
    %rev3A_760 = tpu.dynamic_gather %get3A_755[%rev3A_759] in [0] : vector<16xi32>, vector<16xi32> -> vector<16xi32>
    %broadcast_in_dim3A_761 = arith.constant true
    %broadcast_in_dim3A_762 = vector.broadcast %broadcast_in_dim3A_761 : i1 to vector<16xi1>
    %masked_cumsum3A_763 = tpu.scan <sum>, %rev3A_760 masked %broadcast_in_dim3A_762 : vector<16xi32>, vector<16xi1> -> vector<16xi32>
    %rev3A_764 = arith.constant 15 : i32
    %rev3A_765 = vector.broadcast %rev3A_764 : i32 to vector<16xi32>
    %rev3A_766 = tpu.iota {dimensions = array<i32: 0>} : vector<16xi32>
    %rev3A_767 = arith.subi %rev3A_765, %rev3A_766 : vector<16xi32>
    %rev3A_768 = tpu.dynamic_gather %masked_cumsum3A_763[%rev3A_767] in [0] : vector<16xi32>, vector<16xi32> -> vector<16xi32>
    %add3A_769 = arith.addi %rev3A_768, %add3A_726 : vector<16xi32>
    %ge3A_770 = arith.constant 256 : i32
    %ge3A_771 = vector.broadcast %ge3A_770 : i32 to vector<16xi32>
    %ge3A_772 = arith.cmpi sge, %add3A_769, %ge3A_771 : vector<16xi32>
    %convert_element_type3A_773 = arith.extui %ge3A_772 : vector<16xi1> to vector<16xi32>
    %add3A_774 = arith.addi %add3A_715, %convert_element_type3A_773 : vector<16xi32>
    %lt3A_775 = arith.constant 0 : i32
    %lt3A_776 = vector.broadcast %lt3A_775 : i32 to vector<16xi32>
    %lt3A_777 = arith.cmpi slt, %broadcast_in_dim3A_4, %lt3A_776 : vector<16xi32>
    %add3A_778 = arith.constant 16 : i32
    %add3A_779 = vector.broadcast %add3A_778 : i32 to vector<16xi32>
    %add3A_780 = arith.addi %broadcast_in_dim3A_4, %add3A_779 : vector<16xi32>
    %select_n3A_781 = arith.select %lt3A_777, %add3A_780, %broadcast_in_dim3A_4 : vector<16xi1>, vector<16xi32>
    %broadcast_in_dim3A_782 = vector.shape_cast %select_n3A_781 : vector<16xi32> to vector<16x1xi32>
    %gather3A_783 = vector.shape_cast %broadcast_in_dim3A_782 : vector<16x1xi32> to vector<16xi32>
    %gather3A_784 = tpu.dynamic_gather %rev3A_768[%gather3A_783] in [0] : vector<16xi32>, vector<16xi32> -> vector<16xi32>
    %add3A_785 = arith.addi %add3A_726, %gather3A_784 : vector<16xi32>
    %lt3A_786 = arith.constant 0 : i32
    %lt3A_787 = vector.broadcast %lt3A_786 : i32 to vector<16xi32>
    %lt3A_788 = arith.cmpi slt, %broadcast_in_dim3A_4, %lt3A_787 : vector<16xi32>
    %add3A_789 = arith.constant 16 : i32
    %add3A_790 = vector.broadcast %add3A_789 : i32 to vector<16xi32>
    %add3A_791 = arith.addi %broadcast_in_dim3A_4, %add3A_790 : vector<16xi32>
    %select_n3A_792 = arith.select %lt3A_788, %add3A_791, %broadcast_in_dim3A_4 : vector<16xi1>, vector<16xi32>
    %broadcast_in_dim3A_793 = vector.shape_cast %select_n3A_792 : vector<16xi32> to vector<16x1xi32>
    %gather3A_794 = vector.shape_cast %broadcast_in_dim3A_793 : vector<16x1xi32> to vector<16xi32>
    %gather3A_795 = tpu.dynamic_gather %convert_element_type3A_773[%gather3A_794] in [0] : vector<16xi32>, vector<16xi32> -> vector<16xi32>
    %sub3A_796 = arith.constant 1 : i32
    %sub3A_797 = vector.broadcast %sub3A_796 : i32 to vector<16xi32>
    %sub3A_798 = arith.subi %sub3A_797, %select_n3A_753 : vector<16xi32>
    %mul3A_799 = arith.muli %gather3A_795, %sub3A_798 : vector<16xi32>
    %gt3A_800 = arith.constant 0 : i32
    %gt3A_801 = vector.broadcast %gt3A_800 : i32 to vector<16xi32>
    %gt3A_802 = arith.cmpi sgt, %mul3A_799, %gt3A_801 : vector<16xi32>
    %and3A_803 = arith.andi %gt3A_802, %ge3A_772 : vector<16xi1>
    %select_n3A_804 = arith.select %and3A_803, %add3A_769, %select_n3A_745 : vector<16xi1>, vector<16xi32>
    %and3A_805 = arith.andi %gt3A_802, %ge3A_772 : vector<16xi1>
    %select_n3A_806 = arith.select %and3A_805, %get3A_755, %select_n3A_747 : vector<16xi1>, vector<16xi32>
    %and3A_807 = arith.andi %gt3A_802, %ge3A_772 : vector<16xi1>
    %add3A_808 = arith.constant 48 : i32
    %add3A_809 = vector.broadcast %add3A_808 : i32 to vector<16xi32>
    %add3A_810 = arith.addi %iota3A, %add3A_809 : vector<16xi32>
    %select_n3A_811 = arith.select %and3A_807, %add3A_810, %select_n3A_752 : vector<16xi1>, vector<16xi32>
    %select_n3A_812 = arith.select %gt3A_802, %broadcast_in_dim3A_0, %select_n3A_753 : vector<16xi1>, vector<16xi32>
    %get3A_813 = arith.constant 32 : index
    %get3A_814 = tpu.vector_load %arg9[%get3A_813] {strides = array<i32>} : memref<256xi32, #tpu.memory_space<vmem>>, vector<16xi32>,
    %rev3A_815 = arith.constant 15 : i32
    %rev3A_816 = vector.broadcast %rev3A_815 : i32 to vector<16xi32>
    %rev3A_817 = tpu.iota {dimensions = array<i32: 0>} : vector<16xi32>
    %rev3A_818 = arith.subi %rev3A_816, %rev3A_817 : vector<16xi32>
    %rev3A_819 = tpu.dynamic_gather %get3A_814[%rev3A_818] in [0] : vector<16xi32>, vector<16xi32> -> vector<16xi32>
    %broadcast_in_dim3A_820 = arith.constant true
    %broadcast_in_dim3A_821 = vector.broadcast %broadcast_in_dim3A_820 : i1 to vector<16xi1>
    %masked_cumsum3A_822 = tpu.scan <sum>, %rev3A_819 masked %broadcast_in_dim3A_821 : vector<16xi32>, vector<16xi1> -> vector<16xi32>
    %rev3A_823 = arith.constant 15 : i32
    %rev3A_824 = vector.broadcast %rev3A_823 : i32 to vector<16xi32>
    %rev3A_825 = tpu.iota {dimensions = array<i32: 0>} : vector<16xi32>
    %rev3A_826 = arith.subi %rev3A_824, %rev3A_825 : vector<16xi32>
    %rev3A_827 = tpu.dynamic_gather %masked_cumsum3A_822[%rev3A_826] in [0] : vector<16xi32>, vector<16xi32> -> vector<16xi32>
    %add3A_828 = arith.addi %rev3A_827, %add3A_785 : vector<16xi32>
    %ge3A_829 = arith.constant 256 : i32
    %ge3A_830 = vector.broadcast %ge3A_829 : i32 to vector<16xi32>
    %ge3A_831 = arith.cmpi sge, %add3A_828, %ge3A_830 : vector<16xi32>
    %convert_element_type3A_832 = arith.extui %ge3A_831 : vector<16xi1> to vector<16xi32>
    %add3A_833 = arith.addi %add3A_774, %convert_element_type3A_832 : vector<16xi32>
    %lt3A_834 = arith.constant 0 : i32
    %lt3A_835 = vector.broadcast %lt3A_834 : i32 to vector<16xi32>
    %lt3A_836 = arith.cmpi slt, %broadcast_in_dim3A_4, %lt3A_835 : vector<16xi32>
    %add3A_837 = arith.constant 16 : i32
    %add3A_838 = vector.broadcast %add3A_837 : i32 to vector<16xi32>
    %add3A_839 = arith.addi %broadcast_in_dim3A_4, %add3A_838 : vector<16xi32>
    %select_n3A_840 = arith.select %lt3A_836, %add3A_839, %broadcast_in_dim3A_4 : vector<16xi1>, vector<16xi32>
    %broadcast_in_dim3A_841 = vector.shape_cast %select_n3A_840 : vector<16xi32> to vector<16x1xi32>
    %gather3A_842 = vector.shape_cast %broadcast_in_dim3A_841 : vector<16x1xi32> to vector<16xi32>
    %gather3A_843 = tpu.dynamic_gather %rev3A_827[%gather3A_842] in [0] : vector<16xi32>, vector<16xi32> -> vector<16xi32>
    %add3A_844 = arith.addi %add3A_785, %gather3A_843 : vector<16xi32>
    %lt3A_845 = arith.constant 0 : i32
    %lt3A_846 = vector.broadcast %lt3A_845 : i32 to vector<16xi32>
    %lt3A_847 = arith.cmpi slt, %broadcast_in_dim3A_4, %lt3A_846 : vector<16xi32>
    %add3A_848 = arith.constant 16 : i32
    %add3A_849 = vector.broadcast %add3A_848 : i32 to vector<16xi32>
    %add3A_850 = arith.addi %broadcast_in_dim3A_4, %add3A_849 : vector<16xi32>
    %select_n3A_851 = arith.select %lt3A_847, %add3A_850, %broadcast_in_dim3A_4 : vector<16xi1>, vector<16xi32>
    %broadcast_in_dim3A_852 = vector.shape_cast %select_n3A_851 : vector<16xi32> to vector<16x1xi32>
    %gather3A_853 = vector.shape_cast %broadcast_in_dim3A_852 : vector<16x1xi32> to vector<16xi32>
    %gather3A_854 = tpu.dynamic_gather %convert_element_type3A_832[%gather3A_853] in [0] : vector<16xi32>, vector<16xi32> -> vector<16xi32>
    %sub3A_855 = arith.constant 1 : i32
    %sub3A_856 = vector.broadcast %sub3A_855 : i32 to vector<16xi32>
    %sub3A_857 = arith.subi %sub3A_856, %select_n3A_812 : vector<16xi32>
    %mul3A_858 = arith.muli %gather3A_854, %sub3A_857 : vector<16xi32>
    %gt3A_859 = arith.constant 0 : i32
    %gt3A_860 = vector.broadcast %gt3A_859 : i32 to vector<16xi32>
    %gt3A_861 = arith.cmpi sgt, %mul3A_858, %gt3A_860 : vector<16xi32>
    %and3A_862 = arith.andi %gt3A_861, %ge3A_831 : vector<16xi1>
    %select_n3A_863 = arith.select %and3A_862, %add3A_828, %select_n3A_804 : vector<16xi1>, vector<16xi32>
    %and3A_864 = arith.andi %gt3A_861, %ge3A_831 : vector<16xi1>
    %select_n3A_865 = arith.select %and3A_864, %get3A_814, %select_n3A_806 : vector<16xi1>, vector<16xi32>
    %and3A_866 = arith.andi %gt3A_861, %ge3A_831 : vector<16xi1>
    %add3A_867 = arith.constant 32 : i32
    %add3A_868 = vector.broadcast %add3A_867 : i32 to vector<16xi32>
    %add3A_869 = arith.addi %iota3A, %add3A_868 : vector<16xi32>
    %select_n3A_870 = arith.select %and3A_866, %add3A_869, %select_n3A_811 : vector<16xi1>, vector<16xi32>
    %select_n3A_871 = arith.select %gt3A_861, %broadcast_in_dim3A_0, %select_n3A_812 : vector<16xi1>, vector<16xi32>
    %get3A_872 = arith.constant 16 : index
    %get3A_873 = tpu.vector_load %arg9[%get3A_872] {strides = array<i32>} : memref<256xi32, #tpu.memory_space<vmem>>, vector<16xi32>,
    %rev3A_874 = arith.constant 15 : i32
    %rev3A_875 = vector.broadcast %rev3A_874 : i32 to vector<16xi32>
    %rev3A_876 = tpu.iota {dimensions = array<i32: 0>} : vector<16xi32>
    %rev3A_877 = arith.subi %rev3A_875, %rev3A_876 : vector<16xi32>
    %rev3A_878 = tpu.dynamic_gather %get3A_873[%rev3A_877] in [0] : vector<16xi32>, vector<16xi32> -> vector<16xi32>
    %broadcast_in_dim3A_879 = arith.constant true
    %broadcast_in_dim3A_880 = vector.broadcast %broadcast_in_dim3A_879 : i1 to vector<16xi1>
    %masked_cumsum3A_881 = tpu.scan <sum>, %rev3A_878 masked %broadcast_in_dim3A_880 : vector<16xi32>, vector<16xi1> -> vector<16xi32>
    %rev3A_882 = arith.constant 15 : i32
    %rev3A_883 = vector.broadcast %rev3A_882 : i32 to vector<16xi32>
    %rev3A_884 = tpu.iota {dimensions = array<i32: 0>} : vector<16xi32>
    %rev3A_885 = arith.subi %rev3A_883, %rev3A_884 : vector<16xi32>
    %rev3A_886 = tpu.dynamic_gather %masked_cumsum3A_881[%rev3A_885] in [0] : vector<16xi32>, vector<16xi32> -> vector<16xi32>
    %add3A_887 = arith.addi %rev3A_886, %add3A_844 : vector<16xi32>
    %ge3A_888 = arith.constant 256 : i32
    %ge3A_889 = vector.broadcast %ge3A_888 : i32 to vector<16xi32>
    %ge3A_890 = arith.cmpi sge, %add3A_887, %ge3A_889 : vector<16xi32>
    %convert_element_type3A_891 = arith.extui %ge3A_890 : vector<16xi1> to vector<16xi32>
    %add3A_892 = arith.addi %add3A_833, %convert_element_type3A_891 : vector<16xi32>
    %lt3A_893 = arith.constant 0 : i32
    %lt3A_894 = vector.broadcast %lt3A_893 : i32 to vector<16xi32>
    %lt3A_895 = arith.cmpi slt, %broadcast_in_dim3A_4, %lt3A_894 : vector<16xi32>
    %add3A_896 = arith.constant 16 : i32
    %add3A_897 = vector.broadcast %add3A_896 : i32 to vector<16xi32>
    %add3A_898 = arith.addi %broadcast_in_dim3A_4, %add3A_897 : vector<16xi32>
    %select_n3A_899 = arith.select %lt3A_895, %add3A_898, %broadcast_in_dim3A_4 : vector<16xi1>, vector<16xi32>
    %broadcast_in_dim3A_900 = vector.shape_cast %select_n3A_899 : vector<16xi32> to vector<16x1xi32>
    %gather3A_901 = vector.shape_cast %broadcast_in_dim3A_900 : vector<16x1xi32> to vector<16xi32>
    %gather3A_902 = tpu.dynamic_gather %rev3A_886[%gather3A_901] in [0] : vector<16xi32>, vector<16xi32> -> vector<16xi32>
    %add3A_903 = arith.addi %add3A_844, %gather3A_902 : vector<16xi32>
    %lt3A_904 = arith.constant 0 : i32
    %lt3A_905 = vector.broadcast %lt3A_904 : i32 to vector<16xi32>
    %lt3A_906 = arith.cmpi slt, %broadcast_in_dim3A_4, %lt3A_905 : vector<16xi32>
    %add3A_907 = arith.constant 16 : i32
    %add3A_908 = vector.broadcast %add3A_907 : i32 to vector<16xi32>
    %add3A_909 = arith.addi %broadcast_in_dim3A_4, %add3A_908 : vector<16xi32>
    %select_n3A_910 = arith.select %lt3A_906, %add3A_909, %broadcast_in_dim3A_4 : vector<16xi1>, vector<16xi32>
    %broadcast_in_dim3A_911 = vector.shape_cast %select_n3A_910 : vector<16xi32> to vector<16x1xi32>
    %gather3A_912 = vector.shape_cast %broadcast_in_dim3A_911 : vector<16x1xi32> to vector<16xi32>
    %gather3A_913 = tpu.dynamic_gather %convert_element_type3A_891[%gather3A_912] in [0] : vector<16xi32>, vector<16xi32> -> vector<16xi32>
    %sub3A_914 = arith.constant 1 : i32
    %sub3A_915 = vector.broadcast %sub3A_914 : i32 to vector<16xi32>
    %sub3A_916 = arith.subi %sub3A_915, %select_n3A_871 : vector<16xi32>
    %mul3A_917 = arith.muli %gather3A_913, %sub3A_916 : vector<16xi32>
    %gt3A_918 = arith.constant 0 : i32
    %gt3A_919 = vector.broadcast %gt3A_918 : i32 to vector<16xi32>
    %gt3A_920 = arith.cmpi sgt, %mul3A_917, %gt3A_919 : vector<16xi32>
    %and3A_921 = arith.andi %gt3A_920, %ge3A_890 : vector<16xi1>
    %select_n3A_922 = arith.select %and3A_921, %add3A_887, %select_n3A_863 : vector<16xi1>, vector<16xi32>
    %and3A_923 = arith.andi %gt3A_920, %ge3A_890 : vector<16xi1>
    %select_n3A_924 = arith.select %and3A_923, %get3A_873, %select_n3A_865 : vector<16xi1>, vector<16xi32>
    %and3A_925 = arith.andi %gt3A_920, %ge3A_890 : vector<16xi1>
    %add3A_926 = arith.constant 16 : i32
    %add3A_927 = vector.broadcast %add3A_926 : i32 to vector<16xi32>
    %add3A_928 = arith.addi %iota3A, %add3A_927 : vector<16xi32>
    %select_n3A_929 = arith.select %and3A_925, %add3A_928, %select_n3A_870 : vector<16xi1>, vector<16xi32>
    %select_n3A_930 = arith.select %gt3A_920, %broadcast_in_dim3A_0, %select_n3A_871 : vector<16xi1>, vector<16xi32>
    %get3A_931 = arith.constant 0 : index
    %get3A_932 = tpu.vector_load %arg9[%get3A_931] {strides = array<i32>} : memref<256xi32, #tpu.memory_space<vmem>>, vector<16xi32>,
    %rev3A_933 = arith.constant 15 : i32
    %rev3A_934 = vector.broadcast %rev3A_933 : i32 to vector<16xi32>
    %rev3A_935 = tpu.iota {dimensions = array<i32: 0>} : vector<16xi32>
    %rev3A_936 = arith.subi %rev3A_934, %rev3A_935 : vector<16xi32>
    %rev3A_937 = tpu.dynamic_gather %get3A_932[%rev3A_936] in [0] : vector<16xi32>, vector<16xi32> -> vector<16xi32>
    %broadcast_in_dim3A_938 = arith.constant true
    %broadcast_in_dim3A_939 = vector.broadcast %broadcast_in_dim3A_938 : i1 to vector<16xi1>
    %masked_cumsum3A_940 = tpu.scan <sum>, %rev3A_937 masked %broadcast_in_dim3A_939 : vector<16xi32>, vector<16xi1> -> vector<16xi32>
    %rev3A_941 = arith.constant 15 : i32
    %rev3A_942 = vector.broadcast %rev3A_941 : i32 to vector<16xi32>
    %rev3A_943 = tpu.iota {dimensions = array<i32: 0>} : vector<16xi32>
    %rev3A_944 = arith.subi %rev3A_942, %rev3A_943 : vector<16xi32>
    %rev3A_945 = tpu.dynamic_gather %masked_cumsum3A_940[%rev3A_944] in [0] : vector<16xi32>, vector<16xi32> -> vector<16xi32>
    %add3A_946 = arith.addi %rev3A_945, %add3A_903 : vector<16xi32>
    %ge3A_947 = arith.constant 256 : i32
    %ge3A_948 = vector.broadcast %ge3A_947 : i32 to vector<16xi32>
    %ge3A_949 = arith.cmpi sge, %add3A_946, %ge3A_948 : vector<16xi32>
    %convert_element_type3A_950 = arith.extui %ge3A_949 : vector<16xi1> to vector<16xi32>
    %add3A_951 = arith.addi %add3A_892, %convert_element_type3A_950 : vector<16xi32>
    %lt3A_952 = arith.constant 0 : i32
    %lt3A_953 = vector.broadcast %lt3A_952 : i32 to vector<16xi32>
    %lt3A_954 = arith.cmpi slt, %broadcast_in_dim3A_4, %lt3A_953 : vector<16xi32>
    %add3A_955 = arith.constant 16 : i32
    %add3A_956 = vector.broadcast %add3A_955 : i32 to vector<16xi32>
    %add3A_957 = arith.addi %broadcast_in_dim3A_4, %add3A_956 : vector<16xi32>
    %select_n3A_958 = arith.select %lt3A_954, %add3A_957, %broadcast_in_dim3A_4 : vector<16xi1>, vector<16xi32>
    %broadcast_in_dim3A_959 = vector.shape_cast %select_n3A_958 : vector<16xi32> to vector<16x1xi32>
    %gather3A_960 = vector.shape_cast %broadcast_in_dim3A_959 : vector<16x1xi32> to vector<16xi32>
    %gather3A_961 = tpu.dynamic_gather %rev3A_945[%gather3A_960] in [0] : vector<16xi32>, vector<16xi32> -> vector<16xi32>
    %add3A_962 = arith.addi %add3A_903, %gather3A_961 : vector<16xi32>
    %lt3A_963 = arith.constant 0 : i32
    %lt3A_964 = vector.broadcast %lt3A_963 : i32 to vector<16xi32>
    %lt3A_965 = arith.cmpi slt, %broadcast_in_dim3A_4, %lt3A_964 : vector<16xi32>
    %add3A_966 = arith.constant 16 : i32
    %add3A_967 = vector.broadcast %add3A_966 : i32 to vector<16xi32>
    %add3A_968 = arith.addi %broadcast_in_dim3A_4, %add3A_967 : vector<16xi32>
    %select_n3A_969 = arith.select %lt3A_965, %add3A_968, %broadcast_in_dim3A_4 : vector<16xi1>, vector<16xi32>
    %broadcast_in_dim3A_970 = vector.shape_cast %select_n3A_969 : vector<16xi32> to vector<16x1xi32>
    %gather3A_971 = vector.shape_cast %broadcast_in_dim3A_970 : vector<16x1xi32> to vector<16xi32>
    %gather3A_972 = tpu.dynamic_gather %convert_element_type3A_950[%gather3A_971] in [0] : vector<16xi32>, vector<16xi32> -> vector<16xi32>
    %sub3A_973 = arith.constant 1 : i32
    %sub3A_974 = vector.broadcast %sub3A_973 : i32 to vector<16xi32>
    %sub3A_975 = arith.subi %sub3A_974, %select_n3A_930 : vector<16xi32>
    %mul3A_976 = arith.muli %gather3A_972, %sub3A_975 : vector<16xi32>
    %gt3A_977 = arith.constant 0 : i32
    %gt3A_978 = vector.broadcast %gt3A_977 : i32 to vector<16xi32>
    %gt3A_979 = arith.cmpi sgt, %mul3A_976, %gt3A_978 : vector<16xi32>
    %and3A_980 = arith.andi %gt3A_979, %ge3A_949 : vector<16xi1>
    %select_n3A_981 = arith.select %and3A_980, %add3A_946, %select_n3A_922 : vector<16xi1>, vector<16xi32>
    %and3A_982 = arith.andi %gt3A_979, %ge3A_949 : vector<16xi1>
    %select_n3A_983 = arith.select %and3A_982, %get3A_932, %select_n3A_924 : vector<16xi1>, vector<16xi32>
    %and3A_984 = arith.andi %gt3A_979, %ge3A_949 : vector<16xi1>
    %add3A_985 = arith.constant 0 : i32
    %add3A_986 = vector.broadcast %add3A_985 : i32 to vector<16xi32>
    %add3A_987 = arith.addi %iota3A, %add3A_986 : vector<16xi32>
    %select_n3A_988 = arith.select %and3A_984, %add3A_987, %select_n3A_929 : vector<16xi1>, vector<16xi32>
    %select_n3A_989 = arith.select %gt3A_979, %broadcast_in_dim3A_0, %select_n3A_930 : vector<16xi1>, vector<16xi32>
    %reduce_sum3A = arith.constant true
    %reduce_sum3A_990 = vector.broadcast %reduce_sum3A : i1 to vector<16xi1>
    %reduce_sum3A_991 = tpu.scan <sum>, %add3A_951 masked %reduce_sum3A_990 : vector<16xi32>, vector<16xi1> -> vector<16xi32>
    %reduce_sum3A_992 = vector.extract %reduce_sum3A_991[15] : i32 from vector<16xi32>
    %sub3A_993 = arith.constant 1 : i32
    %sub3A_994 = arith.subi %reduce_sum3A_992, %sub3A_993 : i32
    %eq3A = vector.broadcast %sub3A_994 : i32 to vector<16xi32>
    %eq3A_995 = arith.cmpi eq, %select_n3A_988, %eq3A : vector<16xi32>
    %convert_element_type3A_996 = arith.extui %eq3A_995 : vector<16xi1> to vector<16xi32>
    %mul3A_997 = arith.muli %convert_element_type3A_996, %select_n3A_983 : vector<16xi32>
    %reduce_max3A = arith.constant true
    %reduce_max3A_998 = vector.broadcast %reduce_max3A : i1 to vector<16xi1>
    %reduce_max3A_999 = arith.constant -2147483648 : i32
    %reduce_max3A_1000 = vector.broadcast %reduce_max3A_999 : i32 to vector<16xi32>
    %reduce_max3A_1001 = arith.xori %mul3A_997, %reduce_max3A_1000 : vector<16xi32>
    %reduce_max3A_1002 = tpu.scan <max>, %reduce_max3A_1001 masked %reduce_max3A_998 : vector<16xi32>, vector<16xi1> -> vector<16xi32>
    %reduce_max3A_1003 = arith.xori %reduce_max3A_1002, %reduce_max3A_1000 : vector<16xi32>
    %reduce_max3A_1004 = vector.extract %reduce_max3A_1003[15] : i32 from vector<16xi32>
    %mul3A_1005 = arith.muli %convert_element_type3A_996, %select_n3A_981 : vector<16xi32>
    %reduce_max3A_1006 = arith.constant true
    %reduce_max3A_1007 = vector.broadcast %reduce_max3A_1006 : i1 to vector<16xi1>
    %reduce_max3A_1008 = arith.constant -2147483648 : i32
    %reduce_max3A_1009 = vector.broadcast %reduce_max3A_1008 : i32 to vector<16xi32>
    %reduce_max3A_1010 = arith.xori %mul3A_1005, %reduce_max3A_1009 : vector<16xi32>
    %reduce_max3A_1011 = tpu.scan <max>, %reduce_max3A_1010 masked %reduce_max3A_1007 : vector<16xi32>, vector<16xi1> -> vector<16xi32>
    %reduce_max3A_1012 = arith.xori %reduce_max3A_1011, %reduce_max3A_1009 : vector<16xi32>
    %reduce_max3A_1013 = vector.extract %reduce_max3A_1012[15] : i32 from vector<16xi32>
    %sub3A_1014 = arith.subi %reduce_max3A_1013, %reduce_max3A_1004 : i32
    %sub3A_1015 = arith.constant 256 : i32
    %sub3A_1016 = arith.subi %sub3A_1015, %sub3A_1014 : i32
    %parallel_loop3A_1017 = arith.constant 0 : i32
    %parallel_loop3A_1018 = arith.constant 512 : i32
    %parallel_loop3A_1019 = arith.constant 1 : i32
    %parallel_loop3A_1020 = scf.for %parallel_loop3A_3986 = %parallel_loop3A_1017 to %parallel_loop3A_1018 step %parallel_loop3A_1019 iter_args(%parallel_loop3A_3987 = %broadcast_in_dim3A_2) -> (vector<16xi32>)  : i32 {
      %parallel_loop3A_3988 = arith.constant 16 : i32
      %parallel_loop3A_3989 = arith.muli %parallel_loop3A_3986, %parallel_loop3A_3988 : i32
      %parallel_loop3A_3990 = arith.index_cast %parallel_loop3A_3989 : i32 to index
      %parallel_loop3A_3991 = tpu.vector_load %arg5[%parallel_loop3A_3990] {strides = array<i32>} : memref<8192xi32, #tpu.memory_space<vmem>>, vector<16xi32>,
      %parallel_loop3A_3992 = arith.constant 24 : i32
      %parallel_loop3A_3993 = vector.broadcast %parallel_loop3A_3992 : i32 to vector<16xi32>
      %parallel_loop3A_3994 = arith.shrsi %parallel_loop3A_3991, %parallel_loop3A_3993 : vector<16xi32>
      %parallel_loop3A_3995 = arith.constant 128 : i32
      %parallel_loop3A_3996 = vector.broadcast %parallel_loop3A_3995 : i32 to vector<16xi32>
      %parallel_loop3A_3997 = arith.addi %parallel_loop3A_3994, %parallel_loop3A_3996 : vector<16xi32>
      %parallel_loop3A_3998 = vector.broadcast %sub3A_994 : i32 to vector<16xi32>
      %parallel_loop3A_3999 = arith.cmpi eq, %parallel_loop3A_3997, %parallel_loop3A_3998 : vector<16xi32>
      %parallel_loop3A_4000 = arith.constant 512 : i32
      %parallel_loop3A_4001 = vector.broadcast %parallel_loop3A_4000 : i32 to vector<16xi32>
      %parallel_loop3A_4002 = arith.muli %iota3A, %parallel_loop3A_4001 : vector<16xi32>
      %parallel_loop3A_4003 = arith.addi %parallel_loop3A_4002, %parallel_loop3A_3987 : vector<16xi32>
      tpu.vector_store_idx %arg6[%parallel_loop3A_4003], %parallel_loop3A_3991 masked %parallel_loop3A_3999 : memref<8192xi32, #tpu.memory_space<vmem>>[vector<16xi32>], vector<16xi32>, vector<16xi1>
      %parallel_loop3A_4004 = arith.constant 16 : i32
      %parallel_loop3A_4005 = vector.broadcast %parallel_loop3A_4004 : i32 to vector<16xi32>
      %parallel_loop3A_4006 = arith.shrsi %parallel_loop3A_3991, %parallel_loop3A_4005 : vector<16xi32>
      %parallel_loop3A_4007 = arith.constant 255 : i32
      %parallel_loop3A_4008 = vector.broadcast %parallel_loop3A_4007 : i32 to vector<16xi32>
      %parallel_loop3A_4009 = arith.andi %parallel_loop3A_4006, %parallel_loop3A_4008 : vector<16xi32>
      tpu.vector_store_idx %arg8[%parallel_loop3A_4009], %broadcast_in_dim3A_0 masked %parallel_loop3A_3999 {add = true} : memref<256xi32, #tpu.memory_space<vmem>>[vector<16xi32>], vector<16xi32>, vector<16xi1>
      %parallel_loop3A_4010 = arith.extui %parallel_loop3A_3999 : vector<16xi1> to vector<16xi32>
      %parallel_loop3A_4011 = arith.addi %parallel_loop3A_3987, %parallel_loop3A_4010 : vector<16xi32>
      scf.yield %parallel_loop3A_4011 : vector<16xi32>
    } {sc.loop_unroll_factor = 8 : i64, sc.parallel_access}
    %parallel_loop3A_1021 = arith.constant 0 : i32
    %parallel_loop3A_1022 = arith.constant 16 : i32
    %parallel_loop3A_1023 = arith.constant 1 : i32
    scf.for %parallel_loop3A_3986 = %parallel_loop3A_1021 to %parallel_loop3A_1022 step %parallel_loop3A_1023  : i32 {
      %parallel_loop3A_3987 = arith.constant 16 : i32
      %parallel_loop3A_3988 = arith.muli %parallel_loop3A_3986, %parallel_loop3A_3987 : i32
      %parallel_loop3A_3989 = arith.index_cast %parallel_loop3A_3988 : i32 to index
      %parallel_loop3A_3990 = tpu.vector_load %arg8[%parallel_loop3A_3989] {strides = array<i32>} : memref<256xi32, #tpu.memory_space<vmem>>, vector<16xi32>,
      %parallel_loop3A_3991 = arith.constant 16 : i32
      %parallel_loop3A_3992 = arith.muli %parallel_loop3A_3986, %parallel_loop3A_3991 : i32
      %parallel_loop3A_3993 = arith.index_cast %parallel_loop3A_3992 : i32 to index
      %parallel_loop3A_3994 = tpu.vector_load %arg9[%parallel_loop3A_3993] {strides = array<i32>} : memref<256xi32, #tpu.memory_space<vmem>>, vector<16xi32>,
      tpu.vector_store %arg9[%parallel_loop3A_3993], %parallel_loop3A_3990 {strides = array<i32>} : memref<256xi32, #tpu.memory_space<vmem>>, vector<16xi32>,
      %parallel_loop3A_3995 = arith.constant 16 : i32
      %parallel_loop3A_3996 = arith.muli %parallel_loop3A_3986, %parallel_loop3A_3995 : i32
      %parallel_loop3A_3997 = arith.index_cast %parallel_loop3A_3996 : i32 to index
      %parallel_loop3A_3998 = tpu.vector_load %arg8[%parallel_loop3A_3997] {strides = array<i32>} : memref<256xi32, #tpu.memory_space<vmem>>, vector<16xi32>,
      tpu.vector_store %arg8[%parallel_loop3A_3997], %broadcast_in_dim3A_2 {strides = array<i32>} : memref<256xi32, #tpu.memory_space<vmem>>, vector<16xi32>,
    } {sc.loop_unroll_factor = 1 : i64, sc.parallel_access}
    %get3A_1024 = arith.constant 240 : index
    %get3A_1025 = tpu.vector_load %arg9[%get3A_1024] {strides = array<i32>} : memref<256xi32, #tpu.memory_space<vmem>>, vector<16xi32>,
    %rev3A_1026 = arith.constant 15 : i32
    %rev3A_1027 = vector.broadcast %rev3A_1026 : i32 to vector<16xi32>
    %rev3A_1028 = tpu.iota {dimensions = array<i32: 0>} : vector<16xi32>
    %rev3A_1029 = arith.subi %rev3A_1027, %rev3A_1028 : vector<16xi32>
    %rev3A_1030 = tpu.dynamic_gather %get3A_1025[%rev3A_1029] in [0] : vector<16xi32>, vector<16xi32> -> vector<16xi32>
    %broadcast_in_dim3A_1031 = arith.constant true
    %broadcast_in_dim3A_1032 = vector.broadcast %broadcast_in_dim3A_1031 : i1 to vector<16xi1>
    %masked_cumsum3A_1033 = tpu.scan <sum>, %rev3A_1030 masked %broadcast_in_dim3A_1032 : vector<16xi32>, vector<16xi1> -> vector<16xi32>
    %rev3A_1034 = arith.constant 15 : i32
    %rev3A_1035 = vector.broadcast %rev3A_1034 : i32 to vector<16xi32>
    %rev3A_1036 = tpu.iota {dimensions = array<i32: 0>} : vector<16xi32>
    %rev3A_1037 = arith.subi %rev3A_1035, %rev3A_1036 : vector<16xi32>
    %rev3A_1038 = tpu.dynamic_gather %masked_cumsum3A_1033[%rev3A_1037] in [0] : vector<16xi32>, vector<16xi32> -> vector<16xi32>
    %add3A_1039 = arith.addi %rev3A_1038, %broadcast_in_dim3A_2 : vector<16xi32>
    %ge3A_1040 = vector.broadcast %sub3A_1016 : i32 to vector<16xi32>
    %ge3A_1041 = arith.cmpi sge, %add3A_1039, %ge3A_1040 : vector<16xi32>
    %convert_element_type3A_1042 = arith.extui %ge3A_1041 : vector<16xi1> to vector<16xi32>
    %add3A_1043 = arith.addi %broadcast_in_dim3A_2, %convert_element_type3A_1042 : vector<16xi32>
    %lt3A_1044 = arith.constant 0 : i32
    %lt3A_1045 = vector.broadcast %lt3A_1044 : i32 to vector<16xi32>
    %lt3A_1046 = arith.cmpi slt, %broadcast_in_dim3A_4, %lt3A_1045 : vector<16xi32>
    %add3A_1047 = arith.constant 16 : i32
    %add3A_1048 = vector.broadcast %add3A_1047 : i32 to vector<16xi32>
    %add3A_1049 = arith.addi %broadcast_in_dim3A_4, %add3A_1048 : vector<16xi32>
    %select_n3A_1050 = arith.select %lt3A_1046, %add3A_1049, %broadcast_in_dim3A_4 : vector<16xi1>, vector<16xi32>
    %broadcast_in_dim3A_1051 = vector.shape_cast %select_n3A_1050 : vector<16xi32> to vector<16x1xi32>
    %gather3A_1052 = vector.shape_cast %broadcast_in_dim3A_1051 : vector<16x1xi32> to vector<16xi32>
    %gather3A_1053 = tpu.dynamic_gather %rev3A_1038[%gather3A_1052] in [0] : vector<16xi32>, vector<16xi32> -> vector<16xi32>
    %add3A_1054 = arith.addi %broadcast_in_dim3A_2, %gather3A_1053 : vector<16xi32>
    %lt3A_1055 = arith.constant 0 : i32
    %lt3A_1056 = vector.broadcast %lt3A_1055 : i32 to vector<16xi32>
    %lt3A_1057 = arith.cmpi slt, %broadcast_in_dim3A_4, %lt3A_1056 : vector<16xi32>
    %add3A_1058 = arith.constant 16 : i32
    %add3A_1059 = vector.broadcast %add3A_1058 : i32 to vector<16xi32>
    %add3A_1060 = arith.addi %broadcast_in_dim3A_4, %add3A_1059 : vector<16xi32>
    %select_n3A_1061 = arith.select %lt3A_1057, %add3A_1060, %broadcast_in_dim3A_4 : vector<16xi1>, vector<16xi32>
    %broadcast_in_dim3A_1062 = vector.shape_cast %select_n3A_1061 : vector<16xi32> to vector<16x1xi32>
    %gather3A_1063 = vector.shape_cast %broadcast_in_dim3A_1062 : vector<16x1xi32> to vector<16xi32>
    %gather3A_1064 = tpu.dynamic_gather %convert_element_type3A_1042[%gather3A_1063] in [0] : vector<16xi32>, vector<16xi32> -> vector<16xi32>
    %sub3A_1065 = arith.constant 1 : i32
    %sub3A_1066 = vector.broadcast %sub3A_1065 : i32 to vector<16xi32>
    %sub3A_1067 = arith.subi %sub3A_1066, %broadcast_in_dim3A_2 : vector<16xi32>
    %mul3A_1068 = arith.muli %gather3A_1064, %sub3A_1067 : vector<16xi32>
    %gt3A_1069 = arith.constant 0 : i32
    %gt3A_1070 = vector.broadcast %gt3A_1069 : i32 to vector<16xi32>
    %gt3A_1071 = arith.cmpi sgt, %mul3A_1068, %gt3A_1070 : vector<16xi32>
    %and3A_1072 = arith.andi %gt3A_1071, %ge3A_1041 : vector<16xi1>
    %select_n3A_1073 = arith.select %and3A_1072, %add3A_1039, %broadcast_in_dim3A_2 : vector<16xi1>, vector<16xi32>
    %and3A_1074 = arith.andi %gt3A_1071, %ge3A_1041 : vector<16xi1>
    %select_n3A_1075 = arith.select %and3A_1074, %get3A_1025, %broadcast_in_dim3A_2 : vector<16xi1>, vector<16xi32>
    %and3A_1076 = arith.andi %gt3A_1071, %ge3A_1041 : vector<16xi1>
    %add3A_1077 = arith.constant 240 : i32
    %add3A_1078 = vector.broadcast %add3A_1077 : i32 to vector<16xi32>
    %add3A_1079 = arith.addi %iota3A, %add3A_1078 : vector<16xi32>
    %select_n3A_1080 = arith.select %and3A_1076, %add3A_1079, %broadcast_in_dim3A_2 : vector<16xi1>, vector<16xi32>
    %select_n3A_1081 = arith.select %gt3A_1071, %broadcast_in_dim3A_0, %broadcast_in_dim3A_2 : vector<16xi1>, vector<16xi32>
    %get3A_1082 = arith.constant 224 : index
    %get3A_1083 = tpu.vector_load %arg9[%get3A_1082] {strides = array<i32>} : memref<256xi32, #tpu.memory_space<vmem>>, vector<16xi32>,
    %rev3A_1084 = arith.constant 15 : i32
    %rev3A_1085 = vector.broadcast %rev3A_1084 : i32 to vector<16xi32>
    %rev3A_1086 = tpu.iota {dimensions = array<i32: 0>} : vector<16xi32>
    %rev3A_1087 = arith.subi %rev3A_1085, %rev3A_1086 : vector<16xi32>
    %rev3A_1088 = tpu.dynamic_gather %get3A_1083[%rev3A_1087] in [0] : vector<16xi32>, vector<16xi32> -> vector<16xi32>
    %broadcast_in_dim3A_1089 = arith.constant true
    %broadcast_in_dim3A_1090 = vector.broadcast %broadcast_in_dim3A_1089 : i1 to vector<16xi1>
    %masked_cumsum3A_1091 = tpu.scan <sum>, %rev3A_1088 masked %broadcast_in_dim3A_1090 : vector<16xi32>, vector<16xi1> -> vector<16xi32>
    %rev3A_1092 = arith.constant 15 : i32
    %rev3A_1093 = vector.broadcast %rev3A_1092 : i32 to vector<16xi32>
    %rev3A_1094 = tpu.iota {dimensions = array<i32: 0>} : vector<16xi32>
    %rev3A_1095 = arith.subi %rev3A_1093, %rev3A_1094 : vector<16xi32>
    %rev3A_1096 = tpu.dynamic_gather %masked_cumsum3A_1091[%rev3A_1095] in [0] : vector<16xi32>, vector<16xi32> -> vector<16xi32>
    %add3A_1097 = arith.addi %rev3A_1096, %add3A_1054 : vector<16xi32>
    %ge3A_1098 = vector.broadcast %sub3A_1016 : i32 to vector<16xi32>
    %ge3A_1099 = arith.cmpi sge, %add3A_1097, %ge3A_1098 : vector<16xi32>
    %convert_element_type3A_1100 = arith.extui %ge3A_1099 : vector<16xi1> to vector<16xi32>
    %add3A_1101 = arith.addi %add3A_1043, %convert_element_type3A_1100 : vector<16xi32>
    %lt3A_1102 = arith.constant 0 : i32
    %lt3A_1103 = vector.broadcast %lt3A_1102 : i32 to vector<16xi32>
    %lt3A_1104 = arith.cmpi slt, %broadcast_in_dim3A_4, %lt3A_1103 : vector<16xi32>
    %add3A_1105 = arith.constant 16 : i32
    %add3A_1106 = vector.broadcast %add3A_1105 : i32 to vector<16xi32>
    %add3A_1107 = arith.addi %broadcast_in_dim3A_4, %add3A_1106 : vector<16xi32>
    %select_n3A_1108 = arith.select %lt3A_1104, %add3A_1107, %broadcast_in_dim3A_4 : vector<16xi1>, vector<16xi32>
    %broadcast_in_dim3A_1109 = vector.shape_cast %select_n3A_1108 : vector<16xi32> to vector<16x1xi32>
    %gather3A_1110 = vector.shape_cast %broadcast_in_dim3A_1109 : vector<16x1xi32> to vector<16xi32>
    %gather3A_1111 = tpu.dynamic_gather %rev3A_1096[%gather3A_1110] in [0] : vector<16xi32>, vector<16xi32> -> vector<16xi32>
    %add3A_1112 = arith.addi %add3A_1054, %gather3A_1111 : vector<16xi32>
    %lt3A_1113 = arith.constant 0 : i32
    %lt3A_1114 = vector.broadcast %lt3A_1113 : i32 to vector<16xi32>
    %lt3A_1115 = arith.cmpi slt, %broadcast_in_dim3A_4, %lt3A_1114 : vector<16xi32>
    %add3A_1116 = arith.constant 16 : i32
    %add3A_1117 = vector.broadcast %add3A_1116 : i32 to vector<16xi32>
    %add3A_1118 = arith.addi %broadcast_in_dim3A_4, %add3A_1117 : vector<16xi32>
    %select_n3A_1119 = arith.select %lt3A_1115, %add3A_1118, %broadcast_in_dim3A_4 : vector<16xi1>, vector<16xi32>
    %broadcast_in_dim3A_1120 = vector.shape_cast %select_n3A_1119 : vector<16xi32> to vector<16x1xi32>
    %gather3A_1121 = vector.shape_cast %broadcast_in_dim3A_1120 : vector<16x1xi32> to vector<16xi32>
    %gather3A_1122 = tpu.dynamic_gather %convert_element_type3A_1100[%gather3A_1121] in [0] : vector<16xi32>, vector<16xi32> -> vector<16xi32>
    %sub3A_1123 = arith.constant 1 : i32
    %sub3A_1124 = vector.broadcast %sub3A_1123 : i32 to vector<16xi32>
    %sub3A_1125 = arith.subi %sub3A_1124, %select_n3A_1081 : vector<16xi32>
    %mul3A_1126 = arith.muli %gather3A_1122, %sub3A_1125 : vector<16xi32>
    %gt3A_1127 = arith.constant 0 : i32
    %gt3A_1128 = vector.broadcast %gt3A_1127 : i32 to vector<16xi32>
    %gt3A_1129 = arith.cmpi sgt, %mul3A_1126, %gt3A_1128 : vector<16xi32>
    %and3A_1130 = arith.andi %gt3A_1129, %ge3A_1099 : vector<16xi1>
    %select_n3A_1131 = arith.select %and3A_1130, %add3A_1097, %select_n3A_1073 : vector<16xi1>, vector<16xi32>
    %and3A_1132 = arith.andi %gt3A_1129, %ge3A_1099 : vector<16xi1>
    %select_n3A_1133 = arith.select %and3A_1132, %get3A_1083, %select_n3A_1075 : vector<16xi1>, vector<16xi32>
    %and3A_1134 = arith.andi %gt3A_1129, %ge3A_1099 : vector<16xi1>
    %add3A_1135 = arith.constant 224 : i32
    %add3A_1136 = vector.broadcast %add3A_1135 : i32 to vector<16xi32>
    %add3A_1137 = arith.addi %iota3A, %add3A_1136 : vector<16xi32>
    %select_n3A_1138 = arith.select %and3A_1134, %add3A_1137, %select_n3A_1080 : vector<16xi1>, vector<16xi32>
    %select_n3A_1139 = arith.select %gt3A_1129, %broadcast_in_dim3A_0, %select_n3A_1081 : vector<16xi1>, vector<16xi32>
    %get3A_1140 = arith.constant 208 : index
    %get3A_1141 = tpu.vector_load %arg9[%get3A_1140] {strides = array<i32>} : memref<256xi32, #tpu.memory_space<vmem>>, vector<16xi32>,
    %rev3A_1142 = arith.constant 15 : i32
    %rev3A_1143 = vector.broadcast %rev3A_1142 : i32 to vector<16xi32>
    %rev3A_1144 = tpu.iota {dimensions = array<i32: 0>} : vector<16xi32>
    %rev3A_1145 = arith.subi %rev3A_1143, %rev3A_1144 : vector<16xi32>
    %rev3A_1146 = tpu.dynamic_gather %get3A_1141[%rev3A_1145] in [0] : vector<16xi32>, vector<16xi32> -> vector<16xi32>
    %broadcast_in_dim3A_1147 = arith.constant true
    %broadcast_in_dim3A_1148 = vector.broadcast %broadcast_in_dim3A_1147 : i1 to vector<16xi1>
    %masked_cumsum3A_1149 = tpu.scan <sum>, %rev3A_1146 masked %broadcast_in_dim3A_1148 : vector<16xi32>, vector<16xi1> -> vector<16xi32>
    %rev3A_1150 = arith.constant 15 : i32
    %rev3A_1151 = vector.broadcast %rev3A_1150 : i32 to vector<16xi32>
    %rev3A_1152 = tpu.iota {dimensions = array<i32: 0>} : vector<16xi32>
    %rev3A_1153 = arith.subi %rev3A_1151, %rev3A_1152 : vector<16xi32>
    %rev3A_1154 = tpu.dynamic_gather %masked_cumsum3A_1149[%rev3A_1153] in [0] : vector<16xi32>, vector<16xi32> -> vector<16xi32>
    %add3A_1155 = arith.addi %rev3A_1154, %add3A_1112 : vector<16xi32>
    %ge3A_1156 = vector.broadcast %sub3A_1016 : i32 to vector<16xi32>
    %ge3A_1157 = arith.cmpi sge, %add3A_1155, %ge3A_1156 : vector<16xi32>
    %convert_element_type3A_1158 = arith.extui %ge3A_1157 : vector<16xi1> to vector<16xi32>
    %add3A_1159 = arith.addi %add3A_1101, %convert_element_type3A_1158 : vector<16xi32>
    %lt3A_1160 = arith.constant 0 : i32
    %lt3A_1161 = vector.broadcast %lt3A_1160 : i32 to vector<16xi32>
    %lt3A_1162 = arith.cmpi slt, %broadcast_in_dim3A_4, %lt3A_1161 : vector<16xi32>
    %add3A_1163 = arith.constant 16 : i32
    %add3A_1164 = vector.broadcast %add3A_1163 : i32 to vector<16xi32>
    %add3A_1165 = arith.addi %broadcast_in_dim3A_4, %add3A_1164 : vector<16xi32>
    %select_n3A_1166 = arith.select %lt3A_1162, %add3A_1165, %broadcast_in_dim3A_4 : vector<16xi1>, vector<16xi32>
    %broadcast_in_dim3A_1167 = vector.shape_cast %select_n3A_1166 : vector<16xi32> to vector<16x1xi32>
    %gather3A_1168 = vector.shape_cast %broadcast_in_dim3A_1167 : vector<16x1xi32> to vector<16xi32>
    %gather3A_1169 = tpu.dynamic_gather %rev3A_1154[%gather3A_1168] in [0] : vector<16xi32>, vector<16xi32> -> vector<16xi32>
    %add3A_1170 = arith.addi %add3A_1112, %gather3A_1169 : vector<16xi32>
    %lt3A_1171 = arith.constant 0 : i32
    %lt3A_1172 = vector.broadcast %lt3A_1171 : i32 to vector<16xi32>
    %lt3A_1173 = arith.cmpi slt, %broadcast_in_dim3A_4, %lt3A_1172 : vector<16xi32>
    %add3A_1174 = arith.constant 16 : i32
    %add3A_1175 = vector.broadcast %add3A_1174 : i32 to vector<16xi32>
    %add3A_1176 = arith.addi %broadcast_in_dim3A_4, %add3A_1175 : vector<16xi32>
    %select_n3A_1177 = arith.select %lt3A_1173, %add3A_1176, %broadcast_in_dim3A_4 : vector<16xi1>, vector<16xi32>
    %broadcast_in_dim3A_1178 = vector.shape_cast %select_n3A_1177 : vector<16xi32> to vector<16x1xi32>
    %gather3A_1179 = vector.shape_cast %broadcast_in_dim3A_1178 : vector<16x1xi32> to vector<16xi32>
    %gather3A_1180 = tpu.dynamic_gather %convert_element_type3A_1158[%gather3A_1179] in [0] : vector<16xi32>, vector<16xi32> -> vector<16xi32>
    %sub3A_1181 = arith.constant 1 : i32
    %sub3A_1182 = vector.broadcast %sub3A_1181 : i32 to vector<16xi32>
    %sub3A_1183 = arith.subi %sub3A_1182, %select_n3A_1139 : vector<16xi32>
    %mul3A_1184 = arith.muli %gather3A_1180, %sub3A_1183 : vector<16xi32>
    %gt3A_1185 = arith.constant 0 : i32
    %gt3A_1186 = vector.broadcast %gt3A_1185 : i32 to vector<16xi32>
    %gt3A_1187 = arith.cmpi sgt, %mul3A_1184, %gt3A_1186 : vector<16xi32>
    %and3A_1188 = arith.andi %gt3A_1187, %ge3A_1157 : vector<16xi1>
    %select_n3A_1189 = arith.select %and3A_1188, %add3A_1155, %select_n3A_1131 : vector<16xi1>, vector<16xi32>
    %and3A_1190 = arith.andi %gt3A_1187, %ge3A_1157 : vector<16xi1>
    %select_n3A_1191 = arith.select %and3A_1190, %get3A_1141, %select_n3A_1133 : vector<16xi1>, vector<16xi32>
    %and3A_1192 = arith.andi %gt3A_1187, %ge3A_1157 : vector<16xi1>
    %add3A_1193 = arith.constant 208 : i32
    %add3A_1194 = vector.broadcast %add3A_1193 : i32 to vector<16xi32>
    %add3A_1195 = arith.addi %iota3A, %add3A_1194 : vector<16xi32>
    %select_n3A_1196 = arith.select %and3A_1192, %add3A_1195, %select_n3A_1138 : vector<16xi1>, vector<16xi32>
    %select_n3A_1197 = arith.select %gt3A_1187, %broadcast_in_dim3A_0, %select_n3A_1139 : vector<16xi1>, vector<16xi32>
    %get3A_1198 = arith.constant 192 : index
    %get3A_1199 = tpu.vector_load %arg9[%get3A_1198] {strides = array<i32>} : memref<256xi32, #tpu.memory_space<vmem>>, vector<16xi32>,
    %rev3A_1200 = arith.constant 15 : i32
    %rev3A_1201 = vector.broadcast %rev3A_1200 : i32 to vector<16xi32>
    %rev3A_1202 = tpu.iota {dimensions = array<i32: 0>} : vector<16xi32>
    %rev3A_1203 = arith.subi %rev3A_1201, %rev3A_1202 : vector<16xi32>
    %rev3A_1204 = tpu.dynamic_gather %get3A_1199[%rev3A_1203] in [0] : vector<16xi32>, vector<16xi32> -> vector<16xi32>
    %broadcast_in_dim3A_1205 = arith.constant true
    %broadcast_in_dim3A_1206 = vector.broadcast %broadcast_in_dim3A_1205 : i1 to vector<16xi1>
    %masked_cumsum3A_1207 = tpu.scan <sum>, %rev3A_1204 masked %broadcast_in_dim3A_1206 : vector<16xi32>, vector<16xi1> -> vector<16xi32>
    %rev3A_1208 = arith.constant 15 : i32
    %rev3A_1209 = vector.broadcast %rev3A_1208 : i32 to vector<16xi32>
    %rev3A_1210 = tpu.iota {dimensions = array<i32: 0>} : vector<16xi32>
    %rev3A_1211 = arith.subi %rev3A_1209, %rev3A_1210 : vector<16xi32>
    %rev3A_1212 = tpu.dynamic_gather %masked_cumsum3A_1207[%rev3A_1211] in [0] : vector<16xi32>, vector<16xi32> -> vector<16xi32>
    %add3A_1213 = arith.addi %rev3A_1212, %add3A_1170 : vector<16xi32>
    %ge3A_1214 = vector.broadcast %sub3A_1016 : i32 to vector<16xi32>
    %ge3A_1215 = arith.cmpi sge, %add3A_1213, %ge3A_1214 : vector<16xi32>
    %convert_element_type3A_1216 = arith.extui %ge3A_1215 : vector<16xi1> to vector<16xi32>
    %add3A_1217 = arith.addi %add3A_1159, %convert_element_type3A_1216 : vector<16xi32>
    %lt3A_1218 = arith.constant 0 : i32
    %lt3A_1219 = vector.broadcast %lt3A_1218 : i32 to vector<16xi32>
    %lt3A_1220 = arith.cmpi slt, %broadcast_in_dim3A_4, %lt3A_1219 : vector<16xi32>
    %add3A_1221 = arith.constant 16 : i32
    %add3A_1222 = vector.broadcast %add3A_1221 : i32 to vector<16xi32>
    %add3A_1223 = arith.addi %broadcast_in_dim3A_4, %add3A_1222 : vector<16xi32>
    %select_n3A_1224 = arith.select %lt3A_1220, %add3A_1223, %broadcast_in_dim3A_4 : vector<16xi1>, vector<16xi32>
    %broadcast_in_dim3A_1225 = vector.shape_cast %select_n3A_1224 : vector<16xi32> to vector<16x1xi32>
    %gather3A_1226 = vector.shape_cast %broadcast_in_dim3A_1225 : vector<16x1xi32> to vector<16xi32>
    %gather3A_1227 = tpu.dynamic_gather %rev3A_1212[%gather3A_1226] in [0] : vector<16xi32>, vector<16xi32> -> vector<16xi32>
    %add3A_1228 = arith.addi %add3A_1170, %gather3A_1227 : vector<16xi32>
    %lt3A_1229 = arith.constant 0 : i32
    %lt3A_1230 = vector.broadcast %lt3A_1229 : i32 to vector<16xi32>
    %lt3A_1231 = arith.cmpi slt, %broadcast_in_dim3A_4, %lt3A_1230 : vector<16xi32>
    %add3A_1232 = arith.constant 16 : i32
    %add3A_1233 = vector.broadcast %add3A_1232 : i32 to vector<16xi32>
    %add3A_1234 = arith.addi %broadcast_in_dim3A_4, %add3A_1233 : vector<16xi32>
    %select_n3A_1235 = arith.select %lt3A_1231, %add3A_1234, %broadcast_in_dim3A_4 : vector<16xi1>, vector<16xi32>
    %broadcast_in_dim3A_1236 = vector.shape_cast %select_n3A_1235 : vector<16xi32> to vector<16x1xi32>
    %gather3A_1237 = vector.shape_cast %broadcast_in_dim3A_1236 : vector<16x1xi32> to vector<16xi32>
    %gather3A_1238 = tpu.dynamic_gather %convert_element_type3A_1216[%gather3A_1237] in [0] : vector<16xi32>, vector<16xi32> -> vector<16xi32>
    %sub3A_1239 = arith.constant 1 : i32
    %sub3A_1240 = vector.broadcast %sub3A_1239 : i32 to vector<16xi32>
    %sub3A_1241 = arith.subi %sub3A_1240, %select_n3A_1197 : vector<16xi32>
    %mul3A_1242 = arith.muli %gather3A_1238, %sub3A_1241 : vector<16xi32>
    %gt3A_1243 = arith.constant 0 : i32
    %gt3A_1244 = vector.broadcast %gt3A_1243 : i32 to vector<16xi32>
    %gt3A_1245 = arith.cmpi sgt, %mul3A_1242, %gt3A_1244 : vector<16xi32>
    %and3A_1246 = arith.andi %gt3A_1245, %ge3A_1215 : vector<16xi1>
    %select_n3A_1247 = arith.select %and3A_1246, %add3A_1213, %select_n3A_1189 : vector<16xi1>, vector<16xi32>
    %and3A_1248 = arith.andi %gt3A_1245, %ge3A_1215 : vector<16xi1>
    %select_n3A_1249 = arith.select %and3A_1248, %get3A_1199, %select_n3A_1191 : vector<16xi1>, vector<16xi32>
    %and3A_1250 = arith.andi %gt3A_1245, %ge3A_1215 : vector<16xi1>
    %add3A_1251 = arith.constant 192 : i32
    %add3A_1252 = vector.broadcast %add3A_1251 : i32 to vector<16xi32>
    %add3A_1253 = arith.addi %iota3A, %add3A_1252 : vector<16xi32>
    %select_n3A_1254 = arith.select %and3A_1250, %add3A_1253, %select_n3A_1196 : vector<16xi1>, vector<16xi32>
    %select_n3A_1255 = arith.select %gt3A_1245, %broadcast_in_dim3A_0, %select_n3A_1197 : vector<16xi1>, vector<16xi32>
    %get3A_1256 = arith.constant 176 : index
    %get3A_1257 = tpu.vector_load %arg9[%get3A_1256] {strides = array<i32>} : memref<256xi32, #tpu.memory_space<vmem>>, vector<16xi32>,
    %rev3A_1258 = arith.constant 15 : i32
    %rev3A_1259 = vector.broadcast %rev3A_1258 : i32 to vector<16xi32>
    %rev3A_1260 = tpu.iota {dimensions = array<i32: 0>} : vector<16xi32>
    %rev3A_1261 = arith.subi %rev3A_1259, %rev3A_1260 : vector<16xi32>
    %rev3A_1262 = tpu.dynamic_gather %get3A_1257[%rev3A_1261] in [0] : vector<16xi32>, vector<16xi32> -> vector<16xi32>
    %broadcast_in_dim3A_1263 = arith.constant true
    %broadcast_in_dim3A_1264 = vector.broadcast %broadcast_in_dim3A_1263 : i1 to vector<16xi1>
    %masked_cumsum3A_1265 = tpu.scan <sum>, %rev3A_1262 masked %broadcast_in_dim3A_1264 : vector<16xi32>, vector<16xi1> -> vector<16xi32>
    %rev3A_1266 = arith.constant 15 : i32
    %rev3A_1267 = vector.broadcast %rev3A_1266 : i32 to vector<16xi32>
    %rev3A_1268 = tpu.iota {dimensions = array<i32: 0>} : vector<16xi32>
    %rev3A_1269 = arith.subi %rev3A_1267, %rev3A_1268 : vector<16xi32>
    %rev3A_1270 = tpu.dynamic_gather %masked_cumsum3A_1265[%rev3A_1269] in [0] : vector<16xi32>, vector<16xi32> -> vector<16xi32>
    %add3A_1271 = arith.addi %rev3A_1270, %add3A_1228 : vector<16xi32>
    %ge3A_1272 = vector.broadcast %sub3A_1016 : i32 to vector<16xi32>
    %ge3A_1273 = arith.cmpi sge, %add3A_1271, %ge3A_1272 : vector<16xi32>
    %convert_element_type3A_1274 = arith.extui %ge3A_1273 : vector<16xi1> to vector<16xi32>
    %add3A_1275 = arith.addi %add3A_1217, %convert_element_type3A_1274 : vector<16xi32>
    %lt3A_1276 = arith.constant 0 : i32
    %lt3A_1277 = vector.broadcast %lt3A_1276 : i32 to vector<16xi32>
    %lt3A_1278 = arith.cmpi slt, %broadcast_in_dim3A_4, %lt3A_1277 : vector<16xi32>
    %add3A_1279 = arith.constant 16 : i32
    %add3A_1280 = vector.broadcast %add3A_1279 : i32 to vector<16xi32>
    %add3A_1281 = arith.addi %broadcast_in_dim3A_4, %add3A_1280 : vector<16xi32>
    %select_n3A_1282 = arith.select %lt3A_1278, %add3A_1281, %broadcast_in_dim3A_4 : vector<16xi1>, vector<16xi32>
    %broadcast_in_dim3A_1283 = vector.shape_cast %select_n3A_1282 : vector<16xi32> to vector<16x1xi32>
    %gather3A_1284 = vector.shape_cast %broadcast_in_dim3A_1283 : vector<16x1xi32> to vector<16xi32>
    %gather3A_1285 = tpu.dynamic_gather %rev3A_1270[%gather3A_1284] in [0] : vector<16xi32>, vector<16xi32> -> vector<16xi32>
    %add3A_1286 = arith.addi %add3A_1228, %gather3A_1285 : vector<16xi32>
    %lt3A_1287 = arith.constant 0 : i32
    %lt3A_1288 = vector.broadcast %lt3A_1287 : i32 to vector<16xi32>
    %lt3A_1289 = arith.cmpi slt, %broadcast_in_dim3A_4, %lt3A_1288 : vector<16xi32>
    %add3A_1290 = arith.constant 16 : i32
    %add3A_1291 = vector.broadcast %add3A_1290 : i32 to vector<16xi32>
    %add3A_1292 = arith.addi %broadcast_in_dim3A_4, %add3A_1291 : vector<16xi32>
    %select_n3A_1293 = arith.select %lt3A_1289, %add3A_1292, %broadcast_in_dim3A_4 : vector<16xi1>, vector<16xi32>
    %broadcast_in_dim3A_1294 = vector.shape_cast %select_n3A_1293 : vector<16xi32> to vector<16x1xi32>
    %gather3A_1295 = vector.shape_cast %broadcast_in_dim3A_1294 : vector<16x1xi32> to vector<16xi32>
    %gather3A_1296 = tpu.dynamic_gather %convert_element_type3A_1274[%gather3A_1295] in [0] : vector<16xi32>, vector<16xi32> -> vector<16xi32>
    %sub3A_1297 = arith.constant 1 : i32
    %sub3A_1298 = vector.broadcast %sub3A_1297 : i32 to vector<16xi32>
    %sub3A_1299 = arith.subi %sub3A_1298, %select_n3A_1255 : vector<16xi32>
    %mul3A_1300 = arith.muli %gather3A_1296, %sub3A_1299 : vector<16xi32>
    %gt3A_1301 = arith.constant 0 : i32
    %gt3A_1302 = vector.broadcast %gt3A_1301 : i32 to vector<16xi32>
    %gt3A_1303 = arith.cmpi sgt, %mul3A_1300, %gt3A_1302 : vector<16xi32>
    %and3A_1304 = arith.andi %gt3A_1303, %ge3A_1273 : vector<16xi1>
    %select_n3A_1305 = arith.select %and3A_1304, %add3A_1271, %select_n3A_1247 : vector<16xi1>, vector<16xi32>
    %and3A_1306 = arith.andi %gt3A_1303, %ge3A_1273 : vector<16xi1>
    %select_n3A_1307 = arith.select %and3A_1306, %get3A_1257, %select_n3A_1249 : vector<16xi1>, vector<16xi32>
    %and3A_1308 = arith.andi %gt3A_1303, %ge3A_1273 : vector<16xi1>
    %add3A_1309 = arith.constant 176 : i32
    %add3A_1310 = vector.broadcast %add3A_1309 : i32 to vector<16xi32>
    %add3A_1311 = arith.addi %iota3A, %add3A_1310 : vector<16xi32>
    %select_n3A_1312 = arith.select %and3A_1308, %add3A_1311, %select_n3A_1254 : vector<16xi1>, vector<16xi32>
    %select_n3A_1313 = arith.select %gt3A_1303, %broadcast_in_dim3A_0, %select_n3A_1255 : vector<16xi1>, vector<16xi32>
    %get3A_1314 = arith.constant 160 : index
    %get3A_1315 = tpu.vector_load %arg9[%get3A_1314] {strides = array<i32>} : memref<256xi32, #tpu.memory_space<vmem>>, vector<16xi32>,
    %rev3A_1316 = arith.constant 15 : i32
    %rev3A_1317 = vector.broadcast %rev3A_1316 : i32 to vector<16xi32>
    %rev3A_1318 = tpu.iota {dimensions = array<i32: 0>} : vector<16xi32>
    %rev3A_1319 = arith.subi %rev3A_1317, %rev3A_1318 : vector<16xi32>
    %rev3A_1320 = tpu.dynamic_gather %get3A_1315[%rev3A_1319] in [0] : vector<16xi32>, vector<16xi32> -> vector<16xi32>
    %broadcast_in_dim3A_1321 = arith.constant true
    %broadcast_in_dim3A_1322 = vector.broadcast %broadcast_in_dim3A_1321 : i1 to vector<16xi1>
    %masked_cumsum3A_1323 = tpu.scan <sum>, %rev3A_1320 masked %broadcast_in_dim3A_1322 : vector<16xi32>, vector<16xi1> -> vector<16xi32>
    %rev3A_1324 = arith.constant 15 : i32
    %rev3A_1325 = vector.broadcast %rev3A_1324 : i32 to vector<16xi32>
    %rev3A_1326 = tpu.iota {dimensions = array<i32: 0>} : vector<16xi32>
    %rev3A_1327 = arith.subi %rev3A_1325, %rev3A_1326 : vector<16xi32>
    %rev3A_1328 = tpu.dynamic_gather %masked_cumsum3A_1323[%rev3A_1327] in [0] : vector<16xi32>, vector<16xi32> -> vector<16xi32>
    %add3A_1329 = arith.addi %rev3A_1328, %add3A_1286 : vector<16xi32>
    %ge3A_1330 = vector.broadcast %sub3A_1016 : i32 to vector<16xi32>
    %ge3A_1331 = arith.cmpi sge, %add3A_1329, %ge3A_1330 : vector<16xi32>
    %convert_element_type3A_1332 = arith.extui %ge3A_1331 : vector<16xi1> to vector<16xi32>
    %add3A_1333 = arith.addi %add3A_1275, %convert_element_type3A_1332 : vector<16xi32>
    %lt3A_1334 = arith.constant 0 : i32
    %lt3A_1335 = vector.broadcast %lt3A_1334 : i32 to vector<16xi32>
    %lt3A_1336 = arith.cmpi slt, %broadcast_in_dim3A_4, %lt3A_1335 : vector<16xi32>
    %add3A_1337 = arith.constant 16 : i32
    %add3A_1338 = vector.broadcast %add3A_1337 : i32 to vector<16xi32>
    %add3A_1339 = arith.addi %broadcast_in_dim3A_4, %add3A_1338 : vector<16xi32>
    %select_n3A_1340 = arith.select %lt3A_1336, %add3A_1339, %broadcast_in_dim3A_4 : vector<16xi1>, vector<16xi32>
    %broadcast_in_dim3A_1341 = vector.shape_cast %select_n3A_1340 : vector<16xi32> to vector<16x1xi32>
    %gather3A_1342 = vector.shape_cast %broadcast_in_dim3A_1341 : vector<16x1xi32> to vector<16xi32>
    %gather3A_1343 = tpu.dynamic_gather %rev3A_1328[%gather3A_1342] in [0] : vector<16xi32>, vector<16xi32> -> vector<16xi32>
    %add3A_1344 = arith.addi %add3A_1286, %gather3A_1343 : vector<16xi32>
    %lt3A_1345 = arith.constant 0 : i32
    %lt3A_1346 = vector.broadcast %lt3A_1345 : i32 to vector<16xi32>
    %lt3A_1347 = arith.cmpi slt, %broadcast_in_dim3A_4, %lt3A_1346 : vector<16xi32>
    %add3A_1348 = arith.constant 16 : i32
    %add3A_1349 = vector.broadcast %add3A_1348 : i32 to vector<16xi32>
    %add3A_1350 = arith.addi %broadcast_in_dim3A_4, %add3A_1349 : vector<16xi32>
    %select_n3A_1351 = arith.select %lt3A_1347, %add3A_1350, %broadcast_in_dim3A_4 : vector<16xi1>, vector<16xi32>
    %broadcast_in_dim3A_1352 = vector.shape_cast %select_n3A_1351 : vector<16xi32> to vector<16x1xi32>
    %gather3A_1353 = vector.shape_cast %broadcast_in_dim3A_1352 : vector<16x1xi32> to vector<16xi32>
    %gather3A_1354 = tpu.dynamic_gather %convert_element_type3A_1332[%gather3A_1353] in [0] : vector<16xi32>, vector<16xi32> -> vector<16xi32>
    %sub3A_1355 = arith.constant 1 : i32
    %sub3A_1356 = vector.broadcast %sub3A_1355 : i32 to vector<16xi32>
    %sub3A_1357 = arith.subi %sub3A_1356, %select_n3A_1313 : vector<16xi32>
    %mul3A_1358 = arith.muli %gather3A_1354, %sub3A_1357 : vector<16xi32>
    %gt3A_1359 = arith.constant 0 : i32
    %gt3A_1360 = vector.broadcast %gt3A_1359 : i32 to vector<16xi32>
    %gt3A_1361 = arith.cmpi sgt, %mul3A_1358, %gt3A_1360 : vector<16xi32>
    %and3A_1362 = arith.andi %gt3A_1361, %ge3A_1331 : vector<16xi1>
    %select_n3A_1363 = arith.select %and3A_1362, %add3A_1329, %select_n3A_1305 : vector<16xi1>, vector<16xi32>
    %and3A_1364 = arith.andi %gt3A_1361, %ge3A_1331 : vector<16xi1>
    %select_n3A_1365 = arith.select %and3A_1364, %get3A_1315, %select_n3A_1307 : vector<16xi1>, vector<16xi32>
    %and3A_1366 = arith.andi %gt3A_1361, %ge3A_1331 : vector<16xi1>
    %add3A_1367 = arith.constant 160 : i32
    %add3A_1368 = vector.broadcast %add3A_1367 : i32 to vector<16xi32>
    %add3A_1369 = arith.addi %iota3A, %add3A_1368 : vector<16xi32>
    %select_n3A_1370 = arith.select %and3A_1366, %add3A_1369, %select_n3A_1312 : vector<16xi1>, vector<16xi32>
    %select_n3A_1371 = arith.select %gt3A_1361, %broadcast_in_dim3A_0, %select_n3A_1313 : vector<16xi1>, vector<16xi32>
    %get3A_1372 = arith.constant 144 : index
    %get3A_1373 = tpu.vector_load %arg9[%get3A_1372] {strides = array<i32>} : memref<256xi32, #tpu.memory_space<vmem>>, vector<16xi32>,
    %rev3A_1374 = arith.constant 15 : i32
    %rev3A_1375 = vector.broadcast %rev3A_1374 : i32 to vector<16xi32>
    %rev3A_1376 = tpu.iota {dimensions = array<i32: 0>} : vector<16xi32>
    %rev3A_1377 = arith.subi %rev3A_1375, %rev3A_1376 : vector<16xi32>
    %rev3A_1378 = tpu.dynamic_gather %get3A_1373[%rev3A_1377] in [0] : vector<16xi32>, vector<16xi32> -> vector<16xi32>
    %broadcast_in_dim3A_1379 = arith.constant true
    %broadcast_in_dim3A_1380 = vector.broadcast %broadcast_in_dim3A_1379 : i1 to vector<16xi1>
    %masked_cumsum3A_1381 = tpu.scan <sum>, %rev3A_1378 masked %broadcast_in_dim3A_1380 : vector<16xi32>, vector<16xi1> -> vector<16xi32>
    %rev3A_1382 = arith.constant 15 : i32
    %rev3A_1383 = vector.broadcast %rev3A_1382 : i32 to vector<16xi32>
    %rev3A_1384 = tpu.iota {dimensions = array<i32: 0>} : vector<16xi32>
    %rev3A_1385 = arith.subi %rev3A_1383, %rev3A_1384 : vector<16xi32>
    %rev3A_1386 = tpu.dynamic_gather %masked_cumsum3A_1381[%rev3A_1385] in [0] : vector<16xi32>, vector<16xi32> -> vector<16xi32>
    %add3A_1387 = arith.addi %rev3A_1386, %add3A_1344 : vector<16xi32>
    %ge3A_1388 = vector.broadcast %sub3A_1016 : i32 to vector<16xi32>
    %ge3A_1389 = arith.cmpi sge, %add3A_1387, %ge3A_1388 : vector<16xi32>
    %convert_element_type3A_1390 = arith.extui %ge3A_1389 : vector<16xi1> to vector<16xi32>
    %add3A_1391 = arith.addi %add3A_1333, %convert_element_type3A_1390 : vector<16xi32>
    %lt3A_1392 = arith.constant 0 : i32
    %lt3A_1393 = vector.broadcast %lt3A_1392 : i32 to vector<16xi32>
    %lt3A_1394 = arith.cmpi slt, %broadcast_in_dim3A_4, %lt3A_1393 : vector<16xi32>
    %add3A_1395 = arith.constant 16 : i32
    %add3A_1396 = vector.broadcast %add3A_1395 : i32 to vector<16xi32>
    %add3A_1397 = arith.addi %broadcast_in_dim3A_4, %add3A_1396 : vector<16xi32>
    %select_n3A_1398 = arith.select %lt3A_1394, %add3A_1397, %broadcast_in_dim3A_4 : vector<16xi1>, vector<16xi32>
    %broadcast_in_dim3A_1399 = vector.shape_cast %select_n3A_1398 : vector<16xi32> to vector<16x1xi32>
    %gather3A_1400 = vector.shape_cast %broadcast_in_dim3A_1399 : vector<16x1xi32> to vector<16xi32>
    %gather3A_1401 = tpu.dynamic_gather %rev3A_1386[%gather3A_1400] in [0] : vector<16xi32>, vector<16xi32> -> vector<16xi32>
    %add3A_1402 = arith.addi %add3A_1344, %gather3A_1401 : vector<16xi32>
    %lt3A_1403 = arith.constant 0 : i32
    %lt3A_1404 = vector.broadcast %lt3A_1403 : i32 to vector<16xi32>
    %lt3A_1405 = arith.cmpi slt, %broadcast_in_dim3A_4, %lt3A_1404 : vector<16xi32>
    %add3A_1406 = arith.constant 16 : i32
    %add3A_1407 = vector.broadcast %add3A_1406 : i32 to vector<16xi32>
    %add3A_1408 = arith.addi %broadcast_in_dim3A_4, %add3A_1407 : vector<16xi32>
    %select_n3A_1409 = arith.select %lt3A_1405, %add3A_1408, %broadcast_in_dim3A_4 : vector<16xi1>, vector<16xi32>
    %broadcast_in_dim3A_1410 = vector.shape_cast %select_n3A_1409 : vector<16xi32> to vector<16x1xi32>
    %gather3A_1411 = vector.shape_cast %broadcast_in_dim3A_1410 : vector<16x1xi32> to vector<16xi32>
    %gather3A_1412 = tpu.dynamic_gather %convert_element_type3A_1390[%gather3A_1411] in [0] : vector<16xi32>, vector<16xi32> -> vector<16xi32>
    %sub3A_1413 = arith.constant 1 : i32
    %sub3A_1414 = vector.broadcast %sub3A_1413 : i32 to vector<16xi32>
    %sub3A_1415 = arith.subi %sub3A_1414, %select_n3A_1371 : vector<16xi32>
    %mul3A_1416 = arith.muli %gather3A_1412, %sub3A_1415 : vector<16xi32>
    %gt3A_1417 = arith.constant 0 : i32
    %gt3A_1418 = vector.broadcast %gt3A_1417 : i32 to vector<16xi32>
    %gt3A_1419 = arith.cmpi sgt, %mul3A_1416, %gt3A_1418 : vector<16xi32>
    %and3A_1420 = arith.andi %gt3A_1419, %ge3A_1389 : vector<16xi1>
    %select_n3A_1421 = arith.select %and3A_1420, %add3A_1387, %select_n3A_1363 : vector<16xi1>, vector<16xi32>
    %and3A_1422 = arith.andi %gt3A_1419, %ge3A_1389 : vector<16xi1>
    %select_n3A_1423 = arith.select %and3A_1422, %get3A_1373, %select_n3A_1365 : vector<16xi1>, vector<16xi32>
    %and3A_1424 = arith.andi %gt3A_1419, %ge3A_1389 : vector<16xi1>
    %add3A_1425 = arith.constant 144 : i32
    %add3A_1426 = vector.broadcast %add3A_1425 : i32 to vector<16xi32>
    %add3A_1427 = arith.addi %iota3A, %add3A_1426 : vector<16xi32>
    %select_n3A_1428 = arith.select %and3A_1424, %add3A_1427, %select_n3A_1370 : vector<16xi1>, vector<16xi32>
    %select_n3A_1429 = arith.select %gt3A_1419, %broadcast_in_dim3A_0, %select_n3A_1371 : vector<16xi1>, vector<16xi32>
    %get3A_1430 = arith.constant 128 : index
    %get3A_1431 = tpu.vector_load %arg9[%get3A_1430] {strides = array<i32>} : memref<256xi32, #tpu.memory_space<vmem>>, vector<16xi32>,
    %rev3A_1432 = arith.constant 15 : i32
    %rev3A_1433 = vector.broadcast %rev3A_1432 : i32 to vector<16xi32>
    %rev3A_1434 = tpu.iota {dimensions = array<i32: 0>} : vector<16xi32>
    %rev3A_1435 = arith.subi %rev3A_1433, %rev3A_1434 : vector<16xi32>
    %rev3A_1436 = tpu.dynamic_gather %get3A_1431[%rev3A_1435] in [0] : vector<16xi32>, vector<16xi32> -> vector<16xi32>
    %broadcast_in_dim3A_1437 = arith.constant true
    %broadcast_in_dim3A_1438 = vector.broadcast %broadcast_in_dim3A_1437 : i1 to vector<16xi1>
    %masked_cumsum3A_1439 = tpu.scan <sum>, %rev3A_1436 masked %broadcast_in_dim3A_1438 : vector<16xi32>, vector<16xi1> -> vector<16xi32>
    %rev3A_1440 = arith.constant 15 : i32
    %rev3A_1441 = vector.broadcast %rev3A_1440 : i32 to vector<16xi32>
    %rev3A_1442 = tpu.iota {dimensions = array<i32: 0>} : vector<16xi32>
    %rev3A_1443 = arith.subi %rev3A_1441, %rev3A_1442 : vector<16xi32>
    %rev3A_1444 = tpu.dynamic_gather %masked_cumsum3A_1439[%rev3A_1443] in [0] : vector<16xi32>, vector<16xi32> -> vector<16xi32>
    %add3A_1445 = arith.addi %rev3A_1444, %add3A_1402 : vector<16xi32>
    %ge3A_1446 = vector.broadcast %sub3A_1016 : i32 to vector<16xi32>
    %ge3A_1447 = arith.cmpi sge, %add3A_1445, %ge3A_1446 : vector<16xi32>
    %convert_element_type3A_1448 = arith.extui %ge3A_1447 : vector<16xi1> to vector<16xi32>
    %add3A_1449 = arith.addi %add3A_1391, %convert_element_type3A_1448 : vector<16xi32>
    %lt3A_1450 = arith.constant 0 : i32
    %lt3A_1451 = vector.broadcast %lt3A_1450 : i32 to vector<16xi32>
    %lt3A_1452 = arith.cmpi slt, %broadcast_in_dim3A_4, %lt3A_1451 : vector<16xi32>
    %add3A_1453 = arith.constant 16 : i32
    %add3A_1454 = vector.broadcast %add3A_1453 : i32 to vector<16xi32>
    %add3A_1455 = arith.addi %broadcast_in_dim3A_4, %add3A_1454 : vector<16xi32>
    %select_n3A_1456 = arith.select %lt3A_1452, %add3A_1455, %broadcast_in_dim3A_4 : vector<16xi1>, vector<16xi32>
    %broadcast_in_dim3A_1457 = vector.shape_cast %select_n3A_1456 : vector<16xi32> to vector<16x1xi32>
    %gather3A_1458 = vector.shape_cast %broadcast_in_dim3A_1457 : vector<16x1xi32> to vector<16xi32>
    %gather3A_1459 = tpu.dynamic_gather %rev3A_1444[%gather3A_1458] in [0] : vector<16xi32>, vector<16xi32> -> vector<16xi32>
    %add3A_1460 = arith.addi %add3A_1402, %gather3A_1459 : vector<16xi32>
    %lt3A_1461 = arith.constant 0 : i32
    %lt3A_1462 = vector.broadcast %lt3A_1461 : i32 to vector<16xi32>
    %lt3A_1463 = arith.cmpi slt, %broadcast_in_dim3A_4, %lt3A_1462 : vector<16xi32>
    %add3A_1464 = arith.constant 16 : i32
    %add3A_1465 = vector.broadcast %add3A_1464 : i32 to vector<16xi32>
    %add3A_1466 = arith.addi %broadcast_in_dim3A_4, %add3A_1465 : vector<16xi32>
    %select_n3A_1467 = arith.select %lt3A_1463, %add3A_1466, %broadcast_in_dim3A_4 : vector<16xi1>, vector<16xi32>
    %broadcast_in_dim3A_1468 = vector.shape_cast %select_n3A_1467 : vector<16xi32> to vector<16x1xi32>
    %gather3A_1469 = vector.shape_cast %broadcast_in_dim3A_1468 : vector<16x1xi32> to vector<16xi32>
    %gather3A_1470 = tpu.dynamic_gather %convert_element_type3A_1448[%gather3A_1469] in [0] : vector<16xi32>, vector<16xi32> -> vector<16xi32>
    %sub3A_1471 = arith.constant 1 : i32
    %sub3A_1472 = vector.broadcast %sub3A_1471 : i32 to vector<16xi32>
    %sub3A_1473 = arith.subi %sub3A_1472, %select_n3A_1429 : vector<16xi32>
    %mul3A_1474 = arith.muli %gather3A_1470, %sub3A_1473 : vector<16xi32>
    %gt3A_1475 = arith.constant 0 : i32
    %gt3A_1476 = vector.broadcast %gt3A_1475 : i32 to vector<16xi32>
    %gt3A_1477 = arith.cmpi sgt, %mul3A_1474, %gt3A_1476 : vector<16xi32>
    %and3A_1478 = arith.andi %gt3A_1477, %ge3A_1447 : vector<16xi1>
    %select_n3A_1479 = arith.select %and3A_1478, %add3A_1445, %select_n3A_1421 : vector<16xi1>, vector<16xi32>
    %and3A_1480 = arith.andi %gt3A_1477, %ge3A_1447 : vector<16xi1>
    %select_n3A_1481 = arith.select %and3A_1480, %get3A_1431, %select_n3A_1423 : vector<16xi1>, vector<16xi32>
    %and3A_1482 = arith.andi %gt3A_1477, %ge3A_1447 : vector<16xi1>
    %add3A_1483 = arith.constant 128 : i32
    %add3A_1484 = vector.broadcast %add3A_1483 : i32 to vector<16xi32>
    %add3A_1485 = arith.addi %iota3A, %add3A_1484 : vector<16xi32>
    %select_n3A_1486 = arith.select %and3A_1482, %add3A_1485, %select_n3A_1428 : vector<16xi1>, vector<16xi32>
    %select_n3A_1487 = arith.select %gt3A_1477, %broadcast_in_dim3A_0, %select_n3A_1429 : vector<16xi1>, vector<16xi32>
    %get3A_1488 = arith.constant 112 : index
    %get3A_1489 = tpu.vector_load %arg9[%get3A_1488] {strides = array<i32>} : memref<256xi32, #tpu.memory_space<vmem>>, vector<16xi32>,
    %rev3A_1490 = arith.constant 15 : i32
    %rev3A_1491 = vector.broadcast %rev3A_1490 : i32 to vector<16xi32>
    %rev3A_1492 = tpu.iota {dimensions = array<i32: 0>} : vector<16xi32>
    %rev3A_1493 = arith.subi %rev3A_1491, %rev3A_1492 : vector<16xi32>
    %rev3A_1494 = tpu.dynamic_gather %get3A_1489[%rev3A_1493] in [0] : vector<16xi32>, vector<16xi32> -> vector<16xi32>
    %broadcast_in_dim3A_1495 = arith.constant true
    %broadcast_in_dim3A_1496 = vector.broadcast %broadcast_in_dim3A_1495 : i1 to vector<16xi1>
    %masked_cumsum3A_1497 = tpu.scan <sum>, %rev3A_1494 masked %broadcast_in_dim3A_1496 : vector<16xi32>, vector<16xi1> -> vector<16xi32>
    %rev3A_1498 = arith.constant 15 : i32
    %rev3A_1499 = vector.broadcast %rev3A_1498 : i32 to vector<16xi32>
    %rev3A_1500 = tpu.iota {dimensions = array<i32: 0>} : vector<16xi32>
    %rev3A_1501 = arith.subi %rev3A_1499, %rev3A_1500 : vector<16xi32>
    %rev3A_1502 = tpu.dynamic_gather %masked_cumsum3A_1497[%rev3A_1501] in [0] : vector<16xi32>, vector<16xi32> -> vector<16xi32>
    %add3A_1503 = arith.addi %rev3A_1502, %add3A_1460 : vector<16xi32>
    %ge3A_1504 = vector.broadcast %sub3A_1016 : i32 to vector<16xi32>
    %ge3A_1505 = arith.cmpi sge, %add3A_1503, %ge3A_1504 : vector<16xi32>
    %convert_element_type3A_1506 = arith.extui %ge3A_1505 : vector<16xi1> to vector<16xi32>
    %add3A_1507 = arith.addi %add3A_1449, %convert_element_type3A_1506 : vector<16xi32>
    %lt3A_1508 = arith.constant 0 : i32
    %lt3A_1509 = vector.broadcast %lt3A_1508 : i32 to vector<16xi32>
    %lt3A_1510 = arith.cmpi slt, %broadcast_in_dim3A_4, %lt3A_1509 : vector<16xi32>
    %add3A_1511 = arith.constant 16 : i32
    %add3A_1512 = vector.broadcast %add3A_1511 : i32 to vector<16xi32>
    %add3A_1513 = arith.addi %broadcast_in_dim3A_4, %add3A_1512 : vector<16xi32>
    %select_n3A_1514 = arith.select %lt3A_1510, %add3A_1513, %broadcast_in_dim3A_4 : vector<16xi1>, vector<16xi32>
    %broadcast_in_dim3A_1515 = vector.shape_cast %select_n3A_1514 : vector<16xi32> to vector<16x1xi32>
    %gather3A_1516 = vector.shape_cast %broadcast_in_dim3A_1515 : vector<16x1xi32> to vector<16xi32>
    %gather3A_1517 = tpu.dynamic_gather %rev3A_1502[%gather3A_1516] in [0] : vector<16xi32>, vector<16xi32> -> vector<16xi32>
    %add3A_1518 = arith.addi %add3A_1460, %gather3A_1517 : vector<16xi32>
    %lt3A_1519 = arith.constant 0 : i32
    %lt3A_1520 = vector.broadcast %lt3A_1519 : i32 to vector<16xi32>
    %lt3A_1521 = arith.cmpi slt, %broadcast_in_dim3A_4, %lt3A_1520 : vector<16xi32>
    %add3A_1522 = arith.constant 16 : i32
    %add3A_1523 = vector.broadcast %add3A_1522 : i32 to vector<16xi32>
    %add3A_1524 = arith.addi %broadcast_in_dim3A_4, %add3A_1523 : vector<16xi32>
    %select_n3A_1525 = arith.select %lt3A_1521, %add3A_1524, %broadcast_in_dim3A_4 : vector<16xi1>, vector<16xi32>
    %broadcast_in_dim3A_1526 = vector.shape_cast %select_n3A_1525 : vector<16xi32> to vector<16x1xi32>
    %gather3A_1527 = vector.shape_cast %broadcast_in_dim3A_1526 : vector<16x1xi32> to vector<16xi32>
    %gather3A_1528 = tpu.dynamic_gather %convert_element_type3A_1506[%gather3A_1527] in [0] : vector<16xi32>, vector<16xi32> -> vector<16xi32>
    %sub3A_1529 = arith.constant 1 : i32
    %sub3A_1530 = vector.broadcast %sub3A_1529 : i32 to vector<16xi32>
    %sub3A_1531 = arith.subi %sub3A_1530, %select_n3A_1487 : vector<16xi32>
    %mul3A_1532 = arith.muli %gather3A_1528, %sub3A_1531 : vector<16xi32>
    %gt3A_1533 = arith.constant 0 : i32
    %gt3A_1534 = vector.broadcast %gt3A_1533 : i32 to vector<16xi32>
    %gt3A_1535 = arith.cmpi sgt, %mul3A_1532, %gt3A_1534 : vector<16xi32>
    %and3A_1536 = arith.andi %gt3A_1535, %ge3A_1505 : vector<16xi1>
    %select_n3A_1537 = arith.select %and3A_1536, %add3A_1503, %select_n3A_1479 : vector<16xi1>, vector<16xi32>
    %and3A_1538 = arith.andi %gt3A_1535, %ge3A_1505 : vector<16xi1>
    %select_n3A_1539 = arith.select %and3A_1538, %get3A_1489, %select_n3A_1481 : vector<16xi1>, vector<16xi32>
    %and3A_1540 = arith.andi %gt3A_1535, %ge3A_1505 : vector<16xi1>
    %add3A_1541 = arith.constant 112 : i32
    %add3A_1542 = vector.broadcast %add3A_1541 : i32 to vector<16xi32>
    %add3A_1543 = arith.addi %iota3A, %add3A_1542 : vector<16xi32>
    %select_n3A_1544 = arith.select %and3A_1540, %add3A_1543, %select_n3A_1486 : vector<16xi1>, vector<16xi32>
    %select_n3A_1545 = arith.select %gt3A_1535, %broadcast_in_dim3A_0, %select_n3A_1487 : vector<16xi1>, vector<16xi32>
    %get3A_1546 = arith.constant 96 : index
    %get3A_1547 = tpu.vector_load %arg9[%get3A_1546] {strides = array<i32>} : memref<256xi32, #tpu.memory_space<vmem>>, vector<16xi32>,
    %rev3A_1548 = arith.constant 15 : i32
    %rev3A_1549 = vector.broadcast %rev3A_1548 : i32 to vector<16xi32>
    %rev3A_1550 = tpu.iota {dimensions = array<i32: 0>} : vector<16xi32>
    %rev3A_1551 = arith.subi %rev3A_1549, %rev3A_1550 : vector<16xi32>
    %rev3A_1552 = tpu.dynamic_gather %get3A_1547[%rev3A_1551] in [0] : vector<16xi32>, vector<16xi32> -> vector<16xi32>
    %broadcast_in_dim3A_1553 = arith.constant true
    %broadcast_in_dim3A_1554 = vector.broadcast %broadcast_in_dim3A_1553 : i1 to vector<16xi1>
    %masked_cumsum3A_1555 = tpu.scan <sum>, %rev3A_1552 masked %broadcast_in_dim3A_1554 : vector<16xi32>, vector<16xi1> -> vector<16xi32>
    %rev3A_1556 = arith.constant 15 : i32
    %rev3A_1557 = vector.broadcast %rev3A_1556 : i32 to vector<16xi32>
    %rev3A_1558 = tpu.iota {dimensions = array<i32: 0>} : vector<16xi32>
    %rev3A_1559 = arith.subi %rev3A_1557, %rev3A_1558 : vector<16xi32>
    %rev3A_1560 = tpu.dynamic_gather %masked_cumsum3A_1555[%rev3A_1559] in [0] : vector<16xi32>, vector<16xi32> -> vector<16xi32>
    %add3A_1561 = arith.addi %rev3A_1560, %add3A_1518 : vector<16xi32>
    %ge3A_1562 = vector.broadcast %sub3A_1016 : i32 to vector<16xi32>
    %ge3A_1563 = arith.cmpi sge, %add3A_1561, %ge3A_1562 : vector<16xi32>
    %convert_element_type3A_1564 = arith.extui %ge3A_1563 : vector<16xi1> to vector<16xi32>
    %add3A_1565 = arith.addi %add3A_1507, %convert_element_type3A_1564 : vector<16xi32>
    %lt3A_1566 = arith.constant 0 : i32
    %lt3A_1567 = vector.broadcast %lt3A_1566 : i32 to vector<16xi32>
    %lt3A_1568 = arith.cmpi slt, %broadcast_in_dim3A_4, %lt3A_1567 : vector<16xi32>
    %add3A_1569 = arith.constant 16 : i32
    %add3A_1570 = vector.broadcast %add3A_1569 : i32 to vector<16xi32>
    %add3A_1571 = arith.addi %broadcast_in_dim3A_4, %add3A_1570 : vector<16xi32>
    %select_n3A_1572 = arith.select %lt3A_1568, %add3A_1571, %broadcast_in_dim3A_4 : vector<16xi1>, vector<16xi32>
    %broadcast_in_dim3A_1573 = vector.shape_cast %select_n3A_1572 : vector<16xi32> to vector<16x1xi32>
    %gather3A_1574 = vector.shape_cast %broadcast_in_dim3A_1573 : vector<16x1xi32> to vector<16xi32>
    %gather3A_1575 = tpu.dynamic_gather %rev3A_1560[%gather3A_1574] in [0] : vector<16xi32>, vector<16xi32> -> vector<16xi32>
    %add3A_1576 = arith.addi %add3A_1518, %gather3A_1575 : vector<16xi32>
    %lt3A_1577 = arith.constant 0 : i32
    %lt3A_1578 = vector.broadcast %lt3A_1577 : i32 to vector<16xi32>
    %lt3A_1579 = arith.cmpi slt, %broadcast_in_dim3A_4, %lt3A_1578 : vector<16xi32>
    %add3A_1580 = arith.constant 16 : i32
    %add3A_1581 = vector.broadcast %add3A_1580 : i32 to vector<16xi32>
    %add3A_1582 = arith.addi %broadcast_in_dim3A_4, %add3A_1581 : vector<16xi32>
    %select_n3A_1583 = arith.select %lt3A_1579, %add3A_1582, %broadcast_in_dim3A_4 : vector<16xi1>, vector<16xi32>
    %broadcast_in_dim3A_1584 = vector.shape_cast %select_n3A_1583 : vector<16xi32> to vector<16x1xi32>
    %gather3A_1585 = vector.shape_cast %broadcast_in_dim3A_1584 : vector<16x1xi32> to vector<16xi32>
    %gather3A_1586 = tpu.dynamic_gather %convert_element_type3A_1564[%gather3A_1585] in [0] : vector<16xi32>, vector<16xi32> -> vector<16xi32>
    %sub3A_1587 = arith.constant 1 : i32
    %sub3A_1588 = vector.broadcast %sub3A_1587 : i32 to vector<16xi32>
    %sub3A_1589 = arith.subi %sub3A_1588, %select_n3A_1545 : vector<16xi32>
    %mul3A_1590 = arith.muli %gather3A_1586, %sub3A_1589 : vector<16xi32>
    %gt3A_1591 = arith.constant 0 : i32
    %gt3A_1592 = vector.broadcast %gt3A_1591 : i32 to vector<16xi32>
    %gt3A_1593 = arith.cmpi sgt, %mul3A_1590, %gt3A_1592 : vector<16xi32>
    %and3A_1594 = arith.andi %gt3A_1593, %ge3A_1563 : vector<16xi1>
    %select_n3A_1595 = arith.select %and3A_1594, %add3A_1561, %select_n3A_1537 : vector<16xi1>, vector<16xi32>
    %and3A_1596 = arith.andi %gt3A_1593, %ge3A_1563 : vector<16xi1>
    %select_n3A_1597 = arith.select %and3A_1596, %get3A_1547, %select_n3A_1539 : vector<16xi1>, vector<16xi32>
    %and3A_1598 = arith.andi %gt3A_1593, %ge3A_1563 : vector<16xi1>
    %add3A_1599 = arith.constant 96 : i32
    %add3A_1600 = vector.broadcast %add3A_1599 : i32 to vector<16xi32>
    %add3A_1601 = arith.addi %iota3A, %add3A_1600 : vector<16xi32>
    %select_n3A_1602 = arith.select %and3A_1598, %add3A_1601, %select_n3A_1544 : vector<16xi1>, vector<16xi32>
    %select_n3A_1603 = arith.select %gt3A_1593, %broadcast_in_dim3A_0, %select_n3A_1545 : vector<16xi1>, vector<16xi32>
    %get3A_1604 = arith.constant 80 : index
    %get3A_1605 = tpu.vector_load %arg9[%get3A_1604] {strides = array<i32>} : memref<256xi32, #tpu.memory_space<vmem>>, vector<16xi32>,
    %rev3A_1606 = arith.constant 15 : i32
    %rev3A_1607 = vector.broadcast %rev3A_1606 : i32 to vector<16xi32>
    %rev3A_1608 = tpu.iota {dimensions = array<i32: 0>} : vector<16xi32>
    %rev3A_1609 = arith.subi %rev3A_1607, %rev3A_1608 : vector<16xi32>
    %rev3A_1610 = tpu.dynamic_gather %get3A_1605[%rev3A_1609] in [0] : vector<16xi32>, vector<16xi32> -> vector<16xi32>
    %broadcast_in_dim3A_1611 = arith.constant true
    %broadcast_in_dim3A_1612 = vector.broadcast %broadcast_in_dim3A_1611 : i1 to vector<16xi1>
    %masked_cumsum3A_1613 = tpu.scan <sum>, %rev3A_1610 masked %broadcast_in_dim3A_1612 : vector<16xi32>, vector<16xi1> -> vector<16xi32>
    %rev3A_1614 = arith.constant 15 : i32
    %rev3A_1615 = vector.broadcast %rev3A_1614 : i32 to vector<16xi32>
    %rev3A_1616 = tpu.iota {dimensions = array<i32: 0>} : vector<16xi32>
    %rev3A_1617 = arith.subi %rev3A_1615, %rev3A_1616 : vector<16xi32>
    %rev3A_1618 = tpu.dynamic_gather %masked_cumsum3A_1613[%rev3A_1617] in [0] : vector<16xi32>, vector<16xi32> -> vector<16xi32>
    %add3A_1619 = arith.addi %rev3A_1618, %add3A_1576 : vector<16xi32>
    %ge3A_1620 = vector.broadcast %sub3A_1016 : i32 to vector<16xi32>
    %ge3A_1621 = arith.cmpi sge, %add3A_1619, %ge3A_1620 : vector<16xi32>
    %convert_element_type3A_1622 = arith.extui %ge3A_1621 : vector<16xi1> to vector<16xi32>
    %add3A_1623 = arith.addi %add3A_1565, %convert_element_type3A_1622 : vector<16xi32>
    %lt3A_1624 = arith.constant 0 : i32
    %lt3A_1625 = vector.broadcast %lt3A_1624 : i32 to vector<16xi32>
    %lt3A_1626 = arith.cmpi slt, %broadcast_in_dim3A_4, %lt3A_1625 : vector<16xi32>
    %add3A_1627 = arith.constant 16 : i32
    %add3A_1628 = vector.broadcast %add3A_1627 : i32 to vector<16xi32>
    %add3A_1629 = arith.addi %broadcast_in_dim3A_4, %add3A_1628 : vector<16xi32>
    %select_n3A_1630 = arith.select %lt3A_1626, %add3A_1629, %broadcast_in_dim3A_4 : vector<16xi1>, vector<16xi32>
    %broadcast_in_dim3A_1631 = vector.shape_cast %select_n3A_1630 : vector<16xi32> to vector<16x1xi32>
    %gather3A_1632 = vector.shape_cast %broadcast_in_dim3A_1631 : vector<16x1xi32> to vector<16xi32>
    %gather3A_1633 = tpu.dynamic_gather %rev3A_1618[%gather3A_1632] in [0] : vector<16xi32>, vector<16xi32> -> vector<16xi32>
    %add3A_1634 = arith.addi %add3A_1576, %gather3A_1633 : vector<16xi32>
    %lt3A_1635 = arith.constant 0 : i32
    %lt3A_1636 = vector.broadcast %lt3A_1635 : i32 to vector<16xi32>
    %lt3A_1637 = arith.cmpi slt, %broadcast_in_dim3A_4, %lt3A_1636 : vector<16xi32>
    %add3A_1638 = arith.constant 16 : i32
    %add3A_1639 = vector.broadcast %add3A_1638 : i32 to vector<16xi32>
    %add3A_1640 = arith.addi %broadcast_in_dim3A_4, %add3A_1639 : vector<16xi32>
    %select_n3A_1641 = arith.select %lt3A_1637, %add3A_1640, %broadcast_in_dim3A_4 : vector<16xi1>, vector<16xi32>
    %broadcast_in_dim3A_1642 = vector.shape_cast %select_n3A_1641 : vector<16xi32> to vector<16x1xi32>
    %gather3A_1643 = vector.shape_cast %broadcast_in_dim3A_1642 : vector<16x1xi32> to vector<16xi32>
    %gather3A_1644 = tpu.dynamic_gather %convert_element_type3A_1622[%gather3A_1643] in [0] : vector<16xi32>, vector<16xi32> -> vector<16xi32>
    %sub3A_1645 = arith.constant 1 : i32
    %sub3A_1646 = vector.broadcast %sub3A_1645 : i32 to vector<16xi32>
    %sub3A_1647 = arith.subi %sub3A_1646, %select_n3A_1603 : vector<16xi32>
    %mul3A_1648 = arith.muli %gather3A_1644, %sub3A_1647 : vector<16xi32>
    %gt3A_1649 = arith.constant 0 : i32
    %gt3A_1650 = vector.broadcast %gt3A_1649 : i32 to vector<16xi32>
    %gt3A_1651 = arith.cmpi sgt, %mul3A_1648, %gt3A_1650 : vector<16xi32>
    %and3A_1652 = arith.andi %gt3A_1651, %ge3A_1621 : vector<16xi1>
    %select_n3A_1653 = arith.select %and3A_1652, %add3A_1619, %select_n3A_1595 : vector<16xi1>, vector<16xi32>
    %and3A_1654 = arith.andi %gt3A_1651, %ge3A_1621 : vector<16xi1>
    %select_n3A_1655 = arith.select %and3A_1654, %get3A_1605, %select_n3A_1597 : vector<16xi1>, vector<16xi32>
    %and3A_1656 = arith.andi %gt3A_1651, %ge3A_1621 : vector<16xi1>
    %add3A_1657 = arith.constant 80 : i32
    %add3A_1658 = vector.broadcast %add3A_1657 : i32 to vector<16xi32>
    %add3A_1659 = arith.addi %iota3A, %add3A_1658 : vector<16xi32>
    %select_n3A_1660 = arith.select %and3A_1656, %add3A_1659, %select_n3A_1602 : vector<16xi1>, vector<16xi32>
    %select_n3A_1661 = arith.select %gt3A_1651, %broadcast_in_dim3A_0, %select_n3A_1603 : vector<16xi1>, vector<16xi32>
    %get3A_1662 = arith.constant 64 : index
    %get3A_1663 = tpu.vector_load %arg9[%get3A_1662] {strides = array<i32>} : memref<256xi32, #tpu.memory_space<vmem>>, vector<16xi32>,
    %rev3A_1664 = arith.constant 15 : i32
    %rev3A_1665 = vector.broadcast %rev3A_1664 : i32 to vector<16xi32>
    %rev3A_1666 = tpu.iota {dimensions = array<i32: 0>} : vector<16xi32>
    %rev3A_1667 = arith.subi %rev3A_1665, %rev3A_1666 : vector<16xi32>
    %rev3A_1668 = tpu.dynamic_gather %get3A_1663[%rev3A_1667] in [0] : vector<16xi32>, vector<16xi32> -> vector<16xi32>
    %broadcast_in_dim3A_1669 = arith.constant true
    %broadcast_in_dim3A_1670 = vector.broadcast %broadcast_in_dim3A_1669 : i1 to vector<16xi1>
    %masked_cumsum3A_1671 = tpu.scan <sum>, %rev3A_1668 masked %broadcast_in_dim3A_1670 : vector<16xi32>, vector<16xi1> -> vector<16xi32>
    %rev3A_1672 = arith.constant 15 : i32
    %rev3A_1673 = vector.broadcast %rev3A_1672 : i32 to vector<16xi32>
    %rev3A_1674 = tpu.iota {dimensions = array<i32: 0>} : vector<16xi32>
    %rev3A_1675 = arith.subi %rev3A_1673, %rev3A_1674 : vector<16xi32>
    %rev3A_1676 = tpu.dynamic_gather %masked_cumsum3A_1671[%rev3A_1675] in [0] : vector<16xi32>, vector<16xi32> -> vector<16xi32>
    %add3A_1677 = arith.addi %rev3A_1676, %add3A_1634 : vector<16xi32>
    %ge3A_1678 = vector.broadcast %sub3A_1016 : i32 to vector<16xi32>
    %ge3A_1679 = arith.cmpi sge, %add3A_1677, %ge3A_1678 : vector<16xi32>
    %convert_element_type3A_1680 = arith.extui %ge3A_1679 : vector<16xi1> to vector<16xi32>
    %add3A_1681 = arith.addi %add3A_1623, %convert_element_type3A_1680 : vector<16xi32>
    %lt3A_1682 = arith.constant 0 : i32
    %lt3A_1683 = vector.broadcast %lt3A_1682 : i32 to vector<16xi32>
    %lt3A_1684 = arith.cmpi slt, %broadcast_in_dim3A_4, %lt3A_1683 : vector<16xi32>
    %add3A_1685 = arith.constant 16 : i32
    %add3A_1686 = vector.broadcast %add3A_1685 : i32 to vector<16xi32>
    %add3A_1687 = arith.addi %broadcast_in_dim3A_4, %add3A_1686 : vector<16xi32>
    %select_n3A_1688 = arith.select %lt3A_1684, %add3A_1687, %broadcast_in_dim3A_4 : vector<16xi1>, vector<16xi32>
    %broadcast_in_dim3A_1689 = vector.shape_cast %select_n3A_1688 : vector<16xi32> to vector<16x1xi32>
    %gather3A_1690 = vector.shape_cast %broadcast_in_dim3A_1689 : vector<16x1xi32> to vector<16xi32>
    %gather3A_1691 = tpu.dynamic_gather %rev3A_1676[%gather3A_1690] in [0] : vector<16xi32>, vector<16xi32> -> vector<16xi32>
    %add3A_1692 = arith.addi %add3A_1634, %gather3A_1691 : vector<16xi32>
    %lt3A_1693 = arith.constant 0 : i32
    %lt3A_1694 = vector.broadcast %lt3A_1693 : i32 to vector<16xi32>
    %lt3A_1695 = arith.cmpi slt, %broadcast_in_dim3A_4, %lt3A_1694 : vector<16xi32>
    %add3A_1696 = arith.constant 16 : i32
    %add3A_1697 = vector.broadcast %add3A_1696 : i32 to vector<16xi32>
    %add3A_1698 = arith.addi %broadcast_in_dim3A_4, %add3A_1697 : vector<16xi32>
    %select_n3A_1699 = arith.select %lt3A_1695, %add3A_1698, %broadcast_in_dim3A_4 : vector<16xi1>, vector<16xi32>
    %broadcast_in_dim3A_1700 = vector.shape_cast %select_n3A_1699 : vector<16xi32> to vector<16x1xi32>
    %gather3A_1701 = vector.shape_cast %broadcast_in_dim3A_1700 : vector<16x1xi32> to vector<16xi32>
    %gather3A_1702 = tpu.dynamic_gather %convert_element_type3A_1680[%gather3A_1701] in [0] : vector<16xi32>, vector<16xi32> -> vector<16xi32>
    %sub3A_1703 = arith.constant 1 : i32
    %sub3A_1704 = vector.broadcast %sub3A_1703 : i32 to vector<16xi32>
    %sub3A_1705 = arith.subi %sub3A_1704, %select_n3A_1661 : vector<16xi32>
    %mul3A_1706 = arith.muli %gather3A_1702, %sub3A_1705 : vector<16xi32>
    %gt3A_1707 = arith.constant 0 : i32
    %gt3A_1708 = vector.broadcast %gt3A_1707 : i32 to vector<16xi32>
    %gt3A_1709 = arith.cmpi sgt, %mul3A_1706, %gt3A_1708 : vector<16xi32>
    %and3A_1710 = arith.andi %gt3A_1709, %ge3A_1679 : vector<16xi1>
    %select_n3A_1711 = arith.select %and3A_1710, %add3A_1677, %select_n3A_1653 : vector<16xi1>, vector<16xi32>
    %and3A_1712 = arith.andi %gt3A_1709, %ge3A_1679 : vector<16xi1>
    %select_n3A_1713 = arith.select %and3A_1712, %get3A_1663, %select_n3A_1655 : vector<16xi1>, vector<16xi32>
    %and3A_1714 = arith.andi %gt3A_1709, %ge3A_1679 : vector<16xi1>
    %add3A_1715 = arith.constant 64 : i32
    %add3A_1716 = vector.broadcast %add3A_1715 : i32 to vector<16xi32>
    %add3A_1717 = arith.addi %iota3A, %add3A_1716 : vector<16xi32>
    %select_n3A_1718 = arith.select %and3A_1714, %add3A_1717, %select_n3A_1660 : vector<16xi1>, vector<16xi32>
    %select_n3A_1719 = arith.select %gt3A_1709, %broadcast_in_dim3A_0, %select_n3A_1661 : vector<16xi1>, vector<16xi32>
    %get3A_1720 = arith.constant 48 : index
    %get3A_1721 = tpu.vector_load %arg9[%get3A_1720] {strides = array<i32>} : memref<256xi32, #tpu.memory_space<vmem>>, vector<16xi32>,
    %rev3A_1722 = arith.constant 15 : i32
    %rev3A_1723 = vector.broadcast %rev3A_1722 : i32 to vector<16xi32>
    %rev3A_1724 = tpu.iota {dimensions = array<i32: 0>} : vector<16xi32>
    %rev3A_1725 = arith.subi %rev3A_1723, %rev3A_1724 : vector<16xi32>
    %rev3A_1726 = tpu.dynamic_gather %get3A_1721[%rev3A_1725] in [0] : vector<16xi32>, vector<16xi32> -> vector<16xi32>
    %broadcast_in_dim3A_1727 = arith.constant true
    %broadcast_in_dim3A_1728 = vector.broadcast %broadcast_in_dim3A_1727 : i1 to vector<16xi1>
    %masked_cumsum3A_1729 = tpu.scan <sum>, %rev3A_1726 masked %broadcast_in_dim3A_1728 : vector<16xi32>, vector<16xi1> -> vector<16xi32>
    %rev3A_1730 = arith.constant 15 : i32
    %rev3A_1731 = vector.broadcast %rev3A_1730 : i32 to vector<16xi32>
    %rev3A_1732 = tpu.iota {dimensions = array<i32: 0>} : vector<16xi32>
    %rev3A_1733 = arith.subi %rev3A_1731, %rev3A_1732 : vector<16xi32>
    %rev3A_1734 = tpu.dynamic_gather %masked_cumsum3A_1729[%rev3A_1733] in [0] : vector<16xi32>, vector<16xi32> -> vector<16xi32>
    %add3A_1735 = arith.addi %rev3A_1734, %add3A_1692 : vector<16xi32>
    %ge3A_1736 = vector.broadcast %sub3A_1016 : i32 to vector<16xi32>
    %ge3A_1737 = arith.cmpi sge, %add3A_1735, %ge3A_1736 : vector<16xi32>
    %convert_element_type3A_1738 = arith.extui %ge3A_1737 : vector<16xi1> to vector<16xi32>
    %add3A_1739 = arith.addi %add3A_1681, %convert_element_type3A_1738 : vector<16xi32>
    %lt3A_1740 = arith.constant 0 : i32
    %lt3A_1741 = vector.broadcast %lt3A_1740 : i32 to vector<16xi32>
    %lt3A_1742 = arith.cmpi slt, %broadcast_in_dim3A_4, %lt3A_1741 : vector<16xi32>
    %add3A_1743 = arith.constant 16 : i32
    %add3A_1744 = vector.broadcast %add3A_1743 : i32 to vector<16xi32>
    %add3A_1745 = arith.addi %broadcast_in_dim3A_4, %add3A_1744 : vector<16xi32>
    %select_n3A_1746 = arith.select %lt3A_1742, %add3A_1745, %broadcast_in_dim3A_4 : vector<16xi1>, vector<16xi32>
    %broadcast_in_dim3A_1747 = vector.shape_cast %select_n3A_1746 : vector<16xi32> to vector<16x1xi32>
    %gather3A_1748 = vector.shape_cast %broadcast_in_dim3A_1747 : vector<16x1xi32> to vector<16xi32>
    %gather3A_1749 = tpu.dynamic_gather %rev3A_1734[%gather3A_1748] in [0] : vector<16xi32>, vector<16xi32> -> vector<16xi32>
    %add3A_1750 = arith.addi %add3A_1692, %gather3A_1749 : vector<16xi32>
    %lt3A_1751 = arith.constant 0 : i32
    %lt3A_1752 = vector.broadcast %lt3A_1751 : i32 to vector<16xi32>
    %lt3A_1753 = arith.cmpi slt, %broadcast_in_dim3A_4, %lt3A_1752 : vector<16xi32>
    %add3A_1754 = arith.constant 16 : i32
    %add3A_1755 = vector.broadcast %add3A_1754 : i32 to vector<16xi32>
    %add3A_1756 = arith.addi %broadcast_in_dim3A_4, %add3A_1755 : vector<16xi32>
    %select_n3A_1757 = arith.select %lt3A_1753, %add3A_1756, %broadcast_in_dim3A_4 : vector<16xi1>, vector<16xi32>
    %broadcast_in_dim3A_1758 = vector.shape_cast %select_n3A_1757 : vector<16xi32> to vector<16x1xi32>
    %gather3A_1759 = vector.shape_cast %broadcast_in_dim3A_1758 : vector<16x1xi32> to vector<16xi32>
    %gather3A_1760 = tpu.dynamic_gather %convert_element_type3A_1738[%gather3A_1759] in [0] : vector<16xi32>, vector<16xi32> -> vector<16xi32>
    %sub3A_1761 = arith.constant 1 : i32
    %sub3A_1762 = vector.broadcast %sub3A_1761 : i32 to vector<16xi32>
    %sub3A_1763 = arith.subi %sub3A_1762, %select_n3A_1719 : vector<16xi32>
    %mul3A_1764 = arith.muli %gather3A_1760, %sub3A_1763 : vector<16xi32>
    %gt3A_1765 = arith.constant 0 : i32
    %gt3A_1766 = vector.broadcast %gt3A_1765 : i32 to vector<16xi32>
    %gt3A_1767 = arith.cmpi sgt, %mul3A_1764, %gt3A_1766 : vector<16xi32>
    %and3A_1768 = arith.andi %gt3A_1767, %ge3A_1737 : vector<16xi1>
    %select_n3A_1769 = arith.select %and3A_1768, %add3A_1735, %select_n3A_1711 : vector<16xi1>, vector<16xi32>
    %and3A_1770 = arith.andi %gt3A_1767, %ge3A_1737 : vector<16xi1>
    %select_n3A_1771 = arith.select %and3A_1770, %get3A_1721, %select_n3A_1713 : vector<16xi1>, vector<16xi32>
    %and3A_1772 = arith.andi %gt3A_1767, %ge3A_1737 : vector<16xi1>
    %add3A_1773 = arith.constant 48 : i32
    %add3A_1774 = vector.broadcast %add3A_1773 : i32 to vector<16xi32>
    %add3A_1775 = arith.addi %iota3A, %add3A_1774 : vector<16xi32>
    %select_n3A_1776 = arith.select %and3A_1772, %add3A_1775, %select_n3A_1718 : vector<16xi1>, vector<16xi32>
    %select_n3A_1777 = arith.select %gt3A_1767, %broadcast_in_dim3A_0, %select_n3A_1719 : vector<16xi1>, vector<16xi32>
    %get3A_1778 = arith.constant 32 : index
    %get3A_1779 = tpu.vector_load %arg9[%get3A_1778] {strides = array<i32>} : memref<256xi32, #tpu.memory_space<vmem>>, vector<16xi32>,
    %rev3A_1780 = arith.constant 15 : i32
    %rev3A_1781 = vector.broadcast %rev3A_1780 : i32 to vector<16xi32>
    %rev3A_1782 = tpu.iota {dimensions = array<i32: 0>} : vector<16xi32>
    %rev3A_1783 = arith.subi %rev3A_1781, %rev3A_1782 : vector<16xi32>
    %rev3A_1784 = tpu.dynamic_gather %get3A_1779[%rev3A_1783] in [0] : vector<16xi32>, vector<16xi32> -> vector<16xi32>
    %broadcast_in_dim3A_1785 = arith.constant true
    %broadcast_in_dim3A_1786 = vector.broadcast %broadcast_in_dim3A_1785 : i1 to vector<16xi1>
    %masked_cumsum3A_1787 = tpu.scan <sum>, %rev3A_1784 masked %broadcast_in_dim3A_1786 : vector<16xi32>, vector<16xi1> -> vector<16xi32>
    %rev3A_1788 = arith.constant 15 : i32
    %rev3A_1789 = vector.broadcast %rev3A_1788 : i32 to vector<16xi32>
    %rev3A_1790 = tpu.iota {dimensions = array<i32: 0>} : vector<16xi32>
    %rev3A_1791 = arith.subi %rev3A_1789, %rev3A_1790 : vector<16xi32>
    %rev3A_1792 = tpu.dynamic_gather %masked_cumsum3A_1787[%rev3A_1791] in [0] : vector<16xi32>, vector<16xi32> -> vector<16xi32>
    %add3A_1793 = arith.addi %rev3A_1792, %add3A_1750 : vector<16xi32>
    %ge3A_1794 = vector.broadcast %sub3A_1016 : i32 to vector<16xi32>
    %ge3A_1795 = arith.cmpi sge, %add3A_1793, %ge3A_1794 : vector<16xi32>
    %convert_element_type3A_1796 = arith.extui %ge3A_1795 : vector<16xi1> to vector<16xi32>
    %add3A_1797 = arith.addi %add3A_1739, %convert_element_type3A_1796 : vector<16xi32>
    %lt3A_1798 = arith.constant 0 : i32
    %lt3A_1799 = vector.broadcast %lt3A_1798 : i32 to vector<16xi32>
    %lt3A_1800 = arith.cmpi slt, %broadcast_in_dim3A_4, %lt3A_1799 : vector<16xi32>
    %add3A_1801 = arith.constant 16 : i32
    %add3A_1802 = vector.broadcast %add3A_1801 : i32 to vector<16xi32>
    %add3A_1803 = arith.addi %broadcast_in_dim3A_4, %add3A_1802 : vector<16xi32>
    %select_n3A_1804 = arith.select %lt3A_1800, %add3A_1803, %broadcast_in_dim3A_4 : vector<16xi1>, vector<16xi32>
    %broadcast_in_dim3A_1805 = vector.shape_cast %select_n3A_1804 : vector<16xi32> to vector<16x1xi32>
    %gather3A_1806 = vector.shape_cast %broadcast_in_dim3A_1805 : vector<16x1xi32> to vector<16xi32>
    %gather3A_1807 = tpu.dynamic_gather %rev3A_1792[%gather3A_1806] in [0] : vector<16xi32>, vector<16xi32> -> vector<16xi32>
    %add3A_1808 = arith.addi %add3A_1750, %gather3A_1807 : vector<16xi32>
    %lt3A_1809 = arith.constant 0 : i32
    %lt3A_1810 = vector.broadcast %lt3A_1809 : i32 to vector<16xi32>
    %lt3A_1811 = arith.cmpi slt, %broadcast_in_dim3A_4, %lt3A_1810 : vector<16xi32>
    %add3A_1812 = arith.constant 16 : i32
    %add3A_1813 = vector.broadcast %add3A_1812 : i32 to vector<16xi32>
    %add3A_1814 = arith.addi %broadcast_in_dim3A_4, %add3A_1813 : vector<16xi32>
    %select_n3A_1815 = arith.select %lt3A_1811, %add3A_1814, %broadcast_in_dim3A_4 : vector<16xi1>, vector<16xi32>
    %broadcast_in_dim3A_1816 = vector.shape_cast %select_n3A_1815 : vector<16xi32> to vector<16x1xi32>
    %gather3A_1817 = vector.shape_cast %broadcast_in_dim3A_1816 : vector<16x1xi32> to vector<16xi32>
    %gather3A_1818 = tpu.dynamic_gather %convert_element_type3A_1796[%gather3A_1817] in [0] : vector<16xi32>, vector<16xi32> -> vector<16xi32>
    %sub3A_1819 = arith.constant 1 : i32
    %sub3A_1820 = vector.broadcast %sub3A_1819 : i32 to vector<16xi32>
    %sub3A_1821 = arith.subi %sub3A_1820, %select_n3A_1777 : vector<16xi32>
    %mul3A_1822 = arith.muli %gather3A_1818, %sub3A_1821 : vector<16xi32>
    %gt3A_1823 = arith.constant 0 : i32
    %gt3A_1824 = vector.broadcast %gt3A_1823 : i32 to vector<16xi32>
    %gt3A_1825 = arith.cmpi sgt, %mul3A_1822, %gt3A_1824 : vector<16xi32>
    %and3A_1826 = arith.andi %gt3A_1825, %ge3A_1795 : vector<16xi1>
    %select_n3A_1827 = arith.select %and3A_1826, %add3A_1793, %select_n3A_1769 : vector<16xi1>, vector<16xi32>
    %and3A_1828 = arith.andi %gt3A_1825, %ge3A_1795 : vector<16xi1>
    %select_n3A_1829 = arith.select %and3A_1828, %get3A_1779, %select_n3A_1771 : vector<16xi1>, vector<16xi32>
    %and3A_1830 = arith.andi %gt3A_1825, %ge3A_1795 : vector<16xi1>
    %add3A_1831 = arith.constant 32 : i32
    %add3A_1832 = vector.broadcast %add3A_1831 : i32 to vector<16xi32>
    %add3A_1833 = arith.addi %iota3A, %add3A_1832 : vector<16xi32>
    %select_n3A_1834 = arith.select %and3A_1830, %add3A_1833, %select_n3A_1776 : vector<16xi1>, vector<16xi32>
    %select_n3A_1835 = arith.select %gt3A_1825, %broadcast_in_dim3A_0, %select_n3A_1777 : vector<16xi1>, vector<16xi32>
    %get3A_1836 = arith.constant 16 : index
    %get3A_1837 = tpu.vector_load %arg9[%get3A_1836] {strides = array<i32>} : memref<256xi32, #tpu.memory_space<vmem>>, vector<16xi32>,
    %rev3A_1838 = arith.constant 15 : i32
    %rev3A_1839 = vector.broadcast %rev3A_1838 : i32 to vector<16xi32>
    %rev3A_1840 = tpu.iota {dimensions = array<i32: 0>} : vector<16xi32>
    %rev3A_1841 = arith.subi %rev3A_1839, %rev3A_1840 : vector<16xi32>
    %rev3A_1842 = tpu.dynamic_gather %get3A_1837[%rev3A_1841] in [0] : vector<16xi32>, vector<16xi32> -> vector<16xi32>
    %broadcast_in_dim3A_1843 = arith.constant true
    %broadcast_in_dim3A_1844 = vector.broadcast %broadcast_in_dim3A_1843 : i1 to vector<16xi1>
    %masked_cumsum3A_1845 = tpu.scan <sum>, %rev3A_1842 masked %broadcast_in_dim3A_1844 : vector<16xi32>, vector<16xi1> -> vector<16xi32>
    %rev3A_1846 = arith.constant 15 : i32
    %rev3A_1847 = vector.broadcast %rev3A_1846 : i32 to vector<16xi32>
    %rev3A_1848 = tpu.iota {dimensions = array<i32: 0>} : vector<16xi32>
    %rev3A_1849 = arith.subi %rev3A_1847, %rev3A_1848 : vector<16xi32>
    %rev3A_1850 = tpu.dynamic_gather %masked_cumsum3A_1845[%rev3A_1849] in [0] : vector<16xi32>, vector<16xi32> -> vector<16xi32>
    %add3A_1851 = arith.addi %rev3A_1850, %add3A_1808 : vector<16xi32>
    %ge3A_1852 = vector.broadcast %sub3A_1016 : i32 to vector<16xi32>
    %ge3A_1853 = arith.cmpi sge, %add3A_1851, %ge3A_1852 : vector<16xi32>
    %convert_element_type3A_1854 = arith.extui %ge3A_1853 : vector<16xi1> to vector<16xi32>
    %add3A_1855 = arith.addi %add3A_1797, %convert_element_type3A_1854 : vector<16xi32>
    %lt3A_1856 = arith.constant 0 : i32
    %lt3A_1857 = vector.broadcast %lt3A_1856 : i32 to vector<16xi32>
    %lt3A_1858 = arith.cmpi slt, %broadcast_in_dim3A_4, %lt3A_1857 : vector<16xi32>
    %add3A_1859 = arith.constant 16 : i32
    %add3A_1860 = vector.broadcast %add3A_1859 : i32 to vector<16xi32>
    %add3A_1861 = arith.addi %broadcast_in_dim3A_4, %add3A_1860 : vector<16xi32>
    %select_n3A_1862 = arith.select %lt3A_1858, %add3A_1861, %broadcast_in_dim3A_4 : vector<16xi1>, vector<16xi32>
    %broadcast_in_dim3A_1863 = vector.shape_cast %select_n3A_1862 : vector<16xi32> to vector<16x1xi32>
    %gather3A_1864 = vector.shape_cast %broadcast_in_dim3A_1863 : vector<16x1xi32> to vector<16xi32>
    %gather3A_1865 = tpu.dynamic_gather %rev3A_1850[%gather3A_1864] in [0] : vector<16xi32>, vector<16xi32> -> vector<16xi32>
    %add3A_1866 = arith.addi %add3A_1808, %gather3A_1865 : vector<16xi32>
    %lt3A_1867 = arith.constant 0 : i32
    %lt3A_1868 = vector.broadcast %lt3A_1867 : i32 to vector<16xi32>
    %lt3A_1869 = arith.cmpi slt, %broadcast_in_dim3A_4, %lt3A_1868 : vector<16xi32>
    %add3A_1870 = arith.constant 16 : i32
    %add3A_1871 = vector.broadcast %add3A_1870 : i32 to vector<16xi32>
    %add3A_1872 = arith.addi %broadcast_in_dim3A_4, %add3A_1871 : vector<16xi32>
    %select_n3A_1873 = arith.select %lt3A_1869, %add3A_1872, %broadcast_in_dim3A_4 : vector<16xi1>, vector<16xi32>
    %broadcast_in_dim3A_1874 = vector.shape_cast %select_n3A_1873 : vector<16xi32> to vector<16x1xi32>
    %gather3A_1875 = vector.shape_cast %broadcast_in_dim3A_1874 : vector<16x1xi32> to vector<16xi32>
    %gather3A_1876 = tpu.dynamic_gather %convert_element_type3A_1854[%gather3A_1875] in [0] : vector<16xi32>, vector<16xi32> -> vector<16xi32>
    %sub3A_1877 = arith.constant 1 : i32
    %sub3A_1878 = vector.broadcast %sub3A_1877 : i32 to vector<16xi32>
    %sub3A_1879 = arith.subi %sub3A_1878, %select_n3A_1835 : vector<16xi32>
    %mul3A_1880 = arith.muli %gather3A_1876, %sub3A_1879 : vector<16xi32>
    %gt3A_1881 = arith.constant 0 : i32
    %gt3A_1882 = vector.broadcast %gt3A_1881 : i32 to vector<16xi32>
    %gt3A_1883 = arith.cmpi sgt, %mul3A_1880, %gt3A_1882 : vector<16xi32>
    %and3A_1884 = arith.andi %gt3A_1883, %ge3A_1853 : vector<16xi1>
    %select_n3A_1885 = arith.select %and3A_1884, %add3A_1851, %select_n3A_1827 : vector<16xi1>, vector<16xi32>
    %and3A_1886 = arith.andi %gt3A_1883, %ge3A_1853 : vector<16xi1>
    %select_n3A_1887 = arith.select %and3A_1886, %get3A_1837, %select_n3A_1829 : vector<16xi1>, vector<16xi32>
    %and3A_1888 = arith.andi %gt3A_1883, %ge3A_1853 : vector<16xi1>
    %add3A_1889 = arith.constant 16 : i32
    %add3A_1890 = vector.broadcast %add3A_1889 : i32 to vector<16xi32>
    %add3A_1891 = arith.addi %iota3A, %add3A_1890 : vector<16xi32>
    %select_n3A_1892 = arith.select %and3A_1888, %add3A_1891, %select_n3A_1834 : vector<16xi1>, vector<16xi32>
    %select_n3A_1893 = arith.select %gt3A_1883, %broadcast_in_dim3A_0, %select_n3A_1835 : vector<16xi1>, vector<16xi32>
    %get3A_1894 = arith.constant 0 : index
    %get3A_1895 = tpu.vector_load %arg9[%get3A_1894] {strides = array<i32>} : memref<256xi32, #tpu.memory_space<vmem>>, vector<16xi32>,
    %rev3A_1896 = arith.constant 15 : i32
    %rev3A_1897 = vector.broadcast %rev3A_1896 : i32 to vector<16xi32>
    %rev3A_1898 = tpu.iota {dimensions = array<i32: 0>} : vector<16xi32>
    %rev3A_1899 = arith.subi %rev3A_1897, %rev3A_1898 : vector<16xi32>
    %rev3A_1900 = tpu.dynamic_gather %get3A_1895[%rev3A_1899] in [0] : vector<16xi32>, vector<16xi32> -> vector<16xi32>
    %broadcast_in_dim3A_1901 = arith.constant true
    %broadcast_in_dim3A_1902 = vector.broadcast %broadcast_in_dim3A_1901 : i1 to vector<16xi1>
    %masked_cumsum3A_1903 = tpu.scan <sum>, %rev3A_1900 masked %broadcast_in_dim3A_1902 : vector<16xi32>, vector<16xi1> -> vector<16xi32>
    %rev3A_1904 = arith.constant 15 : i32
    %rev3A_1905 = vector.broadcast %rev3A_1904 : i32 to vector<16xi32>
    %rev3A_1906 = tpu.iota {dimensions = array<i32: 0>} : vector<16xi32>
    %rev3A_1907 = arith.subi %rev3A_1905, %rev3A_1906 : vector<16xi32>
    %rev3A_1908 = tpu.dynamic_gather %masked_cumsum3A_1903[%rev3A_1907] in [0] : vector<16xi32>, vector<16xi32> -> vector<16xi32>
    %add3A_1909 = arith.addi %rev3A_1908, %add3A_1866 : vector<16xi32>
    %ge3A_1910 = vector.broadcast %sub3A_1016 : i32 to vector<16xi32>
    %ge3A_1911 = arith.cmpi sge, %add3A_1909, %ge3A_1910 : vector<16xi32>
    %convert_element_type3A_1912 = arith.extui %ge3A_1911 : vector<16xi1> to vector<16xi32>
    %add3A_1913 = arith.addi %add3A_1855, %convert_element_type3A_1912 : vector<16xi32>
    %lt3A_1914 = arith.constant 0 : i32
    %lt3A_1915 = vector.broadcast %lt3A_1914 : i32 to vector<16xi32>
    %lt3A_1916 = arith.cmpi slt, %broadcast_in_dim3A_4, %lt3A_1915 : vector<16xi32>
    %add3A_1917 = arith.constant 16 : i32
    %add3A_1918 = vector.broadcast %add3A_1917 : i32 to vector<16xi32>
    %add3A_1919 = arith.addi %broadcast_in_dim3A_4, %add3A_1918 : vector<16xi32>
    %select_n3A_1920 = arith.select %lt3A_1916, %add3A_1919, %broadcast_in_dim3A_4 : vector<16xi1>, vector<16xi32>
    %broadcast_in_dim3A_1921 = vector.shape_cast %select_n3A_1920 : vector<16xi32> to vector<16x1xi32>
    %gather3A_1922 = vector.shape_cast %broadcast_in_dim3A_1921 : vector<16x1xi32> to vector<16xi32>
    %gather3A_1923 = tpu.dynamic_gather %rev3A_1908[%gather3A_1922] in [0] : vector<16xi32>, vector<16xi32> -> vector<16xi32>
    %add3A_1924 = arith.addi %add3A_1866, %gather3A_1923 : vector<16xi32>
    %lt3A_1925 = arith.constant 0 : i32
    %lt3A_1926 = vector.broadcast %lt3A_1925 : i32 to vector<16xi32>
    %lt3A_1927 = arith.cmpi slt, %broadcast_in_dim3A_4, %lt3A_1926 : vector<16xi32>
    %add3A_1928 = arith.constant 16 : i32
    %add3A_1929 = vector.broadcast %add3A_1928 : i32 to vector<16xi32>
    %add3A_1930 = arith.addi %broadcast_in_dim3A_4, %add3A_1929 : vector<16xi32>
    %select_n3A_1931 = arith.select %lt3A_1927, %add3A_1930, %broadcast_in_dim3A_4 : vector<16xi1>, vector<16xi32>
    %broadcast_in_dim3A_1932 = vector.shape_cast %select_n3A_1931 : vector<16xi32> to vector<16x1xi32>
    %gather3A_1933 = vector.shape_cast %broadcast_in_dim3A_1932 : vector<16x1xi32> to vector<16xi32>
    %gather3A_1934 = tpu.dynamic_gather %convert_element_type3A_1912[%gather3A_1933] in [0] : vector<16xi32>, vector<16xi32> -> vector<16xi32>
    %sub3A_1935 = arith.constant 1 : i32
    %sub3A_1936 = vector.broadcast %sub3A_1935 : i32 to vector<16xi32>
    %sub3A_1937 = arith.subi %sub3A_1936, %select_n3A_1893 : vector<16xi32>
    %mul3A_1938 = arith.muli %gather3A_1934, %sub3A_1937 : vector<16xi32>
    %gt3A_1939 = arith.constant 0 : i32
    %gt3A_1940 = vector.broadcast %gt3A_1939 : i32 to vector<16xi32>
    %gt3A_1941 = arith.cmpi sgt, %mul3A_1938, %gt3A_1940 : vector<16xi32>
    %and3A_1942 = arith.andi %gt3A_1941, %ge3A_1911 : vector<16xi1>
    %select_n3A_1943 = arith.select %and3A_1942, %add3A_1909, %select_n3A_1885 : vector<16xi1>, vector<16xi32>
    %and3A_1944 = arith.andi %gt3A_1941, %ge3A_1911 : vector<16xi1>
    %select_n3A_1945 = arith.select %and3A_1944, %get3A_1895, %select_n3A_1887 : vector<16xi1>, vector<16xi32>
    %and3A_1946 = arith.andi %gt3A_1941, %ge3A_1911 : vector<16xi1>
    %add3A_1947 = arith.constant 0 : i32
    %add3A_1948 = vector.broadcast %add3A_1947 : i32 to vector<16xi32>
    %add3A_1949 = arith.addi %iota3A, %add3A_1948 : vector<16xi32>
    %select_n3A_1950 = arith.select %and3A_1946, %add3A_1949, %select_n3A_1892 : vector<16xi1>, vector<16xi32>
    %select_n3A_1951 = arith.select %gt3A_1941, %broadcast_in_dim3A_0, %select_n3A_1893 : vector<16xi1>, vector<16xi32>
    %reduce_sum3A_1952 = arith.constant true
    %reduce_sum3A_1953 = vector.broadcast %reduce_sum3A_1952 : i1 to vector<16xi1>
    %reduce_sum3A_1954 = tpu.scan <sum>, %add3A_1913 masked %reduce_sum3A_1953 : vector<16xi32>, vector<16xi1> -> vector<16xi32>
    %reduce_sum3A_1955 = vector.extract %reduce_sum3A_1954[15] : i32 from vector<16xi32>
    %sub3A_1956 = arith.constant 1 : i32
    %sub3A_1957 = arith.subi %reduce_sum3A_1955, %sub3A_1956 : i32
    %eq3A_1958 = vector.broadcast %sub3A_1957 : i32 to vector<16xi32>
    %eq3A_1959 = arith.cmpi eq, %select_n3A_1950, %eq3A_1958 : vector<16xi32>
    %convert_element_type3A_1960 = arith.extui %eq3A_1959 : vector<16xi1> to vector<16xi32>
    %mul3A_1961 = arith.muli %convert_element_type3A_1960, %select_n3A_1945 : vector<16xi32>
    %reduce_max3A_1962 = arith.constant true
    %reduce_max3A_1963 = vector.broadcast %reduce_max3A_1962 : i1 to vector<16xi1>
    %reduce_max3A_1964 = arith.constant -2147483648 : i32
    %reduce_max3A_1965 = vector.broadcast %reduce_max3A_1964 : i32 to vector<16xi32>
    %reduce_max3A_1966 = arith.xori %mul3A_1961, %reduce_max3A_1965 : vector<16xi32>
    %reduce_max3A_1967 = tpu.scan <max>, %reduce_max3A_1966 masked %reduce_max3A_1963 : vector<16xi32>, vector<16xi1> -> vector<16xi32>
    %reduce_max3A_1968 = arith.xori %reduce_max3A_1967, %reduce_max3A_1965 : vector<16xi32>
    %reduce_max3A_1969 = vector.extract %reduce_max3A_1968[15] : i32 from vector<16xi32>
    %mul3A_1970 = arith.muli %convert_element_type3A_1960, %select_n3A_1943 : vector<16xi32>
    %reduce_max3A_1971 = arith.constant true
    %reduce_max3A_1972 = vector.broadcast %reduce_max3A_1971 : i1 to vector<16xi1>
    %reduce_max3A_1973 = arith.constant -2147483648 : i32
    %reduce_max3A_1974 = vector.broadcast %reduce_max3A_1973 : i32 to vector<16xi32>
    %reduce_max3A_1975 = arith.xori %mul3A_1970, %reduce_max3A_1974 : vector<16xi32>
    %reduce_max3A_1976 = tpu.scan <max>, %reduce_max3A_1975 masked %reduce_max3A_1972 : vector<16xi32>, vector<16xi1> -> vector<16xi32>
    %reduce_max3A_1977 = arith.xori %reduce_max3A_1976, %reduce_max3A_1974 : vector<16xi32>
    %reduce_max3A_1978 = vector.extract %reduce_max3A_1977[15] : i32 from vector<16xi32>
    %sub3A_1979 = arith.subi %reduce_max3A_1978, %reduce_max3A_1969 : i32
    %sub3A_1980 = arith.subi %sub3A_1016, %sub3A_1979 : i32
    %reduce_max3A_1981 = arith.constant true
    %reduce_max3A_1982 = vector.broadcast %reduce_max3A_1981 : i1 to vector<16xi1>
    %reduce_max3A_1983 = arith.constant -2147483648 : i32
    %reduce_max3A_1984 = vector.broadcast %reduce_max3A_1983 : i32 to vector<16xi32>
    %reduce_max3A_1985 = arith.xori %parallel_loop3A_1020, %reduce_max3A_1984 : vector<16xi32>
    %reduce_max3A_1986 = tpu.scan <max>, %reduce_max3A_1985 masked %reduce_max3A_1982 : vector<16xi32>, vector<16xi1> -> vector<16xi32>
    %reduce_max3A_1987 = arith.xori %reduce_max3A_1986, %reduce_max3A_1984 : vector<16xi32>
    %reduce_max3A_1988 = vector.extract %reduce_max3A_1987[15] : i32 from vector<16xi32>
    %parallel_loop3A_1989 = arith.constant 0 : i32
    %parallel_loop3A_1990 = arith.constant 1 : i32
    %parallel_loop3A_1991 = scf.for %parallel_loop3A_3986 = %parallel_loop3A_1989 to %reduce_max3A_1988 step %parallel_loop3A_1990 iter_args(%parallel_loop3A_3987 = %broadcast_in_dim3A_2) -> (vector<16xi32>)  : i32 {
      %parallel_loop3A_3988 = vector.broadcast %parallel_loop3A_3986 : i32 to vector<16xi32>
      %parallel_loop3A_3989 = arith.cmpi slt, %parallel_loop3A_3988, %parallel_loop3A_1020 : vector<16xi32>
      %parallel_loop3A_3990 = arith.constant 512 : i32
      %parallel_loop3A_3991 = vector.broadcast %parallel_loop3A_3990 : i32 to vector<16xi32>
      %parallel_loop3A_3992 = arith.muli %iota3A, %parallel_loop3A_3991 : vector<16xi32>
      %parallel_loop3A_3993 = vector.broadcast %parallel_loop3A_3986 : i32 to vector<16xi32>
      %parallel_loop3A_3994 = arith.addi %parallel_loop3A_3992, %parallel_loop3A_3993 : vector<16xi32>
      %parallel_loop3A_3995 = tpu.vector_load_idx %arg6[%parallel_loop3A_3994] masked %parallel_loop3A_3989 : memref<8192xi32, #tpu.memory_space<vmem>>[vector<16xi32>], vector<16xi32>, vector<16xi1>
      %parallel_loop3A_3996 = arith.constant 16 : i32
      %parallel_loop3A_3997 = vector.broadcast %parallel_loop3A_3996 : i32 to vector<16xi32>
      %parallel_loop3A_3998 = arith.shrsi %parallel_loop3A_3995, %parallel_loop3A_3997 : vector<16xi32>
      %parallel_loop3A_3999 = arith.constant 255 : i32
      %parallel_loop3A_4000 = vector.broadcast %parallel_loop3A_3999 : i32 to vector<16xi32>
      %parallel_loop3A_4001 = arith.andi %parallel_loop3A_3998, %parallel_loop3A_4000 : vector<16xi32>
      %parallel_loop3A_4002 = vector.broadcast %sub3A_1957 : i32 to vector<16xi32>
      %parallel_loop3A_4003 = arith.cmpi eq, %parallel_loop3A_4001, %parallel_loop3A_4002 : vector<16xi32>
      %parallel_loop3A_4004 = arith.andi %parallel_loop3A_3989, %parallel_loop3A_4003 : vector<16xi1>
      %parallel_loop3A_4005 = arith.constant 512 : i32
      %parallel_loop3A_4006 = vector.broadcast %parallel_loop3A_4005 : i32 to vector<16xi32>
      %parallel_loop3A_4007 = arith.muli %iota3A, %parallel_loop3A_4006 : vector<16xi32>
      %parallel_loop3A_4008 = arith.addi %parallel_loop3A_4007, %parallel_loop3A_3987 : vector<16xi32>
      tpu.vector_store_idx %arg7[%parallel_loop3A_4008], %parallel_loop3A_3995 masked %parallel_loop3A_4004 : memref<8192xi32, #tpu.memory_space<vmem>>[vector<16xi32>], vector<16xi32>, vector<16xi1>
      %parallel_loop3A_4009 = arith.constant 8 : i32
      %parallel_loop3A_4010 = vector.broadcast %parallel_loop3A_4009 : i32 to vector<16xi32>
      %parallel_loop3A_4011 = arith.shrsi %parallel_loop3A_3995, %parallel_loop3A_4010 : vector<16xi32>
      %parallel_loop3A_4012 = arith.constant 255 : i32
      %parallel_loop3A_4013 = vector.broadcast %parallel_loop3A_4012 : i32 to vector<16xi32>
      %parallel_loop3A_4014 = arith.andi %parallel_loop3A_4011, %parallel_loop3A_4013 : vector<16xi32>
      tpu.vector_store_idx %arg8[%parallel_loop3A_4014], %broadcast_in_dim3A_0 masked %parallel_loop3A_4004 {add = true} : memref<256xi32, #tpu.memory_space<vmem>>[vector<16xi32>], vector<16xi32>, vector<16xi1>
      %parallel_loop3A_4015 = arith.extui %parallel_loop3A_4004 : vector<16xi1> to vector<16xi32>
      %parallel_loop3A_4016 = arith.addi %parallel_loop3A_3987, %parallel_loop3A_4015 : vector<16xi32>
      scf.yield %parallel_loop3A_4016 : vector<16xi32>
    } {sc.loop_unroll_factor = 4 : i64, sc.parallel_access}
    %parallel_loop3A_1992 = arith.constant 0 : i32
    %parallel_loop3A_1993 = arith.constant 16 : i32
    %parallel_loop3A_1994 = arith.constant 1 : i32
    scf.for %parallel_loop3A_3986 = %parallel_loop3A_1992 to %parallel_loop3A_1993 step %parallel_loop3A_1994  : i32 {
      %parallel_loop3A_3987 = arith.constant 16 : i32
      %parallel_loop3A_3988 = arith.muli %parallel_loop3A_3986, %parallel_loop3A_3987 : i32
      %parallel_loop3A_3989 = arith.index_cast %parallel_loop3A_3988 : i32 to index
      %parallel_loop3A_3990 = tpu.vector_load %arg8[%parallel_loop3A_3989] {strides = array<i32>} : memref<256xi32, #tpu.memory_space<vmem>>, vector<16xi32>,
      %parallel_loop3A_3991 = arith.constant 16 : i32
      %parallel_loop3A_3992 = arith.muli %parallel_loop3A_3986, %parallel_loop3A_3991 : i32
      %parallel_loop3A_3993 = arith.index_cast %parallel_loop3A_3992 : i32 to index
      %parallel_loop3A_3994 = tpu.vector_load %arg9[%parallel_loop3A_3993] {strides = array<i32>} : memref<256xi32, #tpu.memory_space<vmem>>, vector<16xi32>,
      tpu.vector_store %arg9[%parallel_loop3A_3993], %parallel_loop3A_3990 {strides = array<i32>} : memref<256xi32, #tpu.memory_space<vmem>>, vector<16xi32>,
      %parallel_loop3A_3995 = arith.constant 16 : i32
      %parallel_loop3A_3996 = arith.muli %parallel_loop3A_3986, %parallel_loop3A_3995 : i32
      %parallel_loop3A_3997 = arith.index_cast %parallel_loop3A_3996 : i32 to index
      %parallel_loop3A_3998 = tpu.vector_load %arg8[%parallel_loop3A_3997] {strides = array<i32>} : memref<256xi32, #tpu.memory_space<vmem>>, vector<16xi32>,
      tpu.vector_store %arg8[%parallel_loop3A_3997], %broadcast_in_dim3A_2 {strides = array<i32>} : memref<256xi32, #tpu.memory_space<vmem>>, vector<16xi32>,
    } {sc.loop_unroll_factor = 1 : i64, sc.parallel_access}
    %get3A_1995 = arith.constant 240 : index
    %get3A_1996 = tpu.vector_load %arg9[%get3A_1995] {strides = array<i32>} : memref<256xi32, #tpu.memory_space<vmem>>, vector<16xi32>,
    %rev3A_1997 = arith.constant 15 : i32
    %rev3A_1998 = vector.broadcast %rev3A_1997 : i32 to vector<16xi32>
    %rev3A_1999 = tpu.iota {dimensions = array<i32: 0>} : vector<16xi32>
    %rev3A_2000 = arith.subi %rev3A_1998, %rev3A_1999 : vector<16xi32>
    %rev3A_2001 = tpu.dynamic_gather %get3A_1996[%rev3A_2000] in [0] : vector<16xi32>, vector<16xi32> -> vector<16xi32>
    %broadcast_in_dim3A_2002 = arith.constant true
    %broadcast_in_dim3A_2003 = vector.broadcast %broadcast_in_dim3A_2002 : i1 to vector<16xi1>
    %masked_cumsum3A_2004 = tpu.scan <sum>, %rev3A_2001 masked %broadcast_in_dim3A_2003 : vector<16xi32>, vector<16xi1> -> vector<16xi32>
    %rev3A_2005 = arith.constant 15 : i32
    %rev3A_2006 = vector.broadcast %rev3A_2005 : i32 to vector<16xi32>
    %rev3A_2007 = tpu.iota {dimensions = array<i32: 0>} : vector<16xi32>
    %rev3A_2008 = arith.subi %rev3A_2006, %rev3A_2007 : vector<16xi32>
    %rev3A_2009 = tpu.dynamic_gather %masked_cumsum3A_2004[%rev3A_2008] in [0] : vector<16xi32>, vector<16xi32> -> vector<16xi32>
    %add3A_2010 = arith.addi %rev3A_2009, %broadcast_in_dim3A_2 : vector<16xi32>
    %ge3A_2011 = vector.broadcast %sub3A_1980 : i32 to vector<16xi32>
    %ge3A_2012 = arith.cmpi sge, %add3A_2010, %ge3A_2011 : vector<16xi32>
    %convert_element_type3A_2013 = arith.extui %ge3A_2012 : vector<16xi1> to vector<16xi32>
    %add3A_2014 = arith.addi %broadcast_in_dim3A_2, %convert_element_type3A_2013 : vector<16xi32>
    %lt3A_2015 = arith.constant 0 : i32
    %lt3A_2016 = vector.broadcast %lt3A_2015 : i32 to vector<16xi32>
    %lt3A_2017 = arith.cmpi slt, %broadcast_in_dim3A_4, %lt3A_2016 : vector<16xi32>
    %add3A_2018 = arith.constant 16 : i32
    %add3A_2019 = vector.broadcast %add3A_2018 : i32 to vector<16xi32>
    %add3A_2020 = arith.addi %broadcast_in_dim3A_4, %add3A_2019 : vector<16xi32>
    %select_n3A_2021 = arith.select %lt3A_2017, %add3A_2020, %broadcast_in_dim3A_4 : vector<16xi1>, vector<16xi32>
    %broadcast_in_dim3A_2022 = vector.shape_cast %select_n3A_2021 : vector<16xi32> to vector<16x1xi32>
    %gather3A_2023 = vector.shape_cast %broadcast_in_dim3A_2022 : vector<16x1xi32> to vector<16xi32>
    %gather3A_2024 = tpu.dynamic_gather %rev3A_2009[%gather3A_2023] in [0] : vector<16xi32>, vector<16xi32> -> vector<16xi32>
    %add3A_2025 = arith.addi %broadcast_in_dim3A_2, %gather3A_2024 : vector<16xi32>
    %lt3A_2026 = arith.constant 0 : i32
    %lt3A_2027 = vector.broadcast %lt3A_2026 : i32 to vector<16xi32>
    %lt3A_2028 = arith.cmpi slt, %broadcast_in_dim3A_4, %lt3A_2027 : vector<16xi32>
    %add3A_2029 = arith.constant 16 : i32
    %add3A_2030 = vector.broadcast %add3A_2029 : i32 to vector<16xi32>
    %add3A_2031 = arith.addi %broadcast_in_dim3A_4, %add3A_2030 : vector<16xi32>
    %select_n3A_2032 = arith.select %lt3A_2028, %add3A_2031, %broadcast_in_dim3A_4 : vector<16xi1>, vector<16xi32>
    %broadcast_in_dim3A_2033 = vector.shape_cast %select_n3A_2032 : vector<16xi32> to vector<16x1xi32>
    %gather3A_2034 = vector.shape_cast %broadcast_in_dim3A_2033 : vector<16x1xi32> to vector<16xi32>
    %gather3A_2035 = tpu.dynamic_gather %convert_element_type3A_2013[%gather3A_2034] in [0] : vector<16xi32>, vector<16xi32> -> vector<16xi32>
    %sub3A_2036 = arith.constant 1 : i32
    %sub3A_2037 = vector.broadcast %sub3A_2036 : i32 to vector<16xi32>
    %sub3A_2038 = arith.subi %sub3A_2037, %broadcast_in_dim3A_2 : vector<16xi32>
    %mul3A_2039 = arith.muli %gather3A_2035, %sub3A_2038 : vector<16xi32>
    %gt3A_2040 = arith.constant 0 : i32
    %gt3A_2041 = vector.broadcast %gt3A_2040 : i32 to vector<16xi32>
    %gt3A_2042 = arith.cmpi sgt, %mul3A_2039, %gt3A_2041 : vector<16xi32>
    %and3A_2043 = arith.andi %gt3A_2042, %ge3A_2012 : vector<16xi1>
    %select_n3A_2044 = arith.select %and3A_2043, %add3A_2010, %broadcast_in_dim3A_2 : vector<16xi1>, vector<16xi32>
    %and3A_2045 = arith.andi %gt3A_2042, %ge3A_2012 : vector<16xi1>
    %select_n3A_2046 = arith.select %and3A_2045, %get3A_1996, %broadcast_in_dim3A_2 : vector<16xi1>, vector<16xi32>
    %and3A_2047 = arith.andi %gt3A_2042, %ge3A_2012 : vector<16xi1>
    %add3A_2048 = arith.constant 240 : i32
    %add3A_2049 = vector.broadcast %add3A_2048 : i32 to vector<16xi32>
    %add3A_2050 = arith.addi %iota3A, %add3A_2049 : vector<16xi32>
    %select_n3A_2051 = arith.select %and3A_2047, %add3A_2050, %broadcast_in_dim3A_2 : vector<16xi1>, vector<16xi32>
    %select_n3A_2052 = arith.select %gt3A_2042, %broadcast_in_dim3A_0, %broadcast_in_dim3A_2 : vector<16xi1>, vector<16xi32>
    %get3A_2053 = arith.constant 224 : index
    %get3A_2054 = tpu.vector_load %arg9[%get3A_2053] {strides = array<i32>} : memref<256xi32, #tpu.memory_space<vmem>>, vector<16xi32>,
    %rev3A_2055 = arith.constant 15 : i32
    %rev3A_2056 = vector.broadcast %rev3A_2055 : i32 to vector<16xi32>
    %rev3A_2057 = tpu.iota {dimensions = array<i32: 0>} : vector<16xi32>
    %rev3A_2058 = arith.subi %rev3A_2056, %rev3A_2057 : vector<16xi32>
    %rev3A_2059 = tpu.dynamic_gather %get3A_2054[%rev3A_2058] in [0] : vector<16xi32>, vector<16xi32> -> vector<16xi32>
    %broadcast_in_dim3A_2060 = arith.constant true
    %broadcast_in_dim3A_2061 = vector.broadcast %broadcast_in_dim3A_2060 : i1 to vector<16xi1>
    %masked_cumsum3A_2062 = tpu.scan <sum>, %rev3A_2059 masked %broadcast_in_dim3A_2061 : vector<16xi32>, vector<16xi1> -> vector<16xi32>
    %rev3A_2063 = arith.constant 15 : i32
    %rev3A_2064 = vector.broadcast %rev3A_2063 : i32 to vector<16xi32>
    %rev3A_2065 = tpu.iota {dimensions = array<i32: 0>} : vector<16xi32>
    %rev3A_2066 = arith.subi %rev3A_2064, %rev3A_2065 : vector<16xi32>
    %rev3A_2067 = tpu.dynamic_gather %masked_cumsum3A_2062[%rev3A_2066] in [0] : vector<16xi32>, vector<16xi32> -> vector<16xi32>
    %add3A_2068 = arith.addi %rev3A_2067, %add3A_2025 : vector<16xi32>
    %ge3A_2069 = vector.broadcast %sub3A_1980 : i32 to vector<16xi32>
    %ge3A_2070 = arith.cmpi sge, %add3A_2068, %ge3A_2069 : vector<16xi32>
    %convert_element_type3A_2071 = arith.extui %ge3A_2070 : vector<16xi1> to vector<16xi32>
    %add3A_2072 = arith.addi %add3A_2014, %convert_element_type3A_2071 : vector<16xi32>
    %lt3A_2073 = arith.constant 0 : i32
    %lt3A_2074 = vector.broadcast %lt3A_2073 : i32 to vector<16xi32>
    %lt3A_2075 = arith.cmpi slt, %broadcast_in_dim3A_4, %lt3A_2074 : vector<16xi32>
    %add3A_2076 = arith.constant 16 : i32
    %add3A_2077 = vector.broadcast %add3A_2076 : i32 to vector<16xi32>
    %add3A_2078 = arith.addi %broadcast_in_dim3A_4, %add3A_2077 : vector<16xi32>
    %select_n3A_2079 = arith.select %lt3A_2075, %add3A_2078, %broadcast_in_dim3A_4 : vector<16xi1>, vector<16xi32>
    %broadcast_in_dim3A_2080 = vector.shape_cast %select_n3A_2079 : vector<16xi32> to vector<16x1xi32>
    %gather3A_2081 = vector.shape_cast %broadcast_in_dim3A_2080 : vector<16x1xi32> to vector<16xi32>
    %gather3A_2082 = tpu.dynamic_gather %rev3A_2067[%gather3A_2081] in [0] : vector<16xi32>, vector<16xi32> -> vector<16xi32>
    %add3A_2083 = arith.addi %add3A_2025, %gather3A_2082 : vector<16xi32>
    %lt3A_2084 = arith.constant 0 : i32
    %lt3A_2085 = vector.broadcast %lt3A_2084 : i32 to vector<16xi32>
    %lt3A_2086 = arith.cmpi slt, %broadcast_in_dim3A_4, %lt3A_2085 : vector<16xi32>
    %add3A_2087 = arith.constant 16 : i32
    %add3A_2088 = vector.broadcast %add3A_2087 : i32 to vector<16xi32>
    %add3A_2089 = arith.addi %broadcast_in_dim3A_4, %add3A_2088 : vector<16xi32>
    %select_n3A_2090 = arith.select %lt3A_2086, %add3A_2089, %broadcast_in_dim3A_4 : vector<16xi1>, vector<16xi32>
    %broadcast_in_dim3A_2091 = vector.shape_cast %select_n3A_2090 : vector<16xi32> to vector<16x1xi32>
    %gather3A_2092 = vector.shape_cast %broadcast_in_dim3A_2091 : vector<16x1xi32> to vector<16xi32>
    %gather3A_2093 = tpu.dynamic_gather %convert_element_type3A_2071[%gather3A_2092] in [0] : vector<16xi32>, vector<16xi32> -> vector<16xi32>
    %sub3A_2094 = arith.constant 1 : i32
    %sub3A_2095 = vector.broadcast %sub3A_2094 : i32 to vector<16xi32>
    %sub3A_2096 = arith.subi %sub3A_2095, %select_n3A_2052 : vector<16xi32>
    %mul3A_2097 = arith.muli %gather3A_2093, %sub3A_2096 : vector<16xi32>
    %gt3A_2098 = arith.constant 0 : i32
    %gt3A_2099 = vector.broadcast %gt3A_2098 : i32 to vector<16xi32>
    %gt3A_2100 = arith.cmpi sgt, %mul3A_2097, %gt3A_2099 : vector<16xi32>
    %and3A_2101 = arith.andi %gt3A_2100, %ge3A_2070 : vector<16xi1>
    %select_n3A_2102 = arith.select %and3A_2101, %add3A_2068, %select_n3A_2044 : vector<16xi1>, vector<16xi32>
    %and3A_2103 = arith.andi %gt3A_2100, %ge3A_2070 : vector<16xi1>
    %select_n3A_2104 = arith.select %and3A_2103, %get3A_2054, %select_n3A_2046 : vector<16xi1>, vector<16xi32>
    %and3A_2105 = arith.andi %gt3A_2100, %ge3A_2070 : vector<16xi1>
    %add3A_2106 = arith.constant 224 : i32
    %add3A_2107 = vector.broadcast %add3A_2106 : i32 to vector<16xi32>
    %add3A_2108 = arith.addi %iota3A, %add3A_2107 : vector<16xi32>
    %select_n3A_2109 = arith.select %and3A_2105, %add3A_2108, %select_n3A_2051 : vector<16xi1>, vector<16xi32>
    %select_n3A_2110 = arith.select %gt3A_2100, %broadcast_in_dim3A_0, %select_n3A_2052 : vector<16xi1>, vector<16xi32>
    %get3A_2111 = arith.constant 208 : index
    %get3A_2112 = tpu.vector_load %arg9[%get3A_2111] {strides = array<i32>} : memref<256xi32, #tpu.memory_space<vmem>>, vector<16xi32>,
    %rev3A_2113 = arith.constant 15 : i32
    %rev3A_2114 = vector.broadcast %rev3A_2113 : i32 to vector<16xi32>
    %rev3A_2115 = tpu.iota {dimensions = array<i32: 0>} : vector<16xi32>
    %rev3A_2116 = arith.subi %rev3A_2114, %rev3A_2115 : vector<16xi32>
    %rev3A_2117 = tpu.dynamic_gather %get3A_2112[%rev3A_2116] in [0] : vector<16xi32>, vector<16xi32> -> vector<16xi32>
    %broadcast_in_dim3A_2118 = arith.constant true
    %broadcast_in_dim3A_2119 = vector.broadcast %broadcast_in_dim3A_2118 : i1 to vector<16xi1>
    %masked_cumsum3A_2120 = tpu.scan <sum>, %rev3A_2117 masked %broadcast_in_dim3A_2119 : vector<16xi32>, vector<16xi1> -> vector<16xi32>
    %rev3A_2121 = arith.constant 15 : i32
    %rev3A_2122 = vector.broadcast %rev3A_2121 : i32 to vector<16xi32>
    %rev3A_2123 = tpu.iota {dimensions = array<i32: 0>} : vector<16xi32>
    %rev3A_2124 = arith.subi %rev3A_2122, %rev3A_2123 : vector<16xi32>
    %rev3A_2125 = tpu.dynamic_gather %masked_cumsum3A_2120[%rev3A_2124] in [0] : vector<16xi32>, vector<16xi32> -> vector<16xi32>
    %add3A_2126 = arith.addi %rev3A_2125, %add3A_2083 : vector<16xi32>
    %ge3A_2127 = vector.broadcast %sub3A_1980 : i32 to vector<16xi32>
    %ge3A_2128 = arith.cmpi sge, %add3A_2126, %ge3A_2127 : vector<16xi32>
    %convert_element_type3A_2129 = arith.extui %ge3A_2128 : vector<16xi1> to vector<16xi32>
    %add3A_2130 = arith.addi %add3A_2072, %convert_element_type3A_2129 : vector<16xi32>
    %lt3A_2131 = arith.constant 0 : i32
    %lt3A_2132 = vector.broadcast %lt3A_2131 : i32 to vector<16xi32>
    %lt3A_2133 = arith.cmpi slt, %broadcast_in_dim3A_4, %lt3A_2132 : vector<16xi32>
    %add3A_2134 = arith.constant 16 : i32
    %add3A_2135 = vector.broadcast %add3A_2134 : i32 to vector<16xi32>
    %add3A_2136 = arith.addi %broadcast_in_dim3A_4, %add3A_2135 : vector<16xi32>
    %select_n3A_2137 = arith.select %lt3A_2133, %add3A_2136, %broadcast_in_dim3A_4 : vector<16xi1>, vector<16xi32>
    %broadcast_in_dim3A_2138 = vector.shape_cast %select_n3A_2137 : vector<16xi32> to vector<16x1xi32>
    %gather3A_2139 = vector.shape_cast %broadcast_in_dim3A_2138 : vector<16x1xi32> to vector<16xi32>
    %gather3A_2140 = tpu.dynamic_gather %rev3A_2125[%gather3A_2139] in [0] : vector<16xi32>, vector<16xi32> -> vector<16xi32>
    %add3A_2141 = arith.addi %add3A_2083, %gather3A_2140 : vector<16xi32>
    %lt3A_2142 = arith.constant 0 : i32
    %lt3A_2143 = vector.broadcast %lt3A_2142 : i32 to vector<16xi32>
    %lt3A_2144 = arith.cmpi slt, %broadcast_in_dim3A_4, %lt3A_2143 : vector<16xi32>
    %add3A_2145 = arith.constant 16 : i32
    %add3A_2146 = vector.broadcast %add3A_2145 : i32 to vector<16xi32>
    %add3A_2147 = arith.addi %broadcast_in_dim3A_4, %add3A_2146 : vector<16xi32>
    %select_n3A_2148 = arith.select %lt3A_2144, %add3A_2147, %broadcast_in_dim3A_4 : vector<16xi1>, vector<16xi32>
    %broadcast_in_dim3A_2149 = vector.shape_cast %select_n3A_2148 : vector<16xi32> to vector<16x1xi32>
    %gather3A_2150 = vector.shape_cast %broadcast_in_dim3A_2149 : vector<16x1xi32> to vector<16xi32>
    %gather3A_2151 = tpu.dynamic_gather %convert_element_type3A_2129[%gather3A_2150] in [0] : vector<16xi32>, vector<16xi32> -> vector<16xi32>
    %sub3A_2152 = arith.constant 1 : i32
    %sub3A_2153 = vector.broadcast %sub3A_2152 : i32 to vector<16xi32>
    %sub3A_2154 = arith.subi %sub3A_2153, %select_n3A_2110 : vector<16xi32>
    %mul3A_2155 = arith.muli %gather3A_2151, %sub3A_2154 : vector<16xi32>
    %gt3A_2156 = arith.constant 0 : i32
    %gt3A_2157 = vector.broadcast %gt3A_2156 : i32 to vector<16xi32>
    %gt3A_2158 = arith.cmpi sgt, %mul3A_2155, %gt3A_2157 : vector<16xi32>
    %and3A_2159 = arith.andi %gt3A_2158, %ge3A_2128 : vector<16xi1>
    %select_n3A_2160 = arith.select %and3A_2159, %add3A_2126, %select_n3A_2102 : vector<16xi1>, vector<16xi32>
    %and3A_2161 = arith.andi %gt3A_2158, %ge3A_2128 : vector<16xi1>
    %select_n3A_2162 = arith.select %and3A_2161, %get3A_2112, %select_n3A_2104 : vector<16xi1>, vector<16xi32>
    %and3A_2163 = arith.andi %gt3A_2158, %ge3A_2128 : vector<16xi1>
    %add3A_2164 = arith.constant 208 : i32
    %add3A_2165 = vector.broadcast %add3A_2164 : i32 to vector<16xi32>
    %add3A_2166 = arith.addi %iota3A, %add3A_2165 : vector<16xi32>
    %select_n3A_2167 = arith.select %and3A_2163, %add3A_2166, %select_n3A_2109 : vector<16xi1>, vector<16xi32>
    %select_n3A_2168 = arith.select %gt3A_2158, %broadcast_in_dim3A_0, %select_n3A_2110 : vector<16xi1>, vector<16xi32>
    %get3A_2169 = arith.constant 192 : index
    %get3A_2170 = tpu.vector_load %arg9[%get3A_2169] {strides = array<i32>} : memref<256xi32, #tpu.memory_space<vmem>>, vector<16xi32>,
    %rev3A_2171 = arith.constant 15 : i32
    %rev3A_2172 = vector.broadcast %rev3A_2171 : i32 to vector<16xi32>
    %rev3A_2173 = tpu.iota {dimensions = array<i32: 0>} : vector<16xi32>
    %rev3A_2174 = arith.subi %rev3A_2172, %rev3A_2173 : vector<16xi32>
    %rev3A_2175 = tpu.dynamic_gather %get3A_2170[%rev3A_2174] in [0] : vector<16xi32>, vector<16xi32> -> vector<16xi32>
    %broadcast_in_dim3A_2176 = arith.constant true
    %broadcast_in_dim3A_2177 = vector.broadcast %broadcast_in_dim3A_2176 : i1 to vector<16xi1>
    %masked_cumsum3A_2178 = tpu.scan <sum>, %rev3A_2175 masked %broadcast_in_dim3A_2177 : vector<16xi32>, vector<16xi1> -> vector<16xi32>
    %rev3A_2179 = arith.constant 15 : i32
    %rev3A_2180 = vector.broadcast %rev3A_2179 : i32 to vector<16xi32>
    %rev3A_2181 = tpu.iota {dimensions = array<i32: 0>} : vector<16xi32>
    %rev3A_2182 = arith.subi %rev3A_2180, %rev3A_2181 : vector<16xi32>
    %rev3A_2183 = tpu.dynamic_gather %masked_cumsum3A_2178[%rev3A_2182] in [0] : vector<16xi32>, vector<16xi32> -> vector<16xi32>
    %add3A_2184 = arith.addi %rev3A_2183, %add3A_2141 : vector<16xi32>
    %ge3A_2185 = vector.broadcast %sub3A_1980 : i32 to vector<16xi32>
    %ge3A_2186 = arith.cmpi sge, %add3A_2184, %ge3A_2185 : vector<16xi32>
    %convert_element_type3A_2187 = arith.extui %ge3A_2186 : vector<16xi1> to vector<16xi32>
    %add3A_2188 = arith.addi %add3A_2130, %convert_element_type3A_2187 : vector<16xi32>
    %lt3A_2189 = arith.constant 0 : i32
    %lt3A_2190 = vector.broadcast %lt3A_2189 : i32 to vector<16xi32>
    %lt3A_2191 = arith.cmpi slt, %broadcast_in_dim3A_4, %lt3A_2190 : vector<16xi32>
    %add3A_2192 = arith.constant 16 : i32
    %add3A_2193 = vector.broadcast %add3A_2192 : i32 to vector<16xi32>
    %add3A_2194 = arith.addi %broadcast_in_dim3A_4, %add3A_2193 : vector<16xi32>
    %select_n3A_2195 = arith.select %lt3A_2191, %add3A_2194, %broadcast_in_dim3A_4 : vector<16xi1>, vector<16xi32>
    %broadcast_in_dim3A_2196 = vector.shape_cast %select_n3A_2195 : vector<16xi32> to vector<16x1xi32>
    %gather3A_2197 = vector.shape_cast %broadcast_in_dim3A_2196 : vector<16x1xi32> to vector<16xi32>
    %gather3A_2198 = tpu.dynamic_gather %rev3A_2183[%gather3A_2197] in [0] : vector<16xi32>, vector<16xi32> -> vector<16xi32>
    %add3A_2199 = arith.addi %add3A_2141, %gather3A_2198 : vector<16xi32>
    %lt3A_2200 = arith.constant 0 : i32
    %lt3A_2201 = vector.broadcast %lt3A_2200 : i32 to vector<16xi32>
    %lt3A_2202 = arith.cmpi slt, %broadcast_in_dim3A_4, %lt3A_2201 : vector<16xi32>
    %add3A_2203 = arith.constant 16 : i32
    %add3A_2204 = vector.broadcast %add3A_2203 : i32 to vector<16xi32>
    %add3A_2205 = arith.addi %broadcast_in_dim3A_4, %add3A_2204 : vector<16xi32>
    %select_n3A_2206 = arith.select %lt3A_2202, %add3A_2205, %broadcast_in_dim3A_4 : vector<16xi1>, vector<16xi32>
    %broadcast_in_dim3A_2207 = vector.shape_cast %select_n3A_2206 : vector<16xi32> to vector<16x1xi32>
    %gather3A_2208 = vector.shape_cast %broadcast_in_dim3A_2207 : vector<16x1xi32> to vector<16xi32>
    %gather3A_2209 = tpu.dynamic_gather %convert_element_type3A_2187[%gather3A_2208] in [0] : vector<16xi32>, vector<16xi32> -> vector<16xi32>
    %sub3A_2210 = arith.constant 1 : i32
    %sub3A_2211 = vector.broadcast %sub3A_2210 : i32 to vector<16xi32>
    %sub3A_2212 = arith.subi %sub3A_2211, %select_n3A_2168 : vector<16xi32>
    %mul3A_2213 = arith.muli %gather3A_2209, %sub3A_2212 : vector<16xi32>
    %gt3A_2214 = arith.constant 0 : i32
    %gt3A_2215 = vector.broadcast %gt3A_2214 : i32 to vector<16xi32>
    %gt3A_2216 = arith.cmpi sgt, %mul3A_2213, %gt3A_2215 : vector<16xi32>
    %and3A_2217 = arith.andi %gt3A_2216, %ge3A_2186 : vector<16xi1>
    %select_n3A_2218 = arith.select %and3A_2217, %add3A_2184, %select_n3A_2160 : vector<16xi1>, vector<16xi32>
    %and3A_2219 = arith.andi %gt3A_2216, %ge3A_2186 : vector<16xi1>
    %select_n3A_2220 = arith.select %and3A_2219, %get3A_2170, %select_n3A_2162 : vector<16xi1>, vector<16xi32>
    %and3A_2221 = arith.andi %gt3A_2216, %ge3A_2186 : vector<16xi1>
    %add3A_2222 = arith.constant 192 : i32
    %add3A_2223 = vector.broadcast %add3A_2222 : i32 to vector<16xi32>
    %add3A_2224 = arith.addi %iota3A, %add3A_2223 : vector<16xi32>
    %select_n3A_2225 = arith.select %and3A_2221, %add3A_2224, %select_n3A_2167 : vector<16xi1>, vector<16xi32>
    %select_n3A_2226 = arith.select %gt3A_2216, %broadcast_in_dim3A_0, %select_n3A_2168 : vector<16xi1>, vector<16xi32>
    %get3A_2227 = arith.constant 176 : index
    %get3A_2228 = tpu.vector_load %arg9[%get3A_2227] {strides = array<i32>} : memref<256xi32, #tpu.memory_space<vmem>>, vector<16xi32>,
    %rev3A_2229 = arith.constant 15 : i32
    %rev3A_2230 = vector.broadcast %rev3A_2229 : i32 to vector<16xi32>
    %rev3A_2231 = tpu.iota {dimensions = array<i32: 0>} : vector<16xi32>
    %rev3A_2232 = arith.subi %rev3A_2230, %rev3A_2231 : vector<16xi32>
    %rev3A_2233 = tpu.dynamic_gather %get3A_2228[%rev3A_2232] in [0] : vector<16xi32>, vector<16xi32> -> vector<16xi32>
    %broadcast_in_dim3A_2234 = arith.constant true
    %broadcast_in_dim3A_2235 = vector.broadcast %broadcast_in_dim3A_2234 : i1 to vector<16xi1>
    %masked_cumsum3A_2236 = tpu.scan <sum>, %rev3A_2233 masked %broadcast_in_dim3A_2235 : vector<16xi32>, vector<16xi1> -> vector<16xi32>
    %rev3A_2237 = arith.constant 15 : i32
    %rev3A_2238 = vector.broadcast %rev3A_2237 : i32 to vector<16xi32>
    %rev3A_2239 = tpu.iota {dimensions = array<i32: 0>} : vector<16xi32>
    %rev3A_2240 = arith.subi %rev3A_2238, %rev3A_2239 : vector<16xi32>
    %rev3A_2241 = tpu.dynamic_gather %masked_cumsum3A_2236[%rev3A_2240] in [0] : vector<16xi32>, vector<16xi32> -> vector<16xi32>
    %add3A_2242 = arith.addi %rev3A_2241, %add3A_2199 : vector<16xi32>
    %ge3A_2243 = vector.broadcast %sub3A_1980 : i32 to vector<16xi32>
    %ge3A_2244 = arith.cmpi sge, %add3A_2242, %ge3A_2243 : vector<16xi32>
    %convert_element_type3A_2245 = arith.extui %ge3A_2244 : vector<16xi1> to vector<16xi32>
    %add3A_2246 = arith.addi %add3A_2188, %convert_element_type3A_2245 : vector<16xi32>
    %lt3A_2247 = arith.constant 0 : i32
    %lt3A_2248 = vector.broadcast %lt3A_2247 : i32 to vector<16xi32>
    %lt3A_2249 = arith.cmpi slt, %broadcast_in_dim3A_4, %lt3A_2248 : vector<16xi32>
    %add3A_2250 = arith.constant 16 : i32
    %add3A_2251 = vector.broadcast %add3A_2250 : i32 to vector<16xi32>
    %add3A_2252 = arith.addi %broadcast_in_dim3A_4, %add3A_2251 : vector<16xi32>
    %select_n3A_2253 = arith.select %lt3A_2249, %add3A_2252, %broadcast_in_dim3A_4 : vector<16xi1>, vector<16xi32>
    %broadcast_in_dim3A_2254 = vector.shape_cast %select_n3A_2253 : vector<16xi32> to vector<16x1xi32>
    %gather3A_2255 = vector.shape_cast %broadcast_in_dim3A_2254 : vector<16x1xi32> to vector<16xi32>
    %gather3A_2256 = tpu.dynamic_gather %rev3A_2241[%gather3A_2255] in [0] : vector<16xi32>, vector<16xi32> -> vector<16xi32>
    %add3A_2257 = arith.addi %add3A_2199, %gather3A_2256 : vector<16xi32>
    %lt3A_2258 = arith.constant 0 : i32
    %lt3A_2259 = vector.broadcast %lt3A_2258 : i32 to vector<16xi32>
    %lt3A_2260 = arith.cmpi slt, %broadcast_in_dim3A_4, %lt3A_2259 : vector<16xi32>
    %add3A_2261 = arith.constant 16 : i32
    %add3A_2262 = vector.broadcast %add3A_2261 : i32 to vector<16xi32>
    %add3A_2263 = arith.addi %broadcast_in_dim3A_4, %add3A_2262 : vector<16xi32>
    %select_n3A_2264 = arith.select %lt3A_2260, %add3A_2263, %broadcast_in_dim3A_4 : vector<16xi1>, vector<16xi32>
    %broadcast_in_dim3A_2265 = vector.shape_cast %select_n3A_2264 : vector<16xi32> to vector<16x1xi32>
    %gather3A_2266 = vector.shape_cast %broadcast_in_dim3A_2265 : vector<16x1xi32> to vector<16xi32>
    %gather3A_2267 = tpu.dynamic_gather %convert_element_type3A_2245[%gather3A_2266] in [0] : vector<16xi32>, vector<16xi32> -> vector<16xi32>
    %sub3A_2268 = arith.constant 1 : i32
    %sub3A_2269 = vector.broadcast %sub3A_2268 : i32 to vector<16xi32>
    %sub3A_2270 = arith.subi %sub3A_2269, %select_n3A_2226 : vector<16xi32>
    %mul3A_2271 = arith.muli %gather3A_2267, %sub3A_2270 : vector<16xi32>
    %gt3A_2272 = arith.constant 0 : i32
    %gt3A_2273 = vector.broadcast %gt3A_2272 : i32 to vector<16xi32>
    %gt3A_2274 = arith.cmpi sgt, %mul3A_2271, %gt3A_2273 : vector<16xi32>
    %and3A_2275 = arith.andi %gt3A_2274, %ge3A_2244 : vector<16xi1>
    %select_n3A_2276 = arith.select %and3A_2275, %add3A_2242, %select_n3A_2218 : vector<16xi1>, vector<16xi32>
    %and3A_2277 = arith.andi %gt3A_2274, %ge3A_2244 : vector<16xi1>
    %select_n3A_2278 = arith.select %and3A_2277, %get3A_2228, %select_n3A_2220 : vector<16xi1>, vector<16xi32>
    %and3A_2279 = arith.andi %gt3A_2274, %ge3A_2244 : vector<16xi1>
    %add3A_2280 = arith.constant 176 : i32
    %add3A_2281 = vector.broadcast %add3A_2280 : i32 to vector<16xi32>
    %add3A_2282 = arith.addi %iota3A, %add3A_2281 : vector<16xi32>
    %select_n3A_2283 = arith.select %and3A_2279, %add3A_2282, %select_n3A_2225 : vector<16xi1>, vector<16xi32>
    %select_n3A_2284 = arith.select %gt3A_2274, %broadcast_in_dim3A_0, %select_n3A_2226 : vector<16xi1>, vector<16xi32>
    %get3A_2285 = arith.constant 160 : index
    %get3A_2286 = tpu.vector_load %arg9[%get3A_2285] {strides = array<i32>} : memref<256xi32, #tpu.memory_space<vmem>>, vector<16xi32>,
    %rev3A_2287 = arith.constant 15 : i32
    %rev3A_2288 = vector.broadcast %rev3A_2287 : i32 to vector<16xi32>
    %rev3A_2289 = tpu.iota {dimensions = array<i32: 0>} : vector<16xi32>
    %rev3A_2290 = arith.subi %rev3A_2288, %rev3A_2289 : vector<16xi32>
    %rev3A_2291 = tpu.dynamic_gather %get3A_2286[%rev3A_2290] in [0] : vector<16xi32>, vector<16xi32> -> vector<16xi32>
    %broadcast_in_dim3A_2292 = arith.constant true
    %broadcast_in_dim3A_2293 = vector.broadcast %broadcast_in_dim3A_2292 : i1 to vector<16xi1>
    %masked_cumsum3A_2294 = tpu.scan <sum>, %rev3A_2291 masked %broadcast_in_dim3A_2293 : vector<16xi32>, vector<16xi1> -> vector<16xi32>
    %rev3A_2295 = arith.constant 15 : i32
    %rev3A_2296 = vector.broadcast %rev3A_2295 : i32 to vector<16xi32>
    %rev3A_2297 = tpu.iota {dimensions = array<i32: 0>} : vector<16xi32>
    %rev3A_2298 = arith.subi %rev3A_2296, %rev3A_2297 : vector<16xi32>
    %rev3A_2299 = tpu.dynamic_gather %masked_cumsum3A_2294[%rev3A_2298] in [0] : vector<16xi32>, vector<16xi32> -> vector<16xi32>
    %add3A_2300 = arith.addi %rev3A_2299, %add3A_2257 : vector<16xi32>
    %ge3A_2301 = vector.broadcast %sub3A_1980 : i32 to vector<16xi32>
    %ge3A_2302 = arith.cmpi sge, %add3A_2300, %ge3A_2301 : vector<16xi32>
    %convert_element_type3A_2303 = arith.extui %ge3A_2302 : vector<16xi1> to vector<16xi32>
    %add3A_2304 = arith.addi %add3A_2246, %convert_element_type3A_2303 : vector<16xi32>
    %lt3A_2305 = arith.constant 0 : i32
    %lt3A_2306 = vector.broadcast %lt3A_2305 : i32 to vector<16xi32>
    %lt3A_2307 = arith.cmpi slt, %broadcast_in_dim3A_4, %lt3A_2306 : vector<16xi32>
    %add3A_2308 = arith.constant 16 : i32
    %add3A_2309 = vector.broadcast %add3A_2308 : i32 to vector<16xi32>
    %add3A_2310 = arith.addi %broadcast_in_dim3A_4, %add3A_2309 : vector<16xi32>
    %select_n3A_2311 = arith.select %lt3A_2307, %add3A_2310, %broadcast_in_dim3A_4 : vector<16xi1>, vector<16xi32>
    %broadcast_in_dim3A_2312 = vector.shape_cast %select_n3A_2311 : vector<16xi32> to vector<16x1xi32>
    %gather3A_2313 = vector.shape_cast %broadcast_in_dim3A_2312 : vector<16x1xi32> to vector<16xi32>
    %gather3A_2314 = tpu.dynamic_gather %rev3A_2299[%gather3A_2313] in [0] : vector<16xi32>, vector<16xi32> -> vector<16xi32>
    %add3A_2315 = arith.addi %add3A_2257, %gather3A_2314 : vector<16xi32>
    %lt3A_2316 = arith.constant 0 : i32
    %lt3A_2317 = vector.broadcast %lt3A_2316 : i32 to vector<16xi32>
    %lt3A_2318 = arith.cmpi slt, %broadcast_in_dim3A_4, %lt3A_2317 : vector<16xi32>
    %add3A_2319 = arith.constant 16 : i32
    %add3A_2320 = vector.broadcast %add3A_2319 : i32 to vector<16xi32>
    %add3A_2321 = arith.addi %broadcast_in_dim3A_4, %add3A_2320 : vector<16xi32>
    %select_n3A_2322 = arith.select %lt3A_2318, %add3A_2321, %broadcast_in_dim3A_4 : vector<16xi1>, vector<16xi32>
    %broadcast_in_dim3A_2323 = vector.shape_cast %select_n3A_2322 : vector<16xi32> to vector<16x1xi32>
    %gather3A_2324 = vector.shape_cast %broadcast_in_dim3A_2323 : vector<16x1xi32> to vector<16xi32>
    %gather3A_2325 = tpu.dynamic_gather %convert_element_type3A_2303[%gather3A_2324] in [0] : vector<16xi32>, vector<16xi32> -> vector<16xi32>
    %sub3A_2326 = arith.constant 1 : i32
    %sub3A_2327 = vector.broadcast %sub3A_2326 : i32 to vector<16xi32>
    %sub3A_2328 = arith.subi %sub3A_2327, %select_n3A_2284 : vector<16xi32>
    %mul3A_2329 = arith.muli %gather3A_2325, %sub3A_2328 : vector<16xi32>
    %gt3A_2330 = arith.constant 0 : i32
    %gt3A_2331 = vector.broadcast %gt3A_2330 : i32 to vector<16xi32>
    %gt3A_2332 = arith.cmpi sgt, %mul3A_2329, %gt3A_2331 : vector<16xi32>
    %and3A_2333 = arith.andi %gt3A_2332, %ge3A_2302 : vector<16xi1>
    %select_n3A_2334 = arith.select %and3A_2333, %add3A_2300, %select_n3A_2276 : vector<16xi1>, vector<16xi32>
    %and3A_2335 = arith.andi %gt3A_2332, %ge3A_2302 : vector<16xi1>
    %select_n3A_2336 = arith.select %and3A_2335, %get3A_2286, %select_n3A_2278 : vector<16xi1>, vector<16xi32>
    %and3A_2337 = arith.andi %gt3A_2332, %ge3A_2302 : vector<16xi1>
    %add3A_2338 = arith.constant 160 : i32
    %add3A_2339 = vector.broadcast %add3A_2338 : i32 to vector<16xi32>
    %add3A_2340 = arith.addi %iota3A, %add3A_2339 : vector<16xi32>
    %select_n3A_2341 = arith.select %and3A_2337, %add3A_2340, %select_n3A_2283 : vector<16xi1>, vector<16xi32>
    %select_n3A_2342 = arith.select %gt3A_2332, %broadcast_in_dim3A_0, %select_n3A_2284 : vector<16xi1>, vector<16xi32>
    %get3A_2343 = arith.constant 144 : index
    %get3A_2344 = tpu.vector_load %arg9[%get3A_2343] {strides = array<i32>} : memref<256xi32, #tpu.memory_space<vmem>>, vector<16xi32>,
    %rev3A_2345 = arith.constant 15 : i32
    %rev3A_2346 = vector.broadcast %rev3A_2345 : i32 to vector<16xi32>
    %rev3A_2347 = tpu.iota {dimensions = array<i32: 0>} : vector<16xi32>
    %rev3A_2348 = arith.subi %rev3A_2346, %rev3A_2347 : vector<16xi32>
    %rev3A_2349 = tpu.dynamic_gather %get3A_2344[%rev3A_2348] in [0] : vector<16xi32>, vector<16xi32> -> vector<16xi32>
    %broadcast_in_dim3A_2350 = arith.constant true
    %broadcast_in_dim3A_2351 = vector.broadcast %broadcast_in_dim3A_2350 : i1 to vector<16xi1>
    %masked_cumsum3A_2352 = tpu.scan <sum>, %rev3A_2349 masked %broadcast_in_dim3A_2351 : vector<16xi32>, vector<16xi1> -> vector<16xi32>
    %rev3A_2353 = arith.constant 15 : i32
    %rev3A_2354 = vector.broadcast %rev3A_2353 : i32 to vector<16xi32>
    %rev3A_2355 = tpu.iota {dimensions = array<i32: 0>} : vector<16xi32>
    %rev3A_2356 = arith.subi %rev3A_2354, %rev3A_2355 : vector<16xi32>
    %rev3A_2357 = tpu.dynamic_gather %masked_cumsum3A_2352[%rev3A_2356] in [0] : vector<16xi32>, vector<16xi32> -> vector<16xi32>
    %add3A_2358 = arith.addi %rev3A_2357, %add3A_2315 : vector<16xi32>
    %ge3A_2359 = vector.broadcast %sub3A_1980 : i32 to vector<16xi32>
    %ge3A_2360 = arith.cmpi sge, %add3A_2358, %ge3A_2359 : vector<16xi32>
    %convert_element_type3A_2361 = arith.extui %ge3A_2360 : vector<16xi1> to vector<16xi32>
    %add3A_2362 = arith.addi %add3A_2304, %convert_element_type3A_2361 : vector<16xi32>
    %lt3A_2363 = arith.constant 0 : i32
    %lt3A_2364 = vector.broadcast %lt3A_2363 : i32 to vector<16xi32>
    %lt3A_2365 = arith.cmpi slt, %broadcast_in_dim3A_4, %lt3A_2364 : vector<16xi32>
    %add3A_2366 = arith.constant 16 : i32
    %add3A_2367 = vector.broadcast %add3A_2366 : i32 to vector<16xi32>
    %add3A_2368 = arith.addi %broadcast_in_dim3A_4, %add3A_2367 : vector<16xi32>
    %select_n3A_2369 = arith.select %lt3A_2365, %add3A_2368, %broadcast_in_dim3A_4 : vector<16xi1>, vector<16xi32>
    %broadcast_in_dim3A_2370 = vector.shape_cast %select_n3A_2369 : vector<16xi32> to vector<16x1xi32>
    %gather3A_2371 = vector.shape_cast %broadcast_in_dim3A_2370 : vector<16x1xi32> to vector<16xi32>
    %gather3A_2372 = tpu.dynamic_gather %rev3A_2357[%gather3A_2371] in [0] : vector<16xi32>, vector<16xi32> -> vector<16xi32>
    %add3A_2373 = arith.addi %add3A_2315, %gather3A_2372 : vector<16xi32>
    %lt3A_2374 = arith.constant 0 : i32
    %lt3A_2375 = vector.broadcast %lt3A_2374 : i32 to vector<16xi32>
    %lt3A_2376 = arith.cmpi slt, %broadcast_in_dim3A_4, %lt3A_2375 : vector<16xi32>
    %add3A_2377 = arith.constant 16 : i32
    %add3A_2378 = vector.broadcast %add3A_2377 : i32 to vector<16xi32>
    %add3A_2379 = arith.addi %broadcast_in_dim3A_4, %add3A_2378 : vector<16xi32>
    %select_n3A_2380 = arith.select %lt3A_2376, %add3A_2379, %broadcast_in_dim3A_4 : vector<16xi1>, vector<16xi32>
    %broadcast_in_dim3A_2381 = vector.shape_cast %select_n3A_2380 : vector<16xi32> to vector<16x1xi32>
    %gather3A_2382 = vector.shape_cast %broadcast_in_dim3A_2381 : vector<16x1xi32> to vector<16xi32>
    %gather3A_2383 = tpu.dynamic_gather %convert_element_type3A_2361[%gather3A_2382] in [0] : vector<16xi32>, vector<16xi32> -> vector<16xi32>
    %sub3A_2384 = arith.constant 1 : i32
    %sub3A_2385 = vector.broadcast %sub3A_2384 : i32 to vector<16xi32>
    %sub3A_2386 = arith.subi %sub3A_2385, %select_n3A_2342 : vector<16xi32>
    %mul3A_2387 = arith.muli %gather3A_2383, %sub3A_2386 : vector<16xi32>
    %gt3A_2388 = arith.constant 0 : i32
    %gt3A_2389 = vector.broadcast %gt3A_2388 : i32 to vector<16xi32>
    %gt3A_2390 = arith.cmpi sgt, %mul3A_2387, %gt3A_2389 : vector<16xi32>
    %and3A_2391 = arith.andi %gt3A_2390, %ge3A_2360 : vector<16xi1>
    %select_n3A_2392 = arith.select %and3A_2391, %add3A_2358, %select_n3A_2334 : vector<16xi1>, vector<16xi32>
    %and3A_2393 = arith.andi %gt3A_2390, %ge3A_2360 : vector<16xi1>
    %select_n3A_2394 = arith.select %and3A_2393, %get3A_2344, %select_n3A_2336 : vector<16xi1>, vector<16xi32>
    %and3A_2395 = arith.andi %gt3A_2390, %ge3A_2360 : vector<16xi1>
    %add3A_2396 = arith.constant 144 : i32
    %add3A_2397 = vector.broadcast %add3A_2396 : i32 to vector<16xi32>
    %add3A_2398 = arith.addi %iota3A, %add3A_2397 : vector<16xi32>
    %select_n3A_2399 = arith.select %and3A_2395, %add3A_2398, %select_n3A_2341 : vector<16xi1>, vector<16xi32>
    %select_n3A_2400 = arith.select %gt3A_2390, %broadcast_in_dim3A_0, %select_n3A_2342 : vector<16xi1>, vector<16xi32>
    %get3A_2401 = arith.constant 128 : index
    %get3A_2402 = tpu.vector_load %arg9[%get3A_2401] {strides = array<i32>} : memref<256xi32, #tpu.memory_space<vmem>>, vector<16xi32>,
    %rev3A_2403 = arith.constant 15 : i32
    %rev3A_2404 = vector.broadcast %rev3A_2403 : i32 to vector<16xi32>
    %rev3A_2405 = tpu.iota {dimensions = array<i32: 0>} : vector<16xi32>
    %rev3A_2406 = arith.subi %rev3A_2404, %rev3A_2405 : vector<16xi32>
    %rev3A_2407 = tpu.dynamic_gather %get3A_2402[%rev3A_2406] in [0] : vector<16xi32>, vector<16xi32> -> vector<16xi32>
    %broadcast_in_dim3A_2408 = arith.constant true
    %broadcast_in_dim3A_2409 = vector.broadcast %broadcast_in_dim3A_2408 : i1 to vector<16xi1>
    %masked_cumsum3A_2410 = tpu.scan <sum>, %rev3A_2407 masked %broadcast_in_dim3A_2409 : vector<16xi32>, vector<16xi1> -> vector<16xi32>
    %rev3A_2411 = arith.constant 15 : i32
    %rev3A_2412 = vector.broadcast %rev3A_2411 : i32 to vector<16xi32>
    %rev3A_2413 = tpu.iota {dimensions = array<i32: 0>} : vector<16xi32>
    %rev3A_2414 = arith.subi %rev3A_2412, %rev3A_2413 : vector<16xi32>
    %rev3A_2415 = tpu.dynamic_gather %masked_cumsum3A_2410[%rev3A_2414] in [0] : vector<16xi32>, vector<16xi32> -> vector<16xi32>
    %add3A_2416 = arith.addi %rev3A_2415, %add3A_2373 : vector<16xi32>
    %ge3A_2417 = vector.broadcast %sub3A_1980 : i32 to vector<16xi32>
    %ge3A_2418 = arith.cmpi sge, %add3A_2416, %ge3A_2417 : vector<16xi32>
    %convert_element_type3A_2419 = arith.extui %ge3A_2418 : vector<16xi1> to vector<16xi32>
    %add3A_2420 = arith.addi %add3A_2362, %convert_element_type3A_2419 : vector<16xi32>
    %lt3A_2421 = arith.constant 0 : i32
    %lt3A_2422 = vector.broadcast %lt3A_2421 : i32 to vector<16xi32>
    %lt3A_2423 = arith.cmpi slt, %broadcast_in_dim3A_4, %lt3A_2422 : vector<16xi32>
    %add3A_2424 = arith.constant 16 : i32
    %add3A_2425 = vector.broadcast %add3A_2424 : i32 to vector<16xi32>
    %add3A_2426 = arith.addi %broadcast_in_dim3A_4, %add3A_2425 : vector<16xi32>
    %select_n3A_2427 = arith.select %lt3A_2423, %add3A_2426, %broadcast_in_dim3A_4 : vector<16xi1>, vector<16xi32>
    %broadcast_in_dim3A_2428 = vector.shape_cast %select_n3A_2427 : vector<16xi32> to vector<16x1xi32>
    %gather3A_2429 = vector.shape_cast %broadcast_in_dim3A_2428 : vector<16x1xi32> to vector<16xi32>
    %gather3A_2430 = tpu.dynamic_gather %rev3A_2415[%gather3A_2429] in [0] : vector<16xi32>, vector<16xi32> -> vector<16xi32>
    %add3A_2431 = arith.addi %add3A_2373, %gather3A_2430 : vector<16xi32>
    %lt3A_2432 = arith.constant 0 : i32
    %lt3A_2433 = vector.broadcast %lt3A_2432 : i32 to vector<16xi32>
    %lt3A_2434 = arith.cmpi slt, %broadcast_in_dim3A_4, %lt3A_2433 : vector<16xi32>
    %add3A_2435 = arith.constant 16 : i32
    %add3A_2436 = vector.broadcast %add3A_2435 : i32 to vector<16xi32>
    %add3A_2437 = arith.addi %broadcast_in_dim3A_4, %add3A_2436 : vector<16xi32>
    %select_n3A_2438 = arith.select %lt3A_2434, %add3A_2437, %broadcast_in_dim3A_4 : vector<16xi1>, vector<16xi32>
    %broadcast_in_dim3A_2439 = vector.shape_cast %select_n3A_2438 : vector<16xi32> to vector<16x1xi32>
    %gather3A_2440 = vector.shape_cast %broadcast_in_dim3A_2439 : vector<16x1xi32> to vector<16xi32>
    %gather3A_2441 = tpu.dynamic_gather %convert_element_type3A_2419[%gather3A_2440] in [0] : vector<16xi32>, vector<16xi32> -> vector<16xi32>
    %sub3A_2442 = arith.constant 1 : i32
    %sub3A_2443 = vector.broadcast %sub3A_2442 : i32 to vector<16xi32>
    %sub3A_2444 = arith.subi %sub3A_2443, %select_n3A_2400 : vector<16xi32>
    %mul3A_2445 = arith.muli %gather3A_2441, %sub3A_2444 : vector<16xi32>
    %gt3A_2446 = arith.constant 0 : i32
    %gt3A_2447 = vector.broadcast %gt3A_2446 : i32 to vector<16xi32>
    %gt3A_2448 = arith.cmpi sgt, %mul3A_2445, %gt3A_2447 : vector<16xi32>
    %and3A_2449 = arith.andi %gt3A_2448, %ge3A_2418 : vector<16xi1>
    %select_n3A_2450 = arith.select %and3A_2449, %add3A_2416, %select_n3A_2392 : vector<16xi1>, vector<16xi32>
    %and3A_2451 = arith.andi %gt3A_2448, %ge3A_2418 : vector<16xi1>
    %select_n3A_2452 = arith.select %and3A_2451, %get3A_2402, %select_n3A_2394 : vector<16xi1>, vector<16xi32>
    %and3A_2453 = arith.andi %gt3A_2448, %ge3A_2418 : vector<16xi1>
    %add3A_2454 = arith.constant 128 : i32
    %add3A_2455 = vector.broadcast %add3A_2454 : i32 to vector<16xi32>
    %add3A_2456 = arith.addi %iota3A, %add3A_2455 : vector<16xi32>
    %select_n3A_2457 = arith.select %and3A_2453, %add3A_2456, %select_n3A_2399 : vector<16xi1>, vector<16xi32>
    %select_n3A_2458 = arith.select %gt3A_2448, %broadcast_in_dim3A_0, %select_n3A_2400 : vector<16xi1>, vector<16xi32>
    %get3A_2459 = arith.constant 112 : index
    %get3A_2460 = tpu.vector_load %arg9[%get3A_2459] {strides = array<i32>} : memref<256xi32, #tpu.memory_space<vmem>>, vector<16xi32>,
    %rev3A_2461 = arith.constant 15 : i32
    %rev3A_2462 = vector.broadcast %rev3A_2461 : i32 to vector<16xi32>
    %rev3A_2463 = tpu.iota {dimensions = array<i32: 0>} : vector<16xi32>
    %rev3A_2464 = arith.subi %rev3A_2462, %rev3A_2463 : vector<16xi32>
    %rev3A_2465 = tpu.dynamic_gather %get3A_2460[%rev3A_2464] in [0] : vector<16xi32>, vector<16xi32> -> vector<16xi32>
    %broadcast_in_dim3A_2466 = arith.constant true
    %broadcast_in_dim3A_2467 = vector.broadcast %broadcast_in_dim3A_2466 : i1 to vector<16xi1>
    %masked_cumsum3A_2468 = tpu.scan <sum>, %rev3A_2465 masked %broadcast_in_dim3A_2467 : vector<16xi32>, vector<16xi1> -> vector<16xi32>
    %rev3A_2469 = arith.constant 15 : i32
    %rev3A_2470 = vector.broadcast %rev3A_2469 : i32 to vector<16xi32>
    %rev3A_2471 = tpu.iota {dimensions = array<i32: 0>} : vector<16xi32>
    %rev3A_2472 = arith.subi %rev3A_2470, %rev3A_2471 : vector<16xi32>
    %rev3A_2473 = tpu.dynamic_gather %masked_cumsum3A_2468[%rev3A_2472] in [0] : vector<16xi32>, vector<16xi32> -> vector<16xi32>
    %add3A_2474 = arith.addi %rev3A_2473, %add3A_2431 : vector<16xi32>
    %ge3A_2475 = vector.broadcast %sub3A_1980 : i32 to vector<16xi32>
    %ge3A_2476 = arith.cmpi sge, %add3A_2474, %ge3A_2475 : vector<16xi32>
    %convert_element_type3A_2477 = arith.extui %ge3A_2476 : vector<16xi1> to vector<16xi32>
    %add3A_2478 = arith.addi %add3A_2420, %convert_element_type3A_2477 : vector<16xi32>
    %lt3A_2479 = arith.constant 0 : i32
    %lt3A_2480 = vector.broadcast %lt3A_2479 : i32 to vector<16xi32>
    %lt3A_2481 = arith.cmpi slt, %broadcast_in_dim3A_4, %lt3A_2480 : vector<16xi32>
    %add3A_2482 = arith.constant 16 : i32
    %add3A_2483 = vector.broadcast %add3A_2482 : i32 to vector<16xi32>
    %add3A_2484 = arith.addi %broadcast_in_dim3A_4, %add3A_2483 : vector<16xi32>
    %select_n3A_2485 = arith.select %lt3A_2481, %add3A_2484, %broadcast_in_dim3A_4 : vector<16xi1>, vector<16xi32>
    %broadcast_in_dim3A_2486 = vector.shape_cast %select_n3A_2485 : vector<16xi32> to vector<16x1xi32>
    %gather3A_2487 = vector.shape_cast %broadcast_in_dim3A_2486 : vector<16x1xi32> to vector<16xi32>
    %gather3A_2488 = tpu.dynamic_gather %rev3A_2473[%gather3A_2487] in [0] : vector<16xi32>, vector<16xi32> -> vector<16xi32>
    %add3A_2489 = arith.addi %add3A_2431, %gather3A_2488 : vector<16xi32>
    %lt3A_2490 = arith.constant 0 : i32
    %lt3A_2491 = vector.broadcast %lt3A_2490 : i32 to vector<16xi32>
    %lt3A_2492 = arith.cmpi slt, %broadcast_in_dim3A_4, %lt3A_2491 : vector<16xi32>
    %add3A_2493 = arith.constant 16 : i32
    %add3A_2494 = vector.broadcast %add3A_2493 : i32 to vector<16xi32>
    %add3A_2495 = arith.addi %broadcast_in_dim3A_4, %add3A_2494 : vector<16xi32>
    %select_n3A_2496 = arith.select %lt3A_2492, %add3A_2495, %broadcast_in_dim3A_4 : vector<16xi1>, vector<16xi32>
    %broadcast_in_dim3A_2497 = vector.shape_cast %select_n3A_2496 : vector<16xi32> to vector<16x1xi32>
    %gather3A_2498 = vector.shape_cast %broadcast_in_dim3A_2497 : vector<16x1xi32> to vector<16xi32>
    %gather3A_2499 = tpu.dynamic_gather %convert_element_type3A_2477[%gather3A_2498] in [0] : vector<16xi32>, vector<16xi32> -> vector<16xi32>
    %sub3A_2500 = arith.constant 1 : i32
    %sub3A_2501 = vector.broadcast %sub3A_2500 : i32 to vector<16xi32>
    %sub3A_2502 = arith.subi %sub3A_2501, %select_n3A_2458 : vector<16xi32>
    %mul3A_2503 = arith.muli %gather3A_2499, %sub3A_2502 : vector<16xi32>
    %gt3A_2504 = arith.constant 0 : i32
    %gt3A_2505 = vector.broadcast %gt3A_2504 : i32 to vector<16xi32>
    %gt3A_2506 = arith.cmpi sgt, %mul3A_2503, %gt3A_2505 : vector<16xi32>
    %and3A_2507 = arith.andi %gt3A_2506, %ge3A_2476 : vector<16xi1>
    %select_n3A_2508 = arith.select %and3A_2507, %add3A_2474, %select_n3A_2450 : vector<16xi1>, vector<16xi32>
    %and3A_2509 = arith.andi %gt3A_2506, %ge3A_2476 : vector<16xi1>
    %select_n3A_2510 = arith.select %and3A_2509, %get3A_2460, %select_n3A_2452 : vector<16xi1>, vector<16xi32>
    %and3A_2511 = arith.andi %gt3A_2506, %ge3A_2476 : vector<16xi1>
    %add3A_2512 = arith.constant 112 : i32
    %add3A_2513 = vector.broadcast %add3A_2512 : i32 to vector<16xi32>
    %add3A_2514 = arith.addi %iota3A, %add3A_2513 : vector<16xi32>
    %select_n3A_2515 = arith.select %and3A_2511, %add3A_2514, %select_n3A_2457 : vector<16xi1>, vector<16xi32>
    %select_n3A_2516 = arith.select %gt3A_2506, %broadcast_in_dim3A_0, %select_n3A_2458 : vector<16xi1>, vector<16xi32>
    %get3A_2517 = arith.constant 96 : index
    %get3A_2518 = tpu.vector_load %arg9[%get3A_2517] {strides = array<i32>} : memref<256xi32, #tpu.memory_space<vmem>>, vector<16xi32>,
    %rev3A_2519 = arith.constant 15 : i32
    %rev3A_2520 = vector.broadcast %rev3A_2519 : i32 to vector<16xi32>
    %rev3A_2521 = tpu.iota {dimensions = array<i32: 0>} : vector<16xi32>
    %rev3A_2522 = arith.subi %rev3A_2520, %rev3A_2521 : vector<16xi32>
    %rev3A_2523 = tpu.dynamic_gather %get3A_2518[%rev3A_2522] in [0] : vector<16xi32>, vector<16xi32> -> vector<16xi32>
    %broadcast_in_dim3A_2524 = arith.constant true
    %broadcast_in_dim3A_2525 = vector.broadcast %broadcast_in_dim3A_2524 : i1 to vector<16xi1>
    %masked_cumsum3A_2526 = tpu.scan <sum>, %rev3A_2523 masked %broadcast_in_dim3A_2525 : vector<16xi32>, vector<16xi1> -> vector<16xi32>
    %rev3A_2527 = arith.constant 15 : i32
    %rev3A_2528 = vector.broadcast %rev3A_2527 : i32 to vector<16xi32>
    %rev3A_2529 = tpu.iota {dimensions = array<i32: 0>} : vector<16xi32>
    %rev3A_2530 = arith.subi %rev3A_2528, %rev3A_2529 : vector<16xi32>
    %rev3A_2531 = tpu.dynamic_gather %masked_cumsum3A_2526[%rev3A_2530] in [0] : vector<16xi32>, vector<16xi32> -> vector<16xi32>
    %add3A_2532 = arith.addi %rev3A_2531, %add3A_2489 : vector<16xi32>
    %ge3A_2533 = vector.broadcast %sub3A_1980 : i32 to vector<16xi32>
    %ge3A_2534 = arith.cmpi sge, %add3A_2532, %ge3A_2533 : vector<16xi32>
    %convert_element_type3A_2535 = arith.extui %ge3A_2534 : vector<16xi1> to vector<16xi32>
    %add3A_2536 = arith.addi %add3A_2478, %convert_element_type3A_2535 : vector<16xi32>
    %lt3A_2537 = arith.constant 0 : i32
    %lt3A_2538 = vector.broadcast %lt3A_2537 : i32 to vector<16xi32>
    %lt3A_2539 = arith.cmpi slt, %broadcast_in_dim3A_4, %lt3A_2538 : vector<16xi32>
    %add3A_2540 = arith.constant 16 : i32
    %add3A_2541 = vector.broadcast %add3A_2540 : i32 to vector<16xi32>
    %add3A_2542 = arith.addi %broadcast_in_dim3A_4, %add3A_2541 : vector<16xi32>
    %select_n3A_2543 = arith.select %lt3A_2539, %add3A_2542, %broadcast_in_dim3A_4 : vector<16xi1>, vector<16xi32>
    %broadcast_in_dim3A_2544 = vector.shape_cast %select_n3A_2543 : vector<16xi32> to vector<16x1xi32>
    %gather3A_2545 = vector.shape_cast %broadcast_in_dim3A_2544 : vector<16x1xi32> to vector<16xi32>
    %gather3A_2546 = tpu.dynamic_gather %rev3A_2531[%gather3A_2545] in [0] : vector<16xi32>, vector<16xi32> -> vector<16xi32>
    %add3A_2547 = arith.addi %add3A_2489, %gather3A_2546 : vector<16xi32>
    %lt3A_2548 = arith.constant 0 : i32
    %lt3A_2549 = vector.broadcast %lt3A_2548 : i32 to vector<16xi32>
    %lt3A_2550 = arith.cmpi slt, %broadcast_in_dim3A_4, %lt3A_2549 : vector<16xi32>
    %add3A_2551 = arith.constant 16 : i32
    %add3A_2552 = vector.broadcast %add3A_2551 : i32 to vector<16xi32>
    %add3A_2553 = arith.addi %broadcast_in_dim3A_4, %add3A_2552 : vector<16xi32>
    %select_n3A_2554 = arith.select %lt3A_2550, %add3A_2553, %broadcast_in_dim3A_4 : vector<16xi1>, vector<16xi32>
    %broadcast_in_dim3A_2555 = vector.shape_cast %select_n3A_2554 : vector<16xi32> to vector<16x1xi32>
    %gather3A_2556 = vector.shape_cast %broadcast_in_dim3A_2555 : vector<16x1xi32> to vector<16xi32>
    %gather3A_2557 = tpu.dynamic_gather %convert_element_type3A_2535[%gather3A_2556] in [0] : vector<16xi32>, vector<16xi32> -> vector<16xi32>
    %sub3A_2558 = arith.constant 1 : i32
    %sub3A_2559 = vector.broadcast %sub3A_2558 : i32 to vector<16xi32>
    %sub3A_2560 = arith.subi %sub3A_2559, %select_n3A_2516 : vector<16xi32>
    %mul3A_2561 = arith.muli %gather3A_2557, %sub3A_2560 : vector<16xi32>
    %gt3A_2562 = arith.constant 0 : i32
    %gt3A_2563 = vector.broadcast %gt3A_2562 : i32 to vector<16xi32>
    %gt3A_2564 = arith.cmpi sgt, %mul3A_2561, %gt3A_2563 : vector<16xi32>
    %and3A_2565 = arith.andi %gt3A_2564, %ge3A_2534 : vector<16xi1>
    %select_n3A_2566 = arith.select %and3A_2565, %add3A_2532, %select_n3A_2508 : vector<16xi1>, vector<16xi32>
    %and3A_2567 = arith.andi %gt3A_2564, %ge3A_2534 : vector<16xi1>
    %select_n3A_2568 = arith.select %and3A_2567, %get3A_2518, %select_n3A_2510 : vector<16xi1>, vector<16xi32>
    %and3A_2569 = arith.andi %gt3A_2564, %ge3A_2534 : vector<16xi1>
    %add3A_2570 = arith.constant 96 : i32
    %add3A_2571 = vector.broadcast %add3A_2570 : i32 to vector<16xi32>
    %add3A_2572 = arith.addi %iota3A, %add3A_2571 : vector<16xi32>
    %select_n3A_2573 = arith.select %and3A_2569, %add3A_2572, %select_n3A_2515 : vector<16xi1>, vector<16xi32>
    %select_n3A_2574 = arith.select %gt3A_2564, %broadcast_in_dim3A_0, %select_n3A_2516 : vector<16xi1>, vector<16xi32>
    %get3A_2575 = arith.constant 80 : index
    %get3A_2576 = tpu.vector_load %arg9[%get3A_2575] {strides = array<i32>} : memref<256xi32, #tpu.memory_space<vmem>>, vector<16xi32>,
    %rev3A_2577 = arith.constant 15 : i32
    %rev3A_2578 = vector.broadcast %rev3A_2577 : i32 to vector<16xi32>
    %rev3A_2579 = tpu.iota {dimensions = array<i32: 0>} : vector<16xi32>
    %rev3A_2580 = arith.subi %rev3A_2578, %rev3A_2579 : vector<16xi32>
    %rev3A_2581 = tpu.dynamic_gather %get3A_2576[%rev3A_2580] in [0] : vector<16xi32>, vector<16xi32> -> vector<16xi32>
    %broadcast_in_dim3A_2582 = arith.constant true
    %broadcast_in_dim3A_2583 = vector.broadcast %broadcast_in_dim3A_2582 : i1 to vector<16xi1>
    %masked_cumsum3A_2584 = tpu.scan <sum>, %rev3A_2581 masked %broadcast_in_dim3A_2583 : vector<16xi32>, vector<16xi1> -> vector<16xi32>
    %rev3A_2585 = arith.constant 15 : i32
    %rev3A_2586 = vector.broadcast %rev3A_2585 : i32 to vector<16xi32>
    %rev3A_2587 = tpu.iota {dimensions = array<i32: 0>} : vector<16xi32>
    %rev3A_2588 = arith.subi %rev3A_2586, %rev3A_2587 : vector<16xi32>
    %rev3A_2589 = tpu.dynamic_gather %masked_cumsum3A_2584[%rev3A_2588] in [0] : vector<16xi32>, vector<16xi32> -> vector<16xi32>
    %add3A_2590 = arith.addi %rev3A_2589, %add3A_2547 : vector<16xi32>
    %ge3A_2591 = vector.broadcast %sub3A_1980 : i32 to vector<16xi32>
    %ge3A_2592 = arith.cmpi sge, %add3A_2590, %ge3A_2591 : vector<16xi32>
    %convert_element_type3A_2593 = arith.extui %ge3A_2592 : vector<16xi1> to vector<16xi32>
    %add3A_2594 = arith.addi %add3A_2536, %convert_element_type3A_2593 : vector<16xi32>
    %lt3A_2595 = arith.constant 0 : i32
    %lt3A_2596 = vector.broadcast %lt3A_2595 : i32 to vector<16xi32>
    %lt3A_2597 = arith.cmpi slt, %broadcast_in_dim3A_4, %lt3A_2596 : vector<16xi32>
    %add3A_2598 = arith.constant 16 : i32
    %add3A_2599 = vector.broadcast %add3A_2598 : i32 to vector<16xi32>
    %add3A_2600 = arith.addi %broadcast_in_dim3A_4, %add3A_2599 : vector<16xi32>
    %select_n3A_2601 = arith.select %lt3A_2597, %add3A_2600, %broadcast_in_dim3A_4 : vector<16xi1>, vector<16xi32>
    %broadcast_in_dim3A_2602 = vector.shape_cast %select_n3A_2601 : vector<16xi32> to vector<16x1xi32>
    %gather3A_2603 = vector.shape_cast %broadcast_in_dim3A_2602 : vector<16x1xi32> to vector<16xi32>
    %gather3A_2604 = tpu.dynamic_gather %rev3A_2589[%gather3A_2603] in [0] : vector<16xi32>, vector<16xi32> -> vector<16xi32>
    %add3A_2605 = arith.addi %add3A_2547, %gather3A_2604 : vector<16xi32>
    %lt3A_2606 = arith.constant 0 : i32
    %lt3A_2607 = vector.broadcast %lt3A_2606 : i32 to vector<16xi32>
    %lt3A_2608 = arith.cmpi slt, %broadcast_in_dim3A_4, %lt3A_2607 : vector<16xi32>
    %add3A_2609 = arith.constant 16 : i32
    %add3A_2610 = vector.broadcast %add3A_2609 : i32 to vector<16xi32>
    %add3A_2611 = arith.addi %broadcast_in_dim3A_4, %add3A_2610 : vector<16xi32>
    %select_n3A_2612 = arith.select %lt3A_2608, %add3A_2611, %broadcast_in_dim3A_4 : vector<16xi1>, vector<16xi32>
    %broadcast_in_dim3A_2613 = vector.shape_cast %select_n3A_2612 : vector<16xi32> to vector<16x1xi32>
    %gather3A_2614 = vector.shape_cast %broadcast_in_dim3A_2613 : vector<16x1xi32> to vector<16xi32>
    %gather3A_2615 = tpu.dynamic_gather %convert_element_type3A_2593[%gather3A_2614] in [0] : vector<16xi32>, vector<16xi32> -> vector<16xi32>
    %sub3A_2616 = arith.constant 1 : i32
    %sub3A_2617 = vector.broadcast %sub3A_2616 : i32 to vector<16xi32>
    %sub3A_2618 = arith.subi %sub3A_2617, %select_n3A_2574 : vector<16xi32>
    %mul3A_2619 = arith.muli %gather3A_2615, %sub3A_2618 : vector<16xi32>
    %gt3A_2620 = arith.constant 0 : i32
    %gt3A_2621 = vector.broadcast %gt3A_2620 : i32 to vector<16xi32>
    %gt3A_2622 = arith.cmpi sgt, %mul3A_2619, %gt3A_2621 : vector<16xi32>
    %and3A_2623 = arith.andi %gt3A_2622, %ge3A_2592 : vector<16xi1>
    %select_n3A_2624 = arith.select %and3A_2623, %add3A_2590, %select_n3A_2566 : vector<16xi1>, vector<16xi32>
    %and3A_2625 = arith.andi %gt3A_2622, %ge3A_2592 : vector<16xi1>
    %select_n3A_2626 = arith.select %and3A_2625, %get3A_2576, %select_n3A_2568 : vector<16xi1>, vector<16xi32>
    %and3A_2627 = arith.andi %gt3A_2622, %ge3A_2592 : vector<16xi1>
    %add3A_2628 = arith.constant 80 : i32
    %add3A_2629 = vector.broadcast %add3A_2628 : i32 to vector<16xi32>
    %add3A_2630 = arith.addi %iota3A, %add3A_2629 : vector<16xi32>
    %select_n3A_2631 = arith.select %and3A_2627, %add3A_2630, %select_n3A_2573 : vector<16xi1>, vector<16xi32>
    %select_n3A_2632 = arith.select %gt3A_2622, %broadcast_in_dim3A_0, %select_n3A_2574 : vector<16xi1>, vector<16xi32>
    %get3A_2633 = arith.constant 64 : index
    %get3A_2634 = tpu.vector_load %arg9[%get3A_2633] {strides = array<i32>} : memref<256xi32, #tpu.memory_space<vmem>>, vector<16xi32>,
    %rev3A_2635 = arith.constant 15 : i32
    %rev3A_2636 = vector.broadcast %rev3A_2635 : i32 to vector<16xi32>
    %rev3A_2637 = tpu.iota {dimensions = array<i32: 0>} : vector<16xi32>
    %rev3A_2638 = arith.subi %rev3A_2636, %rev3A_2637 : vector<16xi32>
    %rev3A_2639 = tpu.dynamic_gather %get3A_2634[%rev3A_2638] in [0] : vector<16xi32>, vector<16xi32> -> vector<16xi32>
    %broadcast_in_dim3A_2640 = arith.constant true
    %broadcast_in_dim3A_2641 = vector.broadcast %broadcast_in_dim3A_2640 : i1 to vector<16xi1>
    %masked_cumsum3A_2642 = tpu.scan <sum>, %rev3A_2639 masked %broadcast_in_dim3A_2641 : vector<16xi32>, vector<16xi1> -> vector<16xi32>
    %rev3A_2643 = arith.constant 15 : i32
    %rev3A_2644 = vector.broadcast %rev3A_2643 : i32 to vector<16xi32>
    %rev3A_2645 = tpu.iota {dimensions = array<i32: 0>} : vector<16xi32>
    %rev3A_2646 = arith.subi %rev3A_2644, %rev3A_2645 : vector<16xi32>
    %rev3A_2647 = tpu.dynamic_gather %masked_cumsum3A_2642[%rev3A_2646] in [0] : vector<16xi32>, vector<16xi32> -> vector<16xi32>
    %add3A_2648 = arith.addi %rev3A_2647, %add3A_2605 : vector<16xi32>
    %ge3A_2649 = vector.broadcast %sub3A_1980 : i32 to vector<16xi32>
    %ge3A_2650 = arith.cmpi sge, %add3A_2648, %ge3A_2649 : vector<16xi32>
    %convert_element_type3A_2651 = arith.extui %ge3A_2650 : vector<16xi1> to vector<16xi32>
    %add3A_2652 = arith.addi %add3A_2594, %convert_element_type3A_2651 : vector<16xi32>
    %lt3A_2653 = arith.constant 0 : i32
    %lt3A_2654 = vector.broadcast %lt3A_2653 : i32 to vector<16xi32>
    %lt3A_2655 = arith.cmpi slt, %broadcast_in_dim3A_4, %lt3A_2654 : vector<16xi32>
    %add3A_2656 = arith.constant 16 : i32
    %add3A_2657 = vector.broadcast %add3A_2656 : i32 to vector<16xi32>
    %add3A_2658 = arith.addi %broadcast_in_dim3A_4, %add3A_2657 : vector<16xi32>
    %select_n3A_2659 = arith.select %lt3A_2655, %add3A_2658, %broadcast_in_dim3A_4 : vector<16xi1>, vector<16xi32>
    %broadcast_in_dim3A_2660 = vector.shape_cast %select_n3A_2659 : vector<16xi32> to vector<16x1xi32>
    %gather3A_2661 = vector.shape_cast %broadcast_in_dim3A_2660 : vector<16x1xi32> to vector<16xi32>
    %gather3A_2662 = tpu.dynamic_gather %rev3A_2647[%gather3A_2661] in [0] : vector<16xi32>, vector<16xi32> -> vector<16xi32>
    %add3A_2663 = arith.addi %add3A_2605, %gather3A_2662 : vector<16xi32>
    %lt3A_2664 = arith.constant 0 : i32
    %lt3A_2665 = vector.broadcast %lt3A_2664 : i32 to vector<16xi32>
    %lt3A_2666 = arith.cmpi slt, %broadcast_in_dim3A_4, %lt3A_2665 : vector<16xi32>
    %add3A_2667 = arith.constant 16 : i32
    %add3A_2668 = vector.broadcast %add3A_2667 : i32 to vector<16xi32>
    %add3A_2669 = arith.addi %broadcast_in_dim3A_4, %add3A_2668 : vector<16xi32>
    %select_n3A_2670 = arith.select %lt3A_2666, %add3A_2669, %broadcast_in_dim3A_4 : vector<16xi1>, vector<16xi32>
    %broadcast_in_dim3A_2671 = vector.shape_cast %select_n3A_2670 : vector<16xi32> to vector<16x1xi32>
    %gather3A_2672 = vector.shape_cast %broadcast_in_dim3A_2671 : vector<16x1xi32> to vector<16xi32>
    %gather3A_2673 = tpu.dynamic_gather %convert_element_type3A_2651[%gather3A_2672] in [0] : vector<16xi32>, vector<16xi32> -> vector<16xi32>
    %sub3A_2674 = arith.constant 1 : i32
    %sub3A_2675 = vector.broadcast %sub3A_2674 : i32 to vector<16xi32>
    %sub3A_2676 = arith.subi %sub3A_2675, %select_n3A_2632 : vector<16xi32>
    %mul3A_2677 = arith.muli %gather3A_2673, %sub3A_2676 : vector<16xi32>
    %gt3A_2678 = arith.constant 0 : i32
    %gt3A_2679 = vector.broadcast %gt3A_2678 : i32 to vector<16xi32>
    %gt3A_2680 = arith.cmpi sgt, %mul3A_2677, %gt3A_2679 : vector<16xi32>
    %and3A_2681 = arith.andi %gt3A_2680, %ge3A_2650 : vector<16xi1>
    %select_n3A_2682 = arith.select %and3A_2681, %add3A_2648, %select_n3A_2624 : vector<16xi1>, vector<16xi32>
    %and3A_2683 = arith.andi %gt3A_2680, %ge3A_2650 : vector<16xi1>
    %select_n3A_2684 = arith.select %and3A_2683, %get3A_2634, %select_n3A_2626 : vector<16xi1>, vector<16xi32>
    %and3A_2685 = arith.andi %gt3A_2680, %ge3A_2650 : vector<16xi1>
    %add3A_2686 = arith.constant 64 : i32
    %add3A_2687 = vector.broadcast %add3A_2686 : i32 to vector<16xi32>
    %add3A_2688 = arith.addi %iota3A, %add3A_2687 : vector<16xi32>
    %select_n3A_2689 = arith.select %and3A_2685, %add3A_2688, %select_n3A_2631 : vector<16xi1>, vector<16xi32>
    %select_n3A_2690 = arith.select %gt3A_2680, %broadcast_in_dim3A_0, %select_n3A_2632 : vector<16xi1>, vector<16xi32>
    %get3A_2691 = arith.constant 48 : index
    %get3A_2692 = tpu.vector_load %arg9[%get3A_2691] {strides = array<i32>} : memref<256xi32, #tpu.memory_space<vmem>>, vector<16xi32>,
    %rev3A_2693 = arith.constant 15 : i32
    %rev3A_2694 = vector.broadcast %rev3A_2693 : i32 to vector<16xi32>
    %rev3A_2695 = tpu.iota {dimensions = array<i32: 0>} : vector<16xi32>
    %rev3A_2696 = arith.subi %rev3A_2694, %rev3A_2695 : vector<16xi32>
    %rev3A_2697 = tpu.dynamic_gather %get3A_2692[%rev3A_2696] in [0] : vector<16xi32>, vector<16xi32> -> vector<16xi32>
    %broadcast_in_dim3A_2698 = arith.constant true
    %broadcast_in_dim3A_2699 = vector.broadcast %broadcast_in_dim3A_2698 : i1 to vector<16xi1>
    %masked_cumsum3A_2700 = tpu.scan <sum>, %rev3A_2697 masked %broadcast_in_dim3A_2699 : vector<16xi32>, vector<16xi1> -> vector<16xi32>
    %rev3A_2701 = arith.constant 15 : i32
    %rev3A_2702 = vector.broadcast %rev3A_2701 : i32 to vector<16xi32>
    %rev3A_2703 = tpu.iota {dimensions = array<i32: 0>} : vector<16xi32>
    %rev3A_2704 = arith.subi %rev3A_2702, %rev3A_2703 : vector<16xi32>
    %rev3A_2705 = tpu.dynamic_gather %masked_cumsum3A_2700[%rev3A_2704] in [0] : vector<16xi32>, vector<16xi32> -> vector<16xi32>
    %add3A_2706 = arith.addi %rev3A_2705, %add3A_2663 : vector<16xi32>
    %ge3A_2707 = vector.broadcast %sub3A_1980 : i32 to vector<16xi32>
    %ge3A_2708 = arith.cmpi sge, %add3A_2706, %ge3A_2707 : vector<16xi32>
    %convert_element_type3A_2709 = arith.extui %ge3A_2708 : vector<16xi1> to vector<16xi32>
    %add3A_2710 = arith.addi %add3A_2652, %convert_element_type3A_2709 : vector<16xi32>
    %lt3A_2711 = arith.constant 0 : i32
    %lt3A_2712 = vector.broadcast %lt3A_2711 : i32 to vector<16xi32>
    %lt3A_2713 = arith.cmpi slt, %broadcast_in_dim3A_4, %lt3A_2712 : vector<16xi32>
    %add3A_2714 = arith.constant 16 : i32
    %add3A_2715 = vector.broadcast %add3A_2714 : i32 to vector<16xi32>
    %add3A_2716 = arith.addi %broadcast_in_dim3A_4, %add3A_2715 : vector<16xi32>
    %select_n3A_2717 = arith.select %lt3A_2713, %add3A_2716, %broadcast_in_dim3A_4 : vector<16xi1>, vector<16xi32>
    %broadcast_in_dim3A_2718 = vector.shape_cast %select_n3A_2717 : vector<16xi32> to vector<16x1xi32>
    %gather3A_2719 = vector.shape_cast %broadcast_in_dim3A_2718 : vector<16x1xi32> to vector<16xi32>
    %gather3A_2720 = tpu.dynamic_gather %rev3A_2705[%gather3A_2719] in [0] : vector<16xi32>, vector<16xi32> -> vector<16xi32>
    %add3A_2721 = arith.addi %add3A_2663, %gather3A_2720 : vector<16xi32>
    %lt3A_2722 = arith.constant 0 : i32
    %lt3A_2723 = vector.broadcast %lt3A_2722 : i32 to vector<16xi32>
    %lt3A_2724 = arith.cmpi slt, %broadcast_in_dim3A_4, %lt3A_2723 : vector<16xi32>
    %add3A_2725 = arith.constant 16 : i32
    %add3A_2726 = vector.broadcast %add3A_2725 : i32 to vector<16xi32>
    %add3A_2727 = arith.addi %broadcast_in_dim3A_4, %add3A_2726 : vector<16xi32>
    %select_n3A_2728 = arith.select %lt3A_2724, %add3A_2727, %broadcast_in_dim3A_4 : vector<16xi1>, vector<16xi32>
    %broadcast_in_dim3A_2729 = vector.shape_cast %select_n3A_2728 : vector<16xi32> to vector<16x1xi32>
    %gather3A_2730 = vector.shape_cast %broadcast_in_dim3A_2729 : vector<16x1xi32> to vector<16xi32>
    %gather3A_2731 = tpu.dynamic_gather %convert_element_type3A_2709[%gather3A_2730] in [0] : vector<16xi32>, vector<16xi32> -> vector<16xi32>
    %sub3A_2732 = arith.constant 1 : i32
    %sub3A_2733 = vector.broadcast %sub3A_2732 : i32 to vector<16xi32>
    %sub3A_2734 = arith.subi %sub3A_2733, %select_n3A_2690 : vector<16xi32>
    %mul3A_2735 = arith.muli %gather3A_2731, %sub3A_2734 : vector<16xi32>
    %gt3A_2736 = arith.constant 0 : i32
    %gt3A_2737 = vector.broadcast %gt3A_2736 : i32 to vector<16xi32>
    %gt3A_2738 = arith.cmpi sgt, %mul3A_2735, %gt3A_2737 : vector<16xi32>
    %and3A_2739 = arith.andi %gt3A_2738, %ge3A_2708 : vector<16xi1>
    %select_n3A_2740 = arith.select %and3A_2739, %add3A_2706, %select_n3A_2682 : vector<16xi1>, vector<16xi32>
    %and3A_2741 = arith.andi %gt3A_2738, %ge3A_2708 : vector<16xi1>
    %select_n3A_2742 = arith.select %and3A_2741, %get3A_2692, %select_n3A_2684 : vector<16xi1>, vector<16xi32>
    %and3A_2743 = arith.andi %gt3A_2738, %ge3A_2708 : vector<16xi1>
    %add3A_2744 = arith.constant 48 : i32
    %add3A_2745 = vector.broadcast %add3A_2744 : i32 to vector<16xi32>
    %add3A_2746 = arith.addi %iota3A, %add3A_2745 : vector<16xi32>
    %select_n3A_2747 = arith.select %and3A_2743, %add3A_2746, %select_n3A_2689 : vector<16xi1>, vector<16xi32>
    %select_n3A_2748 = arith.select %gt3A_2738, %broadcast_in_dim3A_0, %select_n3A_2690 : vector<16xi1>, vector<16xi32>
    %get3A_2749 = arith.constant 32 : index
    %get3A_2750 = tpu.vector_load %arg9[%get3A_2749] {strides = array<i32>} : memref<256xi32, #tpu.memory_space<vmem>>, vector<16xi32>,
    %rev3A_2751 = arith.constant 15 : i32
    %rev3A_2752 = vector.broadcast %rev3A_2751 : i32 to vector<16xi32>
    %rev3A_2753 = tpu.iota {dimensions = array<i32: 0>} : vector<16xi32>
    %rev3A_2754 = arith.subi %rev3A_2752, %rev3A_2753 : vector<16xi32>
    %rev3A_2755 = tpu.dynamic_gather %get3A_2750[%rev3A_2754] in [0] : vector<16xi32>, vector<16xi32> -> vector<16xi32>
    %broadcast_in_dim3A_2756 = arith.constant true
    %broadcast_in_dim3A_2757 = vector.broadcast %broadcast_in_dim3A_2756 : i1 to vector<16xi1>
    %masked_cumsum3A_2758 = tpu.scan <sum>, %rev3A_2755 masked %broadcast_in_dim3A_2757 : vector<16xi32>, vector<16xi1> -> vector<16xi32>
    %rev3A_2759 = arith.constant 15 : i32
    %rev3A_2760 = vector.broadcast %rev3A_2759 : i32 to vector<16xi32>
    %rev3A_2761 = tpu.iota {dimensions = array<i32: 0>} : vector<16xi32>
    %rev3A_2762 = arith.subi %rev3A_2760, %rev3A_2761 : vector<16xi32>
    %rev3A_2763 = tpu.dynamic_gather %masked_cumsum3A_2758[%rev3A_2762] in [0] : vector<16xi32>, vector<16xi32> -> vector<16xi32>
    %add3A_2764 = arith.addi %rev3A_2763, %add3A_2721 : vector<16xi32>
    %ge3A_2765 = vector.broadcast %sub3A_1980 : i32 to vector<16xi32>
    %ge3A_2766 = arith.cmpi sge, %add3A_2764, %ge3A_2765 : vector<16xi32>
    %convert_element_type3A_2767 = arith.extui %ge3A_2766 : vector<16xi1> to vector<16xi32>
    %add3A_2768 = arith.addi %add3A_2710, %convert_element_type3A_2767 : vector<16xi32>
    %lt3A_2769 = arith.constant 0 : i32
    %lt3A_2770 = vector.broadcast %lt3A_2769 : i32 to vector<16xi32>
    %lt3A_2771 = arith.cmpi slt, %broadcast_in_dim3A_4, %lt3A_2770 : vector<16xi32>
    %add3A_2772 = arith.constant 16 : i32
    %add3A_2773 = vector.broadcast %add3A_2772 : i32 to vector<16xi32>
    %add3A_2774 = arith.addi %broadcast_in_dim3A_4, %add3A_2773 : vector<16xi32>
    %select_n3A_2775 = arith.select %lt3A_2771, %add3A_2774, %broadcast_in_dim3A_4 : vector<16xi1>, vector<16xi32>
    %broadcast_in_dim3A_2776 = vector.shape_cast %select_n3A_2775 : vector<16xi32> to vector<16x1xi32>
    %gather3A_2777 = vector.shape_cast %broadcast_in_dim3A_2776 : vector<16x1xi32> to vector<16xi32>
    %gather3A_2778 = tpu.dynamic_gather %rev3A_2763[%gather3A_2777] in [0] : vector<16xi32>, vector<16xi32> -> vector<16xi32>
    %add3A_2779 = arith.addi %add3A_2721, %gather3A_2778 : vector<16xi32>
    %lt3A_2780 = arith.constant 0 : i32
    %lt3A_2781 = vector.broadcast %lt3A_2780 : i32 to vector<16xi32>
    %lt3A_2782 = arith.cmpi slt, %broadcast_in_dim3A_4, %lt3A_2781 : vector<16xi32>
    %add3A_2783 = arith.constant 16 : i32
    %add3A_2784 = vector.broadcast %add3A_2783 : i32 to vector<16xi32>
    %add3A_2785 = arith.addi %broadcast_in_dim3A_4, %add3A_2784 : vector<16xi32>
    %select_n3A_2786 = arith.select %lt3A_2782, %add3A_2785, %broadcast_in_dim3A_4 : vector<16xi1>, vector<16xi32>
    %broadcast_in_dim3A_2787 = vector.shape_cast %select_n3A_2786 : vector<16xi32> to vector<16x1xi32>
    %gather3A_2788 = vector.shape_cast %broadcast_in_dim3A_2787 : vector<16x1xi32> to vector<16xi32>
    %gather3A_2789 = tpu.dynamic_gather %convert_element_type3A_2767[%gather3A_2788] in [0] : vector<16xi32>, vector<16xi32> -> vector<16xi32>
    %sub3A_2790 = arith.constant 1 : i32
    %sub3A_2791 = vector.broadcast %sub3A_2790 : i32 to vector<16xi32>
    %sub3A_2792 = arith.subi %sub3A_2791, %select_n3A_2748 : vector<16xi32>
    %mul3A_2793 = arith.muli %gather3A_2789, %sub3A_2792 : vector<16xi32>
    %gt3A_2794 = arith.constant 0 : i32
    %gt3A_2795 = vector.broadcast %gt3A_2794 : i32 to vector<16xi32>
    %gt3A_2796 = arith.cmpi sgt, %mul3A_2793, %gt3A_2795 : vector<16xi32>
    %and3A_2797 = arith.andi %gt3A_2796, %ge3A_2766 : vector<16xi1>
    %select_n3A_2798 = arith.select %and3A_2797, %add3A_2764, %select_n3A_2740 : vector<16xi1>, vector<16xi32>
    %and3A_2799 = arith.andi %gt3A_2796, %ge3A_2766 : vector<16xi1>
    %select_n3A_2800 = arith.select %and3A_2799, %get3A_2750, %select_n3A_2742 : vector<16xi1>, vector<16xi32>
    %and3A_2801 = arith.andi %gt3A_2796, %ge3A_2766 : vector<16xi1>
    %add3A_2802 = arith.constant 32 : i32
    %add3A_2803 = vector.broadcast %add3A_2802 : i32 to vector<16xi32>
    %add3A_2804 = arith.addi %iota3A, %add3A_2803 : vector<16xi32>
    %select_n3A_2805 = arith.select %and3A_2801, %add3A_2804, %select_n3A_2747 : vector<16xi1>, vector<16xi32>
    %select_n3A_2806 = arith.select %gt3A_2796, %broadcast_in_dim3A_0, %select_n3A_2748 : vector<16xi1>, vector<16xi32>
    %get3A_2807 = arith.constant 16 : index
    %get3A_2808 = tpu.vector_load %arg9[%get3A_2807] {strides = array<i32>} : memref<256xi32, #tpu.memory_space<vmem>>, vector<16xi32>,
    %rev3A_2809 = arith.constant 15 : i32
    %rev3A_2810 = vector.broadcast %rev3A_2809 : i32 to vector<16xi32>
    %rev3A_2811 = tpu.iota {dimensions = array<i32: 0>} : vector<16xi32>
    %rev3A_2812 = arith.subi %rev3A_2810, %rev3A_2811 : vector<16xi32>
    %rev3A_2813 = tpu.dynamic_gather %get3A_2808[%rev3A_2812] in [0] : vector<16xi32>, vector<16xi32> -> vector<16xi32>
    %broadcast_in_dim3A_2814 = arith.constant true
    %broadcast_in_dim3A_2815 = vector.broadcast %broadcast_in_dim3A_2814 : i1 to vector<16xi1>
    %masked_cumsum3A_2816 = tpu.scan <sum>, %rev3A_2813 masked %broadcast_in_dim3A_2815 : vector<16xi32>, vector<16xi1> -> vector<16xi32>
    %rev3A_2817 = arith.constant 15 : i32
    %rev3A_2818 = vector.broadcast %rev3A_2817 : i32 to vector<16xi32>
    %rev3A_2819 = tpu.iota {dimensions = array<i32: 0>} : vector<16xi32>
    %rev3A_2820 = arith.subi %rev3A_2818, %rev3A_2819 : vector<16xi32>
    %rev3A_2821 = tpu.dynamic_gather %masked_cumsum3A_2816[%rev3A_2820] in [0] : vector<16xi32>, vector<16xi32> -> vector<16xi32>
    %add3A_2822 = arith.addi %rev3A_2821, %add3A_2779 : vector<16xi32>
    %ge3A_2823 = vector.broadcast %sub3A_1980 : i32 to vector<16xi32>
    %ge3A_2824 = arith.cmpi sge, %add3A_2822, %ge3A_2823 : vector<16xi32>
    %convert_element_type3A_2825 = arith.extui %ge3A_2824 : vector<16xi1> to vector<16xi32>
    %add3A_2826 = arith.addi %add3A_2768, %convert_element_type3A_2825 : vector<16xi32>
    %lt3A_2827 = arith.constant 0 : i32
    %lt3A_2828 = vector.broadcast %lt3A_2827 : i32 to vector<16xi32>
    %lt3A_2829 = arith.cmpi slt, %broadcast_in_dim3A_4, %lt3A_2828 : vector<16xi32>
    %add3A_2830 = arith.constant 16 : i32
    %add3A_2831 = vector.broadcast %add3A_2830 : i32 to vector<16xi32>
    %add3A_2832 = arith.addi %broadcast_in_dim3A_4, %add3A_2831 : vector<16xi32>
    %select_n3A_2833 = arith.select %lt3A_2829, %add3A_2832, %broadcast_in_dim3A_4 : vector<16xi1>, vector<16xi32>
    %broadcast_in_dim3A_2834 = vector.shape_cast %select_n3A_2833 : vector<16xi32> to vector<16x1xi32>
    %gather3A_2835 = vector.shape_cast %broadcast_in_dim3A_2834 : vector<16x1xi32> to vector<16xi32>
    %gather3A_2836 = tpu.dynamic_gather %rev3A_2821[%gather3A_2835] in [0] : vector<16xi32>, vector<16xi32> -> vector<16xi32>
    %add3A_2837 = arith.addi %add3A_2779, %gather3A_2836 : vector<16xi32>
    %lt3A_2838 = arith.constant 0 : i32
    %lt3A_2839 = vector.broadcast %lt3A_2838 : i32 to vector<16xi32>
    %lt3A_2840 = arith.cmpi slt, %broadcast_in_dim3A_4, %lt3A_2839 : vector<16xi32>
    %add3A_2841 = arith.constant 16 : i32
    %add3A_2842 = vector.broadcast %add3A_2841 : i32 to vector<16xi32>
    %add3A_2843 = arith.addi %broadcast_in_dim3A_4, %add3A_2842 : vector<16xi32>
    %select_n3A_2844 = arith.select %lt3A_2840, %add3A_2843, %broadcast_in_dim3A_4 : vector<16xi1>, vector<16xi32>
    %broadcast_in_dim3A_2845 = vector.shape_cast %select_n3A_2844 : vector<16xi32> to vector<16x1xi32>
    %gather3A_2846 = vector.shape_cast %broadcast_in_dim3A_2845 : vector<16x1xi32> to vector<16xi32>
    %gather3A_2847 = tpu.dynamic_gather %convert_element_type3A_2825[%gather3A_2846] in [0] : vector<16xi32>, vector<16xi32> -> vector<16xi32>
    %sub3A_2848 = arith.constant 1 : i32
    %sub3A_2849 = vector.broadcast %sub3A_2848 : i32 to vector<16xi32>
    %sub3A_2850 = arith.subi %sub3A_2849, %select_n3A_2806 : vector<16xi32>
    %mul3A_2851 = arith.muli %gather3A_2847, %sub3A_2850 : vector<16xi32>
    %gt3A_2852 = arith.constant 0 : i32
    %gt3A_2853 = vector.broadcast %gt3A_2852 : i32 to vector<16xi32>
    %gt3A_2854 = arith.cmpi sgt, %mul3A_2851, %gt3A_2853 : vector<16xi32>
    %and3A_2855 = arith.andi %gt3A_2854, %ge3A_2824 : vector<16xi1>
    %select_n3A_2856 = arith.select %and3A_2855, %add3A_2822, %select_n3A_2798 : vector<16xi1>, vector<16xi32>
    %and3A_2857 = arith.andi %gt3A_2854, %ge3A_2824 : vector<16xi1>
    %select_n3A_2858 = arith.select %and3A_2857, %get3A_2808, %select_n3A_2800 : vector<16xi1>, vector<16xi32>
    %and3A_2859 = arith.andi %gt3A_2854, %ge3A_2824 : vector<16xi1>
    %add3A_2860 = arith.constant 16 : i32
    %add3A_2861 = vector.broadcast %add3A_2860 : i32 to vector<16xi32>
    %add3A_2862 = arith.addi %iota3A, %add3A_2861 : vector<16xi32>
    %select_n3A_2863 = arith.select %and3A_2859, %add3A_2862, %select_n3A_2805 : vector<16xi1>, vector<16xi32>
    %select_n3A_2864 = arith.select %gt3A_2854, %broadcast_in_dim3A_0, %select_n3A_2806 : vector<16xi1>, vector<16xi32>
    %get3A_2865 = arith.constant 0 : index
    %get3A_2866 = tpu.vector_load %arg9[%get3A_2865] {strides = array<i32>} : memref<256xi32, #tpu.memory_space<vmem>>, vector<16xi32>,
    %rev3A_2867 = arith.constant 15 : i32
    %rev3A_2868 = vector.broadcast %rev3A_2867 : i32 to vector<16xi32>
    %rev3A_2869 = tpu.iota {dimensions = array<i32: 0>} : vector<16xi32>
    %rev3A_2870 = arith.subi %rev3A_2868, %rev3A_2869 : vector<16xi32>
    %rev3A_2871 = tpu.dynamic_gather %get3A_2866[%rev3A_2870] in [0] : vector<16xi32>, vector<16xi32> -> vector<16xi32>
    %broadcast_in_dim3A_2872 = arith.constant true
    %broadcast_in_dim3A_2873 = vector.broadcast %broadcast_in_dim3A_2872 : i1 to vector<16xi1>
    %masked_cumsum3A_2874 = tpu.scan <sum>, %rev3A_2871 masked %broadcast_in_dim3A_2873 : vector<16xi32>, vector<16xi1> -> vector<16xi32>
    %rev3A_2875 = arith.constant 15 : i32
    %rev3A_2876 = vector.broadcast %rev3A_2875 : i32 to vector<16xi32>
    %rev3A_2877 = tpu.iota {dimensions = array<i32: 0>} : vector<16xi32>
    %rev3A_2878 = arith.subi %rev3A_2876, %rev3A_2877 : vector<16xi32>
    %rev3A_2879 = tpu.dynamic_gather %masked_cumsum3A_2874[%rev3A_2878] in [0] : vector<16xi32>, vector<16xi32> -> vector<16xi32>
    %add3A_2880 = arith.addi %rev3A_2879, %add3A_2837 : vector<16xi32>
    %ge3A_2881 = vector.broadcast %sub3A_1980 : i32 to vector<16xi32>
    %ge3A_2882 = arith.cmpi sge, %add3A_2880, %ge3A_2881 : vector<16xi32>
    %convert_element_type3A_2883 = arith.extui %ge3A_2882 : vector<16xi1> to vector<16xi32>
    %add3A_2884 = arith.addi %add3A_2826, %convert_element_type3A_2883 : vector<16xi32>
    %lt3A_2885 = arith.constant 0 : i32
    %lt3A_2886 = vector.broadcast %lt3A_2885 : i32 to vector<16xi32>
    %lt3A_2887 = arith.cmpi slt, %broadcast_in_dim3A_4, %lt3A_2886 : vector<16xi32>
    %add3A_2888 = arith.constant 16 : i32
    %add3A_2889 = vector.broadcast %add3A_2888 : i32 to vector<16xi32>
    %add3A_2890 = arith.addi %broadcast_in_dim3A_4, %add3A_2889 : vector<16xi32>
    %select_n3A_2891 = arith.select %lt3A_2887, %add3A_2890, %broadcast_in_dim3A_4 : vector<16xi1>, vector<16xi32>
    %broadcast_in_dim3A_2892 = vector.shape_cast %select_n3A_2891 : vector<16xi32> to vector<16x1xi32>
    %gather3A_2893 = vector.shape_cast %broadcast_in_dim3A_2892 : vector<16x1xi32> to vector<16xi32>
    %gather3A_2894 = tpu.dynamic_gather %rev3A_2879[%gather3A_2893] in [0] : vector<16xi32>, vector<16xi32> -> vector<16xi32>
    %add3A_2895 = arith.addi %add3A_2837, %gather3A_2894 : vector<16xi32>
    %lt3A_2896 = arith.constant 0 : i32
    %lt3A_2897 = vector.broadcast %lt3A_2896 : i32 to vector<16xi32>
    %lt3A_2898 = arith.cmpi slt, %broadcast_in_dim3A_4, %lt3A_2897 : vector<16xi32>
    %add3A_2899 = arith.constant 16 : i32
    %add3A_2900 = vector.broadcast %add3A_2899 : i32 to vector<16xi32>
    %add3A_2901 = arith.addi %broadcast_in_dim3A_4, %add3A_2900 : vector<16xi32>
    %select_n3A_2902 = arith.select %lt3A_2898, %add3A_2901, %broadcast_in_dim3A_4 : vector<16xi1>, vector<16xi32>
    %broadcast_in_dim3A_2903 = vector.shape_cast %select_n3A_2902 : vector<16xi32> to vector<16x1xi32>
    %gather3A_2904 = vector.shape_cast %broadcast_in_dim3A_2903 : vector<16x1xi32> to vector<16xi32>
    %gather3A_2905 = tpu.dynamic_gather %convert_element_type3A_2883[%gather3A_2904] in [0] : vector<16xi32>, vector<16xi32> -> vector<16xi32>
    %sub3A_2906 = arith.constant 1 : i32
    %sub3A_2907 = vector.broadcast %sub3A_2906 : i32 to vector<16xi32>
    %sub3A_2908 = arith.subi %sub3A_2907, %select_n3A_2864 : vector<16xi32>
    %mul3A_2909 = arith.muli %gather3A_2905, %sub3A_2908 : vector<16xi32>
    %gt3A_2910 = arith.constant 0 : i32
    %gt3A_2911 = vector.broadcast %gt3A_2910 : i32 to vector<16xi32>
    %gt3A_2912 = arith.cmpi sgt, %mul3A_2909, %gt3A_2911 : vector<16xi32>
    %and3A_2913 = arith.andi %gt3A_2912, %ge3A_2882 : vector<16xi1>
    %select_n3A_2914 = arith.select %and3A_2913, %add3A_2880, %select_n3A_2856 : vector<16xi1>, vector<16xi32>
    %and3A_2915 = arith.andi %gt3A_2912, %ge3A_2882 : vector<16xi1>
    %select_n3A_2916 = arith.select %and3A_2915, %get3A_2866, %select_n3A_2858 : vector<16xi1>, vector<16xi32>
    %and3A_2917 = arith.andi %gt3A_2912, %ge3A_2882 : vector<16xi1>
    %add3A_2918 = arith.constant 0 : i32
    %add3A_2919 = vector.broadcast %add3A_2918 : i32 to vector<16xi32>
    %add3A_2920 = arith.addi %iota3A, %add3A_2919 : vector<16xi32>
    %select_n3A_2921 = arith.select %and3A_2917, %add3A_2920, %select_n3A_2863 : vector<16xi1>, vector<16xi32>
    %select_n3A_2922 = arith.select %gt3A_2912, %broadcast_in_dim3A_0, %select_n3A_2864 : vector<16xi1>, vector<16xi32>
    %reduce_sum3A_2923 = arith.constant true
    %reduce_sum3A_2924 = vector.broadcast %reduce_sum3A_2923 : i1 to vector<16xi1>
    %reduce_sum3A_2925 = tpu.scan <sum>, %add3A_2884 masked %reduce_sum3A_2924 : vector<16xi32>, vector<16xi1> -> vector<16xi32>
    %reduce_sum3A_2926 = vector.extract %reduce_sum3A_2925[15] : i32 from vector<16xi32>
    %sub3A_2927 = arith.constant 1 : i32
    %sub3A_2928 = arith.subi %reduce_sum3A_2926, %sub3A_2927 : i32
    %eq3A_2929 = vector.broadcast %sub3A_2928 : i32 to vector<16xi32>
    %eq3A_2930 = arith.cmpi eq, %select_n3A_2921, %eq3A_2929 : vector<16xi32>
    %convert_element_type3A_2931 = arith.extui %eq3A_2930 : vector<16xi1> to vector<16xi32>
    %mul3A_2932 = arith.muli %convert_element_type3A_2931, %select_n3A_2916 : vector<16xi32>
    %reduce_max3A_2933 = arith.constant true
    %reduce_max3A_2934 = vector.broadcast %reduce_max3A_2933 : i1 to vector<16xi1>
    %reduce_max3A_2935 = arith.constant -2147483648 : i32
    %reduce_max3A_2936 = vector.broadcast %reduce_max3A_2935 : i32 to vector<16xi32>
    %reduce_max3A_2937 = arith.xori %mul3A_2932, %reduce_max3A_2936 : vector<16xi32>
    %reduce_max3A_2938 = tpu.scan <max>, %reduce_max3A_2937 masked %reduce_max3A_2934 : vector<16xi32>, vector<16xi1> -> vector<16xi32>
    %reduce_max3A_2939 = arith.xori %reduce_max3A_2938, %reduce_max3A_2936 : vector<16xi32>
    %reduce_max3A_2940 = vector.extract %reduce_max3A_2939[15] : i32 from vector<16xi32>
    %mul3A_2941 = arith.muli %convert_element_type3A_2931, %select_n3A_2914 : vector<16xi32>
    %reduce_max3A_2942 = arith.constant true
    %reduce_max3A_2943 = vector.broadcast %reduce_max3A_2942 : i1 to vector<16xi1>
    %reduce_max3A_2944 = arith.constant -2147483648 : i32
    %reduce_max3A_2945 = vector.broadcast %reduce_max3A_2944 : i32 to vector<16xi32>
    %reduce_max3A_2946 = arith.xori %mul3A_2941, %reduce_max3A_2945 : vector<16xi32>
    %reduce_max3A_2947 = tpu.scan <max>, %reduce_max3A_2946 masked %reduce_max3A_2943 : vector<16xi32>, vector<16xi1> -> vector<16xi32>
    %reduce_max3A_2948 = arith.xori %reduce_max3A_2947, %reduce_max3A_2945 : vector<16xi32>
    %reduce_max3A_2949 = vector.extract %reduce_max3A_2948[15] : i32 from vector<16xi32>
    %sub3A_2950 = arith.subi %reduce_max3A_2949, %reduce_max3A_2940 : i32
    %sub3A_2951 = arith.subi %sub3A_1980, %sub3A_2950 : i32
    %reduce_max3A_2952 = arith.constant true
    %reduce_max3A_2953 = vector.broadcast %reduce_max3A_2952 : i1 to vector<16xi1>
    %reduce_max3A_2954 = arith.constant -2147483648 : i32
    %reduce_max3A_2955 = vector.broadcast %reduce_max3A_2954 : i32 to vector<16xi32>
    %reduce_max3A_2956 = arith.xori %parallel_loop3A_1991, %reduce_max3A_2955 : vector<16xi32>
    %reduce_max3A_2957 = tpu.scan <max>, %reduce_max3A_2956 masked %reduce_max3A_2953 : vector<16xi32>, vector<16xi1> -> vector<16xi32>
    %reduce_max3A_2958 = arith.xori %reduce_max3A_2957, %reduce_max3A_2955 : vector<16xi32>
    %reduce_max3A_2959 = vector.extract %reduce_max3A_2958[15] : i32 from vector<16xi32>
    %parallel_loop3A_2960 = arith.constant 0 : i32
    %parallel_loop3A_2961 = arith.constant 1 : i32
    scf.for %parallel_loop3A_3986 = %parallel_loop3A_2960 to %reduce_max3A_2959 step %parallel_loop3A_2961  : i32 {
      %parallel_loop3A_3987 = vector.broadcast %parallel_loop3A_3986 : i32 to vector<16xi32>
      %parallel_loop3A_3988 = arith.cmpi slt, %parallel_loop3A_3987, %parallel_loop3A_1991 : vector<16xi32>
      %parallel_loop3A_3989 = arith.constant 512 : i32
      %parallel_loop3A_3990 = vector.broadcast %parallel_loop3A_3989 : i32 to vector<16xi32>
      %parallel_loop3A_3991 = arith.muli %iota3A, %parallel_loop3A_3990 : vector<16xi32>
      %parallel_loop3A_3992 = vector.broadcast %parallel_loop3A_3986 : i32 to vector<16xi32>
      %parallel_loop3A_3993 = arith.addi %parallel_loop3A_3991, %parallel_loop3A_3992 : vector<16xi32>
      %parallel_loop3A_3994 = tpu.vector_load_idx %arg7[%parallel_loop3A_3993] masked %parallel_loop3A_3988 : memref<8192xi32, #tpu.memory_space<vmem>>[vector<16xi32>], vector<16xi32>, vector<16xi1>
      %parallel_loop3A_3995 = arith.constant 8 : i32
      %parallel_loop3A_3996 = vector.broadcast %parallel_loop3A_3995 : i32 to vector<16xi32>
      %parallel_loop3A_3997 = arith.shrsi %parallel_loop3A_3994, %parallel_loop3A_3996 : vector<16xi32>
      %parallel_loop3A_3998 = arith.constant 255 : i32
      %parallel_loop3A_3999 = vector.broadcast %parallel_loop3A_3998 : i32 to vector<16xi32>
      %parallel_loop3A_4000 = arith.andi %parallel_loop3A_3997, %parallel_loop3A_3999 : vector<16xi32>
      %parallel_loop3A_4001 = vector.broadcast %sub3A_2928 : i32 to vector<16xi32>
      %parallel_loop3A_4002 = arith.cmpi eq, %parallel_loop3A_4000, %parallel_loop3A_4001 : vector<16xi32>
      %parallel_loop3A_4003 = arith.andi %parallel_loop3A_3988, %parallel_loop3A_4002 : vector<16xi1>
      %parallel_loop3A_4004 = arith.constant 255 : i32
      %parallel_loop3A_4005 = vector.broadcast %parallel_loop3A_4004 : i32 to vector<16xi32>
      %parallel_loop3A_4006 = arith.andi %parallel_loop3A_3994, %parallel_loop3A_4005 : vector<16xi32>
      tpu.vector_store_idx %arg8[%parallel_loop3A_4006], %broadcast_in_dim3A_0 masked %parallel_loop3A_4003 {add = true} : memref<256xi32, #tpu.memory_space<vmem>>[vector<16xi32>], vector<16xi32>, vector<16xi1>
    } {sc.loop_unroll_factor = 1 : i64, sc.parallel_access}
    %parallel_loop3A_2962 = arith.constant 0 : i32
    %parallel_loop3A_2963 = arith.constant 16 : i32
    %parallel_loop3A_2964 = arith.constant 1 : i32
    scf.for %parallel_loop3A_3986 = %parallel_loop3A_2962 to %parallel_loop3A_2963 step %parallel_loop3A_2964  : i32 {
      %parallel_loop3A_3987 = arith.constant 16 : i32
      %parallel_loop3A_3988 = arith.muli %parallel_loop3A_3986, %parallel_loop3A_3987 : i32
      %parallel_loop3A_3989 = arith.index_cast %parallel_loop3A_3988 : i32 to index
      %parallel_loop3A_3990 = tpu.vector_load %arg8[%parallel_loop3A_3989] {strides = array<i32>} : memref<256xi32, #tpu.memory_space<vmem>>, vector<16xi32>,
      %parallel_loop3A_3991 = arith.constant 16 : i32
      %parallel_loop3A_3992 = arith.muli %parallel_loop3A_3986, %parallel_loop3A_3991 : i32
      %parallel_loop3A_3993 = arith.index_cast %parallel_loop3A_3992 : i32 to index
      %parallel_loop3A_3994 = tpu.vector_load %arg9[%parallel_loop3A_3993] {strides = array<i32>} : memref<256xi32, #tpu.memory_space<vmem>>, vector<16xi32>,
      tpu.vector_store %arg9[%parallel_loop3A_3993], %parallel_loop3A_3990 {strides = array<i32>} : memref<256xi32, #tpu.memory_space<vmem>>, vector<16xi32>,
      %parallel_loop3A_3995 = arith.constant 16 : i32
      %parallel_loop3A_3996 = arith.muli %parallel_loop3A_3986, %parallel_loop3A_3995 : i32
      %parallel_loop3A_3997 = arith.index_cast %parallel_loop3A_3996 : i32 to index
      %parallel_loop3A_3998 = tpu.vector_load %arg8[%parallel_loop3A_3997] {strides = array<i32>} : memref<256xi32, #tpu.memory_space<vmem>>, vector<16xi32>,
      tpu.vector_store %arg8[%parallel_loop3A_3997], %broadcast_in_dim3A_2 {strides = array<i32>} : memref<256xi32, #tpu.memory_space<vmem>>, vector<16xi32>,
    } {sc.loop_unroll_factor = 1 : i64, sc.parallel_access}
    %get3A_2965 = arith.constant 240 : index
    %get3A_2966 = tpu.vector_load %arg9[%get3A_2965] {strides = array<i32>} : memref<256xi32, #tpu.memory_space<vmem>>, vector<16xi32>,
    %rev3A_2967 = arith.constant 15 : i32
    %rev3A_2968 = vector.broadcast %rev3A_2967 : i32 to vector<16xi32>
    %rev3A_2969 = tpu.iota {dimensions = array<i32: 0>} : vector<16xi32>
    %rev3A_2970 = arith.subi %rev3A_2968, %rev3A_2969 : vector<16xi32>
    %rev3A_2971 = tpu.dynamic_gather %get3A_2966[%rev3A_2970] in [0] : vector<16xi32>, vector<16xi32> -> vector<16xi32>
    %broadcast_in_dim3A_2972 = arith.constant true
    %broadcast_in_dim3A_2973 = vector.broadcast %broadcast_in_dim3A_2972 : i1 to vector<16xi1>
    %masked_cumsum3A_2974 = tpu.scan <sum>, %rev3A_2971 masked %broadcast_in_dim3A_2973 : vector<16xi32>, vector<16xi1> -> vector<16xi32>
    %rev3A_2975 = arith.constant 15 : i32
    %rev3A_2976 = vector.broadcast %rev3A_2975 : i32 to vector<16xi32>
    %rev3A_2977 = tpu.iota {dimensions = array<i32: 0>} : vector<16xi32>
    %rev3A_2978 = arith.subi %rev3A_2976, %rev3A_2977 : vector<16xi32>
    %rev3A_2979 = tpu.dynamic_gather %masked_cumsum3A_2974[%rev3A_2978] in [0] : vector<16xi32>, vector<16xi32> -> vector<16xi32>
    %add3A_2980 = arith.addi %rev3A_2979, %broadcast_in_dim3A_2 : vector<16xi32>
    %ge3A_2981 = vector.broadcast %sub3A_2951 : i32 to vector<16xi32>
    %ge3A_2982 = arith.cmpi sge, %add3A_2980, %ge3A_2981 : vector<16xi32>
    %convert_element_type3A_2983 = arith.extui %ge3A_2982 : vector<16xi1> to vector<16xi32>
    %add3A_2984 = arith.addi %broadcast_in_dim3A_2, %convert_element_type3A_2983 : vector<16xi32>
    %lt3A_2985 = arith.constant 0 : i32
    %lt3A_2986 = vector.broadcast %lt3A_2985 : i32 to vector<16xi32>
    %lt3A_2987 = arith.cmpi slt, %broadcast_in_dim3A_4, %lt3A_2986 : vector<16xi32>
    %add3A_2988 = arith.constant 16 : i32
    %add3A_2989 = vector.broadcast %add3A_2988 : i32 to vector<16xi32>
    %add3A_2990 = arith.addi %broadcast_in_dim3A_4, %add3A_2989 : vector<16xi32>
    %select_n3A_2991 = arith.select %lt3A_2987, %add3A_2990, %broadcast_in_dim3A_4 : vector<16xi1>, vector<16xi32>
    %broadcast_in_dim3A_2992 = vector.shape_cast %select_n3A_2991 : vector<16xi32> to vector<16x1xi32>
    %gather3A_2993 = vector.shape_cast %broadcast_in_dim3A_2992 : vector<16x1xi32> to vector<16xi32>
    %gather3A_2994 = tpu.dynamic_gather %rev3A_2979[%gather3A_2993] in [0] : vector<16xi32>, vector<16xi32> -> vector<16xi32>
    %add3A_2995 = arith.addi %broadcast_in_dim3A_2, %gather3A_2994 : vector<16xi32>
    %lt3A_2996 = arith.constant 0 : i32
    %lt3A_2997 = vector.broadcast %lt3A_2996 : i32 to vector<16xi32>
    %lt3A_2998 = arith.cmpi slt, %broadcast_in_dim3A_4, %lt3A_2997 : vector<16xi32>
    %add3A_2999 = arith.constant 16 : i32
    %add3A_3000 = vector.broadcast %add3A_2999 : i32 to vector<16xi32>
    %add3A_3001 = arith.addi %broadcast_in_dim3A_4, %add3A_3000 : vector<16xi32>
    %select_n3A_3002 = arith.select %lt3A_2998, %add3A_3001, %broadcast_in_dim3A_4 : vector<16xi1>, vector<16xi32>
    %broadcast_in_dim3A_3003 = vector.shape_cast %select_n3A_3002 : vector<16xi32> to vector<16x1xi32>
    %gather3A_3004 = vector.shape_cast %broadcast_in_dim3A_3003 : vector<16x1xi32> to vector<16xi32>
    %gather3A_3005 = tpu.dynamic_gather %convert_element_type3A_2983[%gather3A_3004] in [0] : vector<16xi32>, vector<16xi32> -> vector<16xi32>
    %sub3A_3006 = arith.constant 1 : i32
    %sub3A_3007 = vector.broadcast %sub3A_3006 : i32 to vector<16xi32>
    %sub3A_3008 = arith.subi %sub3A_3007, %broadcast_in_dim3A_2 : vector<16xi32>
    %mul3A_3009 = arith.muli %gather3A_3005, %sub3A_3008 : vector<16xi32>
    %gt3A_3010 = arith.constant 0 : i32
    %gt3A_3011 = vector.broadcast %gt3A_3010 : i32 to vector<16xi32>
    %gt3A_3012 = arith.cmpi sgt, %mul3A_3009, %gt3A_3011 : vector<16xi32>
    %and3A_3013 = arith.andi %gt3A_3012, %ge3A_2982 : vector<16xi1>
    %select_n3A_3014 = arith.select %and3A_3013, %add3A_2980, %broadcast_in_dim3A_2 : vector<16xi1>, vector<16xi32>
    %and3A_3015 = arith.andi %gt3A_3012, %ge3A_2982 : vector<16xi1>
    %select_n3A_3016 = arith.select %and3A_3015, %get3A_2966, %broadcast_in_dim3A_2 : vector<16xi1>, vector<16xi32>
    %and3A_3017 = arith.andi %gt3A_3012, %ge3A_2982 : vector<16xi1>
    %add3A_3018 = arith.constant 240 : i32
    %add3A_3019 = vector.broadcast %add3A_3018 : i32 to vector<16xi32>
    %add3A_3020 = arith.addi %iota3A, %add3A_3019 : vector<16xi32>
    %select_n3A_3021 = arith.select %and3A_3017, %add3A_3020, %broadcast_in_dim3A_2 : vector<16xi1>, vector<16xi32>
    %select_n3A_3022 = arith.select %gt3A_3012, %broadcast_in_dim3A_0, %broadcast_in_dim3A_2 : vector<16xi1>, vector<16xi32>
    %get3A_3023 = arith.constant 224 : index
    %get3A_3024 = tpu.vector_load %arg9[%get3A_3023] {strides = array<i32>} : memref<256xi32, #tpu.memory_space<vmem>>, vector<16xi32>,
    %rev3A_3025 = arith.constant 15 : i32
    %rev3A_3026 = vector.broadcast %rev3A_3025 : i32 to vector<16xi32>
    %rev3A_3027 = tpu.iota {dimensions = array<i32: 0>} : vector<16xi32>
    %rev3A_3028 = arith.subi %rev3A_3026, %rev3A_3027 : vector<16xi32>
    %rev3A_3029 = tpu.dynamic_gather %get3A_3024[%rev3A_3028] in [0] : vector<16xi32>, vector<16xi32> -> vector<16xi32>
    %broadcast_in_dim3A_3030 = arith.constant true
    %broadcast_in_dim3A_3031 = vector.broadcast %broadcast_in_dim3A_3030 : i1 to vector<16xi1>
    %masked_cumsum3A_3032 = tpu.scan <sum>, %rev3A_3029 masked %broadcast_in_dim3A_3031 : vector<16xi32>, vector<16xi1> -> vector<16xi32>
    %rev3A_3033 = arith.constant 15 : i32
    %rev3A_3034 = vector.broadcast %rev3A_3033 : i32 to vector<16xi32>
    %rev3A_3035 = tpu.iota {dimensions = array<i32: 0>} : vector<16xi32>
    %rev3A_3036 = arith.subi %rev3A_3034, %rev3A_3035 : vector<16xi32>
    %rev3A_3037 = tpu.dynamic_gather %masked_cumsum3A_3032[%rev3A_3036] in [0] : vector<16xi32>, vector<16xi32> -> vector<16xi32>
    %add3A_3038 = arith.addi %rev3A_3037, %add3A_2995 : vector<16xi32>
    %ge3A_3039 = vector.broadcast %sub3A_2951 : i32 to vector<16xi32>
    %ge3A_3040 = arith.cmpi sge, %add3A_3038, %ge3A_3039 : vector<16xi32>
    %convert_element_type3A_3041 = arith.extui %ge3A_3040 : vector<16xi1> to vector<16xi32>
    %add3A_3042 = arith.addi %add3A_2984, %convert_element_type3A_3041 : vector<16xi32>
    %lt3A_3043 = arith.constant 0 : i32
    %lt3A_3044 = vector.broadcast %lt3A_3043 : i32 to vector<16xi32>
    %lt3A_3045 = arith.cmpi slt, %broadcast_in_dim3A_4, %lt3A_3044 : vector<16xi32>
    %add3A_3046 = arith.constant 16 : i32
    %add3A_3047 = vector.broadcast %add3A_3046 : i32 to vector<16xi32>
    %add3A_3048 = arith.addi %broadcast_in_dim3A_4, %add3A_3047 : vector<16xi32>
    %select_n3A_3049 = arith.select %lt3A_3045, %add3A_3048, %broadcast_in_dim3A_4 : vector<16xi1>, vector<16xi32>
    %broadcast_in_dim3A_3050 = vector.shape_cast %select_n3A_3049 : vector<16xi32> to vector<16x1xi32>
    %gather3A_3051 = vector.shape_cast %broadcast_in_dim3A_3050 : vector<16x1xi32> to vector<16xi32>
    %gather3A_3052 = tpu.dynamic_gather %rev3A_3037[%gather3A_3051] in [0] : vector<16xi32>, vector<16xi32> -> vector<16xi32>
    %add3A_3053 = arith.addi %add3A_2995, %gather3A_3052 : vector<16xi32>
    %lt3A_3054 = arith.constant 0 : i32
    %lt3A_3055 = vector.broadcast %lt3A_3054 : i32 to vector<16xi32>
    %lt3A_3056 = arith.cmpi slt, %broadcast_in_dim3A_4, %lt3A_3055 : vector<16xi32>
    %add3A_3057 = arith.constant 16 : i32
    %add3A_3058 = vector.broadcast %add3A_3057 : i32 to vector<16xi32>
    %add3A_3059 = arith.addi %broadcast_in_dim3A_4, %add3A_3058 : vector<16xi32>
    %select_n3A_3060 = arith.select %lt3A_3056, %add3A_3059, %broadcast_in_dim3A_4 : vector<16xi1>, vector<16xi32>
    %broadcast_in_dim3A_3061 = vector.shape_cast %select_n3A_3060 : vector<16xi32> to vector<16x1xi32>
    %gather3A_3062 = vector.shape_cast %broadcast_in_dim3A_3061 : vector<16x1xi32> to vector<16xi32>
    %gather3A_3063 = tpu.dynamic_gather %convert_element_type3A_3041[%gather3A_3062] in [0] : vector<16xi32>, vector<16xi32> -> vector<16xi32>
    %sub3A_3064 = arith.constant 1 : i32
    %sub3A_3065 = vector.broadcast %sub3A_3064 : i32 to vector<16xi32>
    %sub3A_3066 = arith.subi %sub3A_3065, %select_n3A_3022 : vector<16xi32>
    %mul3A_3067 = arith.muli %gather3A_3063, %sub3A_3066 : vector<16xi32>
    %gt3A_3068 = arith.constant 0 : i32
    %gt3A_3069 = vector.broadcast %gt3A_3068 : i32 to vector<16xi32>
    %gt3A_3070 = arith.cmpi sgt, %mul3A_3067, %gt3A_3069 : vector<16xi32>
    %and3A_3071 = arith.andi %gt3A_3070, %ge3A_3040 : vector<16xi1>
    %select_n3A_3072 = arith.select %and3A_3071, %add3A_3038, %select_n3A_3014 : vector<16xi1>, vector<16xi32>
    %and3A_3073 = arith.andi %gt3A_3070, %ge3A_3040 : vector<16xi1>
    %select_n3A_3074 = arith.select %and3A_3073, %get3A_3024, %select_n3A_3016 : vector<16xi1>, vector<16xi32>
    %and3A_3075 = arith.andi %gt3A_3070, %ge3A_3040 : vector<16xi1>
    %add3A_3076 = arith.constant 224 : i32
    %add3A_3077 = vector.broadcast %add3A_3076 : i32 to vector<16xi32>
    %add3A_3078 = arith.addi %iota3A, %add3A_3077 : vector<16xi32>
    %select_n3A_3079 = arith.select %and3A_3075, %add3A_3078, %select_n3A_3021 : vector<16xi1>, vector<16xi32>
    %select_n3A_3080 = arith.select %gt3A_3070, %broadcast_in_dim3A_0, %select_n3A_3022 : vector<16xi1>, vector<16xi32>
    %get3A_3081 = arith.constant 208 : index
    %get3A_3082 = tpu.vector_load %arg9[%get3A_3081] {strides = array<i32>} : memref<256xi32, #tpu.memory_space<vmem>>, vector<16xi32>,
    %rev3A_3083 = arith.constant 15 : i32
    %rev3A_3084 = vector.broadcast %rev3A_3083 : i32 to vector<16xi32>
    %rev3A_3085 = tpu.iota {dimensions = array<i32: 0>} : vector<16xi32>
    %rev3A_3086 = arith.subi %rev3A_3084, %rev3A_3085 : vector<16xi32>
    %rev3A_3087 = tpu.dynamic_gather %get3A_3082[%rev3A_3086] in [0] : vector<16xi32>, vector<16xi32> -> vector<16xi32>
    %broadcast_in_dim3A_3088 = arith.constant true
    %broadcast_in_dim3A_3089 = vector.broadcast %broadcast_in_dim3A_3088 : i1 to vector<16xi1>
    %masked_cumsum3A_3090 = tpu.scan <sum>, %rev3A_3087 masked %broadcast_in_dim3A_3089 : vector<16xi32>, vector<16xi1> -> vector<16xi32>
    %rev3A_3091 = arith.constant 15 : i32
    %rev3A_3092 = vector.broadcast %rev3A_3091 : i32 to vector<16xi32>
    %rev3A_3093 = tpu.iota {dimensions = array<i32: 0>} : vector<16xi32>
    %rev3A_3094 = arith.subi %rev3A_3092, %rev3A_3093 : vector<16xi32>
    %rev3A_3095 = tpu.dynamic_gather %masked_cumsum3A_3090[%rev3A_3094] in [0] : vector<16xi32>, vector<16xi32> -> vector<16xi32>
    %add3A_3096 = arith.addi %rev3A_3095, %add3A_3053 : vector<16xi32>
    %ge3A_3097 = vector.broadcast %sub3A_2951 : i32 to vector<16xi32>
    %ge3A_3098 = arith.cmpi sge, %add3A_3096, %ge3A_3097 : vector<16xi32>
    %convert_element_type3A_3099 = arith.extui %ge3A_3098 : vector<16xi1> to vector<16xi32>
    %add3A_3100 = arith.addi %add3A_3042, %convert_element_type3A_3099 : vector<16xi32>
    %lt3A_3101 = arith.constant 0 : i32
    %lt3A_3102 = vector.broadcast %lt3A_3101 : i32 to vector<16xi32>
    %lt3A_3103 = arith.cmpi slt, %broadcast_in_dim3A_4, %lt3A_3102 : vector<16xi32>
    %add3A_3104 = arith.constant 16 : i32
    %add3A_3105 = vector.broadcast %add3A_3104 : i32 to vector<16xi32>
    %add3A_3106 = arith.addi %broadcast_in_dim3A_4, %add3A_3105 : vector<16xi32>
    %select_n3A_3107 = arith.select %lt3A_3103, %add3A_3106, %broadcast_in_dim3A_4 : vector<16xi1>, vector<16xi32>
    %broadcast_in_dim3A_3108 = vector.shape_cast %select_n3A_3107 : vector<16xi32> to vector<16x1xi32>
    %gather3A_3109 = vector.shape_cast %broadcast_in_dim3A_3108 : vector<16x1xi32> to vector<16xi32>
    %gather3A_3110 = tpu.dynamic_gather %rev3A_3095[%gather3A_3109] in [0] : vector<16xi32>, vector<16xi32> -> vector<16xi32>
    %add3A_3111 = arith.addi %add3A_3053, %gather3A_3110 : vector<16xi32>
    %lt3A_3112 = arith.constant 0 : i32
    %lt3A_3113 = vector.broadcast %lt3A_3112 : i32 to vector<16xi32>
    %lt3A_3114 = arith.cmpi slt, %broadcast_in_dim3A_4, %lt3A_3113 : vector<16xi32>
    %add3A_3115 = arith.constant 16 : i32
    %add3A_3116 = vector.broadcast %add3A_3115 : i32 to vector<16xi32>
    %add3A_3117 = arith.addi %broadcast_in_dim3A_4, %add3A_3116 : vector<16xi32>
    %select_n3A_3118 = arith.select %lt3A_3114, %add3A_3117, %broadcast_in_dim3A_4 : vector<16xi1>, vector<16xi32>
    %broadcast_in_dim3A_3119 = vector.shape_cast %select_n3A_3118 : vector<16xi32> to vector<16x1xi32>
    %gather3A_3120 = vector.shape_cast %broadcast_in_dim3A_3119 : vector<16x1xi32> to vector<16xi32>
    %gather3A_3121 = tpu.dynamic_gather %convert_element_type3A_3099[%gather3A_3120] in [0] : vector<16xi32>, vector<16xi32> -> vector<16xi32>
    %sub3A_3122 = arith.constant 1 : i32
    %sub3A_3123 = vector.broadcast %sub3A_3122 : i32 to vector<16xi32>
    %sub3A_3124 = arith.subi %sub3A_3123, %select_n3A_3080 : vector<16xi32>
    %mul3A_3125 = arith.muli %gather3A_3121, %sub3A_3124 : vector<16xi32>
    %gt3A_3126 = arith.constant 0 : i32
    %gt3A_3127 = vector.broadcast %gt3A_3126 : i32 to vector<16xi32>
    %gt3A_3128 = arith.cmpi sgt, %mul3A_3125, %gt3A_3127 : vector<16xi32>
    %and3A_3129 = arith.andi %gt3A_3128, %ge3A_3098 : vector<16xi1>
    %select_n3A_3130 = arith.select %and3A_3129, %add3A_3096, %select_n3A_3072 : vector<16xi1>, vector<16xi32>
    %and3A_3131 = arith.andi %gt3A_3128, %ge3A_3098 : vector<16xi1>
    %select_n3A_3132 = arith.select %and3A_3131, %get3A_3082, %select_n3A_3074 : vector<16xi1>, vector<16xi32>
    %and3A_3133 = arith.andi %gt3A_3128, %ge3A_3098 : vector<16xi1>
    %add3A_3134 = arith.constant 208 : i32
    %add3A_3135 = vector.broadcast %add3A_3134 : i32 to vector<16xi32>
    %add3A_3136 = arith.addi %iota3A, %add3A_3135 : vector<16xi32>
    %select_n3A_3137 = arith.select %and3A_3133, %add3A_3136, %select_n3A_3079 : vector<16xi1>, vector<16xi32>
    %select_n3A_3138 = arith.select %gt3A_3128, %broadcast_in_dim3A_0, %select_n3A_3080 : vector<16xi1>, vector<16xi32>
    %get3A_3139 = arith.constant 192 : index
    %get3A_3140 = tpu.vector_load %arg9[%get3A_3139] {strides = array<i32>} : memref<256xi32, #tpu.memory_space<vmem>>, vector<16xi32>,
    %rev3A_3141 = arith.constant 15 : i32
    %rev3A_3142 = vector.broadcast %rev3A_3141 : i32 to vector<16xi32>
    %rev3A_3143 = tpu.iota {dimensions = array<i32: 0>} : vector<16xi32>
    %rev3A_3144 = arith.subi %rev3A_3142, %rev3A_3143 : vector<16xi32>
    %rev3A_3145 = tpu.dynamic_gather %get3A_3140[%rev3A_3144] in [0] : vector<16xi32>, vector<16xi32> -> vector<16xi32>
    %broadcast_in_dim3A_3146 = arith.constant true
    %broadcast_in_dim3A_3147 = vector.broadcast %broadcast_in_dim3A_3146 : i1 to vector<16xi1>
    %masked_cumsum3A_3148 = tpu.scan <sum>, %rev3A_3145 masked %broadcast_in_dim3A_3147 : vector<16xi32>, vector<16xi1> -> vector<16xi32>
    %rev3A_3149 = arith.constant 15 : i32
    %rev3A_3150 = vector.broadcast %rev3A_3149 : i32 to vector<16xi32>
    %rev3A_3151 = tpu.iota {dimensions = array<i32: 0>} : vector<16xi32>
    %rev3A_3152 = arith.subi %rev3A_3150, %rev3A_3151 : vector<16xi32>
    %rev3A_3153 = tpu.dynamic_gather %masked_cumsum3A_3148[%rev3A_3152] in [0] : vector<16xi32>, vector<16xi32> -> vector<16xi32>
    %add3A_3154 = arith.addi %rev3A_3153, %add3A_3111 : vector<16xi32>
    %ge3A_3155 = vector.broadcast %sub3A_2951 : i32 to vector<16xi32>
    %ge3A_3156 = arith.cmpi sge, %add3A_3154, %ge3A_3155 : vector<16xi32>
    %convert_element_type3A_3157 = arith.extui %ge3A_3156 : vector<16xi1> to vector<16xi32>
    %add3A_3158 = arith.addi %add3A_3100, %convert_element_type3A_3157 : vector<16xi32>
    %lt3A_3159 = arith.constant 0 : i32
    %lt3A_3160 = vector.broadcast %lt3A_3159 : i32 to vector<16xi32>
    %lt3A_3161 = arith.cmpi slt, %broadcast_in_dim3A_4, %lt3A_3160 : vector<16xi32>
    %add3A_3162 = arith.constant 16 : i32
    %add3A_3163 = vector.broadcast %add3A_3162 : i32 to vector<16xi32>
    %add3A_3164 = arith.addi %broadcast_in_dim3A_4, %add3A_3163 : vector<16xi32>
    %select_n3A_3165 = arith.select %lt3A_3161, %add3A_3164, %broadcast_in_dim3A_4 : vector<16xi1>, vector<16xi32>
    %broadcast_in_dim3A_3166 = vector.shape_cast %select_n3A_3165 : vector<16xi32> to vector<16x1xi32>
    %gather3A_3167 = vector.shape_cast %broadcast_in_dim3A_3166 : vector<16x1xi32> to vector<16xi32>
    %gather3A_3168 = tpu.dynamic_gather %rev3A_3153[%gather3A_3167] in [0] : vector<16xi32>, vector<16xi32> -> vector<16xi32>
    %add3A_3169 = arith.addi %add3A_3111, %gather3A_3168 : vector<16xi32>
    %lt3A_3170 = arith.constant 0 : i32
    %lt3A_3171 = vector.broadcast %lt3A_3170 : i32 to vector<16xi32>
    %lt3A_3172 = arith.cmpi slt, %broadcast_in_dim3A_4, %lt3A_3171 : vector<16xi32>
    %add3A_3173 = arith.constant 16 : i32
    %add3A_3174 = vector.broadcast %add3A_3173 : i32 to vector<16xi32>
    %add3A_3175 = arith.addi %broadcast_in_dim3A_4, %add3A_3174 : vector<16xi32>
    %select_n3A_3176 = arith.select %lt3A_3172, %add3A_3175, %broadcast_in_dim3A_4 : vector<16xi1>, vector<16xi32>
    %broadcast_in_dim3A_3177 = vector.shape_cast %select_n3A_3176 : vector<16xi32> to vector<16x1xi32>
    %gather3A_3178 = vector.shape_cast %broadcast_in_dim3A_3177 : vector<16x1xi32> to vector<16xi32>
    %gather3A_3179 = tpu.dynamic_gather %convert_element_type3A_3157[%gather3A_3178] in [0] : vector<16xi32>, vector<16xi32> -> vector<16xi32>
    %sub3A_3180 = arith.constant 1 : i32
    %sub3A_3181 = vector.broadcast %sub3A_3180 : i32 to vector<16xi32>
    %sub3A_3182 = arith.subi %sub3A_3181, %select_n3A_3138 : vector<16xi32>
    %mul3A_3183 = arith.muli %gather3A_3179, %sub3A_3182 : vector<16xi32>
    %gt3A_3184 = arith.constant 0 : i32
    %gt3A_3185 = vector.broadcast %gt3A_3184 : i32 to vector<16xi32>
    %gt3A_3186 = arith.cmpi sgt, %mul3A_3183, %gt3A_3185 : vector<16xi32>
    %and3A_3187 = arith.andi %gt3A_3186, %ge3A_3156 : vector<16xi1>
    %select_n3A_3188 = arith.select %and3A_3187, %add3A_3154, %select_n3A_3130 : vector<16xi1>, vector<16xi32>
    %and3A_3189 = arith.andi %gt3A_3186, %ge3A_3156 : vector<16xi1>
    %select_n3A_3190 = arith.select %and3A_3189, %get3A_3140, %select_n3A_3132 : vector<16xi1>, vector<16xi32>
    %and3A_3191 = arith.andi %gt3A_3186, %ge3A_3156 : vector<16xi1>
    %add3A_3192 = arith.constant 192 : i32
    %add3A_3193 = vector.broadcast %add3A_3192 : i32 to vector<16xi32>
    %add3A_3194 = arith.addi %iota3A, %add3A_3193 : vector<16xi32>
    %select_n3A_3195 = arith.select %and3A_3191, %add3A_3194, %select_n3A_3137 : vector<16xi1>, vector<16xi32>
    %select_n3A_3196 = arith.select %gt3A_3186, %broadcast_in_dim3A_0, %select_n3A_3138 : vector<16xi1>, vector<16xi32>
    %get3A_3197 = arith.constant 176 : index
    %get3A_3198 = tpu.vector_load %arg9[%get3A_3197] {strides = array<i32>} : memref<256xi32, #tpu.memory_space<vmem>>, vector<16xi32>,
    %rev3A_3199 = arith.constant 15 : i32
    %rev3A_3200 = vector.broadcast %rev3A_3199 : i32 to vector<16xi32>
    %rev3A_3201 = tpu.iota {dimensions = array<i32: 0>} : vector<16xi32>
    %rev3A_3202 = arith.subi %rev3A_3200, %rev3A_3201 : vector<16xi32>
    %rev3A_3203 = tpu.dynamic_gather %get3A_3198[%rev3A_3202] in [0] : vector<16xi32>, vector<16xi32> -> vector<16xi32>
    %broadcast_in_dim3A_3204 = arith.constant true
    %broadcast_in_dim3A_3205 = vector.broadcast %broadcast_in_dim3A_3204 : i1 to vector<16xi1>
    %masked_cumsum3A_3206 = tpu.scan <sum>, %rev3A_3203 masked %broadcast_in_dim3A_3205 : vector<16xi32>, vector<16xi1> -> vector<16xi32>
    %rev3A_3207 = arith.constant 15 : i32
    %rev3A_3208 = vector.broadcast %rev3A_3207 : i32 to vector<16xi32>
    %rev3A_3209 = tpu.iota {dimensions = array<i32: 0>} : vector<16xi32>
    %rev3A_3210 = arith.subi %rev3A_3208, %rev3A_3209 : vector<16xi32>
    %rev3A_3211 = tpu.dynamic_gather %masked_cumsum3A_3206[%rev3A_3210] in [0] : vector<16xi32>, vector<16xi32> -> vector<16xi32>
    %add3A_3212 = arith.addi %rev3A_3211, %add3A_3169 : vector<16xi32>
    %ge3A_3213 = vector.broadcast %sub3A_2951 : i32 to vector<16xi32>
    %ge3A_3214 = arith.cmpi sge, %add3A_3212, %ge3A_3213 : vector<16xi32>
    %convert_element_type3A_3215 = arith.extui %ge3A_3214 : vector<16xi1> to vector<16xi32>
    %add3A_3216 = arith.addi %add3A_3158, %convert_element_type3A_3215 : vector<16xi32>
    %lt3A_3217 = arith.constant 0 : i32
    %lt3A_3218 = vector.broadcast %lt3A_3217 : i32 to vector<16xi32>
    %lt3A_3219 = arith.cmpi slt, %broadcast_in_dim3A_4, %lt3A_3218 : vector<16xi32>
    %add3A_3220 = arith.constant 16 : i32
    %add3A_3221 = vector.broadcast %add3A_3220 : i32 to vector<16xi32>
    %add3A_3222 = arith.addi %broadcast_in_dim3A_4, %add3A_3221 : vector<16xi32>
    %select_n3A_3223 = arith.select %lt3A_3219, %add3A_3222, %broadcast_in_dim3A_4 : vector<16xi1>, vector<16xi32>
    %broadcast_in_dim3A_3224 = vector.shape_cast %select_n3A_3223 : vector<16xi32> to vector<16x1xi32>
    %gather3A_3225 = vector.shape_cast %broadcast_in_dim3A_3224 : vector<16x1xi32> to vector<16xi32>
    %gather3A_3226 = tpu.dynamic_gather %rev3A_3211[%gather3A_3225] in [0] : vector<16xi32>, vector<16xi32> -> vector<16xi32>
    %add3A_3227 = arith.addi %add3A_3169, %gather3A_3226 : vector<16xi32>
    %lt3A_3228 = arith.constant 0 : i32
    %lt3A_3229 = vector.broadcast %lt3A_3228 : i32 to vector<16xi32>
    %lt3A_3230 = arith.cmpi slt, %broadcast_in_dim3A_4, %lt3A_3229 : vector<16xi32>
    %add3A_3231 = arith.constant 16 : i32
    %add3A_3232 = vector.broadcast %add3A_3231 : i32 to vector<16xi32>
    %add3A_3233 = arith.addi %broadcast_in_dim3A_4, %add3A_3232 : vector<16xi32>
    %select_n3A_3234 = arith.select %lt3A_3230, %add3A_3233, %broadcast_in_dim3A_4 : vector<16xi1>, vector<16xi32>
    %broadcast_in_dim3A_3235 = vector.shape_cast %select_n3A_3234 : vector<16xi32> to vector<16x1xi32>
    %gather3A_3236 = vector.shape_cast %broadcast_in_dim3A_3235 : vector<16x1xi32> to vector<16xi32>
    %gather3A_3237 = tpu.dynamic_gather %convert_element_type3A_3215[%gather3A_3236] in [0] : vector<16xi32>, vector<16xi32> -> vector<16xi32>
    %sub3A_3238 = arith.constant 1 : i32
    %sub3A_3239 = vector.broadcast %sub3A_3238 : i32 to vector<16xi32>
    %sub3A_3240 = arith.subi %sub3A_3239, %select_n3A_3196 : vector<16xi32>
    %mul3A_3241 = arith.muli %gather3A_3237, %sub3A_3240 : vector<16xi32>
    %gt3A_3242 = arith.constant 0 : i32
    %gt3A_3243 = vector.broadcast %gt3A_3242 : i32 to vector<16xi32>
    %gt3A_3244 = arith.cmpi sgt, %mul3A_3241, %gt3A_3243 : vector<16xi32>
    %and3A_3245 = arith.andi %gt3A_3244, %ge3A_3214 : vector<16xi1>
    %select_n3A_3246 = arith.select %and3A_3245, %add3A_3212, %select_n3A_3188 : vector<16xi1>, vector<16xi32>
    %and3A_3247 = arith.andi %gt3A_3244, %ge3A_3214 : vector<16xi1>
    %select_n3A_3248 = arith.select %and3A_3247, %get3A_3198, %select_n3A_3190 : vector<16xi1>, vector<16xi32>
    %and3A_3249 = arith.andi %gt3A_3244, %ge3A_3214 : vector<16xi1>
    %add3A_3250 = arith.constant 176 : i32
    %add3A_3251 = vector.broadcast %add3A_3250 : i32 to vector<16xi32>
    %add3A_3252 = arith.addi %iota3A, %add3A_3251 : vector<16xi32>
    %select_n3A_3253 = arith.select %and3A_3249, %add3A_3252, %select_n3A_3195 : vector<16xi1>, vector<16xi32>
    %select_n3A_3254 = arith.select %gt3A_3244, %broadcast_in_dim3A_0, %select_n3A_3196 : vector<16xi1>, vector<16xi32>
    %get3A_3255 = arith.constant 160 : index
    %get3A_3256 = tpu.vector_load %arg9[%get3A_3255] {strides = array<i32>} : memref<256xi32, #tpu.memory_space<vmem>>, vector<16xi32>,
    %rev3A_3257 = arith.constant 15 : i32
    %rev3A_3258 = vector.broadcast %rev3A_3257 : i32 to vector<16xi32>
    %rev3A_3259 = tpu.iota {dimensions = array<i32: 0>} : vector<16xi32>
    %rev3A_3260 = arith.subi %rev3A_3258, %rev3A_3259 : vector<16xi32>
    %rev3A_3261 = tpu.dynamic_gather %get3A_3256[%rev3A_3260] in [0] : vector<16xi32>, vector<16xi32> -> vector<16xi32>
    %broadcast_in_dim3A_3262 = arith.constant true
    %broadcast_in_dim3A_3263 = vector.broadcast %broadcast_in_dim3A_3262 : i1 to vector<16xi1>
    %masked_cumsum3A_3264 = tpu.scan <sum>, %rev3A_3261 masked %broadcast_in_dim3A_3263 : vector<16xi32>, vector<16xi1> -> vector<16xi32>
    %rev3A_3265 = arith.constant 15 : i32
    %rev3A_3266 = vector.broadcast %rev3A_3265 : i32 to vector<16xi32>
    %rev3A_3267 = tpu.iota {dimensions = array<i32: 0>} : vector<16xi32>
    %rev3A_3268 = arith.subi %rev3A_3266, %rev3A_3267 : vector<16xi32>
    %rev3A_3269 = tpu.dynamic_gather %masked_cumsum3A_3264[%rev3A_3268] in [0] : vector<16xi32>, vector<16xi32> -> vector<16xi32>
    %add3A_3270 = arith.addi %rev3A_3269, %add3A_3227 : vector<16xi32>
    %ge3A_3271 = vector.broadcast %sub3A_2951 : i32 to vector<16xi32>
    %ge3A_3272 = arith.cmpi sge, %add3A_3270, %ge3A_3271 : vector<16xi32>
    %convert_element_type3A_3273 = arith.extui %ge3A_3272 : vector<16xi1> to vector<16xi32>
    %add3A_3274 = arith.addi %add3A_3216, %convert_element_type3A_3273 : vector<16xi32>
    %lt3A_3275 = arith.constant 0 : i32
    %lt3A_3276 = vector.broadcast %lt3A_3275 : i32 to vector<16xi32>
    %lt3A_3277 = arith.cmpi slt, %broadcast_in_dim3A_4, %lt3A_3276 : vector<16xi32>
    %add3A_3278 = arith.constant 16 : i32
    %add3A_3279 = vector.broadcast %add3A_3278 : i32 to vector<16xi32>
    %add3A_3280 = arith.addi %broadcast_in_dim3A_4, %add3A_3279 : vector<16xi32>
    %select_n3A_3281 = arith.select %lt3A_3277, %add3A_3280, %broadcast_in_dim3A_4 : vector<16xi1>, vector<16xi32>
    %broadcast_in_dim3A_3282 = vector.shape_cast %select_n3A_3281 : vector<16xi32> to vector<16x1xi32>
    %gather3A_3283 = vector.shape_cast %broadcast_in_dim3A_3282 : vector<16x1xi32> to vector<16xi32>
    %gather3A_3284 = tpu.dynamic_gather %rev3A_3269[%gather3A_3283] in [0] : vector<16xi32>, vector<16xi32> -> vector<16xi32>
    %add3A_3285 = arith.addi %add3A_3227, %gather3A_3284 : vector<16xi32>
    %lt3A_3286 = arith.constant 0 : i32
    %lt3A_3287 = vector.broadcast %lt3A_3286 : i32 to vector<16xi32>
    %lt3A_3288 = arith.cmpi slt, %broadcast_in_dim3A_4, %lt3A_3287 : vector<16xi32>
    %add3A_3289 = arith.constant 16 : i32
    %add3A_3290 = vector.broadcast %add3A_3289 : i32 to vector<16xi32>
    %add3A_3291 = arith.addi %broadcast_in_dim3A_4, %add3A_3290 : vector<16xi32>
    %select_n3A_3292 = arith.select %lt3A_3288, %add3A_3291, %broadcast_in_dim3A_4 : vector<16xi1>, vector<16xi32>
    %broadcast_in_dim3A_3293 = vector.shape_cast %select_n3A_3292 : vector<16xi32> to vector<16x1xi32>
    %gather3A_3294 = vector.shape_cast %broadcast_in_dim3A_3293 : vector<16x1xi32> to vector<16xi32>
    %gather3A_3295 = tpu.dynamic_gather %convert_element_type3A_3273[%gather3A_3294] in [0] : vector<16xi32>, vector<16xi32> -> vector<16xi32>
    %sub3A_3296 = arith.constant 1 : i32
    %sub3A_3297 = vector.broadcast %sub3A_3296 : i32 to vector<16xi32>
    %sub3A_3298 = arith.subi %sub3A_3297, %select_n3A_3254 : vector<16xi32>
    %mul3A_3299 = arith.muli %gather3A_3295, %sub3A_3298 : vector<16xi32>
    %gt3A_3300 = arith.constant 0 : i32
    %gt3A_3301 = vector.broadcast %gt3A_3300 : i32 to vector<16xi32>
    %gt3A_3302 = arith.cmpi sgt, %mul3A_3299, %gt3A_3301 : vector<16xi32>
    %and3A_3303 = arith.andi %gt3A_3302, %ge3A_3272 : vector<16xi1>
    %select_n3A_3304 = arith.select %and3A_3303, %add3A_3270, %select_n3A_3246 : vector<16xi1>, vector<16xi32>
    %and3A_3305 = arith.andi %gt3A_3302, %ge3A_3272 : vector<16xi1>
    %select_n3A_3306 = arith.select %and3A_3305, %get3A_3256, %select_n3A_3248 : vector<16xi1>, vector<16xi32>
    %and3A_3307 = arith.andi %gt3A_3302, %ge3A_3272 : vector<16xi1>
    %add3A_3308 = arith.constant 160 : i32
    %add3A_3309 = vector.broadcast %add3A_3308 : i32 to vector<16xi32>
    %add3A_3310 = arith.addi %iota3A, %add3A_3309 : vector<16xi32>
    %select_n3A_3311 = arith.select %and3A_3307, %add3A_3310, %select_n3A_3253 : vector<16xi1>, vector<16xi32>
    %select_n3A_3312 = arith.select %gt3A_3302, %broadcast_in_dim3A_0, %select_n3A_3254 : vector<16xi1>, vector<16xi32>
    %get3A_3313 = arith.constant 144 : index
    %get3A_3314 = tpu.vector_load %arg9[%get3A_3313] {strides = array<i32>} : memref<256xi32, #tpu.memory_space<vmem>>, vector<16xi32>,
    %rev3A_3315 = arith.constant 15 : i32
    %rev3A_3316 = vector.broadcast %rev3A_3315 : i32 to vector<16xi32>
    %rev3A_3317 = tpu.iota {dimensions = array<i32: 0>} : vector<16xi32>
    %rev3A_3318 = arith.subi %rev3A_3316, %rev3A_3317 : vector<16xi32>
    %rev3A_3319 = tpu.dynamic_gather %get3A_3314[%rev3A_3318] in [0] : vector<16xi32>, vector<16xi32> -> vector<16xi32>
    %broadcast_in_dim3A_3320 = arith.constant true
    %broadcast_in_dim3A_3321 = vector.broadcast %broadcast_in_dim3A_3320 : i1 to vector<16xi1>
    %masked_cumsum3A_3322 = tpu.scan <sum>, %rev3A_3319 masked %broadcast_in_dim3A_3321 : vector<16xi32>, vector<16xi1> -> vector<16xi32>
    %rev3A_3323 = arith.constant 15 : i32
    %rev3A_3324 = vector.broadcast %rev3A_3323 : i32 to vector<16xi32>
    %rev3A_3325 = tpu.iota {dimensions = array<i32: 0>} : vector<16xi32>
    %rev3A_3326 = arith.subi %rev3A_3324, %rev3A_3325 : vector<16xi32>
    %rev3A_3327 = tpu.dynamic_gather %masked_cumsum3A_3322[%rev3A_3326] in [0] : vector<16xi32>, vector<16xi32> -> vector<16xi32>
    %add3A_3328 = arith.addi %rev3A_3327, %add3A_3285 : vector<16xi32>
    %ge3A_3329 = vector.broadcast %sub3A_2951 : i32 to vector<16xi32>
    %ge3A_3330 = arith.cmpi sge, %add3A_3328, %ge3A_3329 : vector<16xi32>
    %convert_element_type3A_3331 = arith.extui %ge3A_3330 : vector<16xi1> to vector<16xi32>
    %add3A_3332 = arith.addi %add3A_3274, %convert_element_type3A_3331 : vector<16xi32>
    %lt3A_3333 = arith.constant 0 : i32
    %lt3A_3334 = vector.broadcast %lt3A_3333 : i32 to vector<16xi32>
    %lt3A_3335 = arith.cmpi slt, %broadcast_in_dim3A_4, %lt3A_3334 : vector<16xi32>
    %add3A_3336 = arith.constant 16 : i32
    %add3A_3337 = vector.broadcast %add3A_3336 : i32 to vector<16xi32>
    %add3A_3338 = arith.addi %broadcast_in_dim3A_4, %add3A_3337 : vector<16xi32>
    %select_n3A_3339 = arith.select %lt3A_3335, %add3A_3338, %broadcast_in_dim3A_4 : vector<16xi1>, vector<16xi32>
    %broadcast_in_dim3A_3340 = vector.shape_cast %select_n3A_3339 : vector<16xi32> to vector<16x1xi32>
    %gather3A_3341 = vector.shape_cast %broadcast_in_dim3A_3340 : vector<16x1xi32> to vector<16xi32>
    %gather3A_3342 = tpu.dynamic_gather %rev3A_3327[%gather3A_3341] in [0] : vector<16xi32>, vector<16xi32> -> vector<16xi32>
    %add3A_3343 = arith.addi %add3A_3285, %gather3A_3342 : vector<16xi32>
    %lt3A_3344 = arith.constant 0 : i32
    %lt3A_3345 = vector.broadcast %lt3A_3344 : i32 to vector<16xi32>
    %lt3A_3346 = arith.cmpi slt, %broadcast_in_dim3A_4, %lt3A_3345 : vector<16xi32>
    %add3A_3347 = arith.constant 16 : i32
    %add3A_3348 = vector.broadcast %add3A_3347 : i32 to vector<16xi32>
    %add3A_3349 = arith.addi %broadcast_in_dim3A_4, %add3A_3348 : vector<16xi32>
    %select_n3A_3350 = arith.select %lt3A_3346, %add3A_3349, %broadcast_in_dim3A_4 : vector<16xi1>, vector<16xi32>
    %broadcast_in_dim3A_3351 = vector.shape_cast %select_n3A_3350 : vector<16xi32> to vector<16x1xi32>
    %gather3A_3352 = vector.shape_cast %broadcast_in_dim3A_3351 : vector<16x1xi32> to vector<16xi32>
    %gather3A_3353 = tpu.dynamic_gather %convert_element_type3A_3331[%gather3A_3352] in [0] : vector<16xi32>, vector<16xi32> -> vector<16xi32>
    %sub3A_3354 = arith.constant 1 : i32
    %sub3A_3355 = vector.broadcast %sub3A_3354 : i32 to vector<16xi32>
    %sub3A_3356 = arith.subi %sub3A_3355, %select_n3A_3312 : vector<16xi32>
    %mul3A_3357 = arith.muli %gather3A_3353, %sub3A_3356 : vector<16xi32>
    %gt3A_3358 = arith.constant 0 : i32
    %gt3A_3359 = vector.broadcast %gt3A_3358 : i32 to vector<16xi32>
    %gt3A_3360 = arith.cmpi sgt, %mul3A_3357, %gt3A_3359 : vector<16xi32>
    %and3A_3361 = arith.andi %gt3A_3360, %ge3A_3330 : vector<16xi1>
    %select_n3A_3362 = arith.select %and3A_3361, %add3A_3328, %select_n3A_3304 : vector<16xi1>, vector<16xi32>
    %and3A_3363 = arith.andi %gt3A_3360, %ge3A_3330 : vector<16xi1>
    %select_n3A_3364 = arith.select %and3A_3363, %get3A_3314, %select_n3A_3306 : vector<16xi1>, vector<16xi32>
    %and3A_3365 = arith.andi %gt3A_3360, %ge3A_3330 : vector<16xi1>
    %add3A_3366 = arith.constant 144 : i32
    %add3A_3367 = vector.broadcast %add3A_3366 : i32 to vector<16xi32>
    %add3A_3368 = arith.addi %iota3A, %add3A_3367 : vector<16xi32>
    %select_n3A_3369 = arith.select %and3A_3365, %add3A_3368, %select_n3A_3311 : vector<16xi1>, vector<16xi32>
    %select_n3A_3370 = arith.select %gt3A_3360, %broadcast_in_dim3A_0, %select_n3A_3312 : vector<16xi1>, vector<16xi32>
    %get3A_3371 = arith.constant 128 : index
    %get3A_3372 = tpu.vector_load %arg9[%get3A_3371] {strides = array<i32>} : memref<256xi32, #tpu.memory_space<vmem>>, vector<16xi32>,
    %rev3A_3373 = arith.constant 15 : i32
    %rev3A_3374 = vector.broadcast %rev3A_3373 : i32 to vector<16xi32>
    %rev3A_3375 = tpu.iota {dimensions = array<i32: 0>} : vector<16xi32>
    %rev3A_3376 = arith.subi %rev3A_3374, %rev3A_3375 : vector<16xi32>
    %rev3A_3377 = tpu.dynamic_gather %get3A_3372[%rev3A_3376] in [0] : vector<16xi32>, vector<16xi32> -> vector<16xi32>
    %broadcast_in_dim3A_3378 = arith.constant true
    %broadcast_in_dim3A_3379 = vector.broadcast %broadcast_in_dim3A_3378 : i1 to vector<16xi1>
    %masked_cumsum3A_3380 = tpu.scan <sum>, %rev3A_3377 masked %broadcast_in_dim3A_3379 : vector<16xi32>, vector<16xi1> -> vector<16xi32>
    %rev3A_3381 = arith.constant 15 : i32
    %rev3A_3382 = vector.broadcast %rev3A_3381 : i32 to vector<16xi32>
    %rev3A_3383 = tpu.iota {dimensions = array<i32: 0>} : vector<16xi32>
    %rev3A_3384 = arith.subi %rev3A_3382, %rev3A_3383 : vector<16xi32>
    %rev3A_3385 = tpu.dynamic_gather %masked_cumsum3A_3380[%rev3A_3384] in [0] : vector<16xi32>, vector<16xi32> -> vector<16xi32>
    %add3A_3386 = arith.addi %rev3A_3385, %add3A_3343 : vector<16xi32>
    %ge3A_3387 = vector.broadcast %sub3A_2951 : i32 to vector<16xi32>
    %ge3A_3388 = arith.cmpi sge, %add3A_3386, %ge3A_3387 : vector<16xi32>
    %convert_element_type3A_3389 = arith.extui %ge3A_3388 : vector<16xi1> to vector<16xi32>
    %add3A_3390 = arith.addi %add3A_3332, %convert_element_type3A_3389 : vector<16xi32>
    %lt3A_3391 = arith.constant 0 : i32
    %lt3A_3392 = vector.broadcast %lt3A_3391 : i32 to vector<16xi32>
    %lt3A_3393 = arith.cmpi slt, %broadcast_in_dim3A_4, %lt3A_3392 : vector<16xi32>
    %add3A_3394 = arith.constant 16 : i32
    %add3A_3395 = vector.broadcast %add3A_3394 : i32 to vector<16xi32>
    %add3A_3396 = arith.addi %broadcast_in_dim3A_4, %add3A_3395 : vector<16xi32>
    %select_n3A_3397 = arith.select %lt3A_3393, %add3A_3396, %broadcast_in_dim3A_4 : vector<16xi1>, vector<16xi32>
    %broadcast_in_dim3A_3398 = vector.shape_cast %select_n3A_3397 : vector<16xi32> to vector<16x1xi32>
    %gather3A_3399 = vector.shape_cast %broadcast_in_dim3A_3398 : vector<16x1xi32> to vector<16xi32>
    %gather3A_3400 = tpu.dynamic_gather %rev3A_3385[%gather3A_3399] in [0] : vector<16xi32>, vector<16xi32> -> vector<16xi32>
    %add3A_3401 = arith.addi %add3A_3343, %gather3A_3400 : vector<16xi32>
    %lt3A_3402 = arith.constant 0 : i32
    %lt3A_3403 = vector.broadcast %lt3A_3402 : i32 to vector<16xi32>
    %lt3A_3404 = arith.cmpi slt, %broadcast_in_dim3A_4, %lt3A_3403 : vector<16xi32>
    %add3A_3405 = arith.constant 16 : i32
    %add3A_3406 = vector.broadcast %add3A_3405 : i32 to vector<16xi32>
    %add3A_3407 = arith.addi %broadcast_in_dim3A_4, %add3A_3406 : vector<16xi32>
    %select_n3A_3408 = arith.select %lt3A_3404, %add3A_3407, %broadcast_in_dim3A_4 : vector<16xi1>, vector<16xi32>
    %broadcast_in_dim3A_3409 = vector.shape_cast %select_n3A_3408 : vector<16xi32> to vector<16x1xi32>
    %gather3A_3410 = vector.shape_cast %broadcast_in_dim3A_3409 : vector<16x1xi32> to vector<16xi32>
    %gather3A_3411 = tpu.dynamic_gather %convert_element_type3A_3389[%gather3A_3410] in [0] : vector<16xi32>, vector<16xi32> -> vector<16xi32>
    %sub3A_3412 = arith.constant 1 : i32
    %sub3A_3413 = vector.broadcast %sub3A_3412 : i32 to vector<16xi32>
    %sub3A_3414 = arith.subi %sub3A_3413, %select_n3A_3370 : vector<16xi32>
    %mul3A_3415 = arith.muli %gather3A_3411, %sub3A_3414 : vector<16xi32>
    %gt3A_3416 = arith.constant 0 : i32
    %gt3A_3417 = vector.broadcast %gt3A_3416 : i32 to vector<16xi32>
    %gt3A_3418 = arith.cmpi sgt, %mul3A_3415, %gt3A_3417 : vector<16xi32>
    %and3A_3419 = arith.andi %gt3A_3418, %ge3A_3388 : vector<16xi1>
    %select_n3A_3420 = arith.select %and3A_3419, %add3A_3386, %select_n3A_3362 : vector<16xi1>, vector<16xi32>
    %and3A_3421 = arith.andi %gt3A_3418, %ge3A_3388 : vector<16xi1>
    %select_n3A_3422 = arith.select %and3A_3421, %get3A_3372, %select_n3A_3364 : vector<16xi1>, vector<16xi32>
    %and3A_3423 = arith.andi %gt3A_3418, %ge3A_3388 : vector<16xi1>
    %add3A_3424 = arith.constant 128 : i32
    %add3A_3425 = vector.broadcast %add3A_3424 : i32 to vector<16xi32>
    %add3A_3426 = arith.addi %iota3A, %add3A_3425 : vector<16xi32>
    %select_n3A_3427 = arith.select %and3A_3423, %add3A_3426, %select_n3A_3369 : vector<16xi1>, vector<16xi32>
    %select_n3A_3428 = arith.select %gt3A_3418, %broadcast_in_dim3A_0, %select_n3A_3370 : vector<16xi1>, vector<16xi32>
    %get3A_3429 = arith.constant 112 : index
    %get3A_3430 = tpu.vector_load %arg9[%get3A_3429] {strides = array<i32>} : memref<256xi32, #tpu.memory_space<vmem>>, vector<16xi32>,
    %rev3A_3431 = arith.constant 15 : i32
    %rev3A_3432 = vector.broadcast %rev3A_3431 : i32 to vector<16xi32>
    %rev3A_3433 = tpu.iota {dimensions = array<i32: 0>} : vector<16xi32>
    %rev3A_3434 = arith.subi %rev3A_3432, %rev3A_3433 : vector<16xi32>
    %rev3A_3435 = tpu.dynamic_gather %get3A_3430[%rev3A_3434] in [0] : vector<16xi32>, vector<16xi32> -> vector<16xi32>
    %broadcast_in_dim3A_3436 = arith.constant true
    %broadcast_in_dim3A_3437 = vector.broadcast %broadcast_in_dim3A_3436 : i1 to vector<16xi1>
    %masked_cumsum3A_3438 = tpu.scan <sum>, %rev3A_3435 masked %broadcast_in_dim3A_3437 : vector<16xi32>, vector<16xi1> -> vector<16xi32>
    %rev3A_3439 = arith.constant 15 : i32
    %rev3A_3440 = vector.broadcast %rev3A_3439 : i32 to vector<16xi32>
    %rev3A_3441 = tpu.iota {dimensions = array<i32: 0>} : vector<16xi32>
    %rev3A_3442 = arith.subi %rev3A_3440, %rev3A_3441 : vector<16xi32>
    %rev3A_3443 = tpu.dynamic_gather %masked_cumsum3A_3438[%rev3A_3442] in [0] : vector<16xi32>, vector<16xi32> -> vector<16xi32>
    %add3A_3444 = arith.addi %rev3A_3443, %add3A_3401 : vector<16xi32>
    %ge3A_3445 = vector.broadcast %sub3A_2951 : i32 to vector<16xi32>
    %ge3A_3446 = arith.cmpi sge, %add3A_3444, %ge3A_3445 : vector<16xi32>
    %convert_element_type3A_3447 = arith.extui %ge3A_3446 : vector<16xi1> to vector<16xi32>
    %add3A_3448 = arith.addi %add3A_3390, %convert_element_type3A_3447 : vector<16xi32>
    %lt3A_3449 = arith.constant 0 : i32
    %lt3A_3450 = vector.broadcast %lt3A_3449 : i32 to vector<16xi32>
    %lt3A_3451 = arith.cmpi slt, %broadcast_in_dim3A_4, %lt3A_3450 : vector<16xi32>
    %add3A_3452 = arith.constant 16 : i32
    %add3A_3453 = vector.broadcast %add3A_3452 : i32 to vector<16xi32>
    %add3A_3454 = arith.addi %broadcast_in_dim3A_4, %add3A_3453 : vector<16xi32>
    %select_n3A_3455 = arith.select %lt3A_3451, %add3A_3454, %broadcast_in_dim3A_4 : vector<16xi1>, vector<16xi32>
    %broadcast_in_dim3A_3456 = vector.shape_cast %select_n3A_3455 : vector<16xi32> to vector<16x1xi32>
    %gather3A_3457 = vector.shape_cast %broadcast_in_dim3A_3456 : vector<16x1xi32> to vector<16xi32>
    %gather3A_3458 = tpu.dynamic_gather %rev3A_3443[%gather3A_3457] in [0] : vector<16xi32>, vector<16xi32> -> vector<16xi32>
    %add3A_3459 = arith.addi %add3A_3401, %gather3A_3458 : vector<16xi32>
    %lt3A_3460 = arith.constant 0 : i32
    %lt3A_3461 = vector.broadcast %lt3A_3460 : i32 to vector<16xi32>
    %lt3A_3462 = arith.cmpi slt, %broadcast_in_dim3A_4, %lt3A_3461 : vector<16xi32>
    %add3A_3463 = arith.constant 16 : i32
    %add3A_3464 = vector.broadcast %add3A_3463 : i32 to vector<16xi32>
    %add3A_3465 = arith.addi %broadcast_in_dim3A_4, %add3A_3464 : vector<16xi32>
    %select_n3A_3466 = arith.select %lt3A_3462, %add3A_3465, %broadcast_in_dim3A_4 : vector<16xi1>, vector<16xi32>
    %broadcast_in_dim3A_3467 = vector.shape_cast %select_n3A_3466 : vector<16xi32> to vector<16x1xi32>
    %gather3A_3468 = vector.shape_cast %broadcast_in_dim3A_3467 : vector<16x1xi32> to vector<16xi32>
    %gather3A_3469 = tpu.dynamic_gather %convert_element_type3A_3447[%gather3A_3468] in [0] : vector<16xi32>, vector<16xi32> -> vector<16xi32>
    %sub3A_3470 = arith.constant 1 : i32
    %sub3A_3471 = vector.broadcast %sub3A_3470 : i32 to vector<16xi32>
    %sub3A_3472 = arith.subi %sub3A_3471, %select_n3A_3428 : vector<16xi32>
    %mul3A_3473 = arith.muli %gather3A_3469, %sub3A_3472 : vector<16xi32>
    %gt3A_3474 = arith.constant 0 : i32
    %gt3A_3475 = vector.broadcast %gt3A_3474 : i32 to vector<16xi32>
    %gt3A_3476 = arith.cmpi sgt, %mul3A_3473, %gt3A_3475 : vector<16xi32>
    %and3A_3477 = arith.andi %gt3A_3476, %ge3A_3446 : vector<16xi1>
    %select_n3A_3478 = arith.select %and3A_3477, %add3A_3444, %select_n3A_3420 : vector<16xi1>, vector<16xi32>
    %and3A_3479 = arith.andi %gt3A_3476, %ge3A_3446 : vector<16xi1>
    %select_n3A_3480 = arith.select %and3A_3479, %get3A_3430, %select_n3A_3422 : vector<16xi1>, vector<16xi32>
    %and3A_3481 = arith.andi %gt3A_3476, %ge3A_3446 : vector<16xi1>
    %add3A_3482 = arith.constant 112 : i32
    %add3A_3483 = vector.broadcast %add3A_3482 : i32 to vector<16xi32>
    %add3A_3484 = arith.addi %iota3A, %add3A_3483 : vector<16xi32>
    %select_n3A_3485 = arith.select %and3A_3481, %add3A_3484, %select_n3A_3427 : vector<16xi1>, vector<16xi32>
    %select_n3A_3486 = arith.select %gt3A_3476, %broadcast_in_dim3A_0, %select_n3A_3428 : vector<16xi1>, vector<16xi32>
    %get3A_3487 = arith.constant 96 : index
    %get3A_3488 = tpu.vector_load %arg9[%get3A_3487] {strides = array<i32>} : memref<256xi32, #tpu.memory_space<vmem>>, vector<16xi32>,
    %rev3A_3489 = arith.constant 15 : i32
    %rev3A_3490 = vector.broadcast %rev3A_3489 : i32 to vector<16xi32>
    %rev3A_3491 = tpu.iota {dimensions = array<i32: 0>} : vector<16xi32>
    %rev3A_3492 = arith.subi %rev3A_3490, %rev3A_3491 : vector<16xi32>
    %rev3A_3493 = tpu.dynamic_gather %get3A_3488[%rev3A_3492] in [0] : vector<16xi32>, vector<16xi32> -> vector<16xi32>
    %broadcast_in_dim3A_3494 = arith.constant true
    %broadcast_in_dim3A_3495 = vector.broadcast %broadcast_in_dim3A_3494 : i1 to vector<16xi1>
    %masked_cumsum3A_3496 = tpu.scan <sum>, %rev3A_3493 masked %broadcast_in_dim3A_3495 : vector<16xi32>, vector<16xi1> -> vector<16xi32>
    %rev3A_3497 = arith.constant 15 : i32
    %rev3A_3498 = vector.broadcast %rev3A_3497 : i32 to vector<16xi32>
    %rev3A_3499 = tpu.iota {dimensions = array<i32: 0>} : vector<16xi32>
    %rev3A_3500 = arith.subi %rev3A_3498, %rev3A_3499 : vector<16xi32>
    %rev3A_3501 = tpu.dynamic_gather %masked_cumsum3A_3496[%rev3A_3500] in [0] : vector<16xi32>, vector<16xi32> -> vector<16xi32>
    %add3A_3502 = arith.addi %rev3A_3501, %add3A_3459 : vector<16xi32>
    %ge3A_3503 = vector.broadcast %sub3A_2951 : i32 to vector<16xi32>
    %ge3A_3504 = arith.cmpi sge, %add3A_3502, %ge3A_3503 : vector<16xi32>
    %convert_element_type3A_3505 = arith.extui %ge3A_3504 : vector<16xi1> to vector<16xi32>
    %add3A_3506 = arith.addi %add3A_3448, %convert_element_type3A_3505 : vector<16xi32>
    %lt3A_3507 = arith.constant 0 : i32
    %lt3A_3508 = vector.broadcast %lt3A_3507 : i32 to vector<16xi32>
    %lt3A_3509 = arith.cmpi slt, %broadcast_in_dim3A_4, %lt3A_3508 : vector<16xi32>
    %add3A_3510 = arith.constant 16 : i32
    %add3A_3511 = vector.broadcast %add3A_3510 : i32 to vector<16xi32>
    %add3A_3512 = arith.addi %broadcast_in_dim3A_4, %add3A_3511 : vector<16xi32>
    %select_n3A_3513 = arith.select %lt3A_3509, %add3A_3512, %broadcast_in_dim3A_4 : vector<16xi1>, vector<16xi32>
    %broadcast_in_dim3A_3514 = vector.shape_cast %select_n3A_3513 : vector<16xi32> to vector<16x1xi32>
    %gather3A_3515 = vector.shape_cast %broadcast_in_dim3A_3514 : vector<16x1xi32> to vector<16xi32>
    %gather3A_3516 = tpu.dynamic_gather %rev3A_3501[%gather3A_3515] in [0] : vector<16xi32>, vector<16xi32> -> vector<16xi32>
    %add3A_3517 = arith.addi %add3A_3459, %gather3A_3516 : vector<16xi32>
    %lt3A_3518 = arith.constant 0 : i32
    %lt3A_3519 = vector.broadcast %lt3A_3518 : i32 to vector<16xi32>
    %lt3A_3520 = arith.cmpi slt, %broadcast_in_dim3A_4, %lt3A_3519 : vector<16xi32>
    %add3A_3521 = arith.constant 16 : i32
    %add3A_3522 = vector.broadcast %add3A_3521 : i32 to vector<16xi32>
    %add3A_3523 = arith.addi %broadcast_in_dim3A_4, %add3A_3522 : vector<16xi32>
    %select_n3A_3524 = arith.select %lt3A_3520, %add3A_3523, %broadcast_in_dim3A_4 : vector<16xi1>, vector<16xi32>
    %broadcast_in_dim3A_3525 = vector.shape_cast %select_n3A_3524 : vector<16xi32> to vector<16x1xi32>
    %gather3A_3526 = vector.shape_cast %broadcast_in_dim3A_3525 : vector<16x1xi32> to vector<16xi32>
    %gather3A_3527 = tpu.dynamic_gather %convert_element_type3A_3505[%gather3A_3526] in [0] : vector<16xi32>, vector<16xi32> -> vector<16xi32>
    %sub3A_3528 = arith.constant 1 : i32
    %sub3A_3529 = vector.broadcast %sub3A_3528 : i32 to vector<16xi32>
    %sub3A_3530 = arith.subi %sub3A_3529, %select_n3A_3486 : vector<16xi32>
    %mul3A_3531 = arith.muli %gather3A_3527, %sub3A_3530 : vector<16xi32>
    %gt3A_3532 = arith.constant 0 : i32
    %gt3A_3533 = vector.broadcast %gt3A_3532 : i32 to vector<16xi32>
    %gt3A_3534 = arith.cmpi sgt, %mul3A_3531, %gt3A_3533 : vector<16xi32>
    %and3A_3535 = arith.andi %gt3A_3534, %ge3A_3504 : vector<16xi1>
    %select_n3A_3536 = arith.select %and3A_3535, %add3A_3502, %select_n3A_3478 : vector<16xi1>, vector<16xi32>
    %and3A_3537 = arith.andi %gt3A_3534, %ge3A_3504 : vector<16xi1>
    %select_n3A_3538 = arith.select %and3A_3537, %get3A_3488, %select_n3A_3480 : vector<16xi1>, vector<16xi32>
    %and3A_3539 = arith.andi %gt3A_3534, %ge3A_3504 : vector<16xi1>
    %add3A_3540 = arith.constant 96 : i32
    %add3A_3541 = vector.broadcast %add3A_3540 : i32 to vector<16xi32>
    %add3A_3542 = arith.addi %iota3A, %add3A_3541 : vector<16xi32>
    %select_n3A_3543 = arith.select %and3A_3539, %add3A_3542, %select_n3A_3485 : vector<16xi1>, vector<16xi32>
    %select_n3A_3544 = arith.select %gt3A_3534, %broadcast_in_dim3A_0, %select_n3A_3486 : vector<16xi1>, vector<16xi32>
    %get3A_3545 = arith.constant 80 : index
    %get3A_3546 = tpu.vector_load %arg9[%get3A_3545] {strides = array<i32>} : memref<256xi32, #tpu.memory_space<vmem>>, vector<16xi32>,
    %rev3A_3547 = arith.constant 15 : i32
    %rev3A_3548 = vector.broadcast %rev3A_3547 : i32 to vector<16xi32>
    %rev3A_3549 = tpu.iota {dimensions = array<i32: 0>} : vector<16xi32>
    %rev3A_3550 = arith.subi %rev3A_3548, %rev3A_3549 : vector<16xi32>
    %rev3A_3551 = tpu.dynamic_gather %get3A_3546[%rev3A_3550] in [0] : vector<16xi32>, vector<16xi32> -> vector<16xi32>
    %broadcast_in_dim3A_3552 = arith.constant true
    %broadcast_in_dim3A_3553 = vector.broadcast %broadcast_in_dim3A_3552 : i1 to vector<16xi1>
    %masked_cumsum3A_3554 = tpu.scan <sum>, %rev3A_3551 masked %broadcast_in_dim3A_3553 : vector<16xi32>, vector<16xi1> -> vector<16xi32>
    %rev3A_3555 = arith.constant 15 : i32
    %rev3A_3556 = vector.broadcast %rev3A_3555 : i32 to vector<16xi32>
    %rev3A_3557 = tpu.iota {dimensions = array<i32: 0>} : vector<16xi32>
    %rev3A_3558 = arith.subi %rev3A_3556, %rev3A_3557 : vector<16xi32>
    %rev3A_3559 = tpu.dynamic_gather %masked_cumsum3A_3554[%rev3A_3558] in [0] : vector<16xi32>, vector<16xi32> -> vector<16xi32>
    %add3A_3560 = arith.addi %rev3A_3559, %add3A_3517 : vector<16xi32>
    %ge3A_3561 = vector.broadcast %sub3A_2951 : i32 to vector<16xi32>
    %ge3A_3562 = arith.cmpi sge, %add3A_3560, %ge3A_3561 : vector<16xi32>
    %convert_element_type3A_3563 = arith.extui %ge3A_3562 : vector<16xi1> to vector<16xi32>
    %add3A_3564 = arith.addi %add3A_3506, %convert_element_type3A_3563 : vector<16xi32>
    %lt3A_3565 = arith.constant 0 : i32
    %lt3A_3566 = vector.broadcast %lt3A_3565 : i32 to vector<16xi32>
    %lt3A_3567 = arith.cmpi slt, %broadcast_in_dim3A_4, %lt3A_3566 : vector<16xi32>
    %add3A_3568 = arith.constant 16 : i32
    %add3A_3569 = vector.broadcast %add3A_3568 : i32 to vector<16xi32>
    %add3A_3570 = arith.addi %broadcast_in_dim3A_4, %add3A_3569 : vector<16xi32>
    %select_n3A_3571 = arith.select %lt3A_3567, %add3A_3570, %broadcast_in_dim3A_4 : vector<16xi1>, vector<16xi32>
    %broadcast_in_dim3A_3572 = vector.shape_cast %select_n3A_3571 : vector<16xi32> to vector<16x1xi32>
    %gather3A_3573 = vector.shape_cast %broadcast_in_dim3A_3572 : vector<16x1xi32> to vector<16xi32>
    %gather3A_3574 = tpu.dynamic_gather %rev3A_3559[%gather3A_3573] in [0] : vector<16xi32>, vector<16xi32> -> vector<16xi32>
    %add3A_3575 = arith.addi %add3A_3517, %gather3A_3574 : vector<16xi32>
    %lt3A_3576 = arith.constant 0 : i32
    %lt3A_3577 = vector.broadcast %lt3A_3576 : i32 to vector<16xi32>
    %lt3A_3578 = arith.cmpi slt, %broadcast_in_dim3A_4, %lt3A_3577 : vector<16xi32>
    %add3A_3579 = arith.constant 16 : i32
    %add3A_3580 = vector.broadcast %add3A_3579 : i32 to vector<16xi32>
    %add3A_3581 = arith.addi %broadcast_in_dim3A_4, %add3A_3580 : vector<16xi32>
    %select_n3A_3582 = arith.select %lt3A_3578, %add3A_3581, %broadcast_in_dim3A_4 : vector<16xi1>, vector<16xi32>
    %broadcast_in_dim3A_3583 = vector.shape_cast %select_n3A_3582 : vector<16xi32> to vector<16x1xi32>
    %gather3A_3584 = vector.shape_cast %broadcast_in_dim3A_3583 : vector<16x1xi32> to vector<16xi32>
    %gather3A_3585 = tpu.dynamic_gather %convert_element_type3A_3563[%gather3A_3584] in [0] : vector<16xi32>, vector<16xi32> -> vector<16xi32>
    %sub3A_3586 = arith.constant 1 : i32
    %sub3A_3587 = vector.broadcast %sub3A_3586 : i32 to vector<16xi32>
    %sub3A_3588 = arith.subi %sub3A_3587, %select_n3A_3544 : vector<16xi32>
    %mul3A_3589 = arith.muli %gather3A_3585, %sub3A_3588 : vector<16xi32>
    %gt3A_3590 = arith.constant 0 : i32
    %gt3A_3591 = vector.broadcast %gt3A_3590 : i32 to vector<16xi32>
    %gt3A_3592 = arith.cmpi sgt, %mul3A_3589, %gt3A_3591 : vector<16xi32>
    %and3A_3593 = arith.andi %gt3A_3592, %ge3A_3562 : vector<16xi1>
    %select_n3A_3594 = arith.select %and3A_3593, %add3A_3560, %select_n3A_3536 : vector<16xi1>, vector<16xi32>
    %and3A_3595 = arith.andi %gt3A_3592, %ge3A_3562 : vector<16xi1>
    %select_n3A_3596 = arith.select %and3A_3595, %get3A_3546, %select_n3A_3538 : vector<16xi1>, vector<16xi32>
    %and3A_3597 = arith.andi %gt3A_3592, %ge3A_3562 : vector<16xi1>
    %add3A_3598 = arith.constant 80 : i32
    %add3A_3599 = vector.broadcast %add3A_3598 : i32 to vector<16xi32>
    %add3A_3600 = arith.addi %iota3A, %add3A_3599 : vector<16xi32>
    %select_n3A_3601 = arith.select %and3A_3597, %add3A_3600, %select_n3A_3543 : vector<16xi1>, vector<16xi32>
    %select_n3A_3602 = arith.select %gt3A_3592, %broadcast_in_dim3A_0, %select_n3A_3544 : vector<16xi1>, vector<16xi32>
    %get3A_3603 = arith.constant 64 : index
    %get3A_3604 = tpu.vector_load %arg9[%get3A_3603] {strides = array<i32>} : memref<256xi32, #tpu.memory_space<vmem>>, vector<16xi32>,
    %rev3A_3605 = arith.constant 15 : i32
    %rev3A_3606 = vector.broadcast %rev3A_3605 : i32 to vector<16xi32>
    %rev3A_3607 = tpu.iota {dimensions = array<i32: 0>} : vector<16xi32>
    %rev3A_3608 = arith.subi %rev3A_3606, %rev3A_3607 : vector<16xi32>
    %rev3A_3609 = tpu.dynamic_gather %get3A_3604[%rev3A_3608] in [0] : vector<16xi32>, vector<16xi32> -> vector<16xi32>
    %broadcast_in_dim3A_3610 = arith.constant true
    %broadcast_in_dim3A_3611 = vector.broadcast %broadcast_in_dim3A_3610 : i1 to vector<16xi1>
    %masked_cumsum3A_3612 = tpu.scan <sum>, %rev3A_3609 masked %broadcast_in_dim3A_3611 : vector<16xi32>, vector<16xi1> -> vector<16xi32>
    %rev3A_3613 = arith.constant 15 : i32
    %rev3A_3614 = vector.broadcast %rev3A_3613 : i32 to vector<16xi32>
    %rev3A_3615 = tpu.iota {dimensions = array<i32: 0>} : vector<16xi32>
    %rev3A_3616 = arith.subi %rev3A_3614, %rev3A_3615 : vector<16xi32>
    %rev3A_3617 = tpu.dynamic_gather %masked_cumsum3A_3612[%rev3A_3616] in [0] : vector<16xi32>, vector<16xi32> -> vector<16xi32>
    %add3A_3618 = arith.addi %rev3A_3617, %add3A_3575 : vector<16xi32>
    %ge3A_3619 = vector.broadcast %sub3A_2951 : i32 to vector<16xi32>
    %ge3A_3620 = arith.cmpi sge, %add3A_3618, %ge3A_3619 : vector<16xi32>
    %convert_element_type3A_3621 = arith.extui %ge3A_3620 : vector<16xi1> to vector<16xi32>
    %add3A_3622 = arith.addi %add3A_3564, %convert_element_type3A_3621 : vector<16xi32>
    %lt3A_3623 = arith.constant 0 : i32
    %lt3A_3624 = vector.broadcast %lt3A_3623 : i32 to vector<16xi32>
    %lt3A_3625 = arith.cmpi slt, %broadcast_in_dim3A_4, %lt3A_3624 : vector<16xi32>
    %add3A_3626 = arith.constant 16 : i32
    %add3A_3627 = vector.broadcast %add3A_3626 : i32 to vector<16xi32>
    %add3A_3628 = arith.addi %broadcast_in_dim3A_4, %add3A_3627 : vector<16xi32>
    %select_n3A_3629 = arith.select %lt3A_3625, %add3A_3628, %broadcast_in_dim3A_4 : vector<16xi1>, vector<16xi32>
    %broadcast_in_dim3A_3630 = vector.shape_cast %select_n3A_3629 : vector<16xi32> to vector<16x1xi32>
    %gather3A_3631 = vector.shape_cast %broadcast_in_dim3A_3630 : vector<16x1xi32> to vector<16xi32>
    %gather3A_3632 = tpu.dynamic_gather %rev3A_3617[%gather3A_3631] in [0] : vector<16xi32>, vector<16xi32> -> vector<16xi32>
    %add3A_3633 = arith.addi %add3A_3575, %gather3A_3632 : vector<16xi32>
    %lt3A_3634 = arith.constant 0 : i32
    %lt3A_3635 = vector.broadcast %lt3A_3634 : i32 to vector<16xi32>
    %lt3A_3636 = arith.cmpi slt, %broadcast_in_dim3A_4, %lt3A_3635 : vector<16xi32>
    %add3A_3637 = arith.constant 16 : i32
    %add3A_3638 = vector.broadcast %add3A_3637 : i32 to vector<16xi32>
    %add3A_3639 = arith.addi %broadcast_in_dim3A_4, %add3A_3638 : vector<16xi32>
    %select_n3A_3640 = arith.select %lt3A_3636, %add3A_3639, %broadcast_in_dim3A_4 : vector<16xi1>, vector<16xi32>
    %broadcast_in_dim3A_3641 = vector.shape_cast %select_n3A_3640 : vector<16xi32> to vector<16x1xi32>
    %gather3A_3642 = vector.shape_cast %broadcast_in_dim3A_3641 : vector<16x1xi32> to vector<16xi32>
    %gather3A_3643 = tpu.dynamic_gather %convert_element_type3A_3621[%gather3A_3642] in [0] : vector<16xi32>, vector<16xi32> -> vector<16xi32>
    %sub3A_3644 = arith.constant 1 : i32
    %sub3A_3645 = vector.broadcast %sub3A_3644 : i32 to vector<16xi32>
    %sub3A_3646 = arith.subi %sub3A_3645, %select_n3A_3602 : vector<16xi32>
    %mul3A_3647 = arith.muli %gather3A_3643, %sub3A_3646 : vector<16xi32>
    %gt3A_3648 = arith.constant 0 : i32
    %gt3A_3649 = vector.broadcast %gt3A_3648 : i32 to vector<16xi32>
    %gt3A_3650 = arith.cmpi sgt, %mul3A_3647, %gt3A_3649 : vector<16xi32>
    %and3A_3651 = arith.andi %gt3A_3650, %ge3A_3620 : vector<16xi1>
    %select_n3A_3652 = arith.select %and3A_3651, %add3A_3618, %select_n3A_3594 : vector<16xi1>, vector<16xi32>
    %and3A_3653 = arith.andi %gt3A_3650, %ge3A_3620 : vector<16xi1>
    %select_n3A_3654 = arith.select %and3A_3653, %get3A_3604, %select_n3A_3596 : vector<16xi1>, vector<16xi32>
    %and3A_3655 = arith.andi %gt3A_3650, %ge3A_3620 : vector<16xi1>
    %add3A_3656 = arith.constant 64 : i32
    %add3A_3657 = vector.broadcast %add3A_3656 : i32 to vector<16xi32>
    %add3A_3658 = arith.addi %iota3A, %add3A_3657 : vector<16xi32>
    %select_n3A_3659 = arith.select %and3A_3655, %add3A_3658, %select_n3A_3601 : vector<16xi1>, vector<16xi32>
    %select_n3A_3660 = arith.select %gt3A_3650, %broadcast_in_dim3A_0, %select_n3A_3602 : vector<16xi1>, vector<16xi32>
    %get3A_3661 = arith.constant 48 : index
    %get3A_3662 = tpu.vector_load %arg9[%get3A_3661] {strides = array<i32>} : memref<256xi32, #tpu.memory_space<vmem>>, vector<16xi32>,
    %rev3A_3663 = arith.constant 15 : i32
    %rev3A_3664 = vector.broadcast %rev3A_3663 : i32 to vector<16xi32>
    %rev3A_3665 = tpu.iota {dimensions = array<i32: 0>} : vector<16xi32>
    %rev3A_3666 = arith.subi %rev3A_3664, %rev3A_3665 : vector<16xi32>
    %rev3A_3667 = tpu.dynamic_gather %get3A_3662[%rev3A_3666] in [0] : vector<16xi32>, vector<16xi32> -> vector<16xi32>
    %broadcast_in_dim3A_3668 = arith.constant true
    %broadcast_in_dim3A_3669 = vector.broadcast %broadcast_in_dim3A_3668 : i1 to vector<16xi1>
    %masked_cumsum3A_3670 = tpu.scan <sum>, %rev3A_3667 masked %broadcast_in_dim3A_3669 : vector<16xi32>, vector<16xi1> -> vector<16xi32>
    %rev3A_3671 = arith.constant 15 : i32
    %rev3A_3672 = vector.broadcast %rev3A_3671 : i32 to vector<16xi32>
    %rev3A_3673 = tpu.iota {dimensions = array<i32: 0>} : vector<16xi32>
    %rev3A_3674 = arith.subi %rev3A_3672, %rev3A_3673 : vector<16xi32>
    %rev3A_3675 = tpu.dynamic_gather %masked_cumsum3A_3670[%rev3A_3674] in [0] : vector<16xi32>, vector<16xi32> -> vector<16xi32>
    %add3A_3676 = arith.addi %rev3A_3675, %add3A_3633 : vector<16xi32>
    %ge3A_3677 = vector.broadcast %sub3A_2951 : i32 to vector<16xi32>
    %ge3A_3678 = arith.cmpi sge, %add3A_3676, %ge3A_3677 : vector<16xi32>
    %convert_element_type3A_3679 = arith.extui %ge3A_3678 : vector<16xi1> to vector<16xi32>
    %add3A_3680 = arith.addi %add3A_3622, %convert_element_type3A_3679 : vector<16xi32>
    %lt3A_3681 = arith.constant 0 : i32
    %lt3A_3682 = vector.broadcast %lt3A_3681 : i32 to vector<16xi32>
    %lt3A_3683 = arith.cmpi slt, %broadcast_in_dim3A_4, %lt3A_3682 : vector<16xi32>
    %add3A_3684 = arith.constant 16 : i32
    %add3A_3685 = vector.broadcast %add3A_3684 : i32 to vector<16xi32>
    %add3A_3686 = arith.addi %broadcast_in_dim3A_4, %add3A_3685 : vector<16xi32>
    %select_n3A_3687 = arith.select %lt3A_3683, %add3A_3686, %broadcast_in_dim3A_4 : vector<16xi1>, vector<16xi32>
    %broadcast_in_dim3A_3688 = vector.shape_cast %select_n3A_3687 : vector<16xi32> to vector<16x1xi32>
    %gather3A_3689 = vector.shape_cast %broadcast_in_dim3A_3688 : vector<16x1xi32> to vector<16xi32>
    %gather3A_3690 = tpu.dynamic_gather %rev3A_3675[%gather3A_3689] in [0] : vector<16xi32>, vector<16xi32> -> vector<16xi32>
    %add3A_3691 = arith.addi %add3A_3633, %gather3A_3690 : vector<16xi32>
    %lt3A_3692 = arith.constant 0 : i32
    %lt3A_3693 = vector.broadcast %lt3A_3692 : i32 to vector<16xi32>
    %lt3A_3694 = arith.cmpi slt, %broadcast_in_dim3A_4, %lt3A_3693 : vector<16xi32>
    %add3A_3695 = arith.constant 16 : i32
    %add3A_3696 = vector.broadcast %add3A_3695 : i32 to vector<16xi32>
    %add3A_3697 = arith.addi %broadcast_in_dim3A_4, %add3A_3696 : vector<16xi32>
    %select_n3A_3698 = arith.select %lt3A_3694, %add3A_3697, %broadcast_in_dim3A_4 : vector<16xi1>, vector<16xi32>
    %broadcast_in_dim3A_3699 = vector.shape_cast %select_n3A_3698 : vector<16xi32> to vector<16x1xi32>
    %gather3A_3700 = vector.shape_cast %broadcast_in_dim3A_3699 : vector<16x1xi32> to vector<16xi32>
    %gather3A_3701 = tpu.dynamic_gather %convert_element_type3A_3679[%gather3A_3700] in [0] : vector<16xi32>, vector<16xi32> -> vector<16xi32>
    %sub3A_3702 = arith.constant 1 : i32
    %sub3A_3703 = vector.broadcast %sub3A_3702 : i32 to vector<16xi32>
    %sub3A_3704 = arith.subi %sub3A_3703, %select_n3A_3660 : vector<16xi32>
    %mul3A_3705 = arith.muli %gather3A_3701, %sub3A_3704 : vector<16xi32>
    %gt3A_3706 = arith.constant 0 : i32
    %gt3A_3707 = vector.broadcast %gt3A_3706 : i32 to vector<16xi32>
    %gt3A_3708 = arith.cmpi sgt, %mul3A_3705, %gt3A_3707 : vector<16xi32>
    %and3A_3709 = arith.andi %gt3A_3708, %ge3A_3678 : vector<16xi1>
    %select_n3A_3710 = arith.select %and3A_3709, %add3A_3676, %select_n3A_3652 : vector<16xi1>, vector<16xi32>
    %and3A_3711 = arith.andi %gt3A_3708, %ge3A_3678 : vector<16xi1>
    %select_n3A_3712 = arith.select %and3A_3711, %get3A_3662, %select_n3A_3654 : vector<16xi1>, vector<16xi32>
    %and3A_3713 = arith.andi %gt3A_3708, %ge3A_3678 : vector<16xi1>
    %add3A_3714 = arith.constant 48 : i32
    %add3A_3715 = vector.broadcast %add3A_3714 : i32 to vector<16xi32>
    %add3A_3716 = arith.addi %iota3A, %add3A_3715 : vector<16xi32>
    %select_n3A_3717 = arith.select %and3A_3713, %add3A_3716, %select_n3A_3659 : vector<16xi1>, vector<16xi32>
    %select_n3A_3718 = arith.select %gt3A_3708, %broadcast_in_dim3A_0, %select_n3A_3660 : vector<16xi1>, vector<16xi32>
    %get3A_3719 = arith.constant 32 : index
    %get3A_3720 = tpu.vector_load %arg9[%get3A_3719] {strides = array<i32>} : memref<256xi32, #tpu.memory_space<vmem>>, vector<16xi32>,
    %rev3A_3721 = arith.constant 15 : i32
    %rev3A_3722 = vector.broadcast %rev3A_3721 : i32 to vector<16xi32>
    %rev3A_3723 = tpu.iota {dimensions = array<i32: 0>} : vector<16xi32>
    %rev3A_3724 = arith.subi %rev3A_3722, %rev3A_3723 : vector<16xi32>
    %rev3A_3725 = tpu.dynamic_gather %get3A_3720[%rev3A_3724] in [0] : vector<16xi32>, vector<16xi32> -> vector<16xi32>
    %broadcast_in_dim3A_3726 = arith.constant true
    %broadcast_in_dim3A_3727 = vector.broadcast %broadcast_in_dim3A_3726 : i1 to vector<16xi1>
    %masked_cumsum3A_3728 = tpu.scan <sum>, %rev3A_3725 masked %broadcast_in_dim3A_3727 : vector<16xi32>, vector<16xi1> -> vector<16xi32>
    %rev3A_3729 = arith.constant 15 : i32
    %rev3A_3730 = vector.broadcast %rev3A_3729 : i32 to vector<16xi32>
    %rev3A_3731 = tpu.iota {dimensions = array<i32: 0>} : vector<16xi32>
    %rev3A_3732 = arith.subi %rev3A_3730, %rev3A_3731 : vector<16xi32>
    %rev3A_3733 = tpu.dynamic_gather %masked_cumsum3A_3728[%rev3A_3732] in [0] : vector<16xi32>, vector<16xi32> -> vector<16xi32>
    %add3A_3734 = arith.addi %rev3A_3733, %add3A_3691 : vector<16xi32>
    %ge3A_3735 = vector.broadcast %sub3A_2951 : i32 to vector<16xi32>
    %ge3A_3736 = arith.cmpi sge, %add3A_3734, %ge3A_3735 : vector<16xi32>
    %convert_element_type3A_3737 = arith.extui %ge3A_3736 : vector<16xi1> to vector<16xi32>
    %add3A_3738 = arith.addi %add3A_3680, %convert_element_type3A_3737 : vector<16xi32>
    %lt3A_3739 = arith.constant 0 : i32
    %lt3A_3740 = vector.broadcast %lt3A_3739 : i32 to vector<16xi32>
    %lt3A_3741 = arith.cmpi slt, %broadcast_in_dim3A_4, %lt3A_3740 : vector<16xi32>
    %add3A_3742 = arith.constant 16 : i32
    %add3A_3743 = vector.broadcast %add3A_3742 : i32 to vector<16xi32>
    %add3A_3744 = arith.addi %broadcast_in_dim3A_4, %add3A_3743 : vector<16xi32>
    %select_n3A_3745 = arith.select %lt3A_3741, %add3A_3744, %broadcast_in_dim3A_4 : vector<16xi1>, vector<16xi32>
    %broadcast_in_dim3A_3746 = vector.shape_cast %select_n3A_3745 : vector<16xi32> to vector<16x1xi32>
    %gather3A_3747 = vector.shape_cast %broadcast_in_dim3A_3746 : vector<16x1xi32> to vector<16xi32>
    %gather3A_3748 = tpu.dynamic_gather %rev3A_3733[%gather3A_3747] in [0] : vector<16xi32>, vector<16xi32> -> vector<16xi32>
    %add3A_3749 = arith.addi %add3A_3691, %gather3A_3748 : vector<16xi32>
    %lt3A_3750 = arith.constant 0 : i32
    %lt3A_3751 = vector.broadcast %lt3A_3750 : i32 to vector<16xi32>
    %lt3A_3752 = arith.cmpi slt, %broadcast_in_dim3A_4, %lt3A_3751 : vector<16xi32>
    %add3A_3753 = arith.constant 16 : i32
    %add3A_3754 = vector.broadcast %add3A_3753 : i32 to vector<16xi32>
    %add3A_3755 = arith.addi %broadcast_in_dim3A_4, %add3A_3754 : vector<16xi32>
    %select_n3A_3756 = arith.select %lt3A_3752, %add3A_3755, %broadcast_in_dim3A_4 : vector<16xi1>, vector<16xi32>
    %broadcast_in_dim3A_3757 = vector.shape_cast %select_n3A_3756 : vector<16xi32> to vector<16x1xi32>
    %gather3A_3758 = vector.shape_cast %broadcast_in_dim3A_3757 : vector<16x1xi32> to vector<16xi32>
    %gather3A_3759 = tpu.dynamic_gather %convert_element_type3A_3737[%gather3A_3758] in [0] : vector<16xi32>, vector<16xi32> -> vector<16xi32>
    %sub3A_3760 = arith.constant 1 : i32
    %sub3A_3761 = vector.broadcast %sub3A_3760 : i32 to vector<16xi32>
    %sub3A_3762 = arith.subi %sub3A_3761, %select_n3A_3718 : vector<16xi32>
    %mul3A_3763 = arith.muli %gather3A_3759, %sub3A_3762 : vector<16xi32>
    %gt3A_3764 = arith.constant 0 : i32
    %gt3A_3765 = vector.broadcast %gt3A_3764 : i32 to vector<16xi32>
    %gt3A_3766 = arith.cmpi sgt, %mul3A_3763, %gt3A_3765 : vector<16xi32>
    %and3A_3767 = arith.andi %gt3A_3766, %ge3A_3736 : vector<16xi1>
    %select_n3A_3768 = arith.select %and3A_3767, %add3A_3734, %select_n3A_3710 : vector<16xi1>, vector<16xi32>
    %and3A_3769 = arith.andi %gt3A_3766, %ge3A_3736 : vector<16xi1>
    %select_n3A_3770 = arith.select %and3A_3769, %get3A_3720, %select_n3A_3712 : vector<16xi1>, vector<16xi32>
    %and3A_3771 = arith.andi %gt3A_3766, %ge3A_3736 : vector<16xi1>
    %add3A_3772 = arith.constant 32 : i32
    %add3A_3773 = vector.broadcast %add3A_3772 : i32 to vector<16xi32>
    %add3A_3774 = arith.addi %iota3A, %add3A_3773 : vector<16xi32>
    %select_n3A_3775 = arith.select %and3A_3771, %add3A_3774, %select_n3A_3717 : vector<16xi1>, vector<16xi32>
    %select_n3A_3776 = arith.select %gt3A_3766, %broadcast_in_dim3A_0, %select_n3A_3718 : vector<16xi1>, vector<16xi32>
    %get3A_3777 = arith.constant 16 : index
    %get3A_3778 = tpu.vector_load %arg9[%get3A_3777] {strides = array<i32>} : memref<256xi32, #tpu.memory_space<vmem>>, vector<16xi32>,
    %rev3A_3779 = arith.constant 15 : i32
    %rev3A_3780 = vector.broadcast %rev3A_3779 : i32 to vector<16xi32>
    %rev3A_3781 = tpu.iota {dimensions = array<i32: 0>} : vector<16xi32>
    %rev3A_3782 = arith.subi %rev3A_3780, %rev3A_3781 : vector<16xi32>
    %rev3A_3783 = tpu.dynamic_gather %get3A_3778[%rev3A_3782] in [0] : vector<16xi32>, vector<16xi32> -> vector<16xi32>
    %broadcast_in_dim3A_3784 = arith.constant true
    %broadcast_in_dim3A_3785 = vector.broadcast %broadcast_in_dim3A_3784 : i1 to vector<16xi1>
    %masked_cumsum3A_3786 = tpu.scan <sum>, %rev3A_3783 masked %broadcast_in_dim3A_3785 : vector<16xi32>, vector<16xi1> -> vector<16xi32>
    %rev3A_3787 = arith.constant 15 : i32
    %rev3A_3788 = vector.broadcast %rev3A_3787 : i32 to vector<16xi32>
    %rev3A_3789 = tpu.iota {dimensions = array<i32: 0>} : vector<16xi32>
    %rev3A_3790 = arith.subi %rev3A_3788, %rev3A_3789 : vector<16xi32>
    %rev3A_3791 = tpu.dynamic_gather %masked_cumsum3A_3786[%rev3A_3790] in [0] : vector<16xi32>, vector<16xi32> -> vector<16xi32>
    %add3A_3792 = arith.addi %rev3A_3791, %add3A_3749 : vector<16xi32>
    %ge3A_3793 = vector.broadcast %sub3A_2951 : i32 to vector<16xi32>
    %ge3A_3794 = arith.cmpi sge, %add3A_3792, %ge3A_3793 : vector<16xi32>
    %convert_element_type3A_3795 = arith.extui %ge3A_3794 : vector<16xi1> to vector<16xi32>
    %add3A_3796 = arith.addi %add3A_3738, %convert_element_type3A_3795 : vector<16xi32>
    %lt3A_3797 = arith.constant 0 : i32
    %lt3A_3798 = vector.broadcast %lt3A_3797 : i32 to vector<16xi32>
    %lt3A_3799 = arith.cmpi slt, %broadcast_in_dim3A_4, %lt3A_3798 : vector<16xi32>
    %add3A_3800 = arith.constant 16 : i32
    %add3A_3801 = vector.broadcast %add3A_3800 : i32 to vector<16xi32>
    %add3A_3802 = arith.addi %broadcast_in_dim3A_4, %add3A_3801 : vector<16xi32>
    %select_n3A_3803 = arith.select %lt3A_3799, %add3A_3802, %broadcast_in_dim3A_4 : vector<16xi1>, vector<16xi32>
    %broadcast_in_dim3A_3804 = vector.shape_cast %select_n3A_3803 : vector<16xi32> to vector<16x1xi32>
    %gather3A_3805 = vector.shape_cast %broadcast_in_dim3A_3804 : vector<16x1xi32> to vector<16xi32>
    %gather3A_3806 = tpu.dynamic_gather %rev3A_3791[%gather3A_3805] in [0] : vector<16xi32>, vector<16xi32> -> vector<16xi32>
    %add3A_3807 = arith.addi %add3A_3749, %gather3A_3806 : vector<16xi32>
    %lt3A_3808 = arith.constant 0 : i32
    %lt3A_3809 = vector.broadcast %lt3A_3808 : i32 to vector<16xi32>
    %lt3A_3810 = arith.cmpi slt, %broadcast_in_dim3A_4, %lt3A_3809 : vector<16xi32>
    %add3A_3811 = arith.constant 16 : i32
    %add3A_3812 = vector.broadcast %add3A_3811 : i32 to vector<16xi32>
    %add3A_3813 = arith.addi %broadcast_in_dim3A_4, %add3A_3812 : vector<16xi32>
    %select_n3A_3814 = arith.select %lt3A_3810, %add3A_3813, %broadcast_in_dim3A_4 : vector<16xi1>, vector<16xi32>
    %broadcast_in_dim3A_3815 = vector.shape_cast %select_n3A_3814 : vector<16xi32> to vector<16x1xi32>
    %gather3A_3816 = vector.shape_cast %broadcast_in_dim3A_3815 : vector<16x1xi32> to vector<16xi32>
    %gather3A_3817 = tpu.dynamic_gather %convert_element_type3A_3795[%gather3A_3816] in [0] : vector<16xi32>, vector<16xi32> -> vector<16xi32>
    %sub3A_3818 = arith.constant 1 : i32
    %sub3A_3819 = vector.broadcast %sub3A_3818 : i32 to vector<16xi32>
    %sub3A_3820 = arith.subi %sub3A_3819, %select_n3A_3776 : vector<16xi32>
    %mul3A_3821 = arith.muli %gather3A_3817, %sub3A_3820 : vector<16xi32>
    %gt3A_3822 = arith.constant 0 : i32
    %gt3A_3823 = vector.broadcast %gt3A_3822 : i32 to vector<16xi32>
    %gt3A_3824 = arith.cmpi sgt, %mul3A_3821, %gt3A_3823 : vector<16xi32>
    %and3A_3825 = arith.andi %gt3A_3824, %ge3A_3794 : vector<16xi1>
    %select_n3A_3826 = arith.select %and3A_3825, %add3A_3792, %select_n3A_3768 : vector<16xi1>, vector<16xi32>
    %and3A_3827 = arith.andi %gt3A_3824, %ge3A_3794 : vector<16xi1>
    %select_n3A_3828 = arith.select %and3A_3827, %get3A_3778, %select_n3A_3770 : vector<16xi1>, vector<16xi32>
    %and3A_3829 = arith.andi %gt3A_3824, %ge3A_3794 : vector<16xi1>
    %add3A_3830 = arith.constant 16 : i32
    %add3A_3831 = vector.broadcast %add3A_3830 : i32 to vector<16xi32>
    %add3A_3832 = arith.addi %iota3A, %add3A_3831 : vector<16xi32>
    %select_n3A_3833 = arith.select %and3A_3829, %add3A_3832, %select_n3A_3775 : vector<16xi1>, vector<16xi32>
    %select_n3A_3834 = arith.select %gt3A_3824, %broadcast_in_dim3A_0, %select_n3A_3776 : vector<16xi1>, vector<16xi32>
    %get3A_3835 = arith.constant 0 : index
    %get3A_3836 = tpu.vector_load %arg9[%get3A_3835] {strides = array<i32>} : memref<256xi32, #tpu.memory_space<vmem>>, vector<16xi32>,
    %rev3A_3837 = arith.constant 15 : i32
    %rev3A_3838 = vector.broadcast %rev3A_3837 : i32 to vector<16xi32>
    %rev3A_3839 = tpu.iota {dimensions = array<i32: 0>} : vector<16xi32>
    %rev3A_3840 = arith.subi %rev3A_3838, %rev3A_3839 : vector<16xi32>
    %rev3A_3841 = tpu.dynamic_gather %get3A_3836[%rev3A_3840] in [0] : vector<16xi32>, vector<16xi32> -> vector<16xi32>
    %broadcast_in_dim3A_3842 = arith.constant true
    %broadcast_in_dim3A_3843 = vector.broadcast %broadcast_in_dim3A_3842 : i1 to vector<16xi1>
    %masked_cumsum3A_3844 = tpu.scan <sum>, %rev3A_3841 masked %broadcast_in_dim3A_3843 : vector<16xi32>, vector<16xi1> -> vector<16xi32>
    %rev3A_3845 = arith.constant 15 : i32
    %rev3A_3846 = vector.broadcast %rev3A_3845 : i32 to vector<16xi32>
    %rev3A_3847 = tpu.iota {dimensions = array<i32: 0>} : vector<16xi32>
    %rev3A_3848 = arith.subi %rev3A_3846, %rev3A_3847 : vector<16xi32>
    %rev3A_3849 = tpu.dynamic_gather %masked_cumsum3A_3844[%rev3A_3848] in [0] : vector<16xi32>, vector<16xi32> -> vector<16xi32>
    %add3A_3850 = arith.addi %rev3A_3849, %add3A_3807 : vector<16xi32>
    %ge3A_3851 = vector.broadcast %sub3A_2951 : i32 to vector<16xi32>
    %ge3A_3852 = arith.cmpi sge, %add3A_3850, %ge3A_3851 : vector<16xi32>
    %convert_element_type3A_3853 = arith.extui %ge3A_3852 : vector<16xi1> to vector<16xi32>
    %add3A_3854 = arith.addi %add3A_3796, %convert_element_type3A_3853 : vector<16xi32>
    %lt3A_3855 = arith.constant 0 : i32
    %lt3A_3856 = vector.broadcast %lt3A_3855 : i32 to vector<16xi32>
    %lt3A_3857 = arith.cmpi slt, %broadcast_in_dim3A_4, %lt3A_3856 : vector<16xi32>
    %add3A_3858 = arith.constant 16 : i32
    %add3A_3859 = vector.broadcast %add3A_3858 : i32 to vector<16xi32>
    %add3A_3860 = arith.addi %broadcast_in_dim3A_4, %add3A_3859 : vector<16xi32>
    %select_n3A_3861 = arith.select %lt3A_3857, %add3A_3860, %broadcast_in_dim3A_4 : vector<16xi1>, vector<16xi32>
    %broadcast_in_dim3A_3862 = vector.shape_cast %select_n3A_3861 : vector<16xi32> to vector<16x1xi32>
    %gather3A_3863 = vector.shape_cast %broadcast_in_dim3A_3862 : vector<16x1xi32> to vector<16xi32>
    %gather3A_3864 = tpu.dynamic_gather %rev3A_3849[%gather3A_3863] in [0] : vector<16xi32>, vector<16xi32> -> vector<16xi32>
    %add3A_3865 = arith.addi %add3A_3807, %gather3A_3864 : vector<16xi32>
    %lt3A_3866 = arith.constant 0 : i32
    %lt3A_3867 = vector.broadcast %lt3A_3866 : i32 to vector<16xi32>
    %lt3A_3868 = arith.cmpi slt, %broadcast_in_dim3A_4, %lt3A_3867 : vector<16xi32>
    %add3A_3869 = arith.constant 16 : i32
    %add3A_3870 = vector.broadcast %add3A_3869 : i32 to vector<16xi32>
    %add3A_3871 = arith.addi %broadcast_in_dim3A_4, %add3A_3870 : vector<16xi32>
    %select_n3A_3872 = arith.select %lt3A_3868, %add3A_3871, %broadcast_in_dim3A_4 : vector<16xi1>, vector<16xi32>
    %broadcast_in_dim3A_3873 = vector.shape_cast %select_n3A_3872 : vector<16xi32> to vector<16x1xi32>
    %gather3A_3874 = vector.shape_cast %broadcast_in_dim3A_3873 : vector<16x1xi32> to vector<16xi32>
    %gather3A_3875 = tpu.dynamic_gather %convert_element_type3A_3853[%gather3A_3874] in [0] : vector<16xi32>, vector<16xi32> -> vector<16xi32>
    %sub3A_3876 = arith.constant 1 : i32
    %sub3A_3877 = vector.broadcast %sub3A_3876 : i32 to vector<16xi32>
    %sub3A_3878 = arith.subi %sub3A_3877, %select_n3A_3834 : vector<16xi32>
    %mul3A_3879 = arith.muli %gather3A_3875, %sub3A_3878 : vector<16xi32>
    %gt3A_3880 = arith.constant 0 : i32
    %gt3A_3881 = vector.broadcast %gt3A_3880 : i32 to vector<16xi32>
    %gt3A_3882 = arith.cmpi sgt, %mul3A_3879, %gt3A_3881 : vector<16xi32>
    %and3A_3883 = arith.andi %gt3A_3882, %ge3A_3852 : vector<16xi1>
    %select_n3A_3884 = arith.select %and3A_3883, %add3A_3850, %select_n3A_3826 : vector<16xi1>, vector<16xi32>
    %and3A_3885 = arith.andi %gt3A_3882, %ge3A_3852 : vector<16xi1>
    %select_n3A_3886 = arith.select %and3A_3885, %get3A_3836, %select_n3A_3828 : vector<16xi1>, vector<16xi32>
    %and3A_3887 = arith.andi %gt3A_3882, %ge3A_3852 : vector<16xi1>
    %add3A_3888 = arith.constant 0 : i32
    %add3A_3889 = vector.broadcast %add3A_3888 : i32 to vector<16xi32>
    %add3A_3890 = arith.addi %iota3A, %add3A_3889 : vector<16xi32>
    %select_n3A_3891 = arith.select %and3A_3887, %add3A_3890, %select_n3A_3833 : vector<16xi1>, vector<16xi32>
    %select_n3A_3892 = arith.select %gt3A_3882, %broadcast_in_dim3A_0, %select_n3A_3834 : vector<16xi1>, vector<16xi32>
    %reduce_sum3A_3893 = arith.constant true
    %reduce_sum3A_3894 = vector.broadcast %reduce_sum3A_3893 : i1 to vector<16xi1>
    %reduce_sum3A_3895 = tpu.scan <sum>, %add3A_3854 masked %reduce_sum3A_3894 : vector<16xi32>, vector<16xi1> -> vector<16xi32>
    %reduce_sum3A_3896 = vector.extract %reduce_sum3A_3895[15] : i32 from vector<16xi32>
    %sub3A_3897 = arith.constant 1 : i32
    %sub3A_3898 = arith.subi %reduce_sum3A_3896, %sub3A_3897 : i32
    %eq3A_3899 = vector.broadcast %sub3A_3898 : i32 to vector<16xi32>
    %eq3A_3900 = arith.cmpi eq, %select_n3A_3891, %eq3A_3899 : vector<16xi32>
    %convert_element_type3A_3901 = arith.extui %eq3A_3900 : vector<16xi1> to vector<16xi32>
    %mul3A_3902 = arith.muli %convert_element_type3A_3901, %select_n3A_3886 : vector<16xi32>
    %reduce_max3A_3903 = arith.constant true
    %reduce_max3A_3904 = vector.broadcast %reduce_max3A_3903 : i1 to vector<16xi1>
    %reduce_max3A_3905 = arith.constant -2147483648 : i32
    %reduce_max3A_3906 = vector.broadcast %reduce_max3A_3905 : i32 to vector<16xi32>
    %reduce_max3A_3907 = arith.xori %mul3A_3902, %reduce_max3A_3906 : vector<16xi32>
    %reduce_max3A_3908 = tpu.scan <max>, %reduce_max3A_3907 masked %reduce_max3A_3904 : vector<16xi32>, vector<16xi1> -> vector<16xi32>
    %reduce_max3A_3909 = arith.xori %reduce_max3A_3908, %reduce_max3A_3906 : vector<16xi32>
    %reduce_max3A_3910 = vector.extract %reduce_max3A_3909[15] : i32 from vector<16xi32>
    %mul3A_3911 = arith.muli %convert_element_type3A_3901, %select_n3A_3884 : vector<16xi32>
    %reduce_max3A_3912 = arith.constant true
    %reduce_max3A_3913 = vector.broadcast %reduce_max3A_3912 : i1 to vector<16xi1>
    %reduce_max3A_3914 = arith.constant -2147483648 : i32
    %reduce_max3A_3915 = vector.broadcast %reduce_max3A_3914 : i32 to vector<16xi32>
    %reduce_max3A_3916 = arith.xori %mul3A_3911, %reduce_max3A_3915 : vector<16xi32>
    %reduce_max3A_3917 = tpu.scan <max>, %reduce_max3A_3916 masked %reduce_max3A_3913 : vector<16xi32>, vector<16xi1> -> vector<16xi32>
    %reduce_max3A_3918 = arith.xori %reduce_max3A_3917, %reduce_max3A_3915 : vector<16xi32>
    %reduce_max3A_3919 = vector.extract %reduce_max3A_3918[15] : i32 from vector<16xi32>
    %sub3A_3920 = arith.subi %reduce_max3A_3919, %reduce_max3A_3910 : i32
    %sub3A_3921 = arith.subi %sub3A_2951, %sub3A_3920 : i32
    %sub3A_3922 = arith.constant 128 : i32
    %sub3A_3923 = arith.subi %sub3A_994, %sub3A_3922 : i32
    %shift_left3A = arith.constant 24 : i32
    %shift_left3A_3924 = arith.shli %sub3A_3923, %shift_left3A : i32
    %shift_left3A_3925 = arith.constant 16 : i32
    %shift_left3A_3926 = arith.shli %sub3A_1957, %shift_left3A_3925 : i32
    %or3A = arith.ori %shift_left3A_3924, %shift_left3A_3926 : i32
    %shift_left3A_3927 = arith.constant 8 : i32
    %shift_left3A_3928 = arith.shli %sub3A_2928, %shift_left3A_3927 : i32
    %or3A_3929 = arith.ori %or3A, %shift_left3A_3928 : i32
    %or3A_3930 = arith.ori %or3A_3929, %sub3A_3898 : i32
    %parallel_loop3A_3931 = arith.constant 0 : i32
    %parallel_loop3A_3932 = arith.constant 256 : i32
    %parallel_loop3A_3933 = arith.constant 1 : i32
    %parallel_loop3A_3934 = scf.for %parallel_loop3A_3986 = %parallel_loop3A_3931 to %parallel_loop3A_3932 step %parallel_loop3A_3933 iter_args(%parallel_loop3A_3987 = %broadcast_in_dim3A_2) -> (vector<16xi32>)  : i32 {
      %parallel_loop3A_3988 = arith.constant 16 : i32
      %parallel_loop3A_3989 = arith.muli %parallel_loop3A_3986, %parallel_loop3A_3988 : i32
      %parallel_loop3A_3990 = arith.index_cast %parallel_loop3A_3989 : i32 to index
      %parallel_loop3A_3991 = tpu.vector_load %arg5[%parallel_loop3A_3990] {strides = array<i32>} : memref<8192xi32, #tpu.memory_space<vmem>>, vector<16xi32>,
      %parallel_loop3A_3992 = arith.constant 16 : i32
      %parallel_loop3A_3993 = arith.muli %parallel_loop3A_3986, %parallel_loop3A_3992 : i32
      %parallel_loop3A_3994 = arith.index_cast %parallel_loop3A_3993 : i32 to index
      %parallel_loop3A_3995 = tpu.vector_load %arg4[%parallel_loop3A_3994] {strides = array<i32>} : memref<8192xf32, #tpu.memory_space<vmem>>, vector<16xf32>,
      %parallel_loop3A_3996 = vector.broadcast %or3A_3930 : i32 to vector<16xi32>
      %parallel_loop3A_3997 = arith.cmpi sge, %parallel_loop3A_3991, %parallel_loop3A_3996 : vector<16xi32>
      %parallel_loop3A_3998 = arith.constant 0.000000e+00 : f32
      %parallel_loop3A_3999 = vector.broadcast %parallel_loop3A_3998 : f32 to vector<16xf32>
      %parallel_loop3A_4000 = arith.select %parallel_loop3A_3997, %parallel_loop3A_3995, %parallel_loop3A_3999 : vector<16xi1>, vector<16xf32>
      %parallel_loop3A_4001 = arith.constant 16 : i32
      %parallel_loop3A_4002 = arith.muli %parallel_loop3A_3986, %parallel_loop3A_4001 : i32
      %parallel_loop3A_4003 = arith.index_cast %parallel_loop3A_4002 : i32 to index
      %parallel_loop3A_4004 = tpu.vector_load %arg10[%parallel_loop3A_4003] {strides = array<i32>} : memref<8192xf32, #tpu.memory_space<vmem>>, vector<16xf32>,
      tpu.vector_store %arg10[%parallel_loop3A_4003], %parallel_loop3A_4000 {strides = array<i32>} : memref<8192xf32, #tpu.memory_space<vmem>>, vector<16xf32>,
      %parallel_loop3A_4005 = arith.extui %parallel_loop3A_3997 : vector<16xi1> to vector<16xi32>
      %parallel_loop3A_4006 = arith.addi %parallel_loop3A_3987, %parallel_loop3A_4005 : vector<16xi32>
      scf.yield %parallel_loop3A_4006 : vector<16xi32>
    } {sc.loop_unroll_factor = 8 : i64, sc.parallel_access}
    %dma_start3A_3935 = arith.constant 0 : i32
    %dma_start3A_3936 = tpu.memref_slice %arg10[%dma_start3A_3935] : memref<8192xf32, #tpu.memory_space<vmem>> -> memref<4096xf32, #tpu.memory_space<vmem>>
    %dma_start3A_3937 = arith.constant 0 : i32
    %dma_start3A_3938 = tpu.memref_slice %arg3[%add3A, %dma_start3A_3937] : memref<32x8192xf32, #tpu.memory_space<hbm>> -> memref<1x4096xf32, #tpu.memory_space<hbm>>
    %dma_start3A_3939 = tpu.memref_squeeze %dma_start3A_3938 : memref<1x4096xf32, #tpu.memory_space<hbm>> -> memref<4096xf32, #tpu.memory_space<hbm>>
    %dma_start3A_3940 = arith.constant 0 : i32
    %dma_start3A_3941 = tpu.memref_slice %arg3[%add3A, %dma_start3A_3940] : memref<32x8192xf32, #tpu.memory_space<hbm>> -> memref<1x4096xf32, #tpu.memory_space<hbm>>
    %dma_start3A_3942 = tpu.memref_squeeze %dma_start3A_3941 : memref<1x4096xf32, #tpu.memory_space<hbm>> -> memref<4096xf32, #tpu.memory_space<hbm>>
    %dma_start3A_3943 = arith.constant 0 : i32
    %dma_start3A_3944 = tpu.memref_slice %arg10[%dma_start3A_3943] : memref<8192xf32, #tpu.memory_space<vmem>> -> memref<4096xf32, #tpu.memory_space<vmem>>
    tpu.enqueue_dma source(%dma_start3A_3944 : memref<4096xf32, #tpu.memory_space<vmem>>) target(%dma_start3A_3942 : memref<4096xf32, #tpu.memory_space<hbm>>) target_semaphore(%arg11 : memref<!tpu.dma_semaphore, #tpu.memory_space<semaphore_mem>>)
    %parallel_loop3A_3945 = arith.constant 256 : i32
    %parallel_loop3A_3946 = arith.constant 512 : i32
    %parallel_loop3A_3947 = arith.constant 1 : i32
    %parallel_loop3A_3948 = scf.for %parallel_loop3A_3986 = %parallel_loop3A_3945 to %parallel_loop3A_3946 step %parallel_loop3A_3947 iter_args(%parallel_loop3A_3987 = %parallel_loop3A_3934) -> (vector<16xi32>)  : i32 {
      %parallel_loop3A_3988 = arith.constant 16 : i32
      %parallel_loop3A_3989 = arith.muli %parallel_loop3A_3986, %parallel_loop3A_3988 : i32
      %parallel_loop3A_3990 = arith.index_cast %parallel_loop3A_3989 : i32 to index
      %parallel_loop3A_3991 = tpu.vector_load %arg5[%parallel_loop3A_3990] {strides = array<i32>} : memref<8192xi32, #tpu.memory_space<vmem>>, vector<16xi32>,
      %parallel_loop3A_3992 = arith.constant 16 : i32
      %parallel_loop3A_3993 = arith.muli %parallel_loop3A_3986, %parallel_loop3A_3992 : i32
      %parallel_loop3A_3994 = arith.index_cast %parallel_loop3A_3993 : i32 to index
      %parallel_loop3A_3995 = tpu.vector_load %arg4[%parallel_loop3A_3994] {strides = array<i32>} : memref<8192xf32, #tpu.memory_space<vmem>>, vector<16xf32>,
      %parallel_loop3A_3996 = vector.broadcast %or3A_3930 : i32 to vector<16xi32>
      %parallel_loop3A_3997 = arith.cmpi sge, %parallel_loop3A_3991, %parallel_loop3A_3996 : vector<16xi32>
      %parallel_loop3A_3998 = arith.constant 0.000000e+00 : f32
      %parallel_loop3A_3999 = vector.broadcast %parallel_loop3A_3998 : f32 to vector<16xf32>
      %parallel_loop3A_4000 = arith.select %parallel_loop3A_3997, %parallel_loop3A_3995, %parallel_loop3A_3999 : vector<16xi1>, vector<16xf32>
      %parallel_loop3A_4001 = arith.constant 16 : i32
      %parallel_loop3A_4002 = arith.muli %parallel_loop3A_3986, %parallel_loop3A_4001 : i32
      %parallel_loop3A_4003 = arith.index_cast %parallel_loop3A_4002 : i32 to index
      %parallel_loop3A_4004 = tpu.vector_load %arg10[%parallel_loop3A_4003] {strides = array<i32>} : memref<8192xf32, #tpu.memory_space<vmem>>, vector<16xf32>,
      tpu.vector_store %arg10[%parallel_loop3A_4003], %parallel_loop3A_4000 {strides = array<i32>} : memref<8192xf32, #tpu.memory_space<vmem>>, vector<16xf32>,
      %parallel_loop3A_4005 = arith.extui %parallel_loop3A_3997 : vector<16xi1> to vector<16xi32>
      %parallel_loop3A_4006 = arith.addi %parallel_loop3A_3987, %parallel_loop3A_4005 : vector<16xi32>
      scf.yield %parallel_loop3A_4006 : vector<16xi32>
    } {sc.loop_unroll_factor = 8 : i64, sc.parallel_access}
    %dma_start3A_3949 = arith.constant 4096 : i32
    %dma_start3A_3950 = tpu.memref_slice %arg10[%dma_start3A_3949] : memref<8192xf32, #tpu.memory_space<vmem>> -> memref<4096xf32, #tpu.memory_space<vmem>>
    %dma_start3A_3951 = arith.constant 4096 : i32
    %dma_start3A_3952 = tpu.memref_slice %arg3[%add3A, %dma_start3A_3951] : memref<32x8192xf32, #tpu.memory_space<hbm>> -> memref<1x4096xf32, #tpu.memory_space<hbm>>
    %dma_start3A_3953 = tpu.memref_squeeze %dma_start3A_3952 : memref<1x4096xf32, #tpu.memory_space<hbm>> -> memref<4096xf32, #tpu.memory_space<hbm>>
    %dma_start3A_3954 = arith.constant 4096 : i32
    %dma_start3A_3955 = tpu.memref_slice %arg3[%add3A, %dma_start3A_3954] : memref<32x8192xf32, #tpu.memory_space<hbm>> -> memref<1x4096xf32, #tpu.memory_space<hbm>>
    %dma_start3A_3956 = tpu.memref_squeeze %dma_start3A_3955 : memref<1x4096xf32, #tpu.memory_space<hbm>> -> memref<4096xf32, #tpu.memory_space<hbm>>
    %dma_start3A_3957 = arith.constant 4096 : i32
    %dma_start3A_3958 = tpu.memref_slice %arg10[%dma_start3A_3957] : memref<8192xf32, #tpu.memory_space<vmem>> -> memref<4096xf32, #tpu.memory_space<vmem>>
    tpu.enqueue_dma source(%dma_start3A_3958 : memref<4096xf32, #tpu.memory_space<vmem>>) target(%dma_start3A_3956 : memref<4096xf32, #tpu.memory_space<hbm>>) target_semaphore(%arg12 : memref<!tpu.dma_semaphore, #tpu.memory_space<semaphore_mem>>)
    %reduce_sum3A_3959 = arith.constant true
    %reduce_sum3A_3960 = vector.broadcast %reduce_sum3A_3959 : i1 to vector<16xi1>
    %reduce_sum3A_3961 = tpu.scan <sum>, %parallel_loop3A_3948 masked %reduce_sum3A_3960 : vector<16xi32>, vector<16xi1> -> vector<16xi32>
    %reduce_sum3A_3962 = vector.extract %reduce_sum3A_3961[15] : i32 from vector<16xi32>
    %dma_wait3A_3963 = arith.constant 0 : i32
    %dma_wait3A_3964 = tpu.memref_slice %arg10[%dma_wait3A_3963] : memref<8192xf32, #tpu.memory_space<vmem>> -> memref<4096xf32, #tpu.memory_space<vmem>>
    %dma_wait3A_3965 = arith.constant 0 : i32
    %dma_wait3A_3966 = tpu.memref_slice %arg3[%add3A, %dma_wait3A_3965] : memref<32x8192xf32, #tpu.memory_space<hbm>> -> memref<1x4096xf32, #tpu.memory_space<hbm>>
    %dma_wait3A_3967 = tpu.memref_squeeze %dma_wait3A_3966 : memref<1x4096xf32, #tpu.memory_space<hbm>> -> memref<4096xf32, #tpu.memory_space<hbm>>
    %dma_wait3A_3968 = arith.constant 0 : i32
    %dma_wait3A_3969 = tpu.memref_slice %arg3[%add3A, %dma_wait3A_3968] : memref<32x8192xf32, #tpu.memory_space<hbm>> -> memref<1x4096xf32, #tpu.memory_space<hbm>>
    %dma_wait3A_3970 = tpu.memref_squeeze %dma_wait3A_3969 : memref<1x4096xf32, #tpu.memory_space<hbm>> -> memref<4096xf32, #tpu.memory_space<hbm>>
    %dma_wait3A_3971 = arith.constant 0 : i32
    %dma_wait3A_3972 = tpu.memref_slice %arg10[%dma_wait3A_3971] : memref<8192xf32, #tpu.memory_space<vmem>> -> memref<4096xf32, #tpu.memory_space<vmem>>
    tpu.wait_dma2 semaphore(%arg11 : memref<!tpu.dma_semaphore, #tpu.memory_space<semaphore_mem>>) src(%dma_wait3A_3972 : memref<4096xf32, #tpu.memory_space<vmem>>) dst(%dma_wait3A_3970 : memref<4096xf32, #tpu.memory_space<hbm>>)
    %dma_wait3A_3973 = arith.constant 4096 : i32
    %dma_wait3A_3974 = tpu.memref_slice %arg10[%dma_wait3A_3973] : memref<8192xf32, #tpu.memory_space<vmem>> -> memref<4096xf32, #tpu.memory_space<vmem>>
    %dma_wait3A_3975 = arith.constant 4096 : i32
    %dma_wait3A_3976 = tpu.memref_slice %arg3[%add3A, %dma_wait3A_3975] : memref<32x8192xf32, #tpu.memory_space<hbm>> -> memref<1x4096xf32, #tpu.memory_space<hbm>>
    %dma_wait3A_3977 = tpu.memref_squeeze %dma_wait3A_3976 : memref<1x4096xf32, #tpu.memory_space<hbm>> -> memref<4096xf32, #tpu.memory_space<hbm>>
    %dma_wait3A_3978 = arith.constant 4096 : i32
    %dma_wait3A_3979 = tpu.memref_slice %arg3[%add3A, %dma_wait3A_3978] : memref<32x8192xf32, #tpu.memory_space<hbm>> -> memref<1x4096xf32, #tpu.memory_space<hbm>>
    %dma_wait3A_3980 = tpu.memref_squeeze %dma_wait3A_3979 : memref<1x4096xf32, #tpu.memory_space<hbm>> -> memref<4096xf32, #tpu.memory_space<hbm>>
    %dma_wait3A_3981 = arith.constant 4096 : i32
    %dma_wait3A_3982 = tpu.memref_slice %arg10[%dma_wait3A_3981] : memref<8192xf32, #tpu.memory_space<vmem>> -> memref<4096xf32, #tpu.memory_space<vmem>>
    tpu.wait_dma2 semaphore(%arg12 : memref<!tpu.dma_semaphore, #tpu.memory_space<semaphore_mem>>) src(%dma_wait3A_3982 : memref<4096xf32, #tpu.memory_space<vmem>>) dst(%dma_wait3A_3980 : memref<4096xf32, #tpu.memory_space<hbm>>)
    %ne3A = arith.constant 256 : i32
    %ne3A_3983 = arith.cmpi ne, %reduce_sum3A_3962, %ne3A : i32
    %convert_element_type3A_3984 = arith.extui %ne3A_3983 : i1 to i32
    %cond3A = arith.constant 0 : i32
    %cond3A_3985 = arith.cmpi ne, %convert_element_type3A_3984, %cond3A : i32
    scf.if %cond3A_3985 {
      %scan3A = arith.constant 0 : i32
      %scan3A_3986 = arith.constant 0 : i32
      %scan3A_3987 = arith.constant 512 : i32
      %scan3A_3988 = arith.addi %scan3A_3986, %scan3A_3987 : i32
      %scan3A_3989 = arith.constant 1 : i32
      %scan3A_3990 = scf.for %scan3A_4004 = %scan3A_3986 to %scan3A_3988 step %scan3A_3989 iter_args(%scan3A_4005 = %scan3A) -> (i32)  : i32 {
        %mul3A_4006 = arith.constant 16 : i32
        %mul3A_4007 = arith.muli %scan3A_4004, %mul3A_4006 : i32
        %get3A_4008 = arith.index_cast %mul3A_4007 : i32 to index
        %get3A_4009 = tpu.vector_load %arg5[%get3A_4008] {strides = array<i32>} : memref<8192xi32, #tpu.memory_space<vmem>>, vector<16xi32>,
        %mul3A_4010 = arith.constant 16 : i32
        %mul3A_4011 = arith.muli %scan3A_4004, %mul3A_4010 : i32
        %get3A_4012 = arith.index_cast %mul3A_4011 : i32 to index
        %get3A_4013 = tpu.vector_load %arg4[%get3A_4012] {strides = array<i32>} : memref<8192xf32, #tpu.memory_space<vmem>>, vector<16xf32>,
        %eq3A_4014 = vector.broadcast %or3A_3930 : i32 to vector<16xi32>
        %eq3A_4015 = arith.cmpi eq, %get3A_4009, %eq3A_4014 : vector<16xi32>
        %convert_element_type3A_4016 = arith.extui %eq3A_4015 : vector<16xi1> to vector<16xi32>
        %broadcast_in_dim3A_4017 = arith.constant true
        %broadcast_in_dim3A_4018 = vector.broadcast %broadcast_in_dim3A_4017 : i1 to vector<16xi1>
        %masked_cumsum3A_4019 = tpu.scan <sum>, %convert_element_type3A_4016 masked %broadcast_in_dim3A_4018 : vector<16xi32>, vector<16xi1> -> vector<16xi32>
        %add3A_4020 = vector.broadcast %scan3A_4005 : i32 to vector<16xi32>
        %add3A_4021 = arith.addi %masked_cumsum3A_4019, %add3A_4020 : vector<16xi32>
        %gt3A_4022 = vector.broadcast %or3A_3930 : i32 to vector<16xi32>
        %gt3A_4023 = arith.cmpi sgt, %get3A_4009, %gt3A_4022 : vector<16xi32>
        %le3A = vector.broadcast %sub3A_3921 : i32 to vector<16xi32>
        %le3A_4024 = arith.cmpi sle, %add3A_4021, %le3A : vector<16xi32>
        %and3A_4025 = arith.andi %eq3A_4015, %le3A_4024 : vector<16xi1>
        %or3A_4026 = arith.ori %gt3A_4023, %and3A_4025 : vector<16xi1>
        %jit3A = arith.constant 0.000000e+00 : f32
        %broadcast_in_dim3A_4027 = vector.broadcast %jit3A : f32 to vector<16xf32>
        %select_n3A_4028 = arith.select %or3A_4026, %get3A_4013, %broadcast_in_dim3A_4027 : vector<16xi1>, vector<16xf32>
        %mul3A_4029 = arith.constant 16 : i32
        %mul3A_4030 = arith.muli %scan3A_4004, %mul3A_4029 : i32
        %swap3A = arith.index_cast %mul3A_4030 : i32 to index
        %swap3A_4031 = tpu.vector_load %arg10[%swap3A] {strides = array<i32>} : memref<8192xf32, #tpu.memory_space<vmem>>, vector<16xf32>,
        tpu.vector_store %arg10[%swap3A], %select_n3A_4028 {strides = array<i32>} : memref<8192xf32, #tpu.memory_space<vmem>>, vector<16xf32>,
        %reduce_sum3A_4032 = arith.constant true
        %reduce_sum3A_4033 = vector.broadcast %reduce_sum3A_4032 : i1 to vector<16xi1>
        %reduce_sum3A_4034 = tpu.scan <sum>, %convert_element_type3A_4016 masked %reduce_sum3A_4033 : vector<16xi32>, vector<16xi1> -> vector<16xi32>
        %reduce_sum3A_4035 = vector.extract %reduce_sum3A_4034[15] : i32 from vector<16xi32>
        %add3A_4036 = arith.addi %scan3A_4005, %reduce_sum3A_4035 : i32
        scf.yield %add3A_4036 : i32
      }
      %scan3A_3991 = arith.constant 512 : i32
      %dma_start3A_3992 = arith.constant 0 : i32
      %dma_start3A_3993 = tpu.memref_slice %arg3[%add3A, %dma_start3A_3992] : memref<32x8192xf32, #tpu.memory_space<hbm>> -> memref<1x8192xf32, #tpu.memory_space<hbm>>
      %dma_start3A_3994 = tpu.memref_squeeze %dma_start3A_3993 : memref<1x8192xf32, #tpu.memory_space<hbm>> -> memref<8192xf32, #tpu.memory_space<hbm>>
      %dma_start3A_3995 = arith.constant 0 : i32
      %dma_start3A_3996 = tpu.memref_slice %arg3[%add3A, %dma_start3A_3995] : memref<32x8192xf32, #tpu.memory_space<hbm>> -> memref<1x8192xf32, #tpu.memory_space<hbm>>
      %dma_start3A_3997 = tpu.memref_squeeze %dma_start3A_3996 : memref<1x8192xf32, #tpu.memory_space<hbm>> -> memref<8192xf32, #tpu.memory_space<hbm>>
      tpu.enqueue_dma source(%arg10 : memref<8192xf32, #tpu.memory_space<vmem>>) target(%dma_start3A_3997 : memref<8192xf32, #tpu.memory_space<hbm>>) target_semaphore(%arg12 : memref<!tpu.dma_semaphore, #tpu.memory_space<semaphore_mem>>)
      %dma_wait3A_3998 = arith.constant 0 : i32
      %dma_wait3A_3999 = tpu.memref_slice %arg3[%add3A, %dma_wait3A_3998] : memref<32x8192xf32, #tpu.memory_space<hbm>> -> memref<1x8192xf32, #tpu.memory_space<hbm>>
      %dma_wait3A_4000 = tpu.memref_squeeze %dma_wait3A_3999 : memref<1x8192xf32, #tpu.memory_space<hbm>> -> memref<8192xf32, #tpu.memory_space<hbm>>
      %dma_wait3A_4001 = arith.constant 0 : i32
      %dma_wait3A_4002 = tpu.memref_slice %arg3[%add3A, %dma_wait3A_4001] : memref<32x8192xf32, #tpu.memory_space<hbm>> -> memref<1x8192xf32, #tpu.memory_space<hbm>>
      %dma_wait3A_4003 = tpu.memref_squeeze %dma_wait3A_4002 : memref<1x8192xf32, #tpu.memory_space<hbm>> -> memref<8192xf32, #tpu.memory_space<hbm>>
      tpu.wait_dma2 semaphore(%arg12 : memref<!tpu.dma_semaphore, #tpu.memory_space<semaphore_mem>>) src(%arg10 : memref<8192xf32, #tpu.memory_space<vmem>>) dst(%dma_wait3A_4003 : memref<8192xf32, #tpu.memory_space<hbm>>)
    } else {
    }
    return
  }
}

module attributes {stable_mosaic.version = 14 : i64} {
  func.func @_tc_body(%arg0: memref<32x8192xf32, #tpu.memory_space<vmem>>, %arg1: memref<32x8192xf32, #tpu.memory_space<vmem>>) attributes {dimension_semantics = [], scalar_prefetch = 0 : i64, scratch_operands = 0 : i64, tpu.core_type = #tpu.core_type<tc>} {
    %get3A = arith.constant 0 : index
    %get3A_0 = arith.constant 0 : index
    %get3A_1 = vector.load %arg0[%get3A, %get3A_0] : memref<32x8192xf32, #tpu.memory_space<vmem>>, vector<32x8192xf32>
    %bitcast_convert_type3A = tpu.bitcast %get3A_1 : vector<32x8192xf32> -> vector<32x8192xi32>
    %ge3A = arith.constant 0 : i32
    %ge3A_2 = vector.broadcast %ge3A : i32 to vector<32x8192xi32>
    %ge3A_3 = arith.cmpi sge, %bitcast_convert_type3A, %ge3A_2 : vector<32x8192xi32>
    %sub3A = arith.constant -2147483648 : i32
    %sub3A_4 = vector.broadcast %sub3A : i32 to vector<32x8192xi32>
    %sub3A_5 = arith.subi %sub3A_4, %bitcast_convert_type3A : vector<32x8192xi32>
    %select_n3A = arith.select %ge3A_3, %bitcast_convert_type3A, %sub3A_5 : vector<32x8192xi1>, vector<32x8192xi32>
    %broadcast_in_dim3A = arith.constant 0 : i32
    %broadcast_in_dim3A_6 = vector.broadcast %broadcast_in_dim3A : i32 to vector<32x1xi32>
    %scan3A = arith.constant -2147483648 : i32
    %scan3A_7 = arith.constant 256 : i32
    %scan3A_8 = arith.constant 0 : i32
    %scan3A_9 = arith.constant 32 : i32
    %scan3A_10 = arith.addi %scan3A_8, %scan3A_9 : i32
    %scan3A_11 = arith.constant 1 : i32
    %scan3A_12 = scf.for %scan3A_37 = %scan3A_8 to %scan3A_10 step %scan3A_11 iter_args(%scan3A_38 = %broadcast_in_dim3A_6) -> (vector<32x1xi32>)  : i32 {
      %sub3A_39 = arith.constant 31 : i32
      %sub3A_40 = arith.subi %sub3A_39, %scan3A_37 : i32
      %shift_left3A = arith.constant 1 : i32
      %shift_left3A_41 = arith.shli %shift_left3A, %sub3A_40 : i32
      %or3A_42 = vector.broadcast %shift_left3A_41 : i32 to vector<32x1xi32>
      %or3A_43 = arith.ori %scan3A_38, %or3A_42 : vector<32x1xi32>
      %xor3A_44 = vector.broadcast %scan3A : i32 to vector<32x1xi32>
      %xor3A_45 = arith.xori %or3A_43, %xor3A_44 : vector<32x1xi32>
      %ge3A_46 = vector.broadcast %xor3A_45 : vector<32x1xi32> to vector<32x8192xi32>
      %ge3A_47 = arith.cmpi sge, %select_n3A, %ge3A_46 : vector<32x8192xi32>
      %convert_element_type3A_48 = arith.extui %ge3A_47 : vector<32x8192xi1> to vector<32x8192xi32>
      %reduce_sum3A_49 = arith.constant dense<0> : vector<32xi32>
      %reduce_sum3A_50 = vector.multi_reduction <add>, %convert_element_type3A_48, %reduce_sum3A_49 [1] : vector<32x8192xi32> to vector<32xi32>
      %broadcast_in_dim3A_51 = vector.shape_cast %reduce_sum3A_50 : vector<32xi32> to vector<32x1xi32>
      %ge3A_52 = vector.broadcast %scan3A_7 : i32 to vector<32x1xi32>
      %ge3A_53 = arith.cmpi sge, %broadcast_in_dim3A_51, %ge3A_52 : vector<32x1xi32>
      %select_n3A_54 = arith.select %ge3A_53, %or3A_43, %scan3A_38 : vector<32x1xi1>, vector<32x1xi32>
      scf.yield %select_n3A_54 : vector<32x1xi32>
    }
    %scan3A_13 = arith.constant 32 : i32
    %xor3A = arith.constant -2147483648 : i32
    %xor3A_14 = vector.broadcast %xor3A : i32 to vector<32x1xi32>
    %xor3A_15 = arith.xori %scan3A_12, %xor3A_14 : vector<32x1xi32>
    %gt3A = vector.broadcast %xor3A_15 : vector<32x1xi32> to vector<32x8192xi32>
    %gt3A_16 = arith.cmpi sgt, %select_n3A, %gt3A : vector<32x8192xi32>
    %eq3A = vector.broadcast %xor3A_15 : vector<32x1xi32> to vector<32x8192xi32>
    %eq3A_17 = arith.cmpi eq, %select_n3A, %eq3A : vector<32x8192xi32>
    %convert_element_type3A = arith.extui %gt3A_16 : vector<32x8192xi1> to vector<32x8192xi32>
    %reduce_sum3A = arith.constant dense<0> : vector<32xi32>
    %reduce_sum3A_18 = vector.multi_reduction <add>, %convert_element_type3A, %reduce_sum3A [1] : vector<32x8192xi32> to vector<32xi32>
    %broadcast_in_dim3A_19 = vector.shape_cast %reduce_sum3A_18 : vector<32xi32> to vector<32x1xi32>
    %sub3A_20 = arith.constant 256 : i32
    %sub3A_21 = vector.broadcast %sub3A_20 : i32 to vector<32x1xi32>
    %sub3A_22 = arith.subi %sub3A_21, %broadcast_in_dim3A_19 : vector<32x1xi32>
    %iota3A = tpu.iota {dimensions = array<i32: 1>} : vector<32x8192xi32>
    %convert_element_type3A_23 = arith.extui %eq3A_17 : vector<32x8192xi1> to vector<32x8192xi32>
    %broadcast_in_dim3A_24 = arith.constant 0 : i32
    %broadcast_in_dim3A_25 = vector.broadcast %broadcast_in_dim3A_24 : i32 to vector<32x1xi32>
    %scan3A_26 = arith.constant 0 : i32
    %scan3A_27 = arith.constant 14 : i32
    %scan3A_28 = arith.addi %scan3A_26, %scan3A_27 : i32
    %scan3A_29 = arith.constant 1 : i32
    %scan3A_30 = scf.for %scan3A_37 = %scan3A_26 to %scan3A_28 step %scan3A_29 iter_args(%scan3A_38 = %broadcast_in_dim3A_25) -> (vector<32x1xi32>)  : i32 {
      %sub3A_39 = arith.constant 13 : i32
      %sub3A_40 = arith.subi %sub3A_39, %scan3A_37 : i32
      %shift_left3A = arith.constant 1 : i32
      %shift_left3A_41 = arith.shli %shift_left3A, %sub3A_40 : i32
      %or3A_42 = vector.broadcast %shift_left3A_41 : i32 to vector<32x1xi32>
      %or3A_43 = arith.ori %scan3A_38, %or3A_42 : vector<32x1xi32>
      %lt3A_44 = vector.broadcast %or3A_43 : vector<32x1xi32> to vector<32x8192xi32>
      %lt3A_45 = arith.cmpi slt, %iota3A, %lt3A_44 : vector<32x8192xi32>
      %jit3A_46 = arith.constant 0 : i32
      %broadcast_in_dim3A_47 = vector.broadcast %jit3A_46 : i32 to vector<32x8192xi32>
      %select_n3A_48 = arith.select %lt3A_45, %convert_element_type3A_23, %broadcast_in_dim3A_47 : vector<32x8192xi1>, vector<32x8192xi32>
      %reduce_sum3A_49 = arith.constant dense<0> : vector<32xi32>
      %reduce_sum3A_50 = vector.multi_reduction <add>, %select_n3A_48, %reduce_sum3A_49 [1] : vector<32x8192xi32> to vector<32xi32>
      %broadcast_in_dim3A_51 = vector.shape_cast %reduce_sum3A_50 : vector<32xi32> to vector<32x1xi32>
      %le3A = arith.cmpi sle, %broadcast_in_dim3A_51, %sub3A_22 : vector<32x1xi32>
      %select_n3A_52 = arith.select %le3A, %or3A_43, %scan3A_38 : vector<32x1xi1>, vector<32x1xi32>
      scf.yield %select_n3A_52 : vector<32x1xi32>
    }
    %scan3A_31 = arith.constant 14 : i32
    %lt3A = vector.broadcast %scan3A_30 : vector<32x1xi32> to vector<32x8192xi32>
    %lt3A_32 = arith.cmpi slt, %iota3A, %lt3A : vector<32x8192xi32>
    %and3A = arith.andi %eq3A_17, %lt3A_32 : vector<32x8192xi1>
    %or3A = arith.ori %gt3A_16, %and3A : vector<32x8192xi1>
    %jit3A = arith.constant 0.000000e+00 : f32
    %broadcast_in_dim3A_33 = vector.broadcast %jit3A : f32 to vector<32x8192xf32>
    %select_n3A_34 = arith.select %or3A, %get3A_1, %broadcast_in_dim3A_33 : vector<32x8192xi1>, vector<32x8192xf32>
    %swap3A = arith.constant 0 : index
    %swap3A_35 = arith.constant 0 : index
    %swap3A_36 = vector.load %arg1[%swap3A, %swap3A_35] : memref<32x8192xf32, #tpu.memory_space<vmem>>, vector<32x8192xf32>
    tpu.vector_store %arg1[%swap3A, %swap3A_35], %select_n3A_34 {strides = array<i32>} : memref<32x8192xf32, #tpu.memory_space<vmem>>, vector<32x8192xf32>,
    return
  }
}

</mosaic_0001>

<sc_bundles>
// kernel: kernel.4.cloned.1.call-start
scs
__scs_entry_jumppad:
0x0: {  	(pc) =	sbr.rel $0x88, $3  }
0x1: {  	(tag) =	ssettag $0x0;
	lr =	simm.s32 $0x1  }
0x2: {  	[smem:$0x3FA0] =	sst lr;
	_ =	strace $0xD0000000  }
0x3: {  	_ = 	snop  }
0x4: {  	_ = 	snop  }
0x5: {  	_ = 	snop  }
0x6: {  	_ = 	snop  }
0x7: {  	_ = 	snop  }
__scs_overlays_trampoline_lowered:
0x8: {  	[smem:$0x3FAF] =	sst s0  }
0x9: {  	[smem:$0x3FB0] =	sst s1  }
0xa: {  	[smem:$0x3FB1] =	sst s2  }
0xb: {  	[smem:$0x3FB2] =	sst s3  }
0xc: {  	[smem:$0x3FB3] =	sst s4  }
0xd: {  	[smem:$0x3FB4] =	sst s5  }
0xe: {  	[smem:$0x3FB5] =	sst s6  }
0xf: {  	[smem:$0x3FB6] =	sst s7  }
0x10: {  	[smem:$0x3FB7] =	sst s8  }
0x11: {  	[smem:$0x3FB8] =	sst s9;
	s0 =	simm.s32 @!p0 $0x0  }
0x12: {  	s1 =	sld [smem:$0x3F9E];
	s0 =	simm.s32 @p0 $0x1  }
0x13: {  	[smem:$0x3FB9] =	sst s0;
	s0 =	simm.s32 @!p1 $0x0  }
0x14: {  	s2 =	sld [smem:$0x3F9D];
	s0 =	simm.s32 @p1 $0x1  }
0x15: {  	[smem:$0x3FBA] =	sst s0;
	s0 =	simm.s32 @!p2 $0x0  }
0x16: {  	s3 =	sld [smem:$0x3FDB];
	s0 =	simm.s32 @p2 $0x1  }
0x17: {  	s4 =	simm.s32 $0x1BF5;
	[smem:$0x3FBC] =	sst s0  }
0x18: {  	s0 =	sld [smem:$0x3F9F];
	_ =	swait.ge [sflag:s4], $0x0  }
0x19: {  	s7 =	sld [smem:$0x3FA0]  }
0x1a: {  	s8 =	sadd.s32 $0xFFFFE003, lr  }
0x1b: {  	s9 =	sadd.s32 $0xFFFFFEF7, lr;
	s5 =	simm.s32 $0xFFFFFFFF;
	p2 =	slt.u32 s8, $0xFFFFF086  }
0x1c: {  	p1 =	slt.u32 s9, $0xF7A;
	s5 =	simm.s32 @!p2 $0x0  }
0x1d: {  	s5 =	simm.s32 @p1 $0x1;
	p0 =	seq.s32 s7, s2  }
0x1e: {  	s7 =	smul.u32 @!p0 $0xF7A, s2;
	p2 =	seq.s32 @!p0 s5, $0x0  }
0x1f: {  	s9 =	smul.u32 $0xF7A, s1;
	s8 =	simm.s32 @!p0 $0x1BF5;
	p2 =	por !p2, p0  }
0x20: {  	[sflag:s8] =	ssyncset.s32 @!p0 $0xFFFFF086;
	s6 =	sadd.s32 @!p0 s3, s7;
	s7 =	simm.s32 @!p0 $0x108  }
0x21: {  	s3 =	sadd.s32 s3, s9;
	s6 =	sadd.s32 @!p0 $0x88, s6;
	s7 =	simm.s32 @p2 $0x1082  }
0x22: {  	[simem:s7], [sflag:s8] =	dma.local @!p0 [hbm:s6], $0xF7A  }
0x23: {  	s9 =	sor.u32 $0xD0000000, s2;
	s6 =	simm.s32 $0x108;
	_ =	swait.ge @!p0 [sflag:s8], $0x0  }
0x24: {  	s3 =	sadd.s32 $0x88, s3;
	s6 =	simm.s32 @!p1 $0x1082;
	[sflag:s4] =	ssyncset.s32 $0xFFFFF086  }
0x25: {  	[simem:s6], [sflag:s4] =	dma.local [hbm:s3], $0xF7A  }
0x26: {  	[smem:$0x3FA0] =	sst s1;
	(tag) =	ssettag s2;
	_ =	strace s9  }
0x27: {  	s1 =	sld [smem:$0x3FB0]  }
0x28: {  	s2 =	sld [smem:$0x3FB1]  }
0x29: {  	s4 =	sld [smem:$0x3FB3]  }
0x2a: {  	p0 =	seq.s32 s5, $0x0;
	s5 =	sld [smem:$0x3FB4]  }
0x2b: {  	s6 =	sld [smem:$0x3FB5]  }
0x2c: {  	s7 =	sld [smem:$0x3FB6]  }
0x2d: {  	s3 =	simm.s32 $0x108;
	s8 =	sld [smem:$0x3FB7]  }
0x2e: {  	s3 =	simm.s32 @!p0 $0x1082;
	s9 =	sld [smem:$0x3FB8]  }
0x2f: {  	lr =	sadd.s32 s0, s3;
	s0 =	sld [smem:$0x3FAF]  }
0x30: {  	s3 =	sld [smem:$0x3FB2]  }
0x31: {  	[smem:$0x3FBB] =	sst s10  }
0x32: {  	s10 =	sld [smem:$0x3FB9];
	_ =	sdelay $0x3  }
0x33: {  	p0 =	seq.s32 s10, $0x1;
	s10 =	sld [smem:$0x3FBB];
	_ =	sdelay $0x3  }
0x34: {  	[smem:$0x3FBB] =	sst s10  }
0x35: {  	s10 =	sld [smem:$0x3FBA];
	_ =	sdelay $0x3  }
0x36: {  	p1 =	seq.s32 s10, $0x1;
	s10 =	sld [smem:$0x3FBB];
	_ =	sdelay $0x3  }
0x37: {  	[smem:$0x3FBB] =	sst s10  }
0x38: {  	s10 =	sld [smem:$0x3FBC]  }
0x39: {  	_ = 	snop;
	(pc) =	sbr.ind lr, $3  }
0x3a: {  	_ = 	snop  }
0x3b: {  	_ = 	snop  }
0x3c: {  	p2 =	seq.s32 s10, $0x1;
	s10 =	sld [smem:$0x3FBB]  }
0x3d: {  	_ =	shalt  }
0x3e: {  	_ =	shalt  }
0x3f: {  	_ =	shalt  }
0x40: {  	_ =	shalt  }
0x41: {  	_ =	shalt  }
0x42: {  	_ =	shalt  }
0x43: {  	_ =	shalt  }
0x44: {  	_ =	shalt  }
0x45: {  	_ =	shalt  }
0x46: {  	_ =	shalt  }
0x47: {  	_ =	shalt  }
0x48: {  	_ =	shalt  }
0x49: {  	_ =	shalt  }
0x4a: {  	_ =	shalt  }
0x4b: {  	_ =	shalt  }
0x4c: {  	_ =	shalt  }
0x4d: {  	_ =	shalt  }
0x4e: {  	_ =	shalt  }
0x4f: {  	_ =	shalt  }
0x50: {  	_ =	shalt  }
0x51: {  	_ =	shalt  }
0x52: {  	_ =	shalt  }
0x53: {  	_ =	shalt  }
0x54: {  	_ =	shalt  }
0x55: {  	_ =	shalt  }
0x56: {  	_ =	shalt  }
0x57: {  	_ =	shalt  }
0x58: {  	_ =	shalt  }
0x59: {  	_ =	shalt  }
0x5a: {  	_ =	shalt  }
0x5b: {  	_ =	shalt  }
0x5c: {  	_ =	shalt  }
0x5d: {  	_ =	shalt  }
0x5e: {  	_ =	shalt  }
0x5f: {  	_ =	shalt  }
0x60: {  	_ =	shalt  }
0x61: {  	_ =	shalt  }
0x62: {  	_ =	shalt  }
0x63: {  	_ =	shalt  }
0x64: {  	_ =	shalt  }
0x65: {  	_ =	shalt  }
0x66: {  	_ =	shalt  }
0x67: {  	_ =	shalt  }
0x68: {  	_ =	shalt  }
0x69: {  	_ =	shalt  }
0x6a: {  	_ =	shalt  }
0x6b: {  	_ =	shalt  }
0x6c: {  	_ =	shalt  }
0x6d: {  	_ =	shalt  }
0x6e: {  	_ =	shalt  }
0x6f: {  	_ =	shalt  }
0x70: {  	_ =	shalt  }
0x71: {  	_ =	shalt  }
0x72: {  	_ =	shalt  }
0x73: {  	_ =	shalt  }
0x74: {  	_ =	shalt  }
0x75: {  	_ =	shalt  }
0x76: {  	_ =	shalt  }
0x77: {  	_ =	shalt  }
0x78: {  	_ =	shalt  }
0x79: {  	_ =	shalt  }
0x7a: {  	_ =	shalt  }
0x7b: {  	_ =	shalt  }
0x7c: {  	_ =	shalt  }
0x7d: {  	_ =	shalt  }
0x7e: {  	_ =	shalt  }
0x7f: {  	_ =	shalt  }
0x80: {  	_ =	shalt  }
0x81: {  	_ =	shalt  }
0x82: {  	_ =	shalt  }
0x83: {  	_ =	shalt  }
0x84: {  	_ =	shalt  }
0x85: {  	_ =	shalt  }
0x86: {  	_ =	shalt  }
0x87: {  	_ =	shalt  }
.Lfunc_end0:
.L_simem_size_0:
called_computation_lowered:
.L_overlay_start_0:
0x88: {  	s2 =	sld [smem:$0x3FD9]  }
0x89: {  	s3 =	sld [smem:$0x3FFE];
	_ =	sdelay $0x1  }
0x8a: {  	s1 =	srdreg.scid  }
0x8b: {  	s0 =	sand.u32 $0x1, s1  }
0x8c: {  	s17 =	sshll.u32 s0, $0xA;
	s2 =	sadd.s32 s3, s2  }
0x8d: {  	s2 =	sadd.s32 s2, s17  }
0x8e: {  	[smem:$0x3FC7] =	sst s2  }
0x8f: {  	_ = 	snop  }
0x90: {  	s2 =	sld [smem:$0x3FD0];
	(tm) =	ssettm $0x1  }
0x91: {  	s18 =	sld [smem:$0x3FFB];
	_ =	sdelay $0x3  }
0x92: {  	_ =	strace s18  }
0x93: {  	s3 =	sld [smem:$0x3FFC];
	_ =	sdelay $0x3  }
0x94: {  	_ =	strace s3  }
0x95: {  	s3 =	sld [smem:$0x3FFD];
	_ =	sdelay $0x3  }
0x96: {  	_ =	strace s3  }
0x97: {  	_ =	strace $0x8FFFFFFF  }
0x98: {  	s19 =	sld [smem:$0x3FDB];
	_ =	sdelay $0x1  }
0x99: {  	s4 =	simm.s32 $_scs_section_size  }
0x9a: {  	s5 =	simm.s32 $_size__tile_overlayer_lowered;
	s6 =	simm.s32 $_tile_overlayer_lowered  }
0x9b: {  	s22 =	simm.s32 $0x1BFF;
	s21 =	sshll.u32 s6, $0x1;
	s3 =	sadd.s32 s4, s19  }
0x9c: {  	s7 =	simm.s32 $0x0;
	s20 =	sshll.u32 s5, $0x1;
	s5 =	sadd.s32 s21, s3  }
0x9d: {  	[timem:s7], [sflag:s22] =	dma.local [hbm:s5], s20  }
0x9e: {  	_ =	swait.ge [sflag:s22], s20  }
0x9f: {  	s4 =	ssub.s32 $0x0, s20;
	[sflag:s22] =	ssyncset.done $0x0  }
0xa0: {  	[sflag:s22] =	ssyncadd.s32 s4;
	_ =	sdelay $0x1  }
0xa1: {  	s23 =	simm.s32 $0x1B8B  }
0xa2: {  	_ =	swait.ge [sflag:s23], $0x1  }
0xa3: {  	[sflag:s23] =	ssyncset.done $0x0  }
0xa4: {  	s25 =	simm.s32 $0x1B8E;
	s24 =	sld [smem:$0x3FFE];
	[sflag:s23] =	ssyncadd.s32 $0xFFFFFFFF  }
0xa5: {  	s26 =	simm.s32 $execute0_lowered;
	[smem:$0x3FD2] =	sst s25  }
0xa6: {  	s5 =	sshll.u32 s26, $0x1;
	_ =	strace $0x80000046;
	[dreg:$0x1] =	wrdreg $0xFFFFFFFF  }
0xa7: {  	s28 =	simm.s32 $_size_execute0_lowered;
	s3 =	sadd.s32 s3, s5;
	[dreg:$0x0] =	wrdreg $0x0  }
0xa8: {  	s5 =	sshll.u32 s28, $0x1;
	[dreg:$0x2] =	wrdreg s3  }
0xa9: {  	[dreg:$0x3] =	wrdreg s5  }
0xaa: {  	[dreg:$0x4] =	wrdreg $0xC0  }
0xab: {  	_ =	task [dreg:s7], $0x5FFFF  }
0xac: {  	[dreg:$0x1] =	wrdreg $0xFFFFFFFF  }
0xad: {  	[dreg:$0x0] =	wrdreg $0x60  }
0xae: {  	[dreg:$0x2] =	wrdreg s2  }
0xaf: {  	[dreg:$0x3] =	wrdreg s24  }
0xb0: {  	[dreg:$0x4] =	wrdreg $0x9  }
0xb1: {  	_ =	task.clear_ibuf [dreg:s7], $0x5FFFF;
	_ =	strace $0x90000046  }
0xb2: {  	s29 =	simm.s32 $0x9;
	_ =	strace $0x80000048  }
0xb3: {  	_ =	swait.ge [sflag:s29], $0x1  }
0xb4: {  	[sflag:s29] =	ssyncadd.s32 $0xFFFFFFFF  }
0xb5: {  	_ =	strace $0x90000048  }
0xb6: {  	_ =	sfence  }
0xb7: {  	s30 =	sld [smem:$0x0];
	_ =	sdelay $0x2  }
0xb8: {  	s31 =	sshll.u32 s1, $0xD;
	s1 =	sshrl.u32 s1, $0x2  }
0xb9: {  	s3 =	sand.u32 $0x4000, s31;
	s1 =	sadd.s32 s1, s30  }
0xba: {  	s0 =	sor.u32 s3, s0;
	s1 =	sshll.u32 s1, $0x11  }
0xbb: {  	s0 =	sor.u32 s1, s0  }
0xbc: {  	s0 =	sadd.s32 $0x8F2B, s0  }
0xbd: {  	[sflag:s0] =	ssyncadd.remote.s32 $0x1  }
0xbe: {  	_ =	sfence.sel $0xFFFF  }
0xbf: {  	[dreg:$0x0] =	wrdreg $0xFFFFFFFF;
	(pc) =	sbr.abs _section_cstart, $3  }
0xc0: {  	[dreg:$0x1] =	wrdreg $0xFFFFFFFF  }
0xc1: {  	_ =	task.clear_ibuf [dreg:s7], $0x2FFFF;
	_ =	strace $0x9FFFFFFF  }
0xc2: {  	(tm) =	ssettm $0x7FFFFFFF  }
0xc3: {  	_ =	shalt  }
tec
execute0_lowered:
.L_overlay_start_1:
0x0: {  	(tag) =	ssettag $0x1  }
0x1: {  	s4 =	rddreg [dreg:$0x0]  }
0x2: {  	s3 =	rddreg [dreg:$0x1]  }
0x3: {  	s0 =	rddreg [dreg:$0x2];
	s5 =	srdreg.scid;
	s2 =	simm.s32 $0x0  }
0x4: {  	s1 =	stileid.u32;
	s10 =	simm.s32 $0x8000;
	s11 =	simm.s32 $0x2  }
0x5: {  	s12 =	simm.s32 $0x4000;
	s13 =	simm.s32 $0x6000;
	s14 =	simm.s32 $0x8200  }
0x6: {  	s15 =	simm.s32 $0x9200;
	s16 =	simm.s32 $0x0;
	s5 =	sand.u32 $0x1, s5  }
0x7: {  	[smem:$0x7FF] =	sst s2;
	s6 =	sshll.u32 s1, $0xB;
	s30 =	sadd.s32 $0x600, s3  }
.Ltmp0:
0x8: {  	s7 =	sshll.u32 s5, $0xA;
	s5 =	ssub.s32 $0x2, s5;
	(pc) =	sbr.rel .LBB2_1-.Ltmp0, $4  }
0x9: {  	v0 =	vlaneseq.u32;
	_ =	strace $0x80000047;
	s6 =	sor.u32 s7, s6;
	s31 =	sshrl.u32 s5, $0x1  }
0xa: {  	v0 =	vmul.u32 $0xFFFFFFFF, v0;
	s8 =	sor.u32 $0x200, s6;
	s9 =	ssub.s32 s5, s31;
	s3 =	sadd.s32 s4, s6  }
0xb: {  	s5 =	sadd.s32 s30, s6;
	s4 =	sadd.s32 s4, s8;
	s6 =	sadd.s32 s30, s8  }
0xc: {  	v1 =	vimm.s32 $0x0;
	v2 =	vimm.s32 $0x1;
	v3 =	vadd.s32 $0xF, v0;
	s7 =	smax.u32 s9, $0x1;
	s8 =	simm.s32 $0x1000;
	s9 =	simm.s32 $0x1  }
.LBB2_31:
0xd: {  	vm7 =	veq.s32 v11, v28  }
0xe: {  	v13, _, _ =	vpop (xrf0);
	v12 =	vsel vm7, $0x1, v1  }
0xf: {  	(v2sf) =	vpush v13, $0xF;
	(xrf0) =	vadd.scan.msk.s32 $0xffff, v12;
	_ =	sdelay $0x5  }
0x10: {  	v12, _, _ =	vpop (xrf0)  }
0x11: {  	s23 =	spop (v2sf);
	(v2sf) =	vpush v12, $0xF  }
0x12: {  	vm2 =	vmor vm2, vm8;
	vm15 =	vgt.s32 v11, v28;
	vm11 =	vmmov vm6  }
0x13: {  	vm0 =	vmmov vm0;
	vm1 =	vmmov vm1;
	vm5 =	vmmov vm5  }
0x14: {  	vm4 =	vmmov vm4;
	v9 =	vnsel vm2, $0x0, v9;
	vm2 =	vmmov vm11  }
0x15: {  	s22 =	sadd.s32 s22, s23;
	s28 =	spop (v2sf);
	vm13 =	vmmov vm7;
	vm1 =	vmmov vm1;
	vm5 =	vmmov vm5  }
0x16: {  	vm15 =	vmmov vm15;
	v8 =	vadd.s32 s22, v8;
	s22 =	sadd.s32 s22, s28;
	vm2 =	vmmov vm2  }
0x17: {  	vm9 =	vmmov vm5;
	vm12 =	vle.s32 v8, v4;
	v61 =	vadd.s32 s22, v10  }
0x18: {  	vm10 =	vmmov vm15;
	vm3 =	vmand vm3, vm12;
	vm14 =	vle.s32 v61, v4;
	s29 =	spop (v2sf)  }
0x19: {  	vm0 =	vmor vm0, vm3;
	vm8 =	vmand vm4, vm14;
	vm3 =	vmmov vm13;
	s22 =	sadd.s32 s22, s29;
	s30 =	spop (v2sf)  }
0x1a: {  	v7 =	vnsel vm0, $0x0, v7;
	vm0 =	vmor vm1, vm8;
	v62 =	vadd.s32 s22, v13;
	s22 =	sadd.s32 s22, s30  }
0x1b: {  	vm12 =	vmmov vm3;
	vm11 =	vle.s32 v62, v4;
	v63 =	vadd.s32 s22, v12  }
0x1c: {  	[tilespmem:s20+$0x8200] =	vst v9;
	v6 =	vnsel vm0, $0x0, v6;
	vm0 =	vmand vm2, vm11;
	vm13 =	vle.s32 v63, v4  }
0x1d: {  	vm14 =	vmmov vm10;
	[tilespmem:s17+$0x8200] =	vst v7;
	vm0 =	vmor vm9, vm0;
	vm2 =	vmand vm12, vm13  }
0x1e: {  	[tilespmem:s18+$0x8200] =	vst v6;
	v0 =	vnsel vm0, $0x0, v0;
	vm15 =	vmor vm14, vm2  }
0x1f: {  	[tilespmem:s19+$0x8200] =	vst v0;
	v0 =	vnsel vm15, $0x0, v5  }
0x20: {  	[tilespmem:s21+$0x8200] =	vst v0;
	s31 =	spop (v2sf)  }
0x21: {  	[hbm4b:s5+s2] =	stream.linear.scatter [tilespmem:s14], [sflag:$0x2], $0x2000, $0x38;
	[tilespmem:$0xA200] =	vst v63  }
0x22: {  	_ =	swait.ge [sflag:s11], $0x2000  }
0x23: {  	[sflag:s11] =	ssyncset.done $0x0  }
0x24: {  	[sflag:s11] =	ssyncadd.s32 $0xFFFFE000  }
.LBB2_32:
0x25: {  	s16 =	sadd.s32 $0x1, s16  }
0x26: {  	p0 =	sne.s32 s16, s7  }
.Ltmp1:
0x27: {  	_ = 	snop;
	(pc) =	sbr.rel @!p0 .LBB2_33-.Ltmp1, $1  }
0x28: {  	_ =	sdelay $0x3  }
.LBB2_1:
0x29: {  	[tilespmem:s2], [sflag:$0x1] =	stream.linear.gather [hbm4b:s3+s2], $0x1000, $0x38;
	[tilespmem:$0xA200] =	vst v63  }
0x2a: {  	p0 =	por $0x1, $0x1;
	s17 =	simm.s32 $0x0  }
0x2b: {  	[tilespmem:s8], [sflag:$0x2] =	stream.linear.gather [hbm4b:s4+s2], $0x1000, $0x38;
	[tilespmem:$0xA200] =	vst v63  }
.LBB2_2:
0x2c: {  	s17 =	sshra.s32 s17, $0x2  }
0x2d: {  	[tilespmem:s17+$0x8000] =	vst v1  }
0x2e: {  	[tilespmem:s17+$0x8010] =	vst v1  }
0x2f: {  	p1 =	por p0, p0;
	[tilespmem:s17+$0x8020] =	vst v1  }
.Ltmp2:
0x30: {  	[tilespmem:s17+$0x8030] =	vst v1;
	(pc) =	sbr.rel @p1 .LBB2_2-.Ltmp2, $4  }
0x31: {  	[tilespmem:s17+$0x8040] =	vst v1  }
0x32: {  	[tilespmem:s17+$0x8050] =	vst v1  }
0x33: {  	[tilespmem:s17+$0x8060] =	vst v1  }
0x34: {  	p0 =	por $0x0, $0x0;
	[tilespmem:s17+$0x8070] =	vst v1;
	s17 =	simm.s32 $0x200  }
0x35: {  	_ =	swait.ge [sflag:s9], $0x1000  }
0x36: {  	[sflag:s9] =	ssyncset.done $0x0  }
0x37: {  	s19 =	simm.s32 $0x40;
	[sflag:s9] =	ssyncadd.s32 $0xFFFFF000  }
0x38: {  	v0 =	vld [tilespmem:s19+$0xFFFFFFD0]  }
0x39: {  	v4 =	vld [tilespmem:s19+$0xFFFFFFC0]  }
0x3a: {  	v7 =	vld [tilespmem:s19+$0xFFFFFFE0]  }
0x3b: {  	v5 =	vld [tilespmem:s19+$0x20];
	_ =	sdelay $0x1  }
0x3c: {  	v10 =	vld [tilespmem:s19+$0xFFFFFFF0]  }
0x3d: {  	v6 =	vsub.s32 $0x80000000, v4;
	v8 =	vsub.s32 $0x80000000, v0;
	vm0 =	vlt.s32 v0, $0x0  }
0x3e: {  	vm1 =	vlt.s32 v4, $0x0;
	v9 =	vsub.s32 $0x80000000, v7;
	v0 =	vsel vm0, v8, v0  }
0x3f: {  	v8 =	vsub.s32 $0x80000000, v5;
	v12 =	vsel vm1, v6, v4;
	vm0 =	vlt.s32 v7, $0x0;
	v6 =	vld [tilespmem:s19+$0x10]  }
0x40: {  	vm1 =	vlt.s32 v5, $0x0;
	v4 =	vshra.s32 v0, $0x18;
	v11 =	vsel vm0, v9, v7  }
0x41: {  	v7 =	vsub.s32 $0x80000000, v10;
	v8 =	vsel vm1, v8, v5;
	vm0 =	vlt.s32 v10, $0x0;
	v9 =	vld [tilespmem:s19+$0x0]  }
0x42: {  	s17 =	simm.s32 $0x2040;
	v14 =	vshra.s32 v12, $0x18;
	v4 =	vadd.s32 $0x80, v4;
	v5 =	vshra.s32 v11, $0x18  }
0x43: {  	[tilespmem:s17+$0xFFFFFFD0] =	vst v0;
	v13 =	vshra.s32 v8, $0x18;
	v0 =	vsel vm0, v7, v10;
	v7 =	vadd.s32 $0x80, v14  }
0x44: {  	s18 =	simm.s32 $0x0;
	s20 =	simm.s32 $0x2040;
	[tilespmem:s17+$0xFFFFFFC0] =	vst v12;
	v10 =	vld [tilespmem:s19+$0x30];
	s19 =	simm.s32 $0xC0;
	v5 =	vadd.s32 $0x80, v5;
	v12 =	vadd.s32 $0x80, v13;
	vm0 =	vlt.s32 v6, $0x0  }
.LBB2_4:
0x45: {  	v13 =	vld [tilespmem:s19+$0xFFFFFFD0];
	s18 =	sadd.s32 $0x8, s18;
	[tilespmem:s17+$0xFFFFFFE0] =	vst v11;
	v11 =	vshra.s32 v0, $0x18;
	v14 =	vsub.s32 $0x80000000, v6;
	s20 =	sadd.s32 $0x80, s20  }
0x46: {  	v15 =	vld [tilespmem:s19+$0xFFFFFFC0];
	p0 =	slt.u32 s18, $0xF8;
	v16 =	vsub.s32 $0x80000000, v9;
	vm1 =	vlt.s32 v9, $0x0;
	v6 =	vsel vm0, v14, v6;
	[tilespmem:s17+$0x20] =	vst v8  }
0x47: {  	v8 =	vld [tilespmem:s19+$0xFFFFFFE0];
	v9 =	vsel vm1, v16, v9;
	[tilespmem:s17+$0x10] =	vst v6;
	v6 =	vshra.s32 v6, $0x18  }
0x48: {  	v14 =	vld [tilespmem:s19+$0x20];
	[tilespmem:s17+$0x0] =	vst v9;
	v9 =	vshra.s32 v9, $0x18;
	v6 =	vadd.s32 $0x80, v6  }
0x49: {  	v9 =	vadd.s32 $0x80, v9;
	[tilespmem:v12+s10+$0x0] =	vst.idx.add.s32.msk $0xffff, v2;
	v12 =	vsub.s32 $0x80000000, v10;
	vm0 =	vlt.s32 v10, $0x0  }
0x4a: {  	[tilespmem:v7+s10+$0x0] =	vst.idx.add.s32.msk $0xffff, v2;
	v7 =	vsel vm0, v12, v10  }
0x4b: {  	v10 =	vld [tilespmem:s19+$0xFFFFFFF0];
	[tilespmem:s17+$0x30] =	vst v7;
	v7 =	vshra.s32 v7, $0x18  }
0x4c: {  	v12 =	vadd.s32 $0x80, v11;
	[tilespmem:v4+s10+$0x0] =	vst.idx.add.s32.msk $0xffff, v2;
	v7 =	vadd.s32 $0x80, v7  }
0x4d: {  	v11 =	vsub.s32 $0x80000000, v13;
	vm0 =	vlt.s32 v13, $0x0;
	v4 =	vsub.s32 $0x80000000, v15;
	[tilespmem:v6+s10+$0x0] =	vst.idx.add.s32.msk $0xffff, v2  }
0x4e: {  	vm1 =	vlt.s32 v15, $0x0;
	v6 =	vsel vm0, v11, v13;
	v13 =	vsub.s32 $0x80000000, v14;
	[tilespmem:v9+s10+$0x0] =	vst.idx.add.s32.msk $0xffff, v2  }
0x4f: {  	v15 =	vsel vm1, v4, v15;
	vm0 =	vlt.s32 v8, $0x0;
	v4 =	vshra.s32 v6, $0x18;
	[tilespmem:s20+$0xFFFFFFD0] =	vst v6;
	v6 =	vld [tilespmem:s19+$0x10]  }
.Ltmp3:
0x50: {  	vm1 =	vlt.s32 v14, $0x0;
	v9 =	vsub.s32 $0x80000000, v8;
	v4 =	vadd.s32 $0x80, v4;
	[tilespmem:v5+s10+$0x0] =	vst.idx.add.s32.msk $0xffff, v2;
	(pc) =	sbr.rel @p0 .LBB2_4-.Ltmp3, $4  }
0x51: {  	v11 =	vsel vm0, v9, v8;
	v8 =	vsel vm1, v13, v14;
	v16 =	vsub.s32 $0x80000000, v10;
	v9 =	vld [tilespmem:s19+$0x0];
	[tilespmem:s17+$0xFFFFFFF0] =	vst v0;
	s17 =	smov.u32 s20  }
0x52: {  	vm0 =	vlt.s32 v10, $0x0;
	v13 =	vshra.s32 v8, $0x18;
	v0 =	vshra.s32 v11, $0x18;
	[tilespmem:v7+s10+$0x0] =	vst.idx.add.s32.msk $0xffff, v2  }
0x53: {  	v7 =	vshra.s32 v15, $0x18;
	v5 =	vadd.s32 $0x80, v0;
	v0 =	vsel vm0, v16, v10;
	[tilespmem:v12+s10+$0x0] =	vst.idx.add.s32.msk $0xffff, v2  }
0x54: {  	v7 =	vadd.s32 $0x80, v7;
	v12 =	vadd.s32 $0x80, v13;
	[tilespmem:s20+$0xFFFFFFC0] =	vst v15;
	vm0 =	vlt.s32 v6, $0x0;
	v10 =	vld [tilespmem:s19+$0x30];
	s19 =	sadd.s32 $0x80, s19  }
0x55: {  	_ =	sdelay $0x1  }
0x56: {  	[tilespmem:s17+$0xFFFFFFE0] =	vst v11  }
0x57: {  	[tilespmem:s17+$0x20] =	vst v8  }
0x58: {  	v11 =	vsub.s32 $0x80000000, v6;
	[tilespmem:v7+s10+$0x0] =	vst.idx.add.s32.msk $0xffff, v2;
	v13 =	vsub.s32 $0x80000000, v9;
	vm1 =	vlt.s32 v9, $0x0  }
0x59: {  	[tilespmem:v4+s10+$0x0] =	vst.idx.add.s32.msk $0xffff, v2;
	v6 =	vsel vm0, v11, v6;
	v8 =	vsel vm1, v13, v9  }
0x5a: {  	[tilespmem:s17+$0x10] =	vst v6;
	v6 =	vshra.s32 v6, $0x18;
	v9 =	vsub.s32 $0x80000000, v10;
	vm0 =	vlt.s32 v10, $0x0  }
0x5b: {  	[tilespmem:s17+$0x0] =	vst v8;
	v8 =	vshra.s32 v8, $0x18;
	v6 =	vadd.s32 $0x80, v6;
	v7 =	vsel vm0, v9, v10  }
0x5c: {  	v8 =	vadd.s32 $0x80, v8;
	[tilespmem:s17+$0x30] =	vst v7;
	v7 =	vshra.s32 v7, $0x18  }
0x5d: {  	[tilespmem:s17+$0xFFFFFFF0] =	vst v0;
	v9 =	vshra.s32 v0, $0x18;
	v4 =	vadd.s32 $0x80, v7  }
0x5e: {  	[tilespmem:v12+s10+$0x0] =	vst.idx.add.s32.msk $0xffff, v2;
	v7 =	vadd.s32 $0x80, v9  }
0x5f: {  	[tilespmem:v5+s10+$0x0] =	vst.idx.add.s32.msk $0xffff, v2  }
0x60: {  	[tilespmem:v6+s10+$0x0] =	vst.idx.add.s32.msk $0xffff, v2  }
0x61: {  	[tilespmem:v8+s10+$0x0] =	vst.idx.add.s32.msk $0xffff, v2  }
0x62: {  	[tilespmem:v4+s10+$0x0] =	vst.idx.add.s32.msk $0xffff, v2  }
0x63: {  	[tilespmem:v7+s10+$0x0] =	vst.idx.add.s32.msk $0xffff, v2  }
0x64: {  	_ =	swait.ge [sflag:s11], $0x1000  }
0x65: {  	[sflag:s11] =	ssyncset.done $0x0  }
0x66: {  	s19 =	simm.s32 $0x1070;
	[sflag:s11] =	ssyncadd.s32 $0xFFFFF000  }
0x67: {  	v0 =	vld [tilespmem:s19+$0xFFFFFFA0]  }
0x68: {  	v4 =	vld [tilespmem:s19+$0xFFFFFF90]  }
0x69: {  	v7 =	vld [tilespmem:s19+$0xFFFFFFB0]  }
0x6a: {  	v5 =	vld [tilespmem:s19+$0xFFFFFFF0];
	_ =	sdelay $0x1  }
0x6b: {  	v10 =	vld [tilespmem:s19+$0xFFFFFFC0]  }
0x6c: {  	v6 =	vsub.s32 $0x80000000, v4;
	v8 =	vsub.s32 $0x80000000, v0;
	vm0 =	vlt.s32 v0, $0x0  }
0x6d: {  	vm1 =	vlt.s32 v4, $0x0;
	v9 =	vsub.s32 $0x80000000, v7;
	v0 =	vsel vm0, v8, v0  }
0x6e: {  	v8 =	vsub.s32 $0x80000000, v5;
	v12 =	vsel vm1, v6, v4;
	vm0 =	vlt.s32 v7, $0x0;
	v6 =	vld [tilespmem:s19+$0xFFFFFFE0]  }
0x6f: {  	vm1 =	vlt.s32 v5, $0x0;
	v4 =	vshra.s32 v0, $0x18;
	v11 =	vsel vm0, v9, v7  }
0x70: {  	v7 =	vsub.s32 $0x80000000, v10;
	v8 =	vsel vm1, v8, v5;
	vm0 =	vlt.s32 v10, $0x0;
	v9 =	vld [tilespmem:s19+$0xFFFFFFD0]  }
0x71: {  	s17 =	simm.s32 $0x3070;
	v14 =	vshra.s32 v12, $0x18;
	v4 =	vadd.s32 $0x80, v4;
	v5 =	vshra.s32 v11, $0x18  }
0x72: {  	[tilespmem:s17+$0xFFFFFFA0] =	vst v0;
	v13 =	vshra.s32 v8, $0x18;
	v0 =	vsel vm0, v7, v10;
	v7 =	vadd.s32 $0x80, v14  }
0x73: {  	s18 =	simm.s32 $0x100;
	s20 =	simm.s32 $0x3070;
	[tilespmem:s17+$0xFFFFFF90] =	vst v12;
	v10 =	vld [tilespmem:s19+$0x0];
	s19 =	simm.s32 $0x10F0;
	v5 =	vadd.s32 $0x80, v5;
	v12 =	vadd.s32 $0x80, v13;
	vm0 =	vlt.s32 v6, $0x0  }
.LBB2_6:
0x74: {  	v13 =	vld [tilespmem:s19+$0xFFFFFFA0];
	s18 =	sadd.s32 $0x8, s18;
	[tilespmem:s17+$0xFFFFFFB0] =	vst v11;
	v11 =	vshra.s32 v0, $0x18;
	v14 =	vsub.s32 $0x80000000, v6;
	s20 =	sadd.s32 $0x80, s20  }
0x75: {  	v15 =	vld [tilespmem:s19+$0xFFFFFF90];
	p0 =	slt.u32 s18, $0x1F8;
	v16 =	vsub.s32 $0x80000000, v9;
	vm1 =	vlt.s32 v9, $0x0;
	v6 =	vsel vm0, v14, v6;
	[tilespmem:s17+$0xFFFFFFF0] =	vst v8  }
0x76: {  	v8 =	vld [tilespmem:s19+$0xFFFFFFB0];
	v9 =	vsel vm1, v16, v9;
	[tilespmem:s17+$0xFFFFFFE0] =	vst v6;
	v6 =	vshra.s32 v6, $0x18  }
0x77: {  	v14 =	vld [tilespmem:s19+$0xFFFFFFF0];
	[tilespmem:s17+$0xFFFFFFD0] =	vst v9;
	v9 =	vshra.s32 v9, $0x18;
	v6 =	vadd.s32 $0x80, v6  }
0x78: {  	v9 =	vadd.s32 $0x80, v9;
	[tilespmem:v12+s10+$0x0] =	vst.idx.add.s32.msk $0xffff, v2;
	v12 =	vsub.s32 $0x80000000, v10;
	vm0 =	vlt.s32 v10, $0x0  }
0x79: {  	[tilespmem:v7+s10+$0x0] =	vst.idx.add.s32.msk $0xffff, v2;
	v7 =	vsel vm0, v12, v10  }
0x7a: {  	v10 =	vld [tilespmem:s19+$0xFFFFFFC0];
	[tilespmem:s17+$0x0] =	vst v7;
	v7 =	vshra.s32 v7, $0x18  }
0x7b: {  	v12 =	vadd.s32 $0x80, v11;
	[tilespmem:v4+s10+$0x0] =	vst.idx.add.s32.msk $0xffff, v2;
	v7 =	vadd.s32 $0x80, v7  }
0x7c: {  	v11 =	vsub.s32 $0x80000000, v13;
	vm0 =	vlt.s32 v13, $0x0;
	v4 =	vsub.s32 $0x80000000, v15;
	[tilespmem:v6+s10+$0x0] =	vst.idx.add.s32.msk $0xffff, v2  }
0x7d: {  	vm1 =	vlt.s32 v15, $0x0;
	v6 =	vsel vm0, v11, v13;
	v13 =	vsub.s32 $0x80000000, v14;
	[tilespmem:v9+s10+$0x0] =	vst.idx.add.s32.msk $0xffff, v2  }
0x7e: {  	v15 =	vsel vm1, v4, v15;
	vm0 =	vlt.s32 v8, $0x0;
	v4 =	vshra.s32 v6, $0x18;
	[tilespmem:s20+$0xFFFFFFA0] =	vst v6;
	v6 =	vld [tilespmem:s19+$0xFFFFFFE0]  }
.Ltmp4:
0x7f: {  	vm1 =	vlt.s32 v14, $0x0;
	v9 =	vsub.s32 $0x80000000, v8;
	v4 =	vadd.s32 $0x80, v4;
	[tilespmem:v5+s10+$0x0] =	vst.idx.add.s32.msk $0xffff, v2;
	(pc) =	sbr.rel @p0 .LBB2_6-.Ltmp4, $4  }
0x80: {  	v11 =	vsel vm0, v9, v8;
	v8 =	vsel vm1, v13, v14;
	v16 =	vsub.s32 $0x80000000, v10;
	v9 =	vld [tilespmem:s19+$0xFFFFFFD0];
	[tilespmem:s17+$0xFFFFFFC0] =	vst v0;
	s17 =	smov.u32 s20  }
0x81: {  	vm0 =	vlt.s32 v10, $0x0;
	v13 =	vshra.s32 v8, $0x18;
	v0 =	vshra.s32 v11, $0x18;
	[tilespmem:v7+s10+$0x0] =	vst.idx.add.s32.msk $0xffff, v2  }
0x82: {  	v7 =	vshra.s32 v15, $0x18;
	v5 =	vadd.s32 $0x80, v0;
	v0 =	vsel vm0, v16, v10;
	[tilespmem:v12+s10+$0x0] =	vst.idx.add.s32.msk $0xffff, v2  }
0x83: {  	v7 =	vadd.s32 $0x80, v7;
	v12 =	vadd.s32 $0x80, v13;
	[tilespmem:s20+$0xFFFFFF90] =	vst v15;
	vm0 =	vlt.s32 v6, $0x0;
	v10 =	vld [tilespmem:s19+$0x0];
	s19 =	sadd.s32 $0x80, s19  }
0x84: {  	_ =	sdelay $0x1  }
0x85: {  	[tilespmem:s17+$0xFFFFFFB0] =	vst v11  }
0x86: {  	[tilespmem:s17+$0xFFFFFFF0] =	vst v8  }
0x87: {  	v58 =	vsub.s32 $0x80000000, v6;
	[tilespmem:v7+s10+$0x0] =	vst.idx.add.s32.msk $0xffff, v2  }
0x88: {  	v62 =	vshra.s32 v0, $0x18;
	[tilespmem:v4+s10+$0x0] =	vst.idx.add.s32.msk $0xffff, v2;
	v13 =	vsub.s32 $0x80000000, v9;
	vm1 =	vlt.s32 v9, $0x0  }
0x89: {  	[tilespmem:s17+$0xFFFFFFC0] =	vst v0;
	v6 =	vsel vm0, v58, v6;
	v63 =	vadd.s32 $0x80, v62;
	v59 =	vsel vm1, v13, v9  }
0x8a: {  	[tilespmem:s17+$0xFFFFFFE0] =	vst v6;
	v6 =	vshra.s32 v6, $0x18;
	v60 =	vsub.s32 $0x80000000, v10;
	vm15 =	vlt.s32 v10, $0x0  }
0x8b: {  	[tilespmem:v12+s10+$0x0] =	vst.idx.add.s32.msk $0xffff, v2;
	v8 =	vshra.s32 v59, $0x18;
	v6 =	vadd.s32 $0x80, v6;
	v61 =	vsel vm15, v60, v10  }
0x8c: {  	[tilespmem:v5+s10+$0x0] =	vst.idx.add.s32.msk $0xffff, v2;
	v8 =	vadd.s32 $0x80, v8;
	v7 =	vshra.s32 v61, $0x18  }
0x8d: {  	[tilespmem:s17+$0xFFFFFFD0] =	vst v59;
	v4 =	vadd.s32 $0x80, v7  }
0x8e: {  	[tilespmem:s17+$0x0] =	vst v61  }
0x8f: {  	[tilespmem:v63+s10+$0x0] =	vst.idx.add.s32.msk $0xffff, v2  }
0x90: {  	[tilespmem:v6+s10+$0x0] =	vst.idx.add.s32.msk $0xffff, v2  }
0x91: {  	[tilespmem:v8+s10+$0x0] =	vst.idx.add.s32.msk $0xffff, v2  }
0x92: {  	s17 =	simm.s32 $0x0;
	[tilespmem:v4+s10+$0x0] =	vst.idx.add.s32.msk $0xffff, v2  }
0x93: {  	s18 =	simm.s32 $0x40;
	v0 =	vld [tilespmem:s17+$0x8000];
	[tilespmem:s17+$0x8000] =	vst v1  }
.LBB2_8:
0x94: {  	p0 =	sne.s32 s18, $0x3C0  }
.Ltmp5:
0x95: {  	_ = 	snop;
	(pc) =	sbr.rel @p0 .LBB2_8-.Ltmp5, $3  }
0x96: {  	_ =	sdelay $0x1  }
0x97: {  	[tilespmem:s17+$0x8100] =	vst v0;
	s17 =	sshra.s32 s18, $0x2;
	s18 =	sadd.s32 $0x40, s18  }
0x98: {  	v0 =	vld [tilespmem:s17+$0x8000];
	[tilespmem:s17+$0x8000] =	vst v1  }
0x99: {  	_ =	sdelay $0x3  }
0x9a: {  	[tilespmem:s17+$0x8100] =	vst v0  }
0x9b: {  	v4 =	vld [tilespmem:$0x81F0];
	_ =	sdelay $0x1  }
0x9c: {  	v5 =	vld [tilespmem:$0x81E0];
	_ =	sdelay $0x2  }
0x9d: {  	v6 =	vld [tilespmem:$0x81D0];
	v0 =	vperm.xlane v4, v3;
	_ =	sdelay $0x1  }
0x9e: {  	v8 =	vperm.xlane v5, v3;
	(xrf0) =	vadd.scan.msk.s32 $0xffff, v0;
	_ =	sdelay $0x1  }
0x9f: {  	v7 =	vld [tilespmem:$0x81C0];
	(xrf0) =	vadd.scan.msk.s32 $0xffff, v8  }
0xa0: {  	v0 =	vperm.xlane v6, v3;
	_ =	sdelay $0x1  }
0xa1: {  	v13 =	vld [tilespmem:$0x81B0];
	(xrf0) =	vadd.scan.msk.s32 $0xffff, v0  }
0xa2: {  	v8, _, _ =	vpop (xrf0)  }
0xa3: {  	v9 =	vld [tilespmem:$0x81A0];
	v0 =	vperm.xlane v7, v3;
	v8 =	vperm.xlane v8, v3  }
0xa4: {  	v20 =	vimm.s32 $0x0;
	v10, _, _ =	vpop (xrf0)  }
0xa5: {  	(xrf0) =	vadd.scan.msk.s32 $0xffff, v0;
	v0 =	vperm.xlane v10, v3;
	v12 =	vperm.xlane v8, v20  }
0xa6: {  	v11 =	vperm.xlane v13, v3  }
0xa7: {  	v10 =	vld [tilespmem:$0x8190];
	v15, _, _ =	vpop (xrf0);
	vm0 =	vgt.s32 v8, $0xFF;
	v14 =	vperm.xlane v0, v20;
	v24 =	vadd.s32 v12, v0  }
0xa8: {  	[tilespmem:$0x1FE40] =	vst v9;
	v0 =	vperm.xlane v15, v3;
	v15 =	vperm.xlane v9, v3;
	v9 =	vimm.s32 $0x0  }
0xa9: {  	(xrf0) =	vadd.scan.msk.s32 $0xffff, v11;
	v9 =	vsel vm0, $0xFFFFFFFF, v9  }
0xaa: {  	v19 =	vsel vm0, $0x1, v1;
	vm0 =	vgt.s32 v24, $0xFF;
	v14 =	vadd.s32 v12, v14;
	[tilespmem:$0x1FE50] =	vst v9  }
0xab: {  	v11 =	vld [tilespmem:$0x8180];
	v9 =	vimm.s32 $0x0;
	v38 =	vsel vm0, $0x1, v1;
	v16 =	vperm.xlane v0, v20;
	(xrf0) =	vadd.scan.msk.s32 $0xffff, v15  }
0xac: {  	v12, _, _ =	vpop (xrf0);
	v23 =	vadd.s32 v14, v0;
	[tilespmem:$0x1FE70] =	vst v10;
	v15 =	vperm.xlane v10, v3;
	v10 =	vimm.s32 $0x0  }
0xad: {  	v9 =	vsel vm0, $0xFFFFFFFF, v9;
	v0 =	vperm.xlane v12, v3;
	vm0 =	vgt.s32 v23, $0xFF  }
0xae: {  	v17 =	vadd.s32 v19, v38;
	v10 =	vsel vm0, $0xFFFFFFFF, v10  }
0xaf: {  	v18, _, _ =	vpop (xrf0);
	[tilespmem:$0x1FE60] =	vst v9;
	v9 =	vld [tilespmem:$0x8170];
	v39 =	vsel vm0, $0x1, v1;
	v14 =	vadd.s32 v14, v16;
	v16 =	vperm.xlane v0, v20  }
0xb0: {  	(xrf0) =	vadd.scan.msk.s32 $0xffff, v15;
	v25 =	vadd.s32 v14, v0;
	v0 =	vperm.xlane v18, v3;
	v18 =	vperm.xlane v11, v3  }
0xb1: {  	[tilespmem:$0x1FE80] =	vst v10;
	v17 =	vadd.s32 v39, v17;
	v10 =	vimm.s32 $0x0;
	vm0 =	vgt.s32 v25, $0xFF  }
0xb2: {  	v15 =	vld [tilespmem:$0x8160];
	v10 =	vsel vm0, $0xFFFFFFFF, v10;
	v40 =	vsel vm0, $0x1, v1;
	v16 =	vadd.s32 v14, v16  }
0xb3: {  	v21 =	vperm.xlane v0, v20;
	[tilespmem:$0x1FEA0] =	vst v10;
	v14, _, _ =	vpop (xrf0);
	v26 =	vadd.s32 v16, v0;
	v22 =	vadd.s32 v40, v17  }
0xb4: {  	(xrf0) =	vadd.scan.msk.s32 $0xffff, v18;
	v10 =	vimm.s32 $0x0;
	v0 =	vperm.xlane v14, v3;
	v18 =	vperm.xlane v9, v3  }
0xb5: {  	[tilespmem:$0x1FEB0] =	vst v9;
	v14 =	vld [tilespmem:$0x8150];
	vm0 =	vgt.s32 v26, $0xFF;
	v9 =	vimm.s32 $0x0;
	v16 =	vadd.s32 v16, v21  }
0xb6: {  	v9 =	vsel vm0, $0xFFFFFFFF, v9;
	v41 =	vsel vm0, $0x1, v1;
	v17, _, _ =	vpop (xrf0);
	v21 =	vperm.xlane v0, v20  }
0xb7: {  	(xrf0) =	vadd.scan.msk.s32 $0xffff, v18;
	v27 =	vadd.s32 v16, v0;
	v0 =	vperm.xlane v17, v3;
	v18 =	vperm.xlane v15, v3;
	v17 =	vld [tilespmem:$0x8140]  }
0xb8: {  	[tilespmem:$0x1FEC0] =	vst v9;
	v22 =	vadd.s32 v41, v22;
	v9 =	vimm.s32 $0x0;
	vm0 =	vgt.s32 v27, $0xFF  }
0xb9: {  	v21 =	vadd.s32 v16, v21;
	v29 =	vperm.xlane v0, v20;
	v9 =	vsel vm0, $0xFFFFFFFF, v9  }
0xba: {  	(xrf0) =	vadd.scan.msk.s32 $0xffff, v18;
	v42 =	vsel vm0, $0x1, v1;
	v16, _, _ =	vpop (xrf0);
	v18 =	vperm.xlane v14, v3;
	v28 =	vadd.s32 v21, v0  }
0xbb: {  	[tilespmem:$0x1FED0] =	vst v9;
	v22 =	vadd.s32 v42, v22;
	v9 =	vimm.s32 $0x0;
	v0 =	vperm.xlane v16, v3;
	v16 =	vld [tilespmem:$0x8130]  }
0xbc: {  	vm0 =	vgt.s32 v28, $0xFF;
	v30 =	vadd.s32 v21, v29;
	v31 =	vperm.xlane v17, v3  }
0xbd: {  	(xrf0) =	vadd.scan.msk.s32 $0xffff, v18;
	v9 =	vsel vm0, $0xFFFFFFFF, v9;
	v43 =	vsel vm0, $0x1, v1;
	v18 =	vld [tilespmem:$0x8120];
	v29 =	vadd.s32 v30, v0;
	v21, _, _ =	vpop (xrf0)  }
0xbe: {  	[tilespmem:$0x1FEE0] =	vst v9;
	v0 =	vperm.xlane v0, v20;
	v9 =	vld [tilespmem:$0x8110];
	vm0 =	vgt.s32 v29, $0xFF;
	v32 =	vperm.xlane v21, v3  }
0xbf: {  	v22 =	vadd.s32 v43, v22;
	(xrf0) =	vadd.scan.msk.s32 $0xffff, v31;
	v10 =	vsel vm0, $0xFFFFFFFF, v10;
	v44 =	vsel vm0, $0x1, v1  }
0xc0: {  	v0 =	vadd.s32 v30, v0;
	v30 =	vperm.xlane v32, v20;
	v31, _, _ =	vpop (xrf0);
	v33 =	vperm.xlane v16, v3  }
0xc1: {  	v34 =	vadd.s32 v44, v22;
	v32 =	vadd.s32 v0, v32;
	v31 =	vperm.xlane v31, v3  }
0xc2: {  	v22 =	vld [tilespmem:$0x8100];
	vm0 =	vgt.s32 v32, $0xFF;
	v35 =	vperm.xlane v18, v3;
	v0 =	vadd.s32 v0, v30;
	(xrf0) =	vadd.scan.msk.s32 $0xffff, v33  }
0xc3: {  	[tilespmem:$0x1FF00] =	vst v9;
	v36 =	vperm.xlane v9, v3;
	v9 =	vimm.s32 $0x0;
	v45 =	vsel vm0, $0x1, v1  }
0xc4: {  	v33 =	vadd.s32 v0, v31;
	v9 =	vsel vm0, $0xFFFFFFFF, v9;
	v31 =	vperm.xlane v31, v20;
	v30, _, _ =	vpop (xrf0);
	(xrf0) =	vadd.scan.msk.s32 $0xffff, v35  }
0xc5: {  	v34 =	vadd.s32 v45, v34;
	[tilespmem:$0x1FF10] =	vst v9;
	vm11 =	vgt.s32 v33, $0xFF;
	v30 =	vperm.xlane v30, v3;
	v50, _, _ =	vpop (xrf0)  }
0xc6: {  	v9 =	vimm.s32 $0x0;
	(xrf0) =	vadd.scan.msk.s32 $0xffff, v36;
	v0 =	vadd.s32 v0, v31;
	v31 =	vperm.xlane v50, v3  }
0xc7: {  	v51 =	vperm.xlane v22, v3;
	v37 =	vperm.xlane v30, v20;
	v35 =	vadd.s32 v0, v30  }
0xc8: {  	v55 =	vsel vm11, $0x1, v1;
	vm13 =	vgt.s32 v35, $0xFF;
	v30 =	vperm.xlane v31, v20  }
0xc9: {  	v34 =	vadd.s32 v55, v34;
	v52, _, _ =	vpop (xrf0);
	(xrf0) =	vadd.scan.msk.s32 $0xffff, v51;
	v0 =	vadd.s32 v0, v37;
	v56 =	vsel vm13, $0x1, v1  }
0xca: {  	v36 =	vadd.s32 v0, v31;
	v31 =	vperm.xlane v52, v3;
	v53, _, _ =	vpop (xrf0);
	v46 =	vadd.s32 v56, v34  }
0xcb: {  	v0 =	vadd.s32 v0, v30;
	vm14 =	vgt.s32 v36, $0xFF;
	v37 =	vperm.xlane v53, v3  }
0xcc: {  	v30, _, _ =	vpop (xrf0);
	v57 =	vsel vm14, $0x1, v1;
	v34 =	vadd.s32 v0, v31;
	v31 =	vperm.xlane v31, v20  }
0xcd: {  	vm12 =	vgt.s32 v34, $0xFF;
	v30 =	vperm.xlane v30, v3;
	v46 =	vadd.s32 v57, v46  }
0xce: {  	v47 =	vperm.xlane v37, v20;
	v58 =	vsel vm12, $0x1, v1;
	v0 =	vadd.s32 v0, v31  }
0xcf: {  	v48, _, _ =	vpop (xrf0);
	v46 =	vadd.s32 v58, v46;
	v31 =	vperm.xlane v30, v20;
	v37 =	vadd.s32 v0, v37  }
0xd0: {  	v0 =	vadd.s32 v0, v47;
	v54 =	vperm.xlane v48, v3;
	vm15 =	vgt.s32 v37, $0xFF  }
0xd1: {  	v30 =	vadd.s32 v0, v30;
	v0 =	vadd.s32 v0, v31;
	v59 =	vsel vm15, $0x1, v1  }
0xd2: {  	vm0 =	vgt.s32 v30, $0xFF;
	v31 =	vadd.s32 v54, v0;
	v0 =	vadd.s32 v59, v46  }
0xd3: {  	v9 =	vsel vm0, $0xFFFFFFFF, v9;
	v60 =	vsel vm0, $0x1, v1;
	vm0 =	vgt.s32 v31, $0xFF  }
0xd4: {  	v0 =	vadd.s32 v60, v0;
	v61 =	vsel vm0, $0x1, v1  }
0xd5: {  	v0 =	vadd.s32 v61, v0  }
0xd6: {  	(xrf0) =	vadd.scan.msk.s32 $0xffff, v0;
	_ =	sdelay $0x4  }
0xd7: {  	[tilespmem:$0x1FE90] =	vst v11  }
0xd8: {  	[tilespmem:$0x1FF20] =	vst v9;
	v9 =	vimm.s32 $0x0;
	v0, _, _ =	vpop (xrf0)  }
0xd9: {  	[tilespmem:$0x1FEF0] =	vst v10;
	v9 =	vsel vm0, $0xFFFFFFFF, v9;
	(v2sf) =	vpush v0, $0xF;
	v0 =	vperm.xlane v41, v20  }
0xda: {  	s18 =	simm.s32 $0x2040;
	[tilespmem:$0x1FF30] =	vst v9  }
0xdb: {  	v46 =	vld [tilespmem:s18+$0xFFFFFFC0];
	[tilespmem:$0x1FF40] =	vst v0;
	v0 =	vperm.xlane v42, v20;
	_ =	sdelay $0x1  }
0xdc: {  	[tilespmem:$0x1FF50] =	vst v0;
	v0 =	vperm.xlane v43, v20;
	_ =	sdelay $0x1  }
0xdd: {  	[tilespmem:$0x1FF60] =	vst v0;
	v0 =	vperm.xlane v44, v20;
	_ =	sdelay $0x1  }
0xde: {  	[tilespmem:$0x1FF70] =	vst v0;
	v0 =	vperm.xlane v45, v20;
	_ =	sdelay $0x1  }
0xdf: {  	v52 =	vperm.xlane v39, v20;
	v39 =	vld [tilespmem:s18+$0xFFFFFFF0];
	[tilespmem:$0x1FF80] =	vst v0;
	v0 =	vperm.xlane v55, v20;
	_ =	sdelay $0x1  }
0xe0: {  	[tilespmem:$0x1FF90] =	vst v0;
	v0 =	vperm.xlane v56, v20;
	_ =	sdelay $0x1  }
0xe1: {  	v51 =	vperm.xlane v40, v20;
	v40 =	vld [tilespmem:s18+$0xFFFFFFD0];
	[tilespmem:$0x1FFA0] =	vst v0;
	v0 =	vperm.xlane v57, v20  }
0xe2: {  	v9 =	vperm.xlane v58, v20;
	s17 =	spop (v2sf)  }
0xe3: {  	v54 =	vperm.xlane v38, v20;
	[tilespmem:$0x1FFB0] =	vst v0;
	s19 =	sadd.s32 $0xFFFFFFFF, s17;
	v0 =	vshra.s32 v46, $0x18  }
0xe4: {  	v62 =	vld [tilespmem:s18+$0xFFFFFFE0];
	[tilespmem:$0x1FFC0] =	vst v9;
	v38 =	vmov s19;
	v0 =	vadd.s32 $0x80, v0;
	v9 =	vperm.xlane v59, v20  }
0xe5: {  	vm2 =	veq.s32 v0, v38;
	v0 =	vperm.xlane v61, v20  }
0xe6: {  	v58 =	vshra.s32 v39, $0x18;
	v41 =	vld [tilespmem:s18+$0x20];
	[tilespmem:$0x1FFD0] =	vst v9;
	v9 =	vperm.xlane v60, v20  }
0xe7: {  	v53 =	vperm.xlane v19, v20;
	v43 =	vadd.s32 $0x80, v58;
	v59 =	vshra.s32 v40, $0x18;
	[tilespmem:$0x1FFF0] =	vst v0  }
0xe8: {  	vm1 =	veq.s32 v43, v38;
	v57 =	vsel vm2, $0x1, v1;
	v44 =	vadd.s32 $0x80, v59;
	[tilespmem:$0x1FFE0] =	vst v9  }
0xe9: {  	v49 =	vsel vm1, $0x1, v1;
	vm8 =	vmmov vm2;
	vm3 =	veq.s32 v44, v38;
	v0 =	vld [tilespmem:s18+$0x0]  }
0xea: {  	v42 =	vadd.s32 v57, v20;
	v9 =	vlaneseq.u32;
	v63 =	vsel vm3, $0x1, v1;
	v45 =	vld [tilespmem:s18+$0x10]  }
0xeb: {  	v19 =	vmul.u32 $0x200, v9;
	v60 =	vshra.s32 v62, $0x18;
	v61 =	vshra.s32 v41, $0x18  }
0xec: {  	v56 =	vadd.s32 v63, v42;
	v55 =	vadd.s32 $0x80, v60;
	v44 =	vadd.s32 $0x80, v61  }
0xed: {  	vm0 =	veq.s32 v55, v38;
	v9 =	vadd.s32 v19, v20;
	v42 =	vadd.s32 v19, v42  }
0xee: {  	v48 =	vsel vm0, $0x1, v1;
	vm7 =	veq.s32 v44, v38;
	vm5 =	vmmov vm0  }
0xef: {  	s31 =	simm.s32 $0x20C0;
	v57 =	vadd.s32 v48, v56;
	v47 =	vshra.s32 v0, $0x18;
	v50 =	vshra.s32 v45, $0x18  }
0xf0: {  	v20 =	vld [tilespmem:s31+$0xFFFFFFC0];
	v58 =	vadd.s32 v49, v57;
	v48 =	vadd.s32 v19, v57;
	v63 =	vshrl.u32 v0, $0x10  }
0xf1: {  	v43 =	vld [tilespmem:s18+$0x30];
	v55 =	vadd.s32 $0x80, v47;
	v47 =	vadd.s32 v19, v56;
	v57 =	vadd.s32 v19, v58  }
0xf2: {  	vm6 =	veq.s32 v55, v38;
	v55 =	vadd.s32 $0x80, v50;
	v50 =	vsel vm7, $0x1, v1  }
0xf3: {  	v60 =	vsel vm6, $0x1, v1;
	vm4 =	veq.s32 v55, v38;
	v55 =	vand.u32 $0xFF, v63  }
0xf4: {  	v63 =	vshrl.u32 v39, $0x10;
	v61 =	vadd.s32 v60, v58;
	v49 =	vsel vm4, $0x1, v1  }
0xf5: {  	v60 =	vshrl.u32 v46, $0x10;
	v11 =	vand.u32 $0xFF, v63;
	v63 =	vshra.s32 v20, $0x18  }
0xf6: {  	v44 =	vadd.s32 v49, v61;
	v49 =	vshra.s32 v43, $0x18;
	v61 =	vadd.s32 v19, v61  }
0xf7: {  	v56 =	vld [tilespmem:s31+$0xFFFFFFF0];
	[tilespmem:v42+s12+$0x0] =	vst.idx.msk vm3, v40;
	v59 =	vadd.s32 $0x80, v49;
	v49 =	vadd.s32 v50, v44;
	v44 =	vadd.s32 v19, v44  }
0xf8: {  	v12 =	vand.u32 $0xFF, v60;
	v60 =	vshrl.u32 v43, $0x10;
	v50 =	vshrl.u32 v62, $0x10;
	[tilespmem:v57+s12+$0x0] =	vst.idx.msk vm6, v0;
	v57 =	vld [tilespmem:s31+$0x20]  }
0xf9: {  	v21 =	vand.u32 $0xFF, v60;
	v60 =	vshrl.u32 v40, $0x10;
	v0 =	vshrl.u32 v45, $0x10;
	[tilespmem:v55+s10+$0x0] =	vst.idx.add.s32.msk vm6, v2  }
0xfa: {  	[tilespmem:v47+s12+$0x0] =	vst.idx.msk vm5, v62;
	v62 =	vshrl.u32 v20, $0x10;
	v10 =	vand.u32 $0xFF, v0;
	v0 =	vshrl.u32 v41, $0x10;
	v55 =	vld [tilespmem:s31+$0xFFFFFFD0]  }
0xfb: {  	v58 =	vld [tilespmem:s31+$0xFFFFFFE0];
	[tilespmem:v48+s12+$0x0] =	vst.idx.msk vm1, v39;
	v50 =	vand.u32 $0xFF, v50;
	vm6 =	veq.s32 v59, v38;
	v0 =	vand.u32 $0xFF, v0  }
0xfc: {  	v59 =	vadd.s32 $0x80, v63;
	v63 =	vsel vm6, $0x1, v1;
	[tilespmem:v44+s12+$0x0] =	vst.idx.msk vm7, v41;
	v41 =	vand.u32 $0xFF, v60  }
0xfd: {  	vm0 =	veq.s32 v59, v38;
	[tilespmem:v61+s12+$0x0] =	vst.idx.msk vm4, v45;
	v45 =	vshra.s32 v56, $0x18;
	v60 =	vld [tilespmem:s31+$0x0];
	v44 =	vadd.s32 v19, v49  }
0xfe: {  	[tilespmem:v11+s10+$0x0] =	vst.idx.add.s32.msk vm1, v2;
	v63 =	vadd.s32 v63, v49;
	v39 =	vadd.s32 $0x80, v45;
	v59 =	vshra.s32 v57, $0x18  }
0xff: {  	[tilespmem:v9+s12+$0x0] =	vst.idx.msk vm2, v46;
	v61 =	vld [tilespmem:s31+$0x10];
	vm2 =	veq.s32 v39, v38;
	v45 =	vadd.s32 $0x80, v59;
	v59 =	vshra.s32 v55, $0x18  }
0x100: {  	[tilespmem:v0+s10+$0x0] =	vst.idx.add.s32.msk vm7, v2;
	v0 =	vsel vm0, $0x1, v1;
	v11 =	vadd.s32 $0x80, v59;
	v59 =	vshra.s32 v58, $0x18  }
0x101: {  	vm7 =	vmmov vm4;
	v0 =	vadd.s32 v0, v63;
	v48 =	vadd.s32 $0x80, v59;
	[tilespmem:v41+s10+$0x0] =	vst.idx.add.s32.msk vm3, v2  }
0x102: {  	v49 =	vshra.s32 v60, $0x18;
	vm1 =	veq.s32 v11, v38;
	[tilespmem:v44+s12+$0x0] =	vst.idx.msk vm6, v43;
	vm3 =	veq.s32 v45, v38  }
0x103: {  	v11 =	vadd.s32 $0x80, v49;
	v59 =	vsel vm1, $0x1, v1;
	vm10 =	veq.s32 v48, v38;
	[tilespmem:v21+s10+$0x0] =	vst.idx.add.s32.msk vm6, v2  }
0x104: {  	v48 =	vshra.s32 v61, $0x18;
	v21 =	vsel vm3, $0x1, v1;
	v9 =	vadd.s32 v59, v0;
	v59 =	vld [tilespmem:s31+$0x30]  }
0x105: {  	v49 =	vsel vm10, $0x1, v1;
	v40 =	vadd.s32 $0x80, v48;
	vm4 =	veq.s32 v11, v38  }
0x106: {  	v41 =	vadd.s32 v49, v9;
	v39 =	vadd.s32 v19, v9;
	v9 =	vsel vm2, $0x1, v1  }
0x107: {  	v11 =	vsel vm4, $0x1, v1;
	vm6 =	veq.s32 v40, v38;
	v9 =	vadd.s32 v9, v41  }
0x108: {  	[tilespmem:v12+s10+$0x0] =	vst.idx.add.s32.msk vm8, v2;
	v43 =	vadd.s32 v19, v41;
	v41 =	vshrl.u32 v55, $0x10;
	v11 =	vadd.s32 v11, v9  }
0x109: {  	[tilespmem:v50+s10+$0x0] =	vst.idx.add.s32.msk vm5, v2;
	v42 =	vadd.s32 v19, v9;
	v9 =	vsel vm6, $0x1, v1;
	v12 =	vshra.s32 v59, $0x18  }
0x10a: {  	[tilespmem:v10+s10+$0x0] =	vst.idx.add.s32.msk vm7, v2;
	v9 =	vadd.s32 v9, v11;
	v45 =	vadd.s32 v19, v11;
	v12 =	vadd.s32 $0x80, v12  }
0x10b: {  	s19 =	simm.s32 $0x2140;
	s18 =	simm.s32 $0x8;
	v40 =	vadd.s32 v21, v9;
	v44 =	vadd.s32 v19, v9;
	vm5 =	veq.s32 v12, v38  }
.LBB2_10:
0x10c: {  	v10 =	vadd.s32 v19, v63;
	v0 =	vadd.s32 v19, v0;
	v11 =	vshrl.u32 v61, $0x10  }
0x10d: {  	v9 =	vld [tilespmem:s19+$0xFFFFFFC0];
	s18 =	sadd.s32 $0x8, s18;
	vm9 =	vmmov vm0;
	vm7 =	vmmov vm6;
	vm8 =	vmmov vm10  }
0x10e: {  	v21 =	vshrl.u32 v58, $0x10;
	v12 =	vld [tilespmem:s19+$0x20];
	p0 =	slt.u32 s18, $0x1F8;
	[tilespmem:v43+s12+$0x0] =	vst.idx.msk vm2, v56;
	v43 =	vshrl.u32 v60, $0x10;
	v11 =	vand.u32 $0xFF, v11  }
0x10f: {  	v21 =	vand.u32 $0xFF, v21;
	v46 =	vld [tilespmem:s19+$0x30];
	[tilespmem:v42+s12+$0x0] =	vst.idx.msk vm4, v60;
	v42 =	vand.u32 $0xFF, v43;
	v43 =	vshrl.u32 v59, $0x10  }
0x110: {  	v47 =	vand.u32 $0xFF, v62;
	v48 =	vshrl.u32 v56, $0x10;
	v56 =	vld [tilespmem:s19+$0xFFFFFFF0];
	[tilespmem:v45+s12+$0x0] =	vst.idx.msk vm6, v61;
	v45 =	vshrl.u32 v57, $0x10  }
0x111: {  	v48 =	vand.u32 $0xFF, v48;
	v60 =	vld [tilespmem:s19+$0x0];
	[tilespmem:v44+s12+$0x0] =	vst.idx.msk vm3, v57;
	v44 =	vand.u32 $0xFF, v45  }
0x112: {  	v45 =	vshra.s32 v9, $0x18;
	v62 =	vshrl.u32 v9, $0x10;
	v49 =	vld [tilespmem:s19+$0xFFFFFFE0];
	[tilespmem:v10+s12+$0x0] =	vst.idx.msk vm0, v20;
	v10 =	vand.u32 $0xFF, v43;
	v20 =	vmovc v9  }
0x113: {  	v41 =	vand.u32 $0xFF, v41;
	v9 =	vadd.s32 $0x80, v45;
	[tilespmem:v0+s12+$0x0] =	vst.idx.msk vm1, v55;
	v55 =	vld [tilespmem:s19+$0xFFFFFFD0];
	v0 =	vsel vm5, $0x1, v1;
	v57 =	vmovc v12  }
0x114: {  	vm0 =	veq.s32 v9, v38;
	v61 =	vld [tilespmem:s19+$0x10];
	[tilespmem:v39+s12+$0x0] =	vst.idx.msk vm10, v58;
	v9 =	vadd.s32 v19, v40  }
0x115: {  	v63 =	vadd.s32 v0, v40;
	v12 =	vsel vm0, $0x1, v1;
	v39 =	vshra.s32 v56, $0x18;
	[tilespmem:v42+s10+$0x0] =	vst.idx.add.s32.msk vm4, v2  }
0x116: {  	v0 =	vadd.s32 v12, v63;
	v12 =	vadd.s32 $0x80, v39;
	v39 =	vshra.s32 v57, $0x18;
	[tilespmem:v44+s10+$0x0] =	vst.idx.add.s32.msk vm3, v2  }
0x117: {  	v40 =	vshra.s32 v49, $0x18;
	v39 =	vadd.s32 $0x80, v39;
	[tilespmem:v48+s10+$0x0] =	vst.idx.add.s32.msk vm2, v2;
	vm2 =	veq.s32 v12, v38;
	v58 =	vmovc v49  }
0x118: {  	v42 =	vshra.s32 v60, $0x18;
	v12 =	vsel vm2, $0x1, v1;
	vm3 =	veq.s32 v39, v38;
	[tilespmem:v41+s10+$0x0] =	vst.idx.add.s32.msk vm1, v2  }
0x119: {  	v39 =	vshra.s32 v55, $0x18;
	v40 =	vadd.s32 $0x80, v40;
	v41 =	vshra.s32 v61, $0x18;
	[tilespmem:v9+s12+$0x0] =	vst.idx.msk vm5, v59;
	v59 =	vmovc v46  }
0x11a: {  	v9 =	vadd.s32 $0x80, v39;
	v39 =	vadd.s32 $0x80, v42;
	v41 =	vadd.s32 $0x80, v41;
	[tilespmem:v10+s10+$0x0] =	vst.idx.add.s32.msk vm5, v2  }
0x11b: {  	vm1 =	veq.s32 v9, v38;
	vm4 =	veq.s32 v39, v38;
	vm6 =	veq.s32 v41, v38  }
0x11c: {  	vm10 =	veq.s32 v40, v38;
	v9 =	vsel vm1, $0x1, v1;
	v10 =	vsel vm6, $0x1, v1;
	[tilespmem:v47+s10+$0x0] =	vst.idx.add.s32.msk vm9, v2  }
0x11d: {  	v46 =	vsel vm3, $0x1, v1;
	v40 =	vsel vm10, $0x1, v1;
	v9 =	vadd.s32 v9, v0;
	[tilespmem:v21+s10+$0x0] =	vst.idx.add.s32.msk vm8, v2  }
.Ltmp6:
0x11e: {  	v39 =	vadd.s32 v19, v9;
	v9 =	vadd.s32 v40, v9;
	v21 =	vshra.s32 v59, $0x18;
	[tilespmem:v11+s10+$0x0] =	vst.idx.add.s32.msk vm7, v2;
	(pc) =	sbr.rel @p0 .LBB2_10-.Ltmp6, $4  }
0x11f: {  	v43 =	vadd.s32 v19, v9;
	v9 =	vadd.s32 v12, v9;
	v11 =	vsel vm4, $0x1, v1  }
0x120: {  	v42 =	vadd.s32 v19, v9;
	v9 =	vadd.s32 v11, v9;
	v11 =	vadd.s32 $0x80, v21  }
0x121: {  	v45 =	vadd.s32 v19, v9;
	v9 =	vadd.s32 v10, v9;
	vm5 =	veq.s32 v11, v38  }
0x122: {  	s19 =	sadd.s32 $0x80, s19;
	v41 =	vshrl.u32 v55, $0x10;
	v44 =	vadd.s32 v19, v9;
	v40 =	vadd.s32 v46, v9  }
0x123: {  	_ =	sdelay $0x4  }
0x124: {  	v0 =	vadd.s32 v19, v0;
	[tilespmem:v43+s12+$0x0] =	vst.idx.msk vm2, v56  }
0x125: {  	v9 =	vadd.s32 v19, v63;
	v10 =	vshrl.u32 v60, $0x10;
	[tilespmem:v42+s12+$0x0] =	vst.idx.msk vm4, v60  }
0x126: {  	[tilespmem:v45+s12+$0x0] =	vst.idx.msk vm6, v61;
	v11 =	vshrl.u32 v57, $0x10;
	v10 =	vand.u32 $0xFF, v10  }
0x127: {  	v12 =	vshrl.u32 v56, $0x10;
	[tilespmem:v44+s12+$0x0] =	vst.idx.msk vm3, v57;
	v11 =	vand.u32 $0xFF, v11  }
0x128: {  	[tilespmem:v39+s12+$0x0] =	vst.idx.msk vm10, v58;
	v12 =	vand.u32 $0xFF, v12  }
0x129: {  	[tilespmem:v0+s12+$0x0] =	vst.idx.msk vm1, v55;
	v0 =	vand.u32 $0xFF, v41  }
0x12a: {  	[tilespmem:v9+s12+$0x0] =	vst.idx.msk vm0, v20;
	v9 =	vshrl.u32 v59, $0x10;
	v20 =	vadd.s32 v19, v40  }
0x12b: {  	vm0 =	vmmov vm0;
	v9 =	vand.u32 $0xFF, v9;
	[tilespmem:v10+s10+$0x0] =	vst.idx.add.s32.msk vm4, v2  }
0x12c: {  	v21 =	vand.u32 $0xFF, v62;
	v10 =	vshrl.u32 v58, $0x10;
	[tilespmem:v11+s10+$0x0] =	vst.idx.add.s32.msk vm3, v2  }
0x12d: {  	v11 =	vshrl.u32 v61, $0x10;
	[tilespmem:v12+s10+$0x0] =	vst.idx.add.s32.msk vm2, v2;
	v10 =	vand.u32 $0xFF, v10  }
0x12e: {  	v11 =	vand.u32 $0xFF, v11;
	[tilespmem:v0+s10+$0x0] =	vst.idx.add.s32.msk vm1, v2  }
0x12f: {  	[tilespmem:v20+s12+$0x0] =	vst.idx.msk vm5, v59  }
0x130: {  	[tilespmem:v9+s10+$0x0] =	vst.idx.add.s32.msk vm5, v2  }
0x131: {  	[tilespmem:v21+s10+$0x0] =	vst.idx.add.s32.msk vm0, v2  }
0x132: {  	[tilespmem:v10+s10+$0x0] =	vst.idx.add.s32.msk vm10, v2  }
0x133: {  	vm7 =	vmmov vm10;
	s18 =	simm.s32 $0x0;
	v0 =	vsel vm5, $0x1, v1;
	[tilespmem:v11+s10+$0x0] =	vst.idx.add.s32.msk vm6, v2  }
0x134: {  	s19 =	simm.s32 $0x40;
	vm7 =	vmmov vm6;
	v20 =	vadd.s32 v0, v40;
	v55 =	vld [tilespmem:s18+$0x8000];
	[tilespmem:s18+$0x8000] =	vst v1  }
.LBB2_12:
0x135: {  	p0 =	sne.s32 s19, $0x3C0  }
.Ltmp7:
0x136: {  	_ = 	snop;
	(pc) =	sbr.rel @p0 .LBB2_12-.Ltmp7, $3  }
0x137: {  	_ =	sdelay $0x1  }
0x138: {  	[tilespmem:s18+$0x8100] =	vst v55;
	s18 =	sshra.s32 s19, $0x2;
	s19 =	sadd.s32 $0x40, s19  }
0x139: {  	v55 =	vld [tilespmem:s18+$0x8000];
	[tilespmem:s18+$0x8000] =	vst v1  }
0x13a: {  	v0 =	vld [tilespmem:$0x1FE60];
	_ =	sdelay $0x2  }
0x13b: {  	v58 =	vld [tilespmem:$0x1FE80]  }
0x13c: {  	vm0 =	vgt.s32 v54, $0x0;
	vm2 =	vle.s32 v53, $0x0;
	v9 =	vld [tilespmem:$0x1FF60]  }
0x13d: {  	vm3 =	vgt.s32 v53, $0x0;
	v39 =	vlaneseq.u32;
	vm1 =	vnez.u8 v0;
	v0 =	vld [tilespmem:$0x1FE50]  }
0x13e: {  	vm8 =	vgt.s32 v52, $0x0;
	vm10 =	vgt.s32 v51, $0x0;
	v40 =	vor.u32 $0xF0, v39  }
0x13f: {  	v60 =	vld [tilespmem:$0x1FEA0];
	v41 =	vor.u32 $0xE0, v39;
	v42 =	vor.u32 $0xD0, v39;
	v43 =	vor.u32 $0xC0, v39  }
0x140: {  	v44 =	vor.u32 $0xB0, v39;
	v45 =	vor.u32 $0xA0, v39;
	v46 =	vor.u32 $0x90, v39  }
0x141: {  	vm4 =	vnez.u8 v58;
	vm6 =	vgt.s32 v9, $0x0;
	vm1 =	vmand vm0, vm1  }
0x142: {  	v59 =	vld [tilespmem:$0x1FF40];
	vm0 =	vmor vm3, vm0;
	vm1 =	vmand vm1, vm2;
	vm7 =	vnez.u8 v0  }
0x143: {  	v61 =	vld [tilespmem:$0x1FEC0];
	vm9 =	vmneg vm0;
	vm0 =	vmor vm0, vm8;
	vm2 =	vmand vm7, vm3  }
0x144: {  	vm7 =	vnez.u8 v60;
	v0 =	vnsel vm2, $0x0, v8;
	v4 =	vnsel vm2, $0x0, v4  }
0x145: {  	v62 =	vld [tilespmem:$0x1FF50];
	v57 =	vnsel vm2, $0x0, v40;
	v0 =	vsel vm1, v24, v0;
	v4 =	vsel vm1, v5, v4  }
0x146: {  	v63 =	vld [tilespmem:$0x1FED0];
	v5 =	vsel vm1, v41, v57;
	vm1 =	vmand vm9, vm8;
	vm8 =	vmneg vm0  }
0x147: {  	vm0 =	vmor vm0, vm10;
	vm9 =	vgt.s32 v59, $0x0;
	vm1 =	vmand vm4, vm1  }
0x148: {  	vm3 =	vmand vm8, vm10;
	vm10 =	vmneg vm0;
	vm8 =	vnez.u8 v61  }
0x149: {  	v10 =	vld [tilespmem:$0x1FF70];
	vm0 =	vmor vm0, vm9;
	v0 =	vsel vm1, v23, v0;
	v4 =	vsel vm1, v6, v4  }
0x14a: {  	vm4 =	vmand vm10, vm9;
	v5 =	vsel vm1, v42, v5;
	vm1 =	vmand vm7, vm3  }
0x14b: {  	v12 =	vld [tilespmem:$0x1FEE0];
	vm9 =	vgt.s32 v62, $0x0;
	vm2 =	vmneg vm0;
	vm10 =	vnez.u8 v63  }
0x14c: {  	v11 =	vld [tilespmem:$0x1FE40];
	vm3 =	vmand vm8, vm4;
	v0 =	vsel vm1, v25, v0;
	v4 =	vsel vm1, v7, v4  }
0x14d: {  	v24 =	vld [tilespmem:$0x1FE70];
	v5 =	vsel vm1, v43, v5;
	vm2 =	vmand vm2, vm9;
	vm0 =	vmor vm0, vm9  }
0x14e: {  	vm8 =	vgt.s32 v10, $0x0;
	v0 =	vsel vm3, v26, v0;
	v4 =	vsel vm3, v13, v4;
	v13 =	vld [tilespmem:$0x1FEF0]  }
0x14f: {  	v5 =	vsel vm3, v44, v5;
	vm2 =	vmand vm10, vm2;
	vm7 =	vmneg vm0;
	v26 =	vld [tilespmem:$0x1FF80]  }
0x150: {  	vm0 =	vmor vm0, vm6;
	vm10 =	vnez.u8 v12;
	vm1 =	vmand vm7, vm6  }
0x151: {  	v0 =	vsel vm2, v27, v0;
	vm9 =	vmneg vm0;
	v27 =	vld [tilespmem:$0x1FF10];
	vm1 =	vmand vm10, vm1  }
0x152: {  	v4 =	vsel vm2, v11, v4;
	vm0 =	vmor vm0, vm8;
	v0 =	vsel vm1, v28, v0;
	v28 =	vld [tilespmem:$0x1FF90]  }
0x153: {  	v5 =	vsel vm2, v45, v5;
	vm4 =	vmand vm9, vm8;
	vm3 =	vmneg vm0  }
0x154: {  	v25 =	vld [tilespmem:$0x1FE90];
	v4 =	vsel vm1, v24, v4;
	vm5 =	vnez.u8 v13;
	vm6 =	vgt.s32 v26, $0x0  }
0x155: {  	v5 =	vsel vm1, v46, v5;
	vm2 =	vmand vm5, vm4;
	vm3 =	vmand vm3, vm6  }
0x156: {  	vm0 =	vmor vm0, vm6;
	vm7 =	vnez.u8 v27;
	v0 =	vsel vm2, v29, v0  }
0x157: {  	vm1 =	vmand vm7, vm3;
	vm9 =	vmneg vm0;
	vm8 =	vgt.s32 v28, $0x0  }
0x158: {  	v47 =	vor.u32 $0x80, v39;
	v0 =	vsel vm1, v32, v0;
	v32 =	vld [tilespmem:$0x1FFA0];
	vm10 =	vmand vm9, vm8  }
0x159: {  	v4 =	vsel vm2, v25, v4;
	v5 =	vsel vm2, v47, v5;
	vm2 =	vmand vm11, vm10  }
0x15a: {  	v0 =	vsel vm2, v33, v0;
	v33 =	vld [tilespmem:$0x1FFB0]  }
0x15b: {  	v29 =	vld [tilespmem:$0x1FEB0]  }
0x15c: {  	v48 =	vor.u32 $0x70, v39;
	vm0 =	vmor vm0, vm8  }
0x15d: {  	v49 =	vor.u32 $0x60, v39;
	vm3 =	vmneg vm0;
	vm11 =	vgt.s32 v32, $0x0  }
0x15e: {  	v5 =	vsel vm1, v48, v5;
	vm3 =	vmand vm3, vm11;
	vm0 =	vmor vm0, vm11  }
0x15f: {  	vm13 =	vmand vm13, vm3;
	vm9 =	vmneg vm0;
	vm8 =	vgt.s32 v33, $0x0  }
0x160: {  	v4 =	vsel vm1, v29, v4;
	v0 =	vsel vm13, v35, v0;
	v35 =	vld [tilespmem:$0x1FFC0];
	vm10 =	vmand vm9, vm8  }
0x161: {  	v5 =	vsel vm2, v49, v5;
	v4 =	vsel vm2, v15, v4;
	vm2 =	vmand vm14, vm10  }
0x162: {  	v0 =	vsel vm2, v36, v0;
	v36 =	vld [tilespmem:$0x1FFD0];
	_ =	sdelay $0x1  }
0x163: {  	v51 =	vor.u32 $0x50, v39;
	v50 =	vor.u32 $0x40, v39  }
0x164: {  	v4 =	vsel vm13, v14, v4;
	vm0 =	vmor vm0, vm8;
	vm11 =	vgt.s32 v35, $0x0  }
0x165: {  	v5 =	vsel vm13, v51, v5;
	vm3 =	vmneg vm0;
	vm0 =	vmor vm0, vm11  }
0x166: {  	v53 =	vld [tilespmem:$0x1FFF0];
	vm3 =	vmand vm3, vm11;
	vm14 =	vmneg vm0;
	vm13 =	vgt.s32 v36, $0x0  }
0x167: {  	v54 =	vld [tilespmem:$0x1FF20];
	v4 =	vsel vm2, v17, v4;
	vm12 =	vmand vm12, vm3;
	vm4 =	vmand vm14, vm13  }
0x168: {  	v57 =	vld [tilespmem:$0x1FF30];
	v5 =	vsel vm2, v50, v5;
	v0 =	vsel vm12, v34, v0;
	vm2 =	vmand vm15, vm4  }
0x169: {  	v0 =	vsel vm2, v37, v0;
	v37 =	vld [tilespmem:$0x1FFE0];
	_ =	sdelay $0x2  }
0x16a: {  	v52 =	vor.u32 $0x30, v39;
	vm7 =	vgt.s32 v53, $0x0;
	vm8 =	vnez.u8 v54  }
0x16b: {  	v56 =	vld [tilespmem:$0x1FF00];
	vm9 =	vnez.u8 v57;
	v4 =	vsel vm12, v16, v4;
	vm0 =	vmor vm0, vm13  }
0x16c: {  	v5 =	vsel vm12, v52, v5;
	vm6 =	vmneg vm0;
	vm5 =	vgt.s32 v37, $0x0  }
0x16d: {  	v4 =	vsel vm2, v18, v4;
	v18 =	vor.u32 $0x20, v39;
	vm0 =	vmor vm0, vm5  }
0x16e: {  	v5 =	vsel vm2, v18, v5;
	vm1 =	vmand vm6, vm5;
	vm0 =	vmneg vm0  }
0x16f: {  	v37 =	vor.u32 $0x10, v39;
	vm1 =	vmand vm8, vm1;
	vm0 =	vmand vm0, vm7  }
0x170: {  	v4 =	vsel vm1, v56, v4;
	v5 =	vsel vm1, v37, v5;
	vm0 =	vmand vm9, vm0  }
0x171: {  	v0 =	vsel vm1, v30, v0;
	v4 =	vsel vm0, v22, v4;
	v5 =	vsel vm0, v39, v5  }
0x172: {  	v0 =	vsel vm0, v31, v0;
	vm10 =	veq.s32 v5, v38;
	v4 =	vxor.u32 $0x80000000, v4  }
0x173: {  	v0 =	vxor.u32 $0x80000000, v0;
	v4 =	vnsel vm10, $0x80000000, v4  }
0x174: {  	v0 =	vnsel vm10, $0x80000000, v0;
	(xrf0) =	vmax.scan.msk.u32 $0xffff, v4  }
0x175: {  	(xrf0) =	vmax.scan.msk.u32 $0xffff, v0;
	_ =	sdelay $0x4  }
0x176: {  	v0, _, _ =	vpop (xrf0)  }
0x177: {  	(v2sf) =	vpush v0, $0xF;
	v0, _, _ =	vpop (xrf0)  }
0x178: {  	[tilespmem:s18+$0x8100] =	vst v55;
	(v2sf) =	vpush v0, $0xF  }
0x179: {  	v0 =	vld [tilespmem:$0x81F0];
	_ =	sdelay $0x1  }
0x17a: {  	v4 =	vld [tilespmem:$0x81E0];
	_ =	sdelay $0x2  }
0x17b: {  	v5 =	vperm.xlane v0, v3;
	_ =	sdelay $0x1  }
0x17c: {  	(xrf0) =	vadd.scan.msk.s32 $0xffff, v5;
	v5 =	vperm.xlane v4, v3  }
0x17d: {  	v58 =	vld [tilespmem:$0x81D0]  }
0x17e: {  	v60 =	vld [tilespmem:$0x81C0];
	(xrf0) =	vadd.scan.msk.s32 $0xffff, v5;
	_ =	sdelay $0x3  }
0x17f: {  	v59 =	vperm.xlane v58, v3;
	v5, _, _ =	vpop (xrf0);
	s30 =	spop (v2sf)  }
0x180: {  	v62 =	vperm.xlane v60, v3;
	v5 =	vperm.xlane v5, v3;
	s19 =	spop (v2sf)  }
0x181: {  	v21 =	vimm.s32 $0x0;
	s18 =	sxor.u32 $0x80000000, s30;
	v9, _, _ =	vpop (xrf0);
	(xrf0) =	vadd.scan.msk.s32 $0xffff, v59;
	s19 =	sxor.u32 $0x80000000, s19  }
0x182: {  	v63 =	vld [tilespmem:$0x81B0];
	v61 =	vperm.xlane v5, v21;
	v9 =	vperm.xlane v9, v3;
	(xrf0) =	vadd.scan.msk.s32 $0xffff, v62;
	s18 =	ssub.s32 s18, s19  }
0x183: {  	s19 =	sadd.s32 $0x100, s18  }
0x184: {  	v12 =	vadd.s32 v61, v9;
	vm11 =	vge.s32 v5, s19  }
0x185: {  	v9 =	vperm.xlane v9, v21;
	vm12 =	vge.s32 v12, s19;
	v10 =	vsel vm11, $0x1, v1  }
0x186: {  	v24 =	vsel vm12, $0x1, v1;
	v11 =	vperm.xlane v10, v21  }
0x187: {  	v26 =	vperm.xlane v63, v3;
	v7 =	vadd.s32 v61, v9;
	v16 =	vperm.xlane v24, v21;
	v17, _, _ =	vpop (xrf0)  }
0x188: {  	v10 =	vadd.s32 v10, v24;
	v25 =	vperm.xlane v17, v3;
	v29, _, _ =	vpop (xrf0);
	vm13 =	vgt.s32 v11, $0x0  }
0x189: {  	vm14 =	vle.s32 v11, $0x0;
	vm15 =	vgt.s32 v16, $0x0;
	v13 =	vperm.xlane v29, v3  }
0x18a: {  	(xrf0) =	vadd.scan.msk.s32 $0xffff, v26;
	v17 =	vld [tilespmem:$0x81A0];
	vm0 =	vmand vm11, vm13;
	vm3 =	vmand vm14, vm15;
	v9 =	vadd.s32 v7, v25  }
0x18b: {  	v11 =	vld [tilespmem:$0x8160];
	vm8 =	vmor vm13, vm15;
	v5 =	vnsel vm0, $0x0, v5;
	v0 =	vnsel vm0, $0x0, v0  }
0x18c: {  	v16 =	vnsel vm0, $0x0, v40;
	vm6 =	vmand vm12, vm3;
	vm7 =	vge.s32 v9, s19  }
0x18d: {  	v32 =	vld [tilespmem:$0x8190];
	vm10 =	vmneg vm8;
	v5 =	vsel vm6, v12, v5;
	v27 =	vsel vm7, $0x1, v1  }
0x18e: {  	v0 =	vsel vm6, v4, v0;
	v4 =	vperm.xlane v25, v21;
	v28 =	vperm.xlane v27, v21  }
0x18f: {  	v30 =	vsel vm6, v41, v16;
	v31 =	vperm.xlane v17, v3;
	v10 =	vadd.s32 v27, v10  }
0x190: {  	v4 =	vadd.s32 v7, v4;
	v16, _, _ =	vpop (xrf0);
	v23 =	vperm.xlane v11, v3;
	vm9 =	vgt.s32 v28, $0x0  }
0x191: {  	v7 =	vadd.s32 v4, v13;
	v13 =	vperm.xlane v13, v21;
	v35 =	vperm.xlane v16, v3  }
0x192: {  	v16 =	vperm.xlane v32, v3;
	vm3 =	vmand vm10, vm9;
	vm11 =	vge.s32 v7, s19  }
0x193: {  	(xrf0) =	vadd.scan.msk.s32 $0xffff, v31;
	vm0 =	vmor vm8, vm9;
	vm1 =	vmand vm7, vm3;
	v33 =	vsel vm11, $0x1, v1  }
0x194: {  	v13 =	vadd.s32 v4, v13;
	vm2 =	vmneg vm0;
	v53 =	vperm.xlane v35, v21  }
0x195: {  	v4 =	vld [tilespmem:$0x8180];
	v5 =	vsel vm1, v9, v5;
	v34 =	vperm.xlane v33, v21;
	v36 =	vadd.s32 v13, v35  }
0x196: {  	(xrf0) =	vadd.scan.msk.s32 $0xffff, v16;
	v0 =	vsel vm1, v58, v0;
	v15 =	vsel vm1, v42, v30;
	vm13 =	vge.s32 v36, s19  }
0x197: {  	v9 =	vadd.s32 v33, v10;
	vm12 =	vgt.s32 v34, $0x0;
	v38 =	vsel vm13, $0x1, v1  }
0x198: {  	v13 =	vadd.s32 v13, v53;
	vm2 =	vmand vm2, vm12;
	v54 =	vperm.xlane v38, v21  }
0x199: {  	v22, _, _ =	vpop (xrf0);
	vm0 =	vmor vm0, vm12;
	v9 =	vadd.s32 v38, v9;
	vm2 =	vmand vm11, vm2  }
0x19a: {  	v55 =	vperm.xlane v22, v3;
	vm15 =	vmneg vm0;
	v16 =	vperm.xlane v4, v3  }
0x19b: {  	v5 =	vsel vm2, v7, v5;
	v0 =	vsel vm2, v60, v0;
	vm14 =	vgt.s32 v54, $0x0  }
0x19c: {  	v56 =	vsel vm2, v43, v15;
	v59, _, _ =	vpop (xrf0);
	vm6 =	vmand vm15, vm14;
	v57 =	vadd.s32 v13, v55  }
0x19d: {  	v7 =	vld [tilespmem:$0x8170];
	v8 =	vperm.xlane v55, v21;
	vm0 =	vmor vm0, vm14;
	v14 =	vperm.xlane v59, v3  }
0x19e: {  	(xrf0) =	vadd.scan.msk.s32 $0xffff, v16;
	vm2 =	vmand vm13, vm6;
	vm7 =	vge.s32 v57, s19;
	vm9 =	vmneg vm0  }
0x19f: {  	v6 =	vsel vm2, v36, v5;
	v5 =	vsel vm7, $0x1, v1;
	v0 =	vsel vm2, v63, v0  }
0x1a0: {  	v16 =	vsel vm2, v44, v56;
	v8 =	vadd.s32 v13, v8;
	v58 =	vperm.xlane v5, v21  }
0x1a1: {  	v60 =	vadd.s32 v5, v9;
	v13 =	vadd.s32 v8, v14;
	v5 =	vld [tilespmem:$0x8150];
	v14 =	vperm.xlane v14, v21  }
0x1a2: {  	vm10 =	vge.s32 v13, s19;
	v61 =	vperm.xlane v7, v3;
	vm8 =	vgt.s32 v58, $0x0  }
0x1a3: {  	v9 =	vld [tilespmem:$0x8140];
	v62 =	vsel vm10, $0x1, v1;
	v14 =	vadd.s32 v8, v14;
	vm2 =	vmand vm9, vm8  }
0x1a4: {  	v22, _, _ =	vpop (xrf0);
	(xrf0) =	vadd.scan.msk.s32 $0xffff, v61;
	vm0 =	vmor vm0, vm8;
	v15 =	vadd.s32 v62, v60;
	vm2 =	vmand vm7, vm2  }
0x1a5: {  	v8 =	vld [tilespmem:$0x8130];
	v22 =	vperm.xlane v22, v3;
	v0 =	vsel vm2, v17, v0;
	v17 =	vperm.xlane v62, v21  }
0x1a6: {  	vm1 =	vmneg vm0;
	(xrf0) =	vadd.scan.msk.s32 $0xffff, v23;
	v6 =	vsel vm2, v57, v6;
	v23 =	vperm.xlane v5, v3  }
0x1a7: {  	v16 =	vsel vm2, v45, v16;
	vm11 =	vgt.s32 v17, $0x0;
	v17 =	vadd.s32 v14, v22  }
0x1a8: {  	v10 =	vld [tilespmem:$0x8120];
	v22 =	vperm.xlane v22, v21;
	(xrf0) =	vadd.scan.msk.s32 $0xffff, v23;
	v23 =	vperm.xlane v9, v3;
	vm1 =	vmand vm1, vm11  }
0x1a9: {  	vm12 =	vge.s32 v17, s19;
	vm0 =	vmor vm0, vm11;
	vm3 =	vmand vm10, vm1  }
0x1aa: {  	v63 =	vsel vm12, $0x1, v1;
	v29, _, _ =	vpop (xrf0);
	v14 =	vadd.s32 v14, v22;
	(xrf0) =	vadd.scan.msk.s32 $0xffff, v23;
	v23 =	vperm.xlane v8, v3  }
0x1ab: {  	v13 =	vsel vm3, v13, v6;
	v28 =	vperm.xlane v63, v21;
	v30 =	vperm.xlane v29, v3;
	v6 =	vld [tilespmem:$0x8110]  }
0x1ac: {  	vm2 =	vmneg vm0;
	v0 =	vsel vm3, v32, v0;
	v15 =	vadd.s32 v63, v15  }
0x1ad: {  	v22, _, _ =	vpop (xrf0);
	(xrf0) =	vadd.scan.msk.s32 $0xffff, v23;
	v23 =	vperm.xlane v10, v3;
	vm13 =	vgt.s32 v28, $0x0;
	v31 =	vperm.xlane v30, v21  }
0x1ae: {  	v24 =	vadd.s32 v14, v30;
	v32 =	vperm.xlane v22, v3;
	v22 =	vld [tilespmem:$0x8100];
	vm2 =	vmand vm2, vm13;
	v33, _, _ =	vpop (xrf0)  }
0x1af: {  	vm5 =	vge.s32 v24, s19;
	v12 =	vadd.s32 v14, v31;
	v14 =	vperm.xlane v33, v3  }
0x1b0: {  	v28 =	vsel vm5, $0x1, v1;
	v25 =	vperm.xlane v32, v21;
	v34 =	vperm.xlane v6, v3  }
0x1b1: {  	(xrf0) =	vadd.scan.msk.s32 $0xffff, v23;
	vm0 =	vmor vm0, vm13;
	v26 =	vadd.s32 v12, v32;
	v15 =	vadd.s32 v28, v15  }
0x1b2: {  	v36, _, _ =	vpop (xrf0);
	vm7 =	vge.s32 v26, s19;
	v35 =	vperm.xlane v14, v21;
	v12 =	vadd.s32 v12, v25;
	(xrf0) =	vadd.scan.msk.s32 $0xffff, v34  }
0x1b3: {  	v38 =	vperm.xlane v36, v3;
	v23 =	vsel vm7, $0x1, v1;
	v53 =	vperm.xlane v22, v3  }
0x1b4: {  	vm10 =	vmand vm12, vm2;
	v14 =	vadd.s32 v12, v14;
	v15 =	vadd.s32 v23, v15  }
0x1b5: {  	v55, _, _ =	vpop (xrf0);
	vm6 =	vge.s32 v14, s19;
	v12 =	vadd.s32 v12, v35;
	v54 =	vperm.xlane v38, v21;
	(xrf0) =	vadd.scan.msk.s32 $0xffff, v53  }
0x1b6: {  	v30 =	vperm.xlane v55, v3;
	v56 =	vsel vm6, $0x1, v1;
	v25 =	vadd.s32 v12, v38  }
0x1b7: {  	v57, _, _ =	vpop (xrf0);
	v15 =	vadd.s32 v56, v15;
	vm8 =	vge.s32 v25, s19;
	v12 =	vadd.s32 v12, v54  }
0x1b8: {  	v29 =	vperm.xlane v57, v3;
	v58 =	vsel vm8, $0x1, v1;
	v32 =	vadd.s32 v12, v30;
	v59, _, _ =	vpop (xrf0)  }
0x1b9: {  	v30 =	vperm.xlane v30, v21;
	vm2 =	vge.s32 v32, s19;
	v33 =	vperm.xlane v59, v3  }
0x1ba: {  	v15 =	vadd.s32 v58, v15;
	v61 =	vperm.xlane v29, v21;
	v60 =	vsel vm2, $0x1, v1  }
0x1bb: {  	v12 =	vadd.s32 v12, v30;
	v15 =	vadd.s32 v60, v15;
	v63, _, _ =	vpop (xrf0);
	v62 =	vperm.xlane v33, v21  }
0x1bc: {  	v29 =	vadd.s32 v12, v29;
	v12 =	vadd.s32 v12, v61;
	v38 =	vperm.xlane v63, v3  }
0x1bd: {  	vm9 =	vge.s32 v29, s19;
	v33 =	vadd.s32 v12, v33;
	v12 =	vadd.s32 v12, v62  }
0x1be: {  	v53 =	vsel vm9, $0x1, v1;
	vm1 =	vge.s32 v33, s19;
	v12 =	vadd.s32 v38, v12  }
0x1bf: {  	v15 =	vadd.s32 v53, v15;
	v54 =	vsel vm1, $0x1, v1;
	vm4 =	vge.s32 v12, s19  }
0x1c0: {  	v28 =	vperm.xlane v28, v21;
	v15 =	vadd.s32 v54, v15;
	v55 =	vsel vm4, $0x1, v1  }
0x1c1: {  	v16 =	vsel vm3, v46, v16;
	vm15 =	vmneg vm0;
	v15 =	vadd.s32 v55, v15  }
0x1c2: {  	v13 =	vsel vm10, v17, v13;
	v0 =	vsel vm10, v4, v0;
	vm14 =	vgt.s32 v28, $0x0;
	(xrf0) =	vadd.scan.msk.s32 $0xffff, v15  }
0x1c3: {  	v17 =	vperm.xlane v23, v21;
	vm11 =	vmand vm15, vm14;
	vm0 =	vmor vm0, vm14  }
0x1c4: {  	v4 =	vsel vm10, v47, v16;
	vm12 =	vmand vm5, vm11;
	vm14 =	vmneg vm0  }
0x1c5: {  	vm13 =	vgt.s32 v17, $0x0;
	v13 =	vsel vm12, v24, v13;
	v56 =	vperm.xlane v56, v21  }
0x1c6: {  	v0 =	vsel vm12, v7, v0;
	v4 =	vsel vm12, v48, v4;
	vm15 =	vmand vm14, vm13  }
0x1c7: {  	vm0 =	vmor vm0, vm13;
	vm7 =	vmand vm7, vm15;
	vm12 =	vgt.s32 v56, $0x0  }
0x1c8: {  	v57 =	vperm.xlane v58, v21;
	vm5 =	vmneg vm0;
	v13 =	vsel vm7, v26, v13;
	v58, _, _ =	vpop (xrf0)  }
0x1c9: {  	v0 =	vsel vm7, v11, v0;
	vm0 =	vmor vm0, vm12;
	(v2sf) =	vpush v58, $0xF  }
0x1ca: {  	vm3 =	vmand vm5, vm12;
	v4 =	vsel vm7, v49, v4;
	vm13 =	vgt.s32 v57, $0x0  }
0x1cb: {  	vm14 =	vmneg vm0;
	vm3 =	vmand vm6, vm3;
	v60 =	vperm.xlane v60, v21  }
0x1cc: {  	vm15 =	vmand vm14, vm13;
	v59 =	vsel vm3, v14, v13;
	v0 =	vsel vm3, v5, v0  }
0x1cd: {  	v4 =	vsel vm3, v51, v4;
	vm0 =	vmor vm0, vm13;
	vm6 =	vmand vm8, vm15  }
0x1ce: {  	vm8 =	vgt.s32 v60, $0x0;
	vm5 =	vmneg vm0;
	v5 =	vsel vm6, v25, v59  }
0x1cf: {  	v61 =	vperm.xlane v53, v21;
	v0 =	vsel vm6, v9, v0;
	vm3 =	vmand vm5, vm8  }
0x1d0: {  	vm0 =	vmor vm0, vm8;
	v4 =	vsel vm6, v50, v4;
	vm2 =	vmand vm2, vm3  }
0x1d1: {  	vm11 =	vmneg vm0;
	vm10 =	vgt.s32 v61, $0x0;
	v5 =	vsel vm2, v32, v5  }
0x1d2: {  	v62 =	vperm.xlane v54, v21;
	v0 =	vsel vm2, v8, v0;
	vm12 =	vmand vm11, vm10  }
0x1d3: {  	v4 =	vsel vm2, v52, v4;
	vm0 =	vmor vm0, vm10;
	vm3 =	vmand vm9, vm12  }
0x1d4: {  	vm13 =	vgt.s32 v62, $0x0;
	vm5 =	vmneg vm0;
	v63 =	vperm.xlane v55, v21  }
0x1d5: {  	v5 =	vsel vm3, v29, v5;
	v0 =	vsel vm3, v10, v0;
	vm0 =	vmor vm0, vm13  }
0x1d6: {  	vm2 =	vmand vm5, vm13;
	vm0 =	vmneg vm0;
	vm14 =	vgt.s32 v63, $0x0  }
0x1d7: {  	v4 =	vsel vm3, v18, v4;
	vm1 =	vmand vm1, vm2;
	vm0 =	vmand vm0, vm14  }
0x1d8: {  	v0 =	vsel vm1, v6, v0;
	v4 =	vsel vm1, v37, v4;
	vm0 =	vmand vm4, vm0;
	s31 =	spop (v2sf)  }
0x1d9: {  	v5 =	vsel vm1, v33, v5;
	v0 =	vsel vm0, v22, v0;
	v4 =	vsel vm0, v39, v4;
	s18 =	sadd.s32 $0xFFFFFFFF, s31  }
0x1da: {  	v5 =	vsel vm0, v12, v5;
	v0 =	vxor.u32 $0x80000000, v0;
	vm15 =	veq.s32 v4, s18  }
0x1db: {  	v4 =	vxor.u32 $0x80000000, v5;
	v0 =	vnsel vm15, $0x80000000, v0  }
0x1dc: {  	v4 =	vnsel vm15, $0x80000000, v4;
	(xrf0) =	vmax.scan.msk.u32 $0xffff, v0  }
0x1dd: {  	v0 =	vxor.u32 $0x80000000, v20;
	(xrf0) =	vmax.scan.msk.u32 $0xffff, v4  }
0x1de: {  	(xrf0) =	vmax.scan.msk.u32 $0xffff, v0;
	_ =	sdelay $0x3  }
0x1df: {  	v0, _, _ =	vpop (xrf0)  }
0x1e0: {  	v4, _, _ =	vpop (xrf0);
	(v2sf) =	vpush v0, $0xF  }
0x1e1: {  	(v2sf) =	vpush v4, $0xF;
	v0, _, _ =	vpop (xrf0)  }
0x1e2: {  	(v2sf) =	vpush v0, $0xF;
	_ =	sdelay $0xc  }
0x1e3: {  	s20 =	spop (v2sf)  }
0x1e4: {  	s21 =	spop (v2sf)  }
0x1e5: {  	s22 =	spop (v2sf)  }
0x1e6: {  	s22 =	sxor.u32 $0x80000000, s22  }
0x1e7: {  	s23 =	sshra.s32 s22, $0x1F  }
0x1e8: {  	s23 =	sshrl.u32 s23, $0x1E  }
0x1e9: {  	s23 =	sadd.s32 s23, s22  }
0x1ea: {  	s23 =	sand.u32 $0xFFFFFFFC, s23  }
0x1eb: {  	p0 =	slt.s32 s23, $0x1  }
.Ltmp8:
0x1ec: {  	_ = 	snop;
	(pc) =	sbr.rel @p0 .LBB2_16-.Ltmp8, $2  }
0x1ed: {  	_ =	sdelay $0x2  }
0x1ee: {  	v22 =	vmov s18  }
0x1ef: {  	s25 =	simm.s32 $0x1;
	s26 =	simm.s32 $0x2  }
0x1f0: {  	v0 =	vmov s25;
	v4 =	vadd.s32 s25, v19;
	v5 =	vmov s26  }
0x1f1: {  	s31 =	simm.s32 $0x3;
	vm0 =	vlt.s32 v0, v20;
	v4 =	vand.u32 $0xFFFFFFF8, v4;
	v0 =	vand.u32 $0x5, v0  }
0x1f2: {  	v7 =	vmov s31;
	v0 =	vor.u32 v0, v4;
	v4 =	vadd.s32 s26, v19  }
0x1f3: {  	vm1 =	vlt.s32 v5, v20;
	v5 =	vand.u32 $0x6, v5;
	v4 =	vand.u32 $0xFFFFFFF8, v4  }
0x1f4: {  	vm2 =	vlt.s32 v7, v20;
	v4 =	vor.u32 v5, v4  }
0x1f5: {  	v5 =	vadd.s32 s31, v19;
	_ =	sdelay $0x2  }
0x1f6: {  	v24 =	vld.idx.msk [tilespmem:v0+s12+$0x0], vm0  }
0x1f7: {  	v4 =	vld.idx.msk [tilespmem:v4+s12+$0x0], vm1  }
0x1f8: {  	s24 =	simm.s32 $0x0;
	v5 =	vld.idx.msk [tilespmem:v5+s12+$0x0], vm2  }
0x1f9: {  	p1 =	sgt.s32 s23, $0x4;
	v7 =	vadd.s32 s24, v19  }
.Ltmp9:
0x1fa: {  	v6 =	vimm.s32 $0x0;
	v7 =	vand.u32 $0xFFFFFFF8, v7;
	v0 =	vmov s24;
	(pc) =	sbr.rel @!p1 .LBB2_15-.Ltmp9, $4  }
0x1fb: {  	vm3 =	vlt.s32 v0, v20;
	v0 =	vand.u32 $0x4, v0;
	v8 =	vshrl.u32 v24, $0x10  }
0x1fc: {  	v25 =	vor.u32 v0, v7;
	v0 =	vand.u32 $0xFF, v8;
	v7 =	vshrl.u32 v4, $0x10  }
0x1fd: {  	vm4 =	veq.s32 v0, v22;
	v0 =	vand.u32 $0xFF, v7;
	v7 =	vshrl.u32 v5, $0x10  }
0x1fe: {  	p0 =	por $0x0, $0x0;
	s24 =	simm.s32 $0x4;
	v11 =	vshrl.u32 v4, $0x8;
	vm5 =	veq.s32 v0, v22;
	v23 =	vand.u32 $0xFF, v7  }
0x1ff: {  	_ =	sdelay $0x2  }
0x200: {  	v0 =	vshrl.u32 v24, $0x8;
	v7 =	vshrl.u32 v5, $0x8  }
0x201: {  	s25 =	simm.s32 $0x5;
	vm7 =	vmmov vm0;
	vm8 =	vmmov vm1;
	vm6 =	vmmov vm2  }
0x202: {  	s26 =	simm.s32 $0x6;
	v12 =	vld.idx.msk [tilespmem:v25+s12+$0x0], vm3;
	s31 =	simm.s32 $0x7;
	v21 =	vand.u32 $0xFF, v11;
	v11 =	vadd.s32 v19, v6;
	v8 =	vmov s25  }
0x203: {  	v9 =	vadd.s32 s25, v19;
	v10 =	vmov s26;
	v13 =	vmov s31  }
0x204: {  	vm0 =	vlt.s32 v8, v20;
	v9 =	vand.u32 $0xFFFFFFF8, v9;
	v8 =	vand.u32 $0x5, v8  }
0x205: {  	vm1 =	vlt.s32 v10, v20;
	v9 =	vor.u32 v8, v9;
	v8 =	vadd.s32 s26, v19  }
0x206: {  	v10 =	vand.u32 $0x6, v10;
	vm2 =	vlt.s32 v13, v20;
	v8 =	vand.u32 $0xFFFFFFF8, v8  }
0x207: {  	v14 =	vor.u32 v10, v8;
	v8 =	vand.u32 $0xFF, v0;
	v0 =	vshrl.u32 v12, $0x10  }
0x208: {  	vm10 =	veq.s32 v23, v22;
	v13 =	vadd.s32 s31, v19;
	v0 =	vand.u32 $0xFF, v0  }
0x209: {  	v17 =	vadd.s32 s24, v19;
	v10 =	vshrl.u32 v12, $0x8;
	vm9 =	veq.s32 v0, v22  }
0x20a: {  	vm7 =	vmand vm7, vm4;
	v15 =	vand.u32 $0xFF, v10;
	v10 =	vld.idx.msk [tilespmem:v9+s12+$0x0], vm0;
	vm9 =	vmand vm3, vm9  }
0x20b: {  	vm8 =	vmand vm8, vm5;
	vm6 =	vmand vm6, vm10;
	v9 =	vsel vm9, $0x1, v1  }
0x20c: {  	v16 =	vsel vm7, $0x1, v1;
	v0 =	vld.idx.msk [tilespmem:v14+s12+$0x0], vm1;
	v14 =	vmov s24;
	v6 =	vadd.s32 v9, v6  }
0x20d: {  	v9 =	vld.idx.msk [tilespmem:v13+s12+$0x0], vm2;
	v13 =	vand.u32 $0xFFFFFFF8, v17;
	vm3 =	vlt.s32 v14, v20;
	v17 =	vadd.s32 v19, v6  }
0x20e: {  	p1 =	sgt.s32 s23, $0x8;
	v14 =	vand.u32 $0x4, v14;
	v6 =	vadd.s32 v16, v6;
	v16 =	vsel vm6, $0x1, v1  }
.Ltmp10:
0x20f: {  	v25 =	vor.u32 v14, v13;
	v14 =	vsel vm8, $0x1, v1;
	v13 =	vshrl.u32 v10, $0x10;
	(pc) =	sbr.rel @!p1 .LBB2_35-.Ltmp10, $4  }
0x210: {  	v26 =	vadd.s32 v19, v6;
	v14 =	vadd.s32 v14, v6;
	v13 =	vand.u32 $0xFF, v13  }
0x211: {  	[tilespmem:v11+s13+$0x0] =	vst.idx.msk vm9, v12;
	v12 =	vadd.s32 v19, v14;
	vm4 =	veq.s32 v13, v22;
	v6 =	vshrl.u32 v0, $0x10  }
0x212: {  	[tilespmem:v15+s10+$0x0] =	vst.idx.add.s32.msk vm9, v2;
	v13 =	vshrl.u32 v9, $0x10;
	v11 =	vand.u32 $0xFF, v6;
	v6 =	vadd.s32 v16, v14  }
0x213: {  	p0 =	por $0x1, $0x1;
	s24 =	simm.s32 $0x8;
	v23 =	vand.u32 $0xFF, v13;
	[tilespmem:v17+s13+$0x0] =	vst.idx.msk vm7, v24;
	vm5 =	veq.s32 v11, v22;
	v11 =	vshrl.u32 v0, $0x8  }
.LBB2_36:
0x214: {  	s25 =	sadd.s32 $0x1, s24;
	v14 =	vshrl.u32 v10, $0x8;
	v15 =	vand.u32 $0xFF, v7;
	v7 =	vshrl.u32 v9, $0x8  }
0x215: {  	s26 =	sadd.s32 $0x2, s24;
	v13 =	vld.idx.msk [tilespmem:v25+s12+$0x0], vm3;
	vm10 =	vmmov vm0;
	vm11 =	vmmov vm1;
	vm9 =	vmmov vm2;
	s28 =	smov.u32 s24;
	s24 =	sadd.s32 $0x4, s24  }
0x216: {  	v16 =	vmov s25;
	v17 =	vadd.s32 s25, v19;
	v24 =	vmov s26;
	p1 =	slt.s32 s24, s23;
	[tilespmem:v26+s13+$0x0] =	vst.idx.msk vm8, v4;
	v4 =	vmovc v0  }
0x217: {  	vm0 =	vlt.s32 v16, v20;
	v0 =	vand.u32 $0xFFFFFFF8, v17;
	v16 =	vand.u32 $0x5, v16;
	[tilespmem:v21+s10+$0x0] =	vst.idx.add.s32.msk vm8, v2  }
0x218: {  	s25 =	sadd.s32 $0x3, s28;
	vm1 =	vlt.s32 v24, v20;
	v0 =	vor.u32 v16, v0;
	v16 =	vadd.s32 s26, v19;
	[tilespmem:v8+s10+$0x0] =	vst.idx.add.s32.msk vm7, v2  }
0x219: {  	v17 =	vmov s25;
	v8 =	vand.u32 $0xFFFFFFF8, v16;
	v16 =	vand.u32 $0x6, v24;
	[tilespmem:v12+s13+$0x0] =	vst.idx.msk vm6, v5;
	v5 =	vmovc v9  }
0x21a: {  	vm2 =	vlt.s32 v17, v20;
	v9 =	vor.u32 v16, v8;
	v8 =	vand.u32 $0xFF, v14;
	[tilespmem:v15+s10+$0x0] =	vst.idx.add.s32.msk vm6, v2  }
0x21b: {  	v12 =	vadd.s32 s25, v19;
	v14 =	vshrl.u32 v13, $0x10;
	v15 =	vshrl.u32 v13, $0x8  }
0x21c: {  	v21 =	vand.u32 $0xFF, v11;
	v14 =	vand.u32 $0xFF, v14;
	v15 =	vand.u32 $0xFF, v15  }
0x21d: {  	vm13 =	veq.s32 v23, v22;
	v11 =	vadd.s32 v19, v6;
	vm6 =	veq.s32 v14, v22;
	v16 =	vld.idx.msk [tilespmem:v0+s12+$0x0], vm0  }
0x21e: {  	vm8 =	vmand vm11, vm5;
	vm7 =	vmand vm10, vm4;
	vm12 =	vmand vm3, vm6  }
0x21f: {  	v17 =	vsel vm7, $0x1, v1;
	vm6 =	vmand vm9, vm13;
	v14 =	vsel vm12, $0x1, v1;
	v0 =	vld.idx.msk [tilespmem:v9+s12+$0x0], vm1  }
0x220: {  	v23 =	vmov s28;
	v24 =	vadd.s32 s28, v19;
	v6 =	vadd.s32 v14, v6;
	v9 =	vld.idx.msk [tilespmem:v12+s12+$0x0], vm2  }
0x221: {  	vm3 =	vlt.s32 v23, v20;
	v12 =	vand.u32 $0xFFFFFFF8, v24;
	v14 =	vadd.s32 v19, v6  }
0x222: {  	v23 =	vand.u32 $0x4, v23;
	v6 =	vadd.s32 v17, v6;
	v17 =	vsel vm6, $0x1, v1  }
.Ltmp11:
0x223: {  	v25 =	vor.u32 v23, v12;
	v23 =	vsel vm8, $0x1, v1;
	v12 =	vshrl.u32 v16, $0x10;
	(pc) =	sbr.rel @p1 .LBB2_36-.Ltmp11, $4  }
0x224: {  	v26 =	vadd.s32 v19, v6;
	v6 =	vadd.s32 v23, v6;
	v12 =	vand.u32 $0xFF, v12;
	[tilespmem:v11+s13+$0x0] =	vst.idx.msk vm12, v13  }
0x225: {  	vm4 =	veq.s32 v12, v22;
	v11 =	vshrl.u32 v0, $0x10;
	v12 =	vadd.s32 v19, v6;
	[tilespmem:v15+s10+$0x0] =	vst.idx.add.s32.msk vm12, v2  }
0x226: {  	v6 =	vadd.s32 v17, v6;
	v11 =	vand.u32 $0xFF, v11;
	v13 =	vshrl.u32 v9, $0x10  }
0x227: {  	vm5 =	veq.s32 v11, v22;
	v11 =	vshrl.u32 v0, $0x8;
	v23 =	vand.u32 $0xFF, v13;
	[tilespmem:v14+s13+$0x0] =	vst.idx.msk vm7, v10;
	v10 =	vmovc v16  }
0x228: {  	v13 =	vmov v4;
	v24 =	vmov v10;
	v4 =	vmov v0  }
.LBB2_38:
0x229: {  	_ =	sdelay $0x4  }
0x22a: {  	v0 =	vld.idx.msk [tilespmem:v25+s12+$0x0], vm3;
	_ =	sdelay $0x4  }
0x22b: {  	v10 =	vshrl.u32 v0, $0x10  }
0x22c: {  	v10 =	vand.u32 $0xFF, v10  }
0x22d: {  	v7 =	vand.u32 @p0 $0xFF, v7;
	vm0 =	vmmov vm0;
	vm9 =	veq.s32 v10, v22  }
0x22e: {  	vm1 =	vmmov vm1;
	v55 =	vadd.s32 v19, v6;
	vm14 =	vmand vm3, vm9  }
0x22f: {  	[tilespmem:v26+s13+$0x0] =	vst.idx.msk @p0 vm8, v13;
	vm0 =	vmand vm0, vm4;
	v54 =	vshrl.u32 v0, $0x8;
	v14 =	vsel vm14, $0x1, v1  }
0x230: {  	[tilespmem:v8+s10+$0x0] =	vst.idx.add.s32.msk @p0 vm7, v2;
	v15 =	vsel vm0, $0x1, v1;
	v10 =	vand.u32 $0xFF, v54;
	v56 =	vadd.s32 v14, v6  }
0x231: {  	[tilespmem:v12+s13+$0x0] =	vst.idx.msk @p0 vm6, v5;
	vm1 =	vmand vm1, vm5;
	v57 =	vadd.s32 v19, v56;
	v6 =	vadd.s32 v15, v56  }
0x232: {  	v58 =	vshrl.u32 v24, $0x8;
	vm2 =	vmmov vm2;
	[tilespmem:v21+s10+$0x0] =	vst.idx.add.s32.msk @p0 vm8, v2;
	v5 =	vadd.s32 v19, v6  }
0x233: {  	vm15 =	veq.s32 v23, v22;
	v61 =	vand.u32 $0xFF, v58;
	v60 =	vsel vm1, $0x1, v1;
	[tilespmem:v7+s10+$0x0] =	vst.idx.add.s32.msk @p0 vm6, v2  }
0x234: {  	v59 =	vand.u32 $0xFF, v11;
	vm2 =	vmand vm2, vm15;
	[tilespmem:v55+s13+$0x0] =	vst.idx.msk vm14, v0;
	v0 =	vadd.s32 v60, v6  }
0x235: {  	v62 =	vshrl.u32 v9, $0x8;
	[tilespmem:v10+s10+$0x0] =	vst.idx.add.s32.msk vm14, v2;
	v63 =	vadd.s32 v19, v0  }
0x236: {  	v6 =	vand.u32 $0xFF, v62;
	[tilespmem:v57+s13+$0x0] =	vst.idx.msk vm0, v24  }
0x237: {  	[tilespmem:v5+s13+$0x0] =	vst.idx.msk vm1, v4  }
0x238: {  	[tilespmem:v61+s10+$0x0] =	vst.idx.add.s32.msk vm0, v2  }
0x239: {  	[tilespmem:v59+s10+$0x0] =	vst.idx.add.s32.msk vm1, v2  }
0x23a: {  	v4 =	vsel vm2, $0x1, v1;
	[tilespmem:v63+s13+$0x0] =	vst.idx.msk vm2, v9  }
0x23b: {  	v21 =	vadd.s32 v4, v0;
	[tilespmem:v6+s10+$0x0] =	vst.idx.add.s32.msk vm2, v2  }
.LBB2_16:
0x23c: {  	p0 =	sge.s32 s23, s22  }
.Ltmp12:
0x23d: {  	_ = 	snop;
	(pc) =	sbr.rel @p0 .LBB2_19-.Ltmp12, $1  }
0x23e: {  	_ =	sdelay $0x3  }
0x23f: {  	s23 =	ssub.s32 s22, s23  }
0x240: {  	s23 =	ssub.s32 $0x0, s23  }
.LBB2_18:
0x241: {  	s24 =	sadd.s32 s23, s22  }
0x242: {  	v0 =	vmov s24  }
0x243: {  	vm0 =	vlt.s32 v0, v20  }
0x244: {  	v0 =	vadd.s32 s24, v19;
	_ =	sdelay $0x4  }
0x245: {  	v0 =	vld.idx.msk [tilespmem:v0+s12+$0x0], vm0;
	_ =	sdelay $0x4  }
0x246: {  	v4 =	vshrl.u32 v0, $0x10  }
0x247: {  	v4 =	vand.u32 $0xFF, v4  }
0x248: {  	vm1 =	veq.s32 v4, v22  }
0x249: {  	vm0 =	vmand vm0, vm1  }
0x24a: {  	s23 =	sadd.s32 $0x1, s23;
	v5 =	vshrl.u32 v0, $0x8;
	v4 =	vadd.s32 v19, v21  }
0x24b: {  	p0 =	seq.s32 s23, $0x0;
	v5 =	vand.u32 $0xFF, v5  }
.Ltmp13:
0x24c: {  	_ = 	snop;
	(pc) =	sbr.rel @!p0 .LBB2_18-.Ltmp13, $3  }
0x24d: {  	_ =	sdelay $0x1  }
0x24e: {  	[tilespmem:v4+s13+$0x0] =	vst.idx.msk vm0, v0;
	v0 =	vsel vm0, $0x1, v1  }
0x24f: {  	[tilespmem:v5+s10+$0x0] =	vst.idx.add.s32.msk vm0, v2;
	v21 =	vadd.s32 v0, v21  }
.LBB2_19:
0x250: {  	s20 =	sxor.u32 $0x80000000, s20;
	s21 =	sxor.u32 $0x80000000, s21  }
0x251: {  	s20 =	ssub.s32 s20, s21  }
0x252: {  	s19 =	sadd.s32 s19, s20;
	s20 =	simm.s32 $0x0  }
0x253: {  	s21 =	simm.s32 $0x40;
	v0 =	vld [tilespmem:s20+$0x8000];
	[tilespmem:s20+$0x8000] =	vst v1  }
.LBB2_20:
0x254: {  	p0 =	sne.s32 s21, $0x3C0  }
.Ltmp14:
0x255: {  	_ = 	snop;
	(pc) =	sbr.rel @p0 .LBB2_20-.Ltmp14, $3  }
0x256: {  	_ =	sdelay $0x1  }
0x257: {  	[tilespmem:s20+$0x8100] =	vst v0;
	s20 =	sshra.s32 s21, $0x2;
	s21 =	sadd.s32 $0x40, s21  }
0x258: {  	v0 =	vld [tilespmem:s20+$0x8000];
	[tilespmem:s20+$0x8000] =	vst v1  }
0x259: {  	_ =	sdelay $0x3  }
0x25a: {  	[tilespmem:s20+$0x8100] =	vst v0  }
0x25b: {  	v0 =	vld [tilespmem:$0x81F0];
	_ =	sdelay $0x1  }
0x25c: {  	v4 =	vld [tilespmem:$0x81E0];
	_ =	sdelay $0x2  }
0x25d: {  	v5 =	vperm.xlane v0, v3;
	_ =	sdelay $0x1  }
0x25e: {  	v6 =	vperm.xlane v4, v3;
	(xrf0) =	vadd.scan.msk.s32 $0xffff, v5;
	v5 =	vld [tilespmem:$0x81D0];
	_ =	sdelay $0x1  }
0x25f: {  	(xrf0) =	vadd.scan.msk.s32 $0xffff, v6;
	_ =	sdelay $0x2  }
0x260: {  	v8 =	vld [tilespmem:$0x81C0];
	v32 =	vperm.xlane v5, v3  }
0x261: {  	v34 =	vld [tilespmem:$0x81B0];
	v7, _, _ =	vpop (xrf0)  }
0x262: {  	v38 =	vld [tilespmem:$0x81A0];
	v7 =	vperm.xlane v7, v3;
	(xrf0) =	vadd.scan.msk.s32 $0xffff, v32  }
0x263: {  	v33, _, _ =	vpop (xrf0)  }
0x264: {  	v6 =	vperm.xlane v33, v3;
	vm0 =	vge.s32 v7, s19;
	v10 =	vperm.xlane v7, v1  }
0x265: {  	v12 =	vperm.xlane v8, v3;
	v9 =	vsel vm0, $0x1, v1  }
0x266: {  	v20 =	vperm.xlane v34, v3;
	v11 =	vperm.xlane v9, v1;
	v13 =	vadd.s32 v10, v6  }
0x267: {  	v54 =	vperm.xlane v38, v3;
	v6 =	vperm.xlane v6, v1;
	vm2 =	vge.s32 v13, s19  }
0x268: {  	vm1 =	vle.s32 v11, $0x0;
	v14, _, _ =	vpop (xrf0);
	(xrf0) =	vadd.scan.msk.s32 $0xffff, v12;
	vm3 =	vgt.s32 v11, $0x0;
	v35 =	vsel vm2, $0x1, v1  }
0x269: {  	v6 =	vadd.s32 v10, v6;
	v14 =	vperm.xlane v14, v3;
	vm0 =	vmand vm0, vm3  }
0x26a: {  	v36 =	vperm.xlane v35, v1;
	v9 =	vadd.s32 v9, v35;
	(xrf0) =	vadd.scan.msk.s32 $0xffff, v20;
	v7 =	vnsel vm0, $0x0, v7  }
0x26b: {  	v0 =	vnsel vm0, $0x0, v0;
	v16 =	vnsel vm0, $0x0, v40;
	v15 =	vadd.s32 v6, v14  }
0x26c: {  	vm8 =	vgt.s32 v36, $0x0;
	v14 =	vperm.xlane v14, v1;
	vm4 =	vge.s32 v15, s19  }
0x26d: {  	vm1 =	vmand vm1, vm8;
	vm0 =	vmor vm3, vm8;
	v17 =	vsel vm4, $0x1, v1  }
0x26e: {  	vm1 =	vmand vm2, vm1;
	v6 =	vadd.s32 v6, v14;
	vm3 =	vmneg vm0;
	v23, _, _ =	vpop (xrf0)  }
0x26f: {  	v22 =	vperm.xlane v17, v1;
	v7 =	vsel vm1, v13, v7;
	(xrf0) =	vadd.scan.msk.s32 $0xffff, v54;
	v39 =	vperm.xlane v23, v3  }
0x270: {  	v0 =	vsel vm1, v4, v0;
	v16 =	vsel vm1, v41, v16;
	v9 =	vadd.s32 v17, v9;
	v4 =	vld [tilespmem:$0x8190];
	v56, _, _ =	vpop (xrf0)  }
0x271: {  	vm9 =	vgt.s32 v22, $0x0;
	v11 =	vperm.xlane v56, v3;
	v53 =	vadd.s32 v6, v39  }
0x272: {  	vm3 =	vmand vm3, vm9;
	vm0 =	vmor vm0, vm9;
	vm5 =	vge.s32 v53, s19  }
0x273: {  	vm10 =	vmand vm4, vm3;
	vm12 =	vmneg vm0;
	v20 =	vsel vm5, $0x1, v1  }
0x274: {  	v7 =	vsel vm10, v15, v7;
	v0 =	vsel vm10, v5, v0;
	v5 =	vperm.xlane v39, v1  }
0x275: {  	v57 =	vsel vm10, v42, v16;
	v17 =	vperm.xlane v4, v3;
	v55 =	vperm.xlane v20, v1;
	v16, _, _ =	vpop (xrf0)  }
0x276: {  	v9 =	vadd.s32 v20, v9;
	v6 =	vadd.s32 v6, v5;
	v5 =	vld [tilespmem:$0x8180];
	v16 =	vperm.xlane v16, v3  }
0x277: {  	vm11 =	vgt.s32 v55, $0x0;
	v58 =	vadd.s32 v6, v11;
	v11 =	vperm.xlane v11, v1  }
0x278: {  	(xrf0) =	vadd.scan.msk.s32 $0xffff, v17;
	vm13 =	vmand vm12, vm11;
	vm14 =	vge.s32 v58, s19;
	vm0 =	vmor vm0, vm11  }
0x279: {  	v26 =	vperm.xlane v16, v1;
	vm1 =	vmand vm5, vm13;
	v59 =	vsel vm14, $0x1, v1  }
0x27a: {  	v60 =	vadd.s32 v6, v11;
	vm8 =	vmneg vm0;
	v7 =	vsel vm1, v53, v7  }
0x27b: {  	v61 =	vperm.xlane v59, v1;
	v17 =	vadd.s32 v60, v16;
	v62 =	vperm.xlane v5, v3  }
0x27c: {  	v0 =	vsel vm1, v8, v0;
	v63 =	vsel vm1, v43, v57;
	vm9 =	vge.s32 v17, s19  }
0x27d: {  	v9 =	vadd.s32 v59, v9;
	vm15 =	vgt.s32 v61, $0x0;
	v24 =	vsel vm9, $0x1, v1;
	(xrf0) =	vadd.scan.msk.s32 $0xffff, v62  }
0x27e: {  	v11 =	vld [tilespmem:$0x8170];
	v8 =	vadd.s32 v60, v26;
	v27, _, _ =	vpop (xrf0);
	vm10 =	vmand vm8, vm15;
	v25 =	vperm.xlane v24, v1  }
0x27f: {  	vm0 =	vmor vm0, vm15;
	v13 =	vperm.xlane v27, v3;
	v9 =	vadd.s32 v24, v9  }
0x280: {  	v6 =	vld [tilespmem:$0x8160];
	vm1 =	vmand vm14, vm10;
	vm12 =	vmneg vm0;
	vm11 =	vgt.s32 v25, $0x0  }
0x281: {  	v7 =	vsel vm1, v58, v7;
	v0 =	vsel vm1, v34, v0;
	vm13 =	vmand vm12, vm11  }
0x282: {  	v28 =	vsel vm1, v44, v63;
	v29 =	vperm.xlane v13, v1;
	vm1 =	vmand vm9, vm13  }
0x283: {  	v13 =	vadd.s32 v8, v13;
	v12 =	vsel vm1, v17, v7;
	v17 =	vperm.xlane v11, v3;
	v7 =	vld [tilespmem:$0x8150];
	v16, _, _ =	vpop (xrf0)  }
0x284: {  	vm14 =	vge.s32 v13, s19;
	vm0 =	vmor vm0, vm11;
	v30 =	vperm.xlane v16, v3  }
0x285: {  	v10 =	vld [tilespmem:$0x8120];
	v14 =	vadd.s32 v8, v29;
	v31 =	vsel vm14, $0x1, v1;
	(xrf0) =	vadd.scan.msk.s32 $0xffff, v17;
	v17 =	vperm.xlane v6, v3  }
0x286: {  	v22 =	vld [tilespmem:$0x8140];
	vm9 =	vmneg vm0;
	v0 =	vsel vm1, v38, v0;
	v16 =	vadd.s32 v14, v30  }
0x287: {  	v8 =	vld [tilespmem:$0x8110];
	v15 =	vsel vm1, v45, v28;
	v20 =	vperm.xlane v31, v1;
	(xrf0) =	vadd.scan.msk.s32 $0xffff, v17;
	vm15 =	vge.s32 v16, s19  }
0x288: {  	v23 =	vadd.s32 v31, v9;
	v9 =	vld [tilespmem:$0x8130];
	v32 =	vperm.xlane v7, v3;
	v24 =	vsel vm15, $0x1, v1  }
0x289: {  	vm8 =	vgt.s32 v20, $0x0;
	v20 =	vperm.xlane v30, v1;
	v17 =	vperm.xlane v24, v1  }
0x28a: {  	v38 =	vperm.xlane v10, v3;
	vm4 =	vmand vm9, vm8;
	vm3 =	vmor vm0, vm8;
	(xrf0) =	vadd.scan.msk.s32 $0xffff, v32  }
0x28b: {  	vm6 =	vmneg vm3;
	v33, _, _ =	vpop (xrf0);
	vm10 =	vgt.s32 v17, $0x0;
	v17 =	vperm.xlane v22, v3  }
0x28c: {  	vm0 =	vmand vm14, vm4;
	v29 =	vperm.xlane v8, v3;
	v25 =	vperm.xlane v33, v3  }
0x28d: {  	v35 =	vperm.xlane v9, v3;
	v12 =	vsel vm0, v13, v12;
	v14 =	vadd.s32 v14, v20;
	v20, _, _ =	vpop (xrf0);
	(xrf0) =	vadd.scan.msk.s32 $0xffff, v17  }
0x28e: {  	v0 =	vsel vm0, v4, v0;
	v34 =	vperm.xlane v25, v1;
	v26 =	vperm.xlane v20, v3;
	v20 =	vld [tilespmem:$0x8100]  }
0x28f: {  	v23 =	vadd.s32 v24, v23;
	vm11 =	vmand vm6, vm10;
	v17 =	vadd.s32 v14, v25;
	(xrf0) =	vadd.scan.msk.s32 $0xffff, v35  }
0x290: {  	vm3 =	vmor vm3, vm10;
	vm8 =	vge.s32 v17, s19;
	v14 =	vadd.s32 v14, v34;
	v36, _, _ =	vpop (xrf0)  }
0x291: {  	v27 =	vsel vm8, $0x1, v1;
	v28 =	vadd.s32 v14, v26;
	v24 =	vperm.xlane v36, v3  }
0x292: {  	(xrf0) =	vadd.scan.msk.s32 $0xffff, v38;
	v23 =	vadd.s32 v27, v23;
	v26 =	vperm.xlane v26, v1;
	vm2 =	vge.s32 v28, s19  }
0x293: {  	v39 =	vperm.xlane v27, v1;
	v27 =	vsel vm2, $0x1, v1;
	v54 =	vperm.xlane v20, v3;
	v31, _, _ =	vpop (xrf0);
	(xrf0) =	vadd.scan.msk.s32 $0xffff, v29  }
0x294: {  	v30 =	vperm.xlane v24, v1;
	v14 =	vadd.s32 v14, v26;
	v53 =	vperm.xlane v31, v3  }
0x295: {  	vm1 =	vmand vm15, vm11;
	v23 =	vadd.s32 v27, v23;
	v24 =	vadd.s32 v14, v24;
	v56, _, _ =	vpop (xrf0);
	(xrf0) =	vadd.scan.msk.s32 $0xffff, v54  }
0x296: {  	vm7 =	vge.s32 v24, s19;
	v14 =	vadd.s32 v14, v30;
	v55 =	vperm.xlane v53, v1  }
0x297: {  	v57 =	vsel vm7, $0x1, v1;
	v30 =	vperm.xlane v56, v3;
	v26 =	vadd.s32 v14, v53  }
0x298: {  	v58, _, _ =	vpop (xrf0);
	v23 =	vadd.s32 v57, v23;
	vm10 =	vge.s32 v26, s19;
	v14 =	vadd.s32 v14, v55  }
0x299: {  	v25 =	vperm.xlane v58, v3;
	v59 =	vsel vm10, $0x1, v1;
	v32 =	vadd.s32 v14, v30;
	v33, _, _ =	vpop (xrf0)  }
0x29a: {  	v30 =	vperm.xlane v30, v1;
	vm6 =	vge.s32 v32, s19;
	v33 =	vperm.xlane v33, v3  }
0x29b: {  	v35 =	vperm.xlane v25, v1;
	v23 =	vadd.s32 v59, v23;
	v36, _, _ =	vpop (xrf0);
	v34 =	vsel vm6, $0x1, v1  }
0x29c: {  	v14 =	vadd.s32 v14, v30;
	v61 =	vperm.xlane v36, v3;
	v60 =	vperm.xlane v33, v1  }
0x29d: {  	v23 =	vadd.s32 v34, v23;
	v25 =	vadd.s32 v14, v25;
	v14 =	vadd.s32 v14, v35  }
0x29e: {  	vm9 =	vge.s32 v25, s19;
	v33 =	vadd.s32 v14, v33;
	v14 =	vadd.s32 v14, v60  }
0x29f: {  	v62 =	vsel vm9, $0x1, v1;
	vm4 =	vge.s32 v33, s19;
	v14 =	vadd.s32 v61, v14  }
0x2a0: {  	v23 =	vadd.s32 v62, v23;
	v63 =	vsel vm4, $0x1, v1;
	vm5 =	vge.s32 v14, s19  }
0x2a1: {  	vm12 =	vmneg vm3;
	v23 =	vadd.s32 v63, v23;
	v53 =	vsel vm5, $0x1, v1  }
0x2a2: {  	v0 =	vsel vm1, v5, v0;
	vm11 =	vgt.s32 v39, $0x0;
	v54 =	vadd.s32 v53, v23  }
0x2a3: {  	vm12 =	vmand vm12, vm11;
	v5 =	vperm.xlane v27, v1;
	vm3 =	vmor vm3, vm11;
	(xrf0) =	vadd.scan.msk.s32 $0xffff, v54  }
0x2a4: {  	v4 =	vsel vm1, v16, v12;
	vm8 =	vmand vm8, vm12;
	vm14 =	vmneg vm3  }
0x2a5: {  	v4 =	vsel vm8, v17, v4;
	v56 =	vsel vm0, v46, v15;
	vm12 =	vgt.s32 v5, $0x0  }
0x2a6: {  	v0 =	vsel vm8, v11, v0;
	v5 =	vsel vm1, v47, v56;
	vm1 =	vmand vm14, vm12  }
0x2a7: {  	vm0 =	vmor vm3, vm12;
	vm1 =	vmand vm2, vm1;
	v55 =	vperm.xlane v57, v1  }
0x2a8: {  	v5 =	vsel vm8, v48, v5;
	vm3 =	vmneg vm0;
	v4 =	vsel vm1, v28, v4  }
0x2a9: {  	v0 =	vsel vm1, v6, v0;
	v57 =	vperm.xlane v59, v1;
	vm13 =	vgt.s32 v55, $0x0;
	v58, _, _ =	vpop (xrf0)  }
0x2aa: {  	v5 =	vsel vm1, v49, v5;
	vm0 =	vmor vm0, vm13;
	(v2sf) =	vpush v58, $0xF  }
0x2ab: {  	vm8 =	vgt.s32 v57, $0x0;
	vm3 =	vmand vm3, vm13;
	vm15 =	vmneg vm0  }
0x2ac: {  	vm12 =	vmand vm7, vm3;
	v59 =	vperm.xlane v34, v1;
	vm0 =	vmor vm0, vm8  }
0x2ad: {  	vm13 =	vmand vm15, vm8;
	v4 =	vsel vm12, v24, v4;
	v0 =	vsel vm12, v7, v0  }
0x2ae: {  	v5 =	vsel vm12, v51, v5;
	vm15 =	vmneg vm0;
	vm3 =	vmand vm10, vm13  }
0x2af: {  	vm14 =	vgt.s32 v59, $0x0;
	v4 =	vsel vm3, v26, v4;
	v0 =	vsel vm3, v22, v0  }
0x2b0: {  	v60 =	vperm.xlane v62, v1;
	vm0 =	vmor vm0, vm14;
	vm1 =	vmand vm15, vm14  }
0x2b1: {  	v5 =	vsel vm3, v50, v5;
	vm11 =	vmneg vm0;
	vm1 =	vmand vm6, vm1  }
0x2b2: {  	v61 =	vperm.xlane v63, v1;
	v63 =	vlaneseq.u32;
	vm10 =	vgt.s32 v60, $0x0  }
0x2b3: {  	v4 =	vsel vm1, v32, v4;
	v0 =	vsel vm1, v9, v0;
	v5 =	vsel vm1, v52, v5  }
0x2b4: {  	vm2 =	vmand vm11, vm10;
	vm12 =	vgt.s32 v61, $0x0;
	vm0 =	vmor vm0, vm10  }
0x2b5: {  	v62 =	vperm.xlane v53, v1;
	vm2 =	vmand vm9, vm2;
	vm13 =	vmneg vm0  }
0x2b6: {  	vm0 =	vmor vm0, vm12;
	v4 =	vsel vm2, v25, v4;
	v0 =	vsel vm2, v10, v0  }
0x2b7: {  	vm1 =	vmand vm13, vm12;
	vm14 =	vgt.s32 v62, $0x0;
	vm0 =	vmneg vm0  }
0x2b8: {  	v5 =	vsel vm2, v18, v5;
	vm1 =	vmand vm4, vm1;
	vm0 =	vmand vm0, vm14  }
0x2b9: {  	v0 =	vsel vm1, v8, v0;
	v5 =	vsel vm1, v37, v5;
	vm0 =	vmand vm5, vm0;
	s31 =	spop (v2sf)  }
0x2ba: {  	v4 =	vsel vm1, v33, v4;
	v0 =	vsel vm0, v20, v0;
	v5 =	vsel vm0, v63, v5;
	s20 =	sadd.s32 $0xFFFFFFFF, s31  }
0x2bb: {  	v4 =	vsel vm0, v14, v4;
	v0 =	vxor.u32 $0x80000000, v0;
	vm15 =	veq.s32 v5, s20  }
0x2bc: {  	v4 =	vxor.u32 $0x80000000, v4;
	v0 =	vnsel vm15, $0x80000000, v0  }
0x2bd: {  	(xrf0) =	vmax.scan.msk.u32 $0xffff, v0;
	v0 =	vnsel vm15, $0x80000000, v4  }
0x2be: {  	(xrf0) =	vmax.scan.msk.u32 $0xffff, v0;
	v0 =	vxor.u32 $0x80000000, v21  }
0x2bf: {  	(xrf0) =	vmax.scan.msk.u32 $0xffff, v0;
	_ =	sdelay $0x3  }
0x2c0: {  	v0, _, _ =	vpop (xrf0)  }
0x2c1: {  	v4, _, _ =	vpop (xrf0);
	(v2sf) =	vpush v0, $0xF  }
0x2c2: {  	(v2sf) =	vpush v4, $0xF;
	v0, _, _ =	vpop (xrf0)  }
0x2c3: {  	(v2sf) =	vpush v0, $0xF;
	_ =	sdelay $0xc  }
0x2c4: {  	s21 =	spop (v2sf)  }
0x2c5: {  	s22 =	spop (v2sf)  }
0x2c6: {  	s23 =	spop (v2sf)  }
0x2c7: {  	s23 =	sxor.u32 $0x80000000, s23  }
0x2c8: {  	p0 =	sgt.s32 s23, $0x0  }
.Ltmp15:
0x2c9: {  	_ = 	snop;
	(pc) =	sbr.rel @!p0 .LBB2_22-.Ltmp15, $1  }
0x2ca: {  	_ =	sdelay $0x3  }
0x2cb: {  	p3 =	seq.s32 s23, $0x1  }
.Ltmp16:
0x2cc: {  	_ = 	snop;
	(pc) =	sbr.rel @p3 .LBB2_40-.Ltmp16, $4  }
0x2cd: {  	_ = 	snop  }
0x2ce: {  	s25 =	simm.s32 $0x0  }
0x2cf: {  	s24 =	simm.s32 $0x1;
	v0 =	vmov s25  }
0x2d0: {  	v4 =	vmov s20;
	p0 =	por $0x0, $0x0;
	p1 =	por $0x0, $0x0;
	p2 =	por $0x0, $0x0;
	v5 =	vadd.s32 s25, v19;
	vm5 =	vlt.s32 v0, v21  }
0x2d1: {  	p3 =	seq.s32 s23, $0x2  }
.Ltmp17:
0x2d2: {  	_ = 	snop;
	(pc) =	sbr.rel @p3 .LBB2_42-.Ltmp17, $3  }
0x2d3: {  	_ =	sdelay $0x1  }
0x2d4: {  	v6 =	vmov s24  }
0x2d5: {  	v0 =	vld.idx.msk [tilespmem:v5+s13+$0x0], vm5;
	s26 =	simm.s32 $0x2;
	vm0 =	vmmov vm5;
	v5 =	vadd.s32 s24, v19;
	p0 =	por $0x1, $0x1;
	vm5 =	vlt.s32 v6, v21  }
0x2d6: {  	_ =	sdelay $0x1  }
0x2d7: {  	p3 =	seq.s32 s23, $0x3  }
.Ltmp18:
0x2d8: {  	_ = 	snop;
	(pc) =	sbr.rel @p3 .LBB2_44-.Ltmp18, $4  }
0x2d9: {  	_ = 	snop  }
0x2da: {  	vm1 =	vmmov vm0;
	v6 =	vld.idx.msk [tilespmem:v5+s13+$0x0], vm5;
	v7 =	vshrl.u32 v0, $0x8  }
0x2db: {  	vm0 =	vmmov vm5;
	v8 =	vmov s26;
	v7 =	vand.u32 $0xFF, v7  }
0x2dc: {  	s25 =	simm.s32 $0x3;
	v5 =	vadd.s32 s26, v19;
	p1 =	por $0x1, $0x1;
	vm5 =	vlt.s32 v8, v21;
	vm3 =	veq.s32 v7, v4  }
0x2dd: {  	p3 =	seq.s32 s23, $0x4  }
.Ltmp19:
0x2de: {  	vm2 =	vmand vm1, vm3;
	(pc) =	sbr.rel @p3 .LBB2_46-.Ltmp19, $4  }
0x2df: {  	v7 =	vand.u32 $0xFF, v0  }
0x2e0: {  	vm4 =	vmmov vm0;
	v9 =	vshrl.u32 v6, $0x8  }
0x2e1: {  	vm0 =	vmmov vm5;
	v10 =	vmov s25;
	v9 =	vand.u32 $0xFF, v9  }
0x2e2: {  	v8 =	vld.idx.msk [tilespmem:v5+s13+$0x0], vm5;
	s24 =	simm.s32 $0x4;
	v5 =	vadd.s32 s25, v19;
	p2 =	por $0x1, $0x1;
	vm5 =	vlt.s32 v10, v21;
	vm6 =	veq.s32 v9, v4  }
.LBB2_47:
0x2e3: {  	s25 =	smov.u32 s24;
	s24 =	sadd.s32 $0x1, s24  }
0x2e4: {  	[tilespmem:v7+s10+$0x0] =	vst.idx.add.s32.msk vm2, v2;
	vm2 =	vmand vm4, vm6;
	vm4 =	vmmov vm0;
	vm0 =	vmmov vm5;
	p3 =	seq.s32 s23, s24  }
.Ltmp20:
0x2e5: {  	v7 =	vand.u32 $0xFF, v6;
	(pc) =	sbr.rel @!p3 .LBB2_47-.Ltmp20, $4  }
0x2e6: {  	v9 =	vmov s25  }
0x2e7: {  	v10 =	vshrl.u32 v8, $0x8;
	v6 =	vmov v8;
	v8 =	vld.idx.msk [tilespmem:v5+s13+$0x0], vm5;
	vm5 =	vlt.s32 v9, v21  }
0x2e8: {  	v5 =	vadd.s32 s25, v19;
	v9 =	vand.u32 $0xFF, v10  }
0x2e9: {  	vm6 =	veq.s32 v9, v4  }
0x2ea: {  	_ =	sdelay $0x1  }
0x2eb: {  	v9 =	vmov v6;
	v6 =	vmov v8  }
.LBB2_49:
0x2ec: {  	_ =	sdelay $0x4  }
0x2ed: {  	v5 =	vld.idx.msk [tilespmem:v5+s13+$0x0], vm5  }
0x2ee: {  	v8 =	vshrl.u32 @p0 v6, $0x8  }
0x2ef: {  	vm4 =	vmand @p1 vm4, vm6;
	vm0 =	vmmov @p0 vm0;
	vm13 =	vmmov vm5  }
0x2f0: {  	v8 =	vand.u32 @p0 $0xFF, v8;
	vm1 =	vmmov @p0 vm0;
	vm0 =	vmmov @p1 vm4  }
0x2f1: {  	vm14 =	vmmov vm13;
	vm6 =	veq.s32 @p0 v8, v4;
	v8 =	vand.u32 @p1 $0xFF, v9  }
0x2f2: {  	vm3 =	vmmov @p0 vm6;
	v8 =	vpsel p1, v8, v0;
	v63 =	vshrl.u32 v5, $0x8  }
0x2f3: {  	v0 =	vpsel p0, v6, v0;
	vm1 =	vmand @p0 vm1, vm3;
	v6 =	vand.u32 $0xFF, v63  }
0x2f4: {  	v0 =	vand.u32 @p0 $0xFF, v0;
	vm1 =	vmmov @p0 vm1;
	vm15 =	veq.s32 v6, v4  }
0x2f5: {  	v0 =	vpsel p0, v0, v0;
	vm3 =	vmand vm14, vm15  }
0x2f6: {  	v4 =	vand.u32 $0xFF, v5;
	_ =	sdelay $0x1  }
0x2f7: {  	[tilespmem:v7+s10+$0x0] =	vst.idx.add.s32.msk @p2 vm2, v2  }
0x2f8: {  	[tilespmem:v8+s10+$0x0] =	vst.idx.add.s32.msk @p1 vm0, v2  }
0x2f9: {  	[tilespmem:v0+s10+$0x0] =	vst.idx.add.s32.msk @p0 vm1, v2  }
0x2fa: {  	[tilespmem:v4+s10+$0x0] =	vst.idx.add.s32.msk vm3, v2  }
.LBB2_22:
0x2fb: {  	[tilespmem:$0x1FD50] =	vst v37  }
0x2fc: {  	[tilespmem:$0x1FD60] =	vst v18  }
0x2fd: {  	[tilespmem:$0x1FD70] =	vst v52  }
0x2fe: {  	[tilespmem:$0x1FD80] =	vst v51  }
0x2ff: {  	[tilespmem:$0x1FD90] =	vst v50  }
0x300: {  	[tilespmem:$0x1FDA0] =	vst v49  }
0x301: {  	[tilespmem:$0x1FDB0] =	vst v48  }
0x302: {  	[tilespmem:$0x1FDC0] =	vst v47  }
0x303: {  	[tilespmem:$0x1FDD0] =	vst v46  }
0x304: {  	[tilespmem:$0x1FDE0] =	vst v45  }
0x305: {  	[tilespmem:$0x1FDF0] =	vst v44  }
0x306: {  	[tilespmem:$0x1FE00] =	vst v43  }
0x307: {  	s21 =	sxor.u32 $0x80000000, s21;
	s22 =	sxor.u32 $0x80000000, s22;
	[tilespmem:$0x1FE10] =	vst v42  }
0x308: {  	[tilespmem:$0x1FE20] =	vst v41;
	s21 =	ssub.s32 s21, s22  }
0x309: {  	[tilespmem:$0x1FE30] =	vst v40;
	s19 =	sadd.s32 s19, s21;
	s21 =	simm.s32 $0x0  }
0x30a: {  	s22 =	simm.s32 $0x40;
	v0 =	vld [tilespmem:s21+$0x8000];
	[tilespmem:s21+$0x8000] =	vst v1  }
.LBB2_23:
0x30b: {  	p0 =	sne.s32 s22, $0x3C0  }
.Ltmp21:
0x30c: {  	_ = 	snop;
	(pc) =	sbr.rel @p0 .LBB2_23-.Ltmp21, $3  }
0x30d: {  	_ =	sdelay $0x1  }
0x30e: {  	[tilespmem:s21+$0x8100] =	vst v0;
	s21 =	sshra.s32 s22, $0x2;
	s22 =	sadd.s32 $0x40, s22  }
0x30f: {  	v0 =	vld [tilespmem:s21+$0x8000];
	[tilespmem:s21+$0x8000] =	vst v1  }
0x310: {  	_ =	sdelay $0x3  }
0x311: {  	[tilespmem:s21+$0x8100] =	vst v0  }
0x312: {  	v24 =	vld [tilespmem:$0x81F0]  }
0x313: {  	v22 =	vld [tilespmem:$0x81E0];
	_ =	sdelay $0x3  }
0x314: {  	v5 =	vld [tilespmem:$0x81D0];
	v0 =	vperm.xlane v24, v3  }
0x315: {  	v4 =	vperm.xlane v22, v3  }
0x316: {  	(xrf0) =	vadd.scan.msk.s32 $0xffff, v0  }
0x317: {  	v6 =	vld [tilespmem:$0x81C0];
	(xrf0) =	vadd.scan.msk.s32 $0xffff, v4;
	_ =	sdelay $0x1  }
0x318: {  	[tilespmem:$0x1FD20] =	vst v5;
	v0 =	vperm.xlane v5, v3;
	v5 =	vld [tilespmem:$0x81B0];
	_ =	sdelay $0x2  }
0x319: {  	(xrf0) =	vadd.scan.msk.s32 $0xffff, v0;
	v0 =	vperm.xlane v6, v3;
	v4, _, _ =	vpop (xrf0)  }
0x31a: {  	v23 =	vld [tilespmem:$0x81A0];
	v29 =	vperm.xlane v4, v3;
	v4, _, _ =	vpop (xrf0)  }
0x31b: {  	(xrf0) =	vadd.scan.msk.s32 $0xffff, v0;
	v0 =	vperm.xlane v4, v3;
	v4 =	vperm.xlane v5, v3  }
0x31c: {  	v25 =	vld [tilespmem:$0x8190]  }
0x31d: {  	v9 =	vimm.s32 $0x0;
	(xrf0) =	vadd.scan.msk.s32 $0xffff, v4  }
0x31e: {  	[tilespmem:$0x1FD30] =	vst v6;
	v6 =	vperm.xlane v29, v9  }
0x31f: {  	v8 =	vperm.xlane v23, v3;
	[tilespmem:$0x1FD40] =	vst v5;
	v5, _, _ =	vpop (xrf0)  }
0x320: {  	v7 =	vperm.xlane v0, v9;
	v32 =	vadd.s32 v6, v0;
	v0 =	vperm.xlane v5, v3  }
0x321: {  	v26 =	vld [tilespmem:$0x8180];
	vm0 =	vge.s32 v29, s19;
	(xrf0) =	vadd.scan.msk.s32 $0xffff, v8;
	v8 =	vperm.xlane v25, v3  }
0x322: {  	v4 =	vsel vm0, $0x1, v1;
	v7 =	vadd.s32 v6, v7;
	v10 =	vperm.xlane v0, v9;
	v6, _, _ =	vpop (xrf0)  }
0x323: {  	v30 =	vld [tilespmem:$0x8170];
	vm0 =	vge.s32 v32, s19;
	v35 =	vadd.s32 v7, v0;
	v0 =	vperm.xlane v6, v3;
	v12, _, _ =	vpop (xrf0);
	(xrf0) =	vadd.scan.msk.s32 $0xffff, v8  }
0x324: {  	v5 =	vsel vm0, $0x1, v1;
	v7 =	vadd.s32 v7, v10  }
0x325: {  	v10 =	vperm.xlane v0, v9;
	v38 =	vadd.s32 v7, v0;
	v0 =	vperm.xlane v12, v3  }
0x326: {  	v11 =	vadd.s32 v4, v5;
	v8 =	vperm.xlane v26, v3  }
0x327: {  	v33 =	vld [tilespmem:$0x8160];
	vm0 =	vge.s32 v35, s19;
	v13, _, _ =	vpop (xrf0);
	v7 =	vadd.s32 v7, v10;
	v10 =	vperm.xlane v0, v9  }
0x328: {  	(xrf0) =	vadd.scan.msk.s32 $0xffff, v8;
	v8 =	vperm.xlane v30, v3;
	v40 =	vadd.s32 v7, v0;
	v0 =	vperm.xlane v13, v3  }
0x329: {  	v6 =	vsel vm0, $0x1, v1;
	vm0 =	vge.s32 v38, s19;
	v7 =	vadd.s32 v7, v10;
	v14, _, _ =	vpop (xrf0)  }
0x32a: {  	v27 =	vld [tilespmem:$0x8150];
	v10 =	vperm.xlane v0, v9;
	(xrf0) =	vadd.scan.msk.s32 $0xffff, v8;
	v41 =	vadd.s32 v7, v0;
	v0 =	vperm.xlane v14, v3  }
0x32b: {  	v31 =	vld [tilespmem:$0x8140];
	v11 =	vadd.s32 v6, v11;
	v12 =	vsel vm0, $0x1, v1;
	vm0 =	vge.s32 v40, s19  }
0x32c: {  	v8 =	vperm.xlane v33, v3;
	v7 =	vadd.s32 v7, v10;
	v10 =	vperm.xlane v0, v9  }
0x32d: {  	v34 =	vld [tilespmem:$0x8130];
	v11 =	vadd.s32 v12, v11;
	v13 =	vsel vm0, $0x1, v1  }
0x32e: {  	v11 =	vadd.s32 v13, v11;
	vm0 =	vge.s32 v41, s19;
	v14, _, _ =	vpop (xrf0);
	(xrf0) =	vadd.scan.msk.s32 $0xffff, v8  }
0x32f: {  	v8 =	vperm.xlane v27, v3;
	v42 =	vadd.s32 v7, v0;
	v0 =	vperm.xlane v14, v3  }
0x330: {  	v36 =	vld [tilespmem:$0x8120];
	v15 =	vsel vm0, $0x1, v1;
	v14 =	vperm.xlane v31, v3;
	v7 =	vadd.s32 v7, v10;
	v10, _, _ =	vpop (xrf0)  }
0x331: {  	v37 =	vld [tilespmem:$0x8110];
	(xrf0) =	vadd.scan.msk.s32 $0xffff, v8;
	v43 =	vadd.s32 v7, v0;
	v0 =	vperm.xlane v0, v9;
	v10 =	vperm.xlane v10, v3  }
0x332: {  	v17 =	vperm.xlane v34, v3;
	v11 =	vadd.s32 v15, v11;
	vm0 =	vge.s32 v42, s19;
	(xrf0) =	vadd.scan.msk.s32 $0xffff, v14  }
0x333: {  	v8 =	vsel vm0, $0x1, v1;
	v0 =	vadd.s32 v7, v0;
	v7 =	vperm.xlane v10, v9  }
0x334: {  	v39 =	vld [tilespmem:$0x8100];
	v11 =	vadd.s32 v8, v11;
	vm0 =	vge.s32 v43, s19;
	v14, _, _ =	vpop (xrf0)  }
0x335: {  	v16 =	vsel vm0, $0x1, v1;
	(xrf0) =	vadd.scan.msk.s32 $0xffff, v17;
	v44 =	vadd.s32 v0, v10;
	v10 =	vperm.xlane v14, v3  }
0x336: {  	v17 =	vperm.xlane v37, v3;
	v14 =	vperm.xlane v36, v3;
	v0 =	vadd.s32 v0, v7  }
0x337: {  	vm0 =	vge.s32 v44, s19;
	v46 =	vadd.s32 v0, v10;
	v10 =	vperm.xlane v10, v9;
	v7, _, _ =	vpop (xrf0)  }
0x338: {  	v11 =	vadd.s32 v16, v11;
	v28 =	vsel vm0, $0x1, v1;
	(xrf0) =	vadd.scan.msk.s32 $0xffff, v14;
	v7 =	vperm.xlane v7, v3;
	v45, _, _ =	vpop (xrf0)  }
0x339: {  	(xrf0) =	vadd.scan.msk.s32 $0xffff, v17;
	v0 =	vadd.s32 v0, v10;
	v17 =	vperm.xlane v39, v3;
	v10 =	vperm.xlane v45, v3  }
0x33a: {  	v11 =	vadd.s32 v28, v11;
	vm0 =	vge.s32 v46, s19;
	v47 =	vperm.xlane v7, v9  }
0x33b: {  	v14 =	vsel vm0, $0x1, v1;
	v48, _, _ =	vpop (xrf0);
	v45 =	vadd.s32 v0, v7;
	(xrf0) =	vadd.scan.msk.s32 $0xffff, v17;
	v7 =	vperm.xlane v10, v9  }
0x33c: {  	v11 =	vadd.s32 v14, v11;
	vm0 =	vge.s32 v45, s19;
	v0 =	vadd.s32 v0, v47  }
0x33d: {  	v17 =	vsel vm0, $0x1, v1;
	v47 =	vadd.s32 v0, v10;
	v10 =	vperm.xlane v48, v3  }
0x33e: {  	v49, _, _ =	vpop (xrf0);
	v11 =	vadd.s32 v17, v11;
	v0 =	vadd.s32 v0, v7;
	vm0 =	vge.s32 v47, s19  }
0x33f: {  	v49 =	vperm.xlane v49, v3;
	v7, _, _ =	vpop (xrf0);
	v53 =	vsel vm0, $0x1, v1;
	v48 =	vadd.s32 v0, v10  }
0x340: {  	v10 =	vperm.xlane v10, v9;
	vm0 =	vge.s32 v48, s19;
	v7 =	vperm.xlane v7, v3  }
0x341: {  	v11 =	vadd.s32 v53, v11;
	v50 =	vperm.xlane v49, v9;
	v51, _, _ =	vpop (xrf0);
	v18 =	vsel vm0, $0x1, v1  }
0x342: {  	v0 =	vadd.s32 v0, v10;
	v51 =	vperm.xlane v51, v3;
	v10 =	vperm.xlane v7, v9  }
0x343: {  	v11 =	vadd.s32 v18, v11;
	v49 =	vadd.s32 v0, v49;
	v0 =	vadd.s32 v0, v50  }
0x344: {  	vm0 =	vge.s32 v49, s19;
	v50 =	vadd.s32 v0, v7;
	v0 =	vadd.s32 v0, v10  }
0x345: {  	v19 =	vsel vm0, $0x1, v1;
	vm0 =	vge.s32 v50, s19;
	v51 =	vadd.s32 v51, v0  }
0x346: {  	v0 =	vadd.s32 v19, v11;
	v20 =	vsel vm0, $0x1, v1;
	vm0 =	vge.s32 v51, s19  }
0x347: {  	v0 =	vadd.s32 v20, v0;
	v21 =	vsel vm0, $0x1, v1  }
0x348: {  	v0 =	vadd.s32 v21, v0  }
0x349: {  	(xrf0) =	vadd.scan.msk.s32 $0xffff, v0;
	_ =	sdelay $0x5  }
0x34a: {  	v0, _, _ =	vpop (xrf0)  }
0x34b: {  	(v2sf) =	vpush v0, $0xF;
	_ =	sdelay $0x8  }
0x34c: {  	s22 =	simm.s32 $0x40  }
0x34d: {  	s21 =	simm.s32 $0x2040;
	v55 =	vperm.xlane v12, v9;
	v12 =	vld [tilespmem:s22+$0xFFFFFFF0]  }
0x34e: {  	v59 =	vperm.xlane v13, v9;
	v13 =	vld [tilespmem:s21+$0xFFFFFFC0]  }
0x34f: {  	v58 =	vperm.xlane v15, v9;
	v15 =	vld [tilespmem:s21+$0xFFFFFFD0]  }
0x350: {  	s17 =	sshll.u32 s17, $0x18;
	v60 =	vperm.xlane v16, v9;
	v16 =	vld [tilespmem:s21+$0xFFFFFFF0]  }
0x351: {  	s18 =	sshll.u32 s18, $0x10;
	s17 =	sadd.s32 $0x7F000000, s17;
	v54 =	vperm.xlane v4, v9;
	v62 =	vperm.xlane v14, v9;
	v14 =	vld [tilespmem:s21+$0xFFFFFFE0]  }
0x352: {  	s20 =	sshll.u32 s20, $0x8;
	s18 =	sor.u32 s17, s18;
	v56 =	vperm.xlane v5, v9;
	v57 =	vperm.xlane v6, v9;
	v0 =	vld [tilespmem:s22+$0xFFFFFFC0];
	s31 =	spop (v2sf)  }
0x353: {  	s18 =	sor.u32 s20, s18;
	v61 =	vperm.xlane v8, v9;
	v8 =	vperm.xlane v18, v9;
	v18 =	vld [tilespmem:s21+$0x10];
	s17 =	sadd.s32 $0xFFFFFFFF, s31  }
0x354: {  	v52 =	vmov s19;
	v63 =	vperm.xlane v28, v9;
	v7 =	vperm.xlane v17, v9;
	v17 =	vld [tilespmem:s21+$0x0];
	s18 =	sor.u32 s17, s18  }
0x355: {  	v5 =	vperm.xlane v53, v9;
	v10 =	vld [tilespmem:s22+$0xFFFFFFD0];
	v6 =	vperm.xlane v19, v9;
	v28 =	vmov s18  }
0x356: {  	v11 =	vld [tilespmem:s22+$0xFFFFFFE0];
	v4 =	vperm.xlane v20, v9;
	v53 =	vperm.xlane v21, v9;
	vm0 =	vge.s32 v13, v28  }
0x357: {  	v19 =	vnsel vm0, $0x0, v0;
	v0 =	vsel vm0, $0x1, v1;
	vm0 =	vge.s32 v15, v28;
	v15 =	vld [tilespmem:s21+$0x20]  }
0x358: {  	vm1 =	vge.s32 v14, v28;
	v0 =	vadd.s32 v0, v9;
	v13 =	vsel vm0, $0x1, v1;
	v9 =	vld [tilespmem:s21+$0x30]  }
0x359: {  	vm3 =	vge.s32 v16, v28;
	v14 =	vsel vm1, $0x1, v1;
	v13 =	vadd.s32 v13, v0;
	v0 =	vld [tilespmem:s22+$0x0]  }
0x35a: {  	vm4 =	vge.s32 v17, v28;
	v16 =	vsel vm3, $0x1, v1;
	v14 =	vadd.s32 v14, v13;
	v13 =	vld [tilespmem:s22+$0x10]  }
0x35b: {  	s18 =	simm.s32 $0x8240;
	vm5 =	vge.s32 v18, v28;
	v17 =	vsel vm4, $0x1, v1;
	v16 =	vadd.s32 v16, v14;
	v14 =	vld [tilespmem:s22+$0x20]  }
0x35c: {  	s20 =	simm.s32 $0x0;
	[tilespmem:s18+$0xFFFFFFC0] =	vst v19;
	v16 =	vadd.s32 v17, v16;
	v17 =	vsel vm5, $0x1, v1;
	vm2 =	vge.s32 v15, v28;
	v15 =	vld [tilespmem:s22+$0x30];
	s22 =	simm.s32 $0xC0  }
.LBB2_25:
0x35d: {  	v18 =	vld [tilespmem:s22+$0xFFFFFFC0];
	v16 =	vadd.s32 v17, v16;
	v17 =	vsel vm2, $0x1, v1;
	vm6 =	vge.s32 v9, v28  }
0x35e: {  	v9 =	vnsel vm0, $0x0, v10;
	v10 =	vld [tilespmem:s22+$0xFFFFFFD0];
	v16 =	vadd.s32 v17, v16;
	v17 =	vsel vm6, $0x1, v1  }
0x35f: {  	v19 =	vnsel vm3, $0x0, v12;
	[tilespmem:s18+$0xFFFFFFD0] =	vst v9;
	v9 =	vnsel vm1, $0x0, v11;
	v11 =	vld [tilespmem:s22+$0xFFFFFFE0];
	v16 =	vadd.s32 v17, v16  }
0x360: {  	s21 =	sadd.s32 $0x80, s21;
	v0 =	vnsel vm4, $0x0, v0;
	v12 =	vld [tilespmem:s22+$0xFFFFFFF0];
	[tilespmem:s18+$0xFFFFFFE0] =	vst v9;
	v9 =	vnsel vm5, $0x0, v13;
	v13 =	vnsel vm2, $0x0, v14  }
0x361: {  	s20 =	sadd.s32 $0x8, s20;
	v14 =	vld [tilespmem:s21+$0xFFFFFFC0];
	[tilespmem:s18+$0xFFFFFFF0] =	vst v19;
	v15 =	vnsel vm6, $0x0, v15  }
0x362: {  	p0 =	slt.u32 s20, $0xF8;
	v17 =	vld [tilespmem:s21+$0xFFFFFFD0];
	[tilespmem:s18+$0x0] =	vst v0  }
0x363: {  	v0 =	vld [tilespmem:s21+$0xFFFFFFE0];
	[tilespmem:s18+$0x10] =	vst v9  }
0x364: {  	v19 =	vld [tilespmem:s21+$0xFFFFFFF0];
	[tilespmem:s18+$0x20] =	vst v13  }
0x365: {  	v13 =	vld [tilespmem:s21+$0x0];
	[tilespmem:s18+$0x30] =	vst v15  }
0x366: {  	vm0 =	vge.s32 v14, v28;
	v14 =	vld [tilespmem:s21+$0x10]  }
0x367: {  	s18 =	sadd.s32 $0x80, s18;
	v9 =	vnsel vm0, $0x0, v18;
	v15 =	vsel vm0, $0x1, v1;
	vm0 =	vge.s32 v17, v28;
	v18 =	vld [tilespmem:s21+$0x20]  }
.Ltmp22:
0x368: {  	[tilespmem:s18+$0xFFFFFFC0] =	vst v9;
	v15 =	vadd.s32 v15, v16;
	v16 =	vsel vm0, $0x1, v1;
	vm1 =	vge.s32 v0, v28;
	v9 =	vld [tilespmem:s21+$0x30];
	(pc) =	sbr.rel @p0 .LBB2_25-.Ltmp22, $4  }
0x369: {  	v15 =	vadd.s32 v16, v15;
	v16 =	vsel vm1, $0x1, v1;
	vm3 =	vge.s32 v19, v28;
	v0 =	vld [tilespmem:s22+$0x0]  }
0x36a: {  	v15 =	vadd.s32 v16, v15;
	v16 =	vsel vm3, $0x1, v1;
	vm4 =	vge.s32 v13, v28;
	v13 =	vld [tilespmem:s22+$0x10]  }
0x36b: {  	v15 =	vadd.s32 v16, v15;
	v16 =	vsel vm4, $0x1, v1;
	vm5 =	vge.s32 v14, v28;
	v14 =	vld [tilespmem:s22+$0x20]  }
0x36c: {  	v16 =	vadd.s32 v16, v15;
	v17 =	vsel vm5, $0x1, v1;
	vm2 =	vge.s32 v18, v28;
	v15 =	vld [tilespmem:s22+$0x30];
	s22 =	sadd.s32 $0x80, s22  }
0x36d: {  	v10 =	vnsel vm0, $0x0, v10  }
0x36e: {  	[tilespmem:s18+$0xFFFFFFD0] =	vst v10;
	v10 =	vnsel vm1, $0x0, v11  }
0x36f: {  	v11 =	vnsel vm3, $0x0, v12;
	[tilespmem:s18+$0xFFFFFFE0] =	vst v10  }
0x370: {  	v0 =	vnsel vm4, $0x0, v0;
	[tilespmem:s18+$0xFFFFFFF0] =	vst v11  }
0x371: {  	v10 =	vnsel vm5, $0x0, v13;
	[tilespmem:s18+$0x0] =	vst v0  }
0x372: {  	vm0 =	vge.s32 v9, v28;
	v0 =	vnsel vm2, $0x0, v14;
	[tilespmem:s18+$0x10] =	vst v10  }
0x373: {  	v9 =	vnsel vm0, $0x0, v15;
	[tilespmem:s18+$0x20] =	vst v0  }
0x374: {  	s22 =	simm.s32 $0x1070;
	[tilespmem:s18+$0x30] =	vst v9  }
0x375: {  	[hbm4b:s5+s2] =	stream.linear.scatter [tilespmem:s14], [sflag:$0x1], $0x1000, $0x38;
	[tilespmem:$0xA200] =	vst v63  }
0x376: {  	v0 =	vld [tilespmem:s22+$0xFFFFFF90]  }
0x377: {  	v10 =	vld [tilespmem:s22+$0xFFFFFFA0]  }
0x378: {  	v9 =	vld [tilespmem:s22+$0xFFFFFFB0]  }
0x379: {  	s18 =	simm.s32 $0x3070;
	v11 =	vld [tilespmem:s22+$0xFFFFFFC0]  }
0x37a: {  	v12 =	vld [tilespmem:s18+$0xFFFFFF90]  }
0x37b: {  	v13 =	vld [tilespmem:s18+$0xFFFFFFA0]  }
0x37c: {  	v14 =	vld [tilespmem:s18+$0xFFFFFFB0]  }
0x37d: {  	v15 =	vadd.s32 v17, v16;
	v16 =	vsel vm2, $0x1, v1;
	v17 =	vld [tilespmem:s18+$0xFFFFFFC0]  }
0x37e: {  	v15 =	vadd.s32 v16, v15;
	v16 =	vsel vm0, $0x1, v1;
	v18 =	vld [tilespmem:s18+$0xFFFFFFD0]  }
0x37f: {  	v15 =	vadd.s32 v16, v15;
	v16 =	vld [tilespmem:s18+$0xFFFFFFE0];
	vm0 =	vge.s32 v12, v28  }
0x380: {  	v20 =	vld [tilespmem:s18+$0xFFFFFFF0];
	v19 =	vnsel vm0, $0x0, v0;
	v0 =	vsel vm0, $0x1, v1;
	vm0 =	vge.s32 v13, v28  }
0x381: {  	vm1 =	vge.s32 v14, v28;
	v0 =	vadd.s32 v0, v15;
	v12 =	vsel vm0, $0x1, v1;
	v15 =	vld [tilespmem:s18+$0x0]  }
0x382: {  	vm2 =	vge.s32 v17, v28;
	v13 =	vsel vm1, $0x1, v1;
	v12 =	vadd.s32 v12, v0;
	v0 =	vld [tilespmem:s22+$0xFFFFFFD0]  }
0x383: {  	vm3 =	vge.s32 v18, v28;
	v14 =	vsel vm2, $0x1, v1;
	v13 =	vadd.s32 v13, v12;
	v12 =	vld [tilespmem:s22+$0xFFFFFFE0]  }
0x384: {  	s20 =	simm.s32 $0x9270;
	vm4 =	vge.s32 v16, v28;
	v17 =	vsel vm3, $0x1, v1;
	v14 =	vadd.s32 v14, v13;
	v13 =	vld [tilespmem:s22+$0xFFFFFFF0]  }
0x385: {  	s21 =	simm.s32 $0x100;
	vm5 =	vge.s32 v20, v28;
	[tilespmem:s20+$0xFFFFFF90] =	vst v19;
	v16 =	vadd.s32 v17, v14;
	v17 =	vsel vm4, $0x1, v1;
	v14 =	vld [tilespmem:s22+$0x0];
	s22 =	simm.s32 $0x10F0  }
.LBB2_27:
0x386: {  	v18 =	vld [tilespmem:s22+$0xFFFFFF90];
	v16 =	vadd.s32 v17, v16;
	v17 =	vsel vm5, $0x1, v1;
	vm6 =	vge.s32 v15, v28  }
0x387: {  	v15 =	vnsel vm0, $0x0, v10;
	v10 =	vld [tilespmem:s22+$0xFFFFFFA0];
	v16 =	vadd.s32 v17, v16;
	v17 =	vsel vm6, $0x1, v1  }
0x388: {  	v19 =	vnsel vm2, $0x0, v11;
	[tilespmem:s20+$0xFFFFFFA0] =	vst v15;
	v15 =	vnsel vm1, $0x0, v9;
	v9 =	vld [tilespmem:s22+$0xFFFFFFB0];
	v16 =	vadd.s32 v17, v16  }
0x389: {  	s18 =	sadd.s32 $0x80, s18;
	v0 =	vnsel vm3, $0x0, v0;
	v12 =	vnsel vm4, $0x0, v12;
	v11 =	vld [tilespmem:s22+$0xFFFFFFC0];
	[tilespmem:s20+$0xFFFFFFB0] =	vst v15;
	v13 =	vnsel vm5, $0x0, v13  }
0x38a: {  	s21 =	sadd.s32 $0x8, s21;
	v15 =	vld [tilespmem:s18+$0xFFFFFF90];
	[tilespmem:s20+$0xFFFFFFC0] =	vst v19;
	v14 =	vnsel vm6, $0x0, v14  }
0x38b: {  	p0 =	slt.u32 s21, $0x1F8;
	v17 =	vld [tilespmem:s18+$0xFFFFFFA0];
	[tilespmem:s20+$0xFFFFFFD0] =	vst v0  }
0x38c: {  	v0 =	vld [tilespmem:s18+$0xFFFFFFB0];
	[tilespmem:s20+$0xFFFFFFE0] =	vst v12  }
0x38d: {  	v12 =	vld [tilespmem:s18+$0xFFFFFFC0];
	[tilespmem:s20+$0xFFFFFFF0] =	vst v13  }
0x38e: {  	v13 =	vld [tilespmem:s18+$0xFFFFFFD0];
	[tilespmem:s20+$0x0] =	vst v14  }
0x38f: {  	vm0 =	vge.s32 v15, v28;
	v14 =	vld [tilespmem:s18+$0xFFFFFFE0]  }
0x390: {  	s20 =	sadd.s32 $0x80, s20;
	v15 =	vnsel vm0, $0x0, v18;
	v18 =	vsel vm0, $0x1, v1;
	vm0 =	vge.s32 v17, v28;
	v19 =	vld [tilespmem:s18+$0xFFFFFFF0]  }
.Ltmp23:
0x391: {  	[tilespmem:s20+$0xFFFFFF90] =	vst v15;
	v16 =	vadd.s32 v18, v16;
	v17 =	vsel vm0, $0x1, v1;
	vm1 =	vge.s32 v0, v28;
	v15 =	vld [tilespmem:s18+$0x0];
	(pc) =	sbr.rel @p0 .LBB2_27-.Ltmp23, $4  }
0x392: {  	v16 =	vadd.s32 v17, v16;
	v17 =	vsel vm1, $0x1, v1;
	vm2 =	vge.s32 v12, v28;
	v0 =	vld [tilespmem:s22+$0xFFFFFFD0]  }
0x393: {  	v16 =	vadd.s32 v17, v16;
	v17 =	vsel vm2, $0x1, v1;
	vm3 =	vge.s32 v13, v28;
	v12 =	vld [tilespmem:s22+$0xFFFFFFE0]  }
0x394: {  	v16 =	vadd.s32 v17, v16;
	v17 =	vsel vm3, $0x1, v1;
	vm4 =	vge.s32 v14, v28;
	v13 =	vld [tilespmem:s22+$0xFFFFFFF0]  }
0x395: {  	v16 =	vadd.s32 v17, v16;
	v17 =	vsel vm4, $0x1, v1;
	vm5 =	vge.s32 v19, v28;
	v14 =	vld [tilespmem:s22+$0x0];
	s22 =	sadd.s32 $0x80, s22  }
0x396: {  	v16 =	vadd.s32 v17, v16;
	v17 =	vsel vm5, $0x1, v1;
	vm6 =	vge.s32 v15, v28  }
0x397: {  	v15 =	vadd.s32 v17, v16;
	v16 =	vsel vm6, $0x1, v1  }
0x398: {  	v15 =	vadd.s32 v16, v15  }
0x399: {  	(xrf0) =	vadd.scan.msk.s32 $0xffff, v15;
	_ =	sdelay $0x5  }
0x39a: {  	v15, _, _ =	vpop (xrf0)  }
0x39b: {  	(v2sf) =	vpush v15, $0xF;
	_ =	sdelay $0x5  }
0x39c: {  	v10 =	vnsel vm0, $0x0, v10  }
0x39d: {  	v9 =	vnsel vm1, $0x0, v9;
	[tilespmem:s20+$0xFFFFFFA0] =	vst v10  }
0x39e: {  	v10 =	vnsel vm2, $0x0, v11;
	[tilespmem:s20+$0xFFFFFFB0] =	vst v9  }
0x39f: {  	v0 =	vnsel vm3, $0x0, v0;
	[tilespmem:s20+$0xFFFFFFC0] =	vst v10  }
0x3a0: {  	v9 =	vnsel vm4, $0x0, v12;
	[tilespmem:s20+$0xFFFFFFD0] =	vst v0  }
0x3a1: {  	v0 =	vnsel vm5, $0x0, v13;
	[tilespmem:s20+$0xFFFFFFE0] =	vst v9  }
0x3a2: {  	v9 =	vnsel vm6, $0x0, v14;
	[tilespmem:s20+$0xFFFFFFF0] =	vst v0  }
0x3a3: {  	[tilespmem:s20+$0x0] =	vst v9  }
0x3a4: {  	[hbm4b:s6+s2] =	stream.linear.scatter [tilespmem:s15], [sflag:$0x2], $0x1000, $0x38;
	[tilespmem:$0xA200] =	vst v63  }
0x3a5: {  	s18 =	spop (v2sf)  }
0x3a6: {  	_ =	swait.ge [sflag:s9], $0x1000;
	p0 =	seq.s32 s18, $0x100  }
.Ltmp24:
0x3a7: {  	[sflag:s9] =	ssyncset.done $0x0;
	(pc) =	sbr.rel @p0 .LBB2_32-.Ltmp24, $4  }
0x3a8: {  	[sflag:s9] =	ssyncadd.s32 $0xFFFFF000  }
0x3a9: {  	_ =	swait.ge [sflag:s11], $0x1000  }
0x3aa: {  	[sflag:s11] =	ssyncset.done $0x0  }
0x3ab: {  	[sflag:s11] =	ssyncadd.s32 $0xFFFFF000  }
0x3ac: {  	vm1 =	vgt.s32 v56, $0x0;
	v0 =	vimm.s32 $0x0  }
0x3ad: {  	v0 =	vsel vm1, $0xFFFFFFFF, v0  }
0x3ae: {  	vm0 =	vgt.s32 v54, $0x0;
	[tilespmem:$0x1FC90] =	vst v0;
	v0 =	vimm.s32 $0x0  }
0x3af: {  	v0 =	vsel vm0, $0xFFFFFFFF, v0  }
0x3b0: {  	vm2 =	vgt.s32 v57, $0x0;
	[tilespmem:$0x1FCA0] =	vst v0;
	v0 =	vimm.s32 $0x0  }
0x3b1: {  	v0 =	vsel vm2, $0xFFFFFFFF, v0  }
0x3b2: {  	vm0 =	vmor vm0, vm1;
	[tilespmem:$0x1FC80] =	vst v0;
	v0 =	vimm.s32 $0x0  }
0x3b3: {  	v0 =	vsel vm0, $0xFFFFFFFF, v0  }
0x3b4: {  	vm1 =	vgt.s32 v55, $0x0;
	[tilespmem:$0x1FC70] =	vst v0;
	v0 =	vimm.s32 $0x0  }
0x3b5: {  	v0 =	vsel vm1, $0xFFFFFFFF, v0  }
0x3b6: {  	vm0 =	vmor vm0, vm2;
	[tilespmem:$0x1FC60] =	vst v0;
	v0 =	vimm.s32 $0x0  }
0x3b7: {  	v0 =	vsel vm0, $0xFFFFFFFF, v0  }
0x3b8: {  	vm2 =	vgt.s32 v59, $0x0;
	[tilespmem:$0x1FC50] =	vst v0;
	v0 =	vimm.s32 $0x0  }
0x3b9: {  	vm13 =	vgt.s32 v61, $0x0;
	vm1 =	vmor vm0, vm1;
	v0 =	vsel vm2, $0xFFFFFFFF, v0  }
0x3ba: {  	vm15 =	vmor vm1, vm2;
	vm0 =	vgt.s32 v58, $0x0;
	[tilespmem:$0x1FC40] =	vst v0;
	v0 =	vimm.s32 $0x0  }
0x3bb: {  	vm14 =	vgt.s32 v60, $0x0;
	vm12 =	vmor vm15, vm0;
	v0 =	vsel vm1, $0xFFFFFFFF, v0  }
0x3bc: {  	vm10 =	vgt.s32 v63, $0x0;
	vm11 =	vmor vm12, vm13;
	[tilespmem:$0x1FC20] =	vst v0;
	v0 =	vimm.s32 $0x0  }
0x3bd: {  	vm7 =	vgt.s32 v62, $0x0;
	vm8 =	vmor vm11, vm14;
	v0 =	vsel vm0, $0xFFFFFFFF, v0  }
0x3be: {  	vm9 =	vmor vm8, vm10;
	vm0 =	vgt.s32 v5, $0x0;
	[tilespmem:$0x1FC30] =	vst v0;
	v0 =	vimm.s32 $0x0  }
0x3bf: {  	vm5 =	vgt.s32 v7, $0x0;
	vm2 =	vmor vm9, vm7;
	v0 =	vsel vm0, $0xFFFFFFFF, v0  }
0x3c0: {  	vm1 =	vmor vm2, vm5;
	[tilespmem:$0x1FCE0] =	vst v0;
	v0 =	vimm.s32 $0x0  }
0x3c1: {  	v0 =	vsel vm1, $0xFFFFFFFF, v0  }
0x3c2: {  	vm3 =	vgt.s32 v8, $0x0;
	[tilespmem:$0x1FCC0] =	vst v0;
	v0 =	vimm.s32 $0x0  }
0x3c3: {  	vm4 =	vgt.s32 v6, $0x0;
	vm0 =	vmor vm1, vm0;
	v0 =	vsel vm3, $0xFFFFFFFF, v0  }
0x3c4: {  	vm6 =	vmneg vm2;
	vm3 =	vmor vm0, vm3;
	[tilespmem:$0x1FCD0] =	vst v0;
	v0 =	vimm.s32 $0x0  }
0x3c5: {  	vm1 =	vmor vm3, vm4;
	v0 =	vsel vm0, $0xFFFFFFFF, v0;
	vm0 =	vgt.s32 v4, $0x0  }
0x3c6: {  	vm2 =	vmneg vm1;
	[tilespmem:$0x1FCB0] =	vst v0;
	vm1 =	vmor vm1, vm0;
	v0 =	vimm.s32 $0x0  }
0x3c7: {  	v0 =	vsel vm1, $0xFFFFFFFF, v0  }
0x3c8: {  	vm0 =	vmand vm2, vm0;
	[tilespmem:$0x1FD10] =	vst v0;
	v0 =	vimm.s32 $0x0  }
0x3c9: {  	vm1 =	vmneg vm3;
	v0 =	vsel vm0, $0xFFFFFFFF, v0  }
0x3ca: {  	vm1 =	vmand vm1, vm4;
	[tilespmem:$0x1FD00] =	vst v0;
	v0 =	vimm.s32 $0x0  }
0x3cb: {  	v0 =	vsel vm1, $0xFFFFFFFF, v0  }
0x3cc: {  	[tilespmem:$0x1FCF0] =	vst v0;
	v0 =	vld [tilespmem:$0x1FC20]  }
0x3cd: {  	vm2 =	vmneg vm9;
	vm3 =	vge.s32 v45, v52;
	vm0 =	vmand vm6, vm5  }
0x3ce: {  	vm9 =	vmand vm3, vm0;
	vm0 =	vmand vm2, vm7  }
0x3cf: {  	vm2 =	vmneg vm11;
	vm3 =	vge.s32 v46, v52;
	vm1 =	vmneg vm8  }
0x3d0: {  	vm11 =	vmand vm3, vm0;
	vm3 =	vge.s32 v44, v52;
	vm0 =	vmand vm1, vm10  }
0x3d1: {  	vm1 =	vmand vm2, vm14;
	vm14 =	vmand vm3, vm0;
	vm3 =	vnez.u8 v0;
	v0 =	vld [tilespmem:$0x1FC30];
	_ =	sdelay $0x2  }
0x3d2: {  	vm4 =	vge.s32 v43, v52;
	vm2 =	vmneg vm12  }
0x3d3: {  	vm0 =	vmand vm4, vm1;
	vm1 =	vmand vm2, vm13;
	vm4 =	vge.s32 v42, v52  }
0x3d4: {  	vm1 =	vmand vm4, vm1;
	vm4 =	vnez.u8 v0;
	v0 =	vld [tilespmem:$0x1FC40];
	_ =	sdelay $0x3  }
0x3d5: {  	vm2 =	vmneg vm15  }
0x3d6: {  	vm2 =	vmand vm2, vm4;
	vm4 =	vnez.u8 v0;
	v0 =	vld [tilespmem:$0x1FC50];
	_ =	sdelay $0x3  }
0x3d7: {  	vm3 =	vmneg vm3  }
0x3d8: {  	vm3 =	vmand vm3, vm4;
	vm4 =	vnez.u8 v0;
	v0 =	vld [tilespmem:$0x1FC60];
	_ =	sdelay $0x3  }
0x3d9: {  	vm5 =	vge.s32 v41, v52  }
0x3da: {  	vm2 =	vmand vm5, vm2;
	vm5 =	vnez.u8 v0;
	v0 =	vld [tilespmem:$0x1FC70];
	_ =	sdelay $0x3  }
0x3db: {  	vm4 =	vmneg vm4  }
0x3dc: {  	vm4 =	vmand vm4, vm5;
	vm5 =	vnez.u8 v0;
	v0 =	vld [tilespmem:$0x1FC80];
	_ =	sdelay $0x3  }
0x3dd: {  	vm7 =	vge.s32 v38, v52  }
0x3de: {  	vm4 =	vmand vm7, vm4;
	vm7 =	vnez.u8 v0;
	v0 =	vld [tilespmem:$0x1FC90];
	_ =	sdelay $0x3  }
0x3df: {  	vm5 =	vmneg vm5  }
0x3e0: {  	vm5 =	vmand vm5, vm7;
	vm7 =	vnez.u8 v0;
	v0 =	vld [tilespmem:$0x1FCA0];
	_ =	sdelay $0x1  }
0x3e1: {  	vm6 =	vge.s32 v40, v52  }
0x3e2: {  	vm3 =	vmand vm6, vm3;
	vm6 =	vle.s32 v54, $0x0  }
0x3e3: {  	vm6 =	vmand vm6, vm7;
	vm7 =	vge.s32 v35, v52  }
0x3e4: {  	vm5 =	vmand vm7, vm5;
	vm7 =	vnez.u8 v0;
	v0 =	vld [tilespmem:$0x1FE30]  }
0x3e5: {  	v6 =	vld [tilespmem:$0x1FE20];
	_ =	sdelay $0x1  }
0x3e6: {  	vm10 =	vge.s32 v29, v52  }
0x3e7: {  	vm8 =	vge.s32 v32, v52;
	vm7 =	vmand vm10, vm7  }
0x3e8: {  	vm6 =	vmand vm8, vm6;
	v0 =	vnsel vm7, $0x0, v0  }
0x3e9: {  	v0 =	vsel vm6, v6, v0;
	v6 =	vld [tilespmem:$0x1FE10];
	_ =	sdelay $0x4  }
0x3ea: {  	v0 =	vsel vm5, v6, v0;
	v6 =	vld [tilespmem:$0x1FD20];
	_ =	sdelay $0x2  }
0x3eb: {  	v5 =	vnsel vm7, $0x0, v24  }
0x3ec: {  	v5 =	vsel vm6, v22, v5  }
0x3ed: {  	v5 =	vsel vm5, v6, v5;
	v6 =	vld [tilespmem:$0x1FE00];
	_ =	sdelay $0x4  }
0x3ee: {  	v0 =	vsel vm4, v6, v0;
	v6 =	vld [tilespmem:$0x1FD30];
	_ =	sdelay $0x4  }
0x3ef: {  	v5 =	vsel vm4, v6, v5;
	v6 =	vld [tilespmem:$0x1FDF0];
	_ =	sdelay $0x4  }
0x3f0: {  	v0 =	vsel vm3, v6, v0;
	v6 =	vld [tilespmem:$0x1FD40];
	_ =	sdelay $0x4  }
0x3f1: {  	v5 =	vsel vm3, v6, v5;
	v6 =	vld [tilespmem:$0x1FDE0];
	_ =	sdelay $0x4  }
0x3f2: {  	v0 =	vsel vm2, v6, v0;
	v6 =	vld [tilespmem:$0x1FDD0];
	_ =	sdelay $0x4  }
0x3f3: {  	v0 =	vsel vm1, v6, v0;
	v6 =	vld [tilespmem:$0x1FDC0];
	_ =	sdelay $0x4  }
0x3f4: {  	v0 =	vsel vm0, v6, v0;
	v6 =	vld [tilespmem:$0x1FDB0];
	_ =	sdelay $0x4  }
0x3f5: {  	v0 =	vsel vm14, v6, v0;
	v6 =	vld [tilespmem:$0x1FDA0];
	_ =	sdelay $0x4  }
0x3f6: {  	v0 =	vsel vm11, v6, v0;
	v6 =	vld [tilespmem:$0x1FD80];
	_ =	sdelay $0x2  }
0x3f7: {  	v4 =	vnsel vm7, $0x0, v29  }
0x3f8: {  	v4 =	vsel vm6, v32, v4  }
0x3f9: {  	v4 =	vsel vm5, v35, v4;
	v0 =	vsel vm9, v6, v0;
	v6 =	vld [tilespmem:$0x1FCB0]  }
0x3fa: {  	v4 =	vsel vm4, v38, v4  }
0x3fb: {  	v4 =	vsel vm3, v40, v4  }
0x3fc: {  	v4 =	vsel vm2, v41, v4;
	v5 =	vsel vm2, v23, v5  }
0x3fd: {  	v4 =	vsel vm1, v42, v4;
	v5 =	vsel vm1, v25, v5  }
0x3fe: {  	v4 =	vsel vm0, v43, v4;
	v5 =	vsel vm0, v26, v5;
	vm0 =	vnez.u8 v6;
	v6 =	vld [tilespmem:$0x1FCC0];
	_ =	sdelay $0x4  }
0x3ff: {  	vm1 =	vnez.u8 v6;
	v6 =	vld [tilespmem:$0x1FCD0];
	_ =	sdelay $0x4  }
0x400: {  	vm2 =	vnez.u8 v6;
	v6 =	vld [tilespmem:$0x1FCE0];
	_ =	sdelay $0x4  }
0x401: {  	vm3 =	vnez.u8 v6;
	v6 =	vld [tilespmem:$0x1FD90];
	_ =	sdelay $0x1  }
0x402: {  	vm0 =	vmneg vm0;
	vm1 =	vmneg vm1  }
0x403: {  	vm0 =	vmand vm0, vm2;
	vm2 =	vge.s32 v47, v52;
	vm1 =	vmand vm1, vm3  }
0x404: {  	vm1 =	vmand vm2, vm1  }
0x405: {  	v0 =	vsel vm1, v6, v0;
	v6 =	vld [tilespmem:$0x1FCF0];
	_ =	sdelay $0x4  }
0x406: {  	vm4 =	vnez.u8 v6;
	v6 =	vld [tilespmem:$0x1FD70];
	_ =	sdelay $0x2  }
0x407: {  	vm2 =	vge.s32 v48, v52  }
0x408: {  	vm0 =	vmand vm2, vm0  }
0x409: {  	v0 =	vsel vm0, v6, v0;
	v6 =	vld [tilespmem:$0x1FD60];
	_ =	sdelay $0x2  }
0x40a: {  	vm3 =	vge.s32 v49, v52  }
0x40b: {  	vm3 =	vmand vm3, vm4  }
0x40c: {  	v0 =	vsel vm3, v6, v0;
	v6 =	vld [tilespmem:$0x1FD00];
	_ =	sdelay $0x4  }
0x40d: {  	vm5 =	vnez.u8 v6;
	v6 =	vld [tilespmem:$0x1FD50];
	_ =	sdelay $0x2  }
0x40e: {  	vm4 =	vge.s32 v50, v52  }
0x40f: {  	vm4 =	vmand vm4, vm5  }
0x410: {  	v0 =	vsel vm4, v6, v0;
	v6 =	vld [tilespmem:$0x1FD10];
	_ =	sdelay $0x1  }
0x411: {  	v4 =	vsel vm14, v44, v4;
	v5 =	vsel vm14, v30, v5  }
0x412: {  	v4 =	vsel vm11, v46, v4;
	v5 =	vsel vm11, v33, v5  }
0x413: {  	v4 =	vsel vm9, v45, v4;
	v5 =	vsel vm9, v27, v5;
	vm2 =	vge.s32 v51, v52  }
0x414: {  	v4 =	vsel vm1, v47, v4;
	v5 =	vsel vm1, v31, v5;
	vm6 =	vnez.u8 v6  }
0x415: {  	v4 =	vsel vm0, v48, v4;
	vm5 =	vgt.s32 v53, $0x0;
	vm6 =	vmneg vm6  }
0x416: {  	v5 =	vsel vm0, v34, v5;
	v4 =	vsel vm3, v49, v4;
	vm1 =	vmand vm6, vm5  }
0x417: {  	v4 =	vsel vm4, v50, v4;
	v6 =	vlaneseq.u32;
	vm1 =	vmand vm2, vm1  }
0x418: {  	v5 =	vsel vm3, v36, v5;
	v0 =	vsel vm1, v6, v0;
	v4 =	vsel vm1, v51, v4  }
0x419: {  	vm0 =	veq.s32 v0, s17;
	v0 =	vxor.u32 $0x80000000, v4;
	v4 =	vsel vm4, v37, v5  }
0x41a: {  	v0 =	vnsel vm0, $0x80000000, v0;
	v4 =	vsel vm1, v39, v4  }
0x41b: {  	(xrf0) =	vmax.scan.msk.u32 $0xffff, v0;
	v0 =	vxor.u32 $0x80000000, v4  }
0x41c: {  	v0 =	vnsel vm0, $0x80000000, v0  }
0x41d: {  	(xrf0) =	vmax.scan.msk.u32 $0xffff, v0;
	_ =	sdelay $0x3  }
0x41e: {  	v0, _, _ =	vpop (xrf0)  }
0x41f: {  	(v2sf) =	vpush v0, $0xF  }
0x420: {  	v0, _, _ =	vpop (xrf0)  }
0x421: {  	(v2sf) =	vpush v0, $0xF  }
0x422: {  	s20 =	simm.s32 $0x0  }
0x423: {  	v0 =	vld [tilespmem:s20+$0x2000];
	_ =	sdelay $0x4  }
0x424: {  	vm0 =	veq.s32 v0, v28  }
0x425: {  	v4 =	vsel vm0, $0x1, v1  }
0x426: {  	s17 =	simm.s32 $0x10;
	(xrf0) =	vadd.scan.msk.s32 $0xffff, v4  }
0x427: {  	s18 =	simm.s32 $0x20;
	v5 =	vld [tilespmem:s17+$0x2000]  }
0x428: {  	v6 =	vld [tilespmem:s18+$0x2000];
	_ =	sdelay $0x1  }
0x429: {  	s21 =	spop (v2sf)  }
0x42a: {  	s21 =	sxor.u32 $0x7FFFFFFF, s21  }
0x42b: {  	vm1 =	veq.s32 v5, v28;
	vm3 =	vgt.s32 v0, v28;
	v0, _, _ =	vpop (xrf0);
	s19 =	sadd.s32 s19, s21;
	s31 =	spop (v2sf)  }
0x42c: {  	vm2 =	veq.s32 v6, v28;
	v4 =	vsel vm1, $0x1, v1;
	(v2sf) =	vpush v0, $0xF;
	s19 =	sadd.s32 s31, s19  }
0x42d: {  	v7 =	vsel vm2, $0x1, v1;
	(xrf0) =	vadd.scan.msk.s32 $0xffff, v4;
	s19 =	sadd.s32 $0x80000001, s19  }
0x42e: {  	(xrf0) =	vadd.scan.msk.s32 $0xffff, v7;
	v4 =	vmov s19;
	s19 =	simm.s32 $0x30  }
0x42f: {  	v10 =	vld [tilespmem:s19+$0x2000]  }
0x430: {  	vm5 =	vgt.s32 v6, v28;
	vm10 =	vmmov vm2  }
0x431: {  	vm4 =	vgt.s32 v5, v28;
	vm3 =	vmmov vm3;
	vm1 =	vmmov vm1  }
0x432: {  	s22 =	simm.s32 $0x0;
	v9 =	vld [tilespmem:s20+$0x0];
	vm0 =	vmmov vm0;
	vm3 =	vmmov vm3;
	vm9 =	vmmov vm1  }
0x433: {  	v6 =	vld [tilespmem:s18+$0x0];
	vm2 =	vmmov vm3;
	vm1 =	vmmov vm5;
	v8, _, _ =	vpop (xrf0);
	v5 =	vadd.s32 s22, v0  }
0x434: {  	v7 =	vld [tilespmem:s17+$0x0];
	(v2sf) =	vpush v8, $0xF;
	s21 =	simm.s32 $0x40;
	vm6 =	veq.s32 v10, v28;
	vm5 =	vgt.s32 v10, v28;
	v10, _, _ =	vpop (xrf0)  }
0x435: {  	vm3 =	vle.s32 v5, v4;
	v5 =	vld [tilespmem:s21+$0x0];
	v11 =	vsel vm6, $0x1, v1;
	(v2sf) =	vpush v10, $0xF  }
0x436: {  	vm4 =	vmmov vm4;
	vm0 =	vmmov vm0;
	(xrf0) =	vadd.scan.msk.s32 $0xffff, v11;
	v11 =	vld [tilespmem:s21+$0x2000]  }
0x437: {  	vm7 =	vmmov vm0;
	vm0 =	vmmov vm4;
	v0 =	vld [tilespmem:s19+$0x0]  }
0x438: {  	s23 =	simm.s32 $0x140;
	vm4 =	vmmov vm10;
	vm8 =	vmand vm7, vm3;
	vm3 =	vmmov vm9  }
.LBB2_30:
0x439: {  	vm8 =	vmor vm2, vm8;
	vm7 =	vmmov vm6  }
0x43a: {  	s24 =	sshra.s32 s23, $0x2;
	v12 =	vmovc v5;
	vm2 =	vmmov vm0;
	vm0 =	vmmov vm1;
	vm1 =	vmmov vm5;
	p0 =	sne.s32 s23, $0x7FC0  }
.Ltmp25:
0x43b: {  	s23 =	sadd.s32 $0x40, s23;
	vm6 =	veq.s32 v11, v28;
	vm5 =	vgt.s32 v11, v28;
	v5 =	vld [tilespmem:s24+$0x0];
	v14 =	vnsel vm8, $0x0, v9;
	s25 =	spop (v2sf);
	(pc) =	sbr.rel @p0 .LBB2_30-.Ltmp25, $4  }
0x43c: {  	v13 =	vsel vm6, $0x1, v1;
	v9 =	vmovc v7;
	v7 =	vmovc v6;
	v6 =	vmov v0;
	v0 =	vmov v12;
	v11 =	vld [tilespmem:s24+$0x2000];
	[tilespmem:s20+$0x8200] =	vst v14;
	s22 =	sadd.s32 s22, s25;
	s20 =	smov.u32 s17;
	s17 =	smov.u32 s18  }
0x43d: {  	s18 =	smov.u32 s19;
	s19 =	smov.u32 s21;
	s21 =	smov.u32 s24;
	(xrf0) =	vadd.scan.msk.s32 $0xffff, v13;
	v12 =	vadd.s32 s22, v8;
	v8 =	vmov v10;
	v10, _, _ =	vpop (xrf0)  }
0x43e: {  	(v2sf) =	vpush v10, $0xF;
	vm8 =	vle.s32 v12, v4  }
0x43f: {  	vm8 =	vmand vm3, vm8;
	vm3 =	vmmov vm4;
	vm4 =	vmmov vm7  }
.Ltmp26:
0x440: {  	_ = 	snop;
	(pc) =	sbr.rel .LBB2_31-.Ltmp26, $1  }
0x441: {  	_ =	sdelay $0x3  }
.LBB2_15:
.Ltmp27:
0x442: {  	(pc) =	sbr.rel .LBB2_38-.Ltmp27, $2  }
0x443: {  	_ =	sdelay $0x2  }
0x444: {  	v9 =	vmov v5  }
.LBB2_40:
.Ltmp28:
0x445: {  	(pc) =	sbr.rel .LBB2_49-.Ltmp28, $2  }
0x446: {  	_ =	sdelay $0x2  }
0x447: {  	_ = 	snop  }
.LBB2_35:
.Ltmp29:
0x448: {  	(pc) =	sbr.rel .LBB2_38-.Ltmp29, $2  }
0x449: {  	_ =	sdelay $0x2  }
0x44a: {  	v13 =	vmov v4;
	v24 =	vmov v10;
	v4 =	vmov v0  }
.LBB2_42:
.Ltmp30:
0x44b: {  	_ = 	snop;
	(pc) =	sbr.rel .LBB2_49-.Ltmp30, $2  }
0x44c: {  	_ =	sdelay $0x2  }
0x44d: {  	v6 =	vmov v0  }
.LBB2_44:
.Ltmp31:
0x44e: {  	(pc) =	sbr.rel .LBB2_49-.Ltmp31, $2  }
0x44f: {  	_ =	sdelay $0x2  }
0x450: {  	vm4 =	vmmov vm1;
	vm6 =	vmmov vm3;
	v9 =	vmov v0  }
.LBB2_46:
.Ltmp32:
0x451: {  	_ = 	snop;
	(pc) =	sbr.rel .LBB2_49-.Ltmp32, $2  }
0x452: {  	_ =	sdelay $0x2  }
0x453: {  	v9 =	vmov v6;
	v6 =	vmov v8  }
.LBB2_33:
0x454: {  	_ =	sfence.sel $0x180000  }
0x455: {  	[bflag:$0x0] =	sbarrier.arrive $0xFFFF  }
0x456: {  	p0 =	sne.s32 s1, $0x0;
	_ =	strace $0x90000047  }
0x457: {  	s0 =	sadd.s32 @!p0 $0x100000, s0;
	[bflag:$0x2] =	sbarrier.arrive $0xFFFF  }
0x458: {  	[sflag:s0] =	ssyncadd.tile.s32 @!p0 $0x1;
	_ =	shalt  }
.Lfunc_end2:
_tile_overlayer_lowered:
.L_overlay_start_2:
0x459: {  	(tag) =	ssettag $0x2  }
0x45a: {  	s0 =	rddreg [dreg:$0x0];
	s2 =	stileid.u32  }
0x45b: {  	s1 =	rddreg [dreg:$0x1];
	p0 =	sne.s32 s2, $0x0  }
0x45c: {  	s3 =	rddreg [dreg:$0x2];
	[bflag:$0x3] =	sbarrier.arrive $0xFFFF;
	s2 =	simm.s32 @!p0 $0x1C03  }
0x45d: {  	[timem:s3], [sflag:s2] =	dma.local @!p0 [hbm:s0], s1  }
0x45e: {  	s0 =	simm.s32 @!p0 $0x3  }
0x45f: {  	_ =	swait.ge @!p0 [sflag:s0], s1  }
0x460: {  	s1 =	ssub.s32 @!p0 $0x0, s1;
	[sflag:s0] =	ssyncset.done @!p0 $0x0  }
0x461: {  	[sflag:s0] =	ssyncadd.s32 @!p0 s1  }
0x462: {  	[bflag:$0x3] =	sbarrier.arrive $0xFFFF  }
0x463: {  	_ =	shalt  }

</sc_bundles>
